<compile_context>
chip_gen: v7x
topology: tpu7x:2x2x1
jax: 0.10.2.dev20260603
libtpu: 0.0.44.dev20260713+nightly
codegen_flags: <defaults>
</compile_context>

<pallas_src>
import functools

import jax
import jax.numpy as jnp
from jax import lax
from jax.experimental import pallas as pl
from jax.experimental.pallas import tpu as pltpu
from jax.experimental.pallas import tpu_sc as plsc

B = 16384
D = 32
F = 16
NC = 2
NS = 16
L = 16
NW = NC * NS
BPW = B // NW
CHUNK = 128
NCHUNK = BPW // CHUNK
NG = BPW // L

_mesh = plsc.VectorSubcoreMesh(
    core_axis_name="c", subcore_axis_name="s", num_cores=NC, num_subcores=NS
)


def _body(u_hbm, i_hbm, p_hbm, q_hbm, bu_hbm, bi_hbm, mu16_hbm, fw_hbm,
          feat_hbm, out_hbm, uv, iv, ubh, ibh, pv, qv, fv, buv, biv, fwv,
          muv, outv, sem):
    wid = lax.axis_index("s") * NC + lax.axis_index("c")
    base = pl.multiple_of(wid * BPW, BPW)

    pltpu.sync_copy(u_hbm.at[pl.ds(base, BPW)], uv)
    pltpu.sync_copy(i_hbm.at[pl.ds(base, BPW)], iv)
    pltpu.sync_copy(fw_hbm, fwv)
    pltpu.sync_copy(mu16_hbm, muv)

    for t in range(BPW // L):
        s = pl.ds(t * L, L)
        ubh[s] = jax.lax.shift_right_logical(uv[s], 4)
        ibh[s] = jax.lax.shift_right_logical(iv[s], 4)

    cps = []
    for j in range(NCHUNK):
        r = pl.ds(j * CHUNK, CHUNK)
        cps.append(pltpu.async_copy(p_hbm.at[uv.at[r]], pv.at[r], sem))
        cps.append(pltpu.async_copy(q_hbm.at[iv.at[r]], qv.at[r], sem))
        cps.append(pltpu.async_copy(feat_hbm.at[iv.at[r]], fv.at[r], sem))
        cps.append(pltpu.async_copy(bu_hbm.at[ubh.at[r]], buv.at[r], sem))
        cps.append(pltpu.async_copy(bi_hbm.at[ibh.at[r]], biv.at[r], sem))
    for c in cps:
        c.wait()

    lane = lax.iota(jnp.int32, L)
    mu_vec = muv[...]
    mask15 = jnp.full((L,), 15, jnp.int32)

    def group(g, carry):
        row0 = pl.multiple_of(g * L, L)
        ridx = row0 + lane
        uvec = uv[pl.ds(row0, L)]
        ivec = iv[pl.ds(row0, L)]
        bu_g = plsc.load_gather(buv, [ridx, uvec & mask15])
        bi_g = plsc.load_gather(biv, [ridx, ivec & mask15])
        feats = [plsc.load_gather(fv, [ridx, jnp.full((L,), f, jnp.int32)])
                 for f in range(F)]
        acc = bu_g + bi_g + mu_vec
        for d in range(D):
            dd = jnp.full((L,), d, jnp.int32)
            p_d = plsc.load_gather(pv, [ridx, dd])
            q_d = plsc.load_gather(qv, [ridx, dd])
            fwd = fwv[d, :]
            for f in range(F):
                q_d = q_d + feats[f] * fwd[f]
            acc = acc + p_d * q_d
        outv[pl.ds(row0, L)] = acc
        return carry

    lax.fori_loop(0, NG, group, 0)
    pltpu.sync_copy(outv, out_hbm.at[pl.ds(base, BPW)])


_hybrid_mf_sc = functools.partial(
    pl.kernel,
    out_type=jax.ShapeDtypeStruct((B,), jnp.float32),
    mesh=_mesh,
    scratch_types=[
        pltpu.VMEM((BPW,), jnp.int32),
        pltpu.VMEM((BPW,), jnp.int32),
        pltpu.VMEM((BPW,), jnp.int32),
        pltpu.VMEM((BPW,), jnp.int32),
        pltpu.VMEM((BPW, D), jnp.float32),
        pltpu.VMEM((BPW, D), jnp.float32),
        pltpu.VMEM((BPW, F), jnp.float32),
        pltpu.VMEM((BPW, L), jnp.float32),
        pltpu.VMEM((BPW, L), jnp.float32),
        pltpu.VMEM((D, F), jnp.float32),
        pltpu.VMEM((L,), jnp.float32),
        pltpu.VMEM((BPW,), jnp.float32),
        pltpu.SemaphoreType.DMA,
    ],
    compiler_params=pltpu.CompilerParams(
        needs_layout_passes=False, use_tc_tiling_on_sc=False
    ),
)(_body)


def kernel(u, i, P, Q, bu, bi, mu, F_w, item_features):
    nu = P.shape[0]
    ni = Q.shape[0]
    mu16 = jnp.broadcast_to(mu.astype(jnp.float32), (L,))
    return _hybrid_mf_sc(
        u.astype(jnp.int32), i.astype(jnp.int32),
        P, Q,
        bu.reshape(nu // L, L), bi.reshape(ni // L, L),
        mu16, F_w, item_features,
    )

# --- scband reference (transcript-rebuilt; emitter-appended) ---
"""Pipeline reference for scband-hybrid-mf-59854664237874 (READ-ONLY COPY).

The authoritative reference and input builder live on the scoring server;
editing this copy changes nothing except your own understanding.
"""

import jax, jax.numpy as jnp
import numpy as np

U, I, D, F, B = 1000000, 1000000, 32, 16, 16384

def setup_inputs(seed: int = 0) -> dict:
    key = jax.random.key(seed)
    ks = jax.random.split(key, 9)
    return {
        "u": jax.random.randint(ks[0], (B,), 0, U),
        "i": jax.random.randint(ks[1], (B,), 0, I),
        "P": jax.random.normal(ks[2], (U, D), dtype=jnp.float32) * 0.05,
        "Q": jax.random.normal(ks[3], (I, D), dtype=jnp.float32) * 0.05,
        "bu": jax.random.normal(ks[4], (U, 1), dtype=jnp.float32) * 0.01,
        "bi": jax.random.normal(ks[5], (I, 1), dtype=jnp.float32) * 0.01,
        "mu": jnp.zeros((1,), dtype=jnp.float32),
        "F_w": jax.random.normal(ks[6], (D, F), dtype=jnp.float32) * float(np.sqrt(6.0 / (D + F))),
        "item_features": jax.random.normal(ks[7], (I, F), dtype=jnp.float32),
    }

def reference(u, i, P, Q, bu, bi, mu, F_w, item_features):
    # q = Q(i) + Linear(item_features[i]); dropout is identity in eval mode
    feat = jnp.take(item_features, i, axis=0)          # gather [B, F]
    q = jnp.take(Q, i, axis=0) + feat @ F_w.T          # [B, D]
    p = jnp.take(P, u, axis=0)                          # [B, D]
    out = (p * q).sum(-1) + mu + jnp.take(bu, u, axis=0).squeeze(-1) + jnp.take(bi, i, axis=0).squeeze(-1)
    return out

if __name__ == "__main__":
    import jax
    _d = setup_inputs()
    print(jax.jit(kernel)(*tuple(_d.values())))

</pallas_src>

<mosaic_0001>
#map = affine_map<(d0, d1) -> (0)>
#map1 = affine_map<(d0, d1) -> (0, 0)>
module attributes {stable_mosaic.version = 14 : i64} {
  func.func @_body(%arg0: i32, %arg1: i32, %arg2: memref<16384xi32, #tpu.memory_space<hbm>>, %arg3: memref<16384xi32, #tpu.memory_space<hbm>>, %arg4: memref<1000000x32xf32, #tpu.memory_space<hbm>>, %arg5: memref<1000000x32xf32, #tpu.memory_space<hbm>>, %arg6: memref<62500x16xf32, #tpu.memory_space<hbm>>, %arg7: memref<62500x16xf32, #tpu.memory_space<hbm>>, %arg8: memref<16xf32, #tpu.memory_space<hbm>>, %arg9: memref<32x16xf32, #tpu.memory_space<hbm>>, %arg10: memref<1000000x16xf32, #tpu.memory_space<hbm>>, %arg11: memref<16384xf32, #tpu.memory_space<hbm>>, %arg12: memref<512xi32, #tpu.memory_space<vmem>>, %arg13: memref<512xi32, #tpu.memory_space<vmem>>, %arg14: memref<512xi32, #tpu.memory_space<vmem>>, %arg15: memref<512xi32, #tpu.memory_space<vmem>>, %arg16: memref<512x32xf32, #tpu.memory_space<vmem>>, %arg17: memref<512x32xf32, #tpu.memory_space<vmem>>, %arg18: memref<512x16xf32, #tpu.memory_space<vmem>>, %arg19: memref<512x16xf32, #tpu.memory_space<vmem>>, %arg20: memref<512x16xf32, #tpu.memory_space<vmem>>, %arg21: memref<32x16xf32, #tpu.memory_space<vmem>>, %arg22: memref<16xf32, #tpu.memory_space<vmem>>, %arg23: memref<512xf32, #tpu.memory_space<vmem>>, %arg24: memref<!tpu.dma_semaphore, #tpu.memory_space<semaphore_mem>>) attributes {dimension_semantics = [#tpu.dimension_semantics<core_parallel>, #tpu.dimension_semantics<subcore_parallel>], iteration_bounds = array<i64: 2, 16>, scalar_prefetch = 0 : i64, scratch_operands = 13 : i64, tpu.core_type = #tpu.core_type<sc_vector_subcore>, window_params = [{transform_indices = #map}, {transform_indices = #map}, {transform_indices = #map1}, {transform_indices = #map1}, {transform_indices = #map1}, {transform_indices = #map1}, {transform_indices = #map}, {transform_indices = #map1}, {transform_indices = #map1}, {transform_indices = #map}]} {
    %mul3A = arith.constant 2 : i32
    %mul3A_0 = arith.muli %arg1, %mul3A : i32
    %add3A = arith.addi %mul3A_0, %arg0 : i32
    %mul3A_1 = arith.constant 512 : i32
    %mul3A_2 = arith.muli %add3A, %mul3A_1 : i32
    %multiple_of3A = tpu.assume_multiple %mul3A_2, 512 : i32
    "tpu.region"() ({
      %run_scoped3A = tpu.sem_alloc : memref<!tpu.dma_semaphore, #tpu.memory_space<semaphore_mem>>
      %dma_start3A_774 = tpu.memref_slice %arg2[%multiple_of3A] : memref<16384xi32, #tpu.memory_space<hbm>> -> memref<512xi32, #tpu.memory_space<hbm>>
      %dma_start3A_775 = tpu.memref_slice %arg2[%multiple_of3A] : memref<16384xi32, #tpu.memory_space<hbm>> -> memref<512xi32, #tpu.memory_space<hbm>>
      tpu.enqueue_dma source(%dma_start3A_775 : memref<512xi32, #tpu.memory_space<hbm>>) target(%arg12 : memref<512xi32, #tpu.memory_space<vmem>>) target_semaphore(%run_scoped3A : memref<!tpu.dma_semaphore, #tpu.memory_space<semaphore_mem>>)
      %dma_wait3A_776 = tpu.memref_slice %arg2[%multiple_of3A] : memref<16384xi32, #tpu.memory_space<hbm>> -> memref<512xi32, #tpu.memory_space<hbm>>
      %dma_wait3A_777 = tpu.memref_slice %arg2[%multiple_of3A] : memref<16384xi32, #tpu.memory_space<hbm>> -> memref<512xi32, #tpu.memory_space<hbm>>
      tpu.wait_dma2 semaphore(%run_scoped3A : memref<!tpu.dma_semaphore, #tpu.memory_space<semaphore_mem>>) src(%dma_wait3A_777 : memref<512xi32, #tpu.memory_space<hbm>>) dst(%arg12 : memref<512xi32, #tpu.memory_space<vmem>>)
      tpu.yield
    }) : () -> ()
    "tpu.region"() ({
      %run_scoped3A = tpu.sem_alloc : memref<!tpu.dma_semaphore, #tpu.memory_space<semaphore_mem>>
      %dma_start3A_774 = tpu.memref_slice %arg3[%multiple_of3A] : memref<16384xi32, #tpu.memory_space<hbm>> -> memref<512xi32, #tpu.memory_space<hbm>>
      %dma_start3A_775 = tpu.memref_slice %arg3[%multiple_of3A] : memref<16384xi32, #tpu.memory_space<hbm>> -> memref<512xi32, #tpu.memory_space<hbm>>
      tpu.enqueue_dma source(%dma_start3A_775 : memref<512xi32, #tpu.memory_space<hbm>>) target(%arg13 : memref<512xi32, #tpu.memory_space<vmem>>) target_semaphore(%run_scoped3A : memref<!tpu.dma_semaphore, #tpu.memory_space<semaphore_mem>>)
      %dma_wait3A_776 = tpu.memref_slice %arg3[%multiple_of3A] : memref<16384xi32, #tpu.memory_space<hbm>> -> memref<512xi32, #tpu.memory_space<hbm>>
      %dma_wait3A_777 = tpu.memref_slice %arg3[%multiple_of3A] : memref<16384xi32, #tpu.memory_space<hbm>> -> memref<512xi32, #tpu.memory_space<hbm>>
      tpu.wait_dma2 semaphore(%run_scoped3A : memref<!tpu.dma_semaphore, #tpu.memory_space<semaphore_mem>>) src(%dma_wait3A_777 : memref<512xi32, #tpu.memory_space<hbm>>) dst(%arg13 : memref<512xi32, #tpu.memory_space<vmem>>)
      tpu.yield
    }) : () -> ()
    "tpu.region"() ({
      %run_scoped3A = tpu.sem_alloc : memref<!tpu.dma_semaphore, #tpu.memory_space<semaphore_mem>>
      tpu.enqueue_dma source(%arg9 : memref<32x16xf32, #tpu.memory_space<hbm>>) target(%arg21 : memref<32x16xf32, #tpu.memory_space<vmem>>) target_semaphore(%run_scoped3A : memref<!tpu.dma_semaphore, #tpu.memory_space<semaphore_mem>>)
      tpu.wait_dma2 semaphore(%run_scoped3A : memref<!tpu.dma_semaphore, #tpu.memory_space<semaphore_mem>>) src(%arg9 : memref<32x16xf32, #tpu.memory_space<hbm>>) dst(%arg21 : memref<32x16xf32, #tpu.memory_space<vmem>>)
      tpu.yield
    }) : () -> ()
    "tpu.region"() ({
      %run_scoped3A = tpu.sem_alloc : memref<!tpu.dma_semaphore, #tpu.memory_space<semaphore_mem>>
      tpu.enqueue_dma source(%arg8 : memref<16xf32, #tpu.memory_space<hbm>>) target(%arg22 : memref<16xf32, #tpu.memory_space<vmem>>) target_semaphore(%run_scoped3A : memref<!tpu.dma_semaphore, #tpu.memory_space<semaphore_mem>>)
      tpu.wait_dma2 semaphore(%run_scoped3A : memref<!tpu.dma_semaphore, #tpu.memory_space<semaphore_mem>>) src(%arg8 : memref<16xf32, #tpu.memory_space<hbm>>) dst(%arg22 : memref<16xf32, #tpu.memory_space<vmem>>)
      tpu.yield
    }) : () -> ()
    %get3A = arith.constant 0 : index
    %get3A_3 = tpu.vector_load %arg12[%get3A] {strides = array<i32>} : memref<512xi32, #tpu.memory_space<vmem>>, vector<16xi32>,
    %shift_right_logical3A = arith.constant 4 : i32
    %shift_right_logical3A_4 = vector.broadcast %shift_right_logical3A : i32 to vector<16xi32>
    %shift_right_logical3A_5 = arith.shrui %get3A_3, %shift_right_logical3A_4 : vector<16xi32>
    %swap3A = arith.constant 0 : index
    %swap3A_6 = tpu.vector_load %arg14[%swap3A] {strides = array<i32>} : memref<512xi32, #tpu.memory_space<vmem>>, vector<16xi32>,
    tpu.vector_store %arg14[%swap3A], %shift_right_logical3A_5 {strides = array<i32>} : memref<512xi32, #tpu.memory_space<vmem>>, vector<16xi32>,
    %get3A_7 = arith.constant 0 : index
    %get3A_8 = tpu.vector_load %arg13[%get3A_7] {strides = array<i32>} : memref<512xi32, #tpu.memory_space<vmem>>, vector<16xi32>,
    %shift_right_logical3A_9 = arith.constant 4 : i32
    %shift_right_logical3A_10 = vector.broadcast %shift_right_logical3A_9 : i32 to vector<16xi32>
    %shift_right_logical3A_11 = arith.shrui %get3A_8, %shift_right_logical3A_10 : vector<16xi32>
    %swap3A_12 = arith.constant 0 : index
    %swap3A_13 = tpu.vector_load %arg15[%swap3A_12] {strides = array<i32>} : memref<512xi32, #tpu.memory_space<vmem>>, vector<16xi32>,
    tpu.vector_store %arg15[%swap3A_12], %shift_right_logical3A_11 {strides = array<i32>} : memref<512xi32, #tpu.memory_space<vmem>>, vector<16xi32>,
    %get3A_14 = arith.constant 16 : index
    %get3A_15 = tpu.vector_load %arg12[%get3A_14] {strides = array<i32>} : memref<512xi32, #tpu.memory_space<vmem>>, vector<16xi32>,
    %shift_right_logical3A_16 = arith.constant 4 : i32
    %shift_right_logical3A_17 = vector.broadcast %shift_right_logical3A_16 : i32 to vector<16xi32>
    %shift_right_logical3A_18 = arith.shrui %get3A_15, %shift_right_logical3A_17 : vector<16xi32>
    %swap3A_19 = arith.constant 16 : index
    %swap3A_20 = tpu.vector_load %arg14[%swap3A_19] {strides = array<i32>} : memref<512xi32, #tpu.memory_space<vmem>>, vector<16xi32>,
    tpu.vector_store %arg14[%swap3A_19], %shift_right_logical3A_18 {strides = array<i32>} : memref<512xi32, #tpu.memory_space<vmem>>, vector<16xi32>,
    %get3A_21 = arith.constant 16 : index
    %get3A_22 = tpu.vector_load %arg13[%get3A_21] {strides = array<i32>} : memref<512xi32, #tpu.memory_space<vmem>>, vector<16xi32>,
    %shift_right_logical3A_23 = arith.constant 4 : i32
    %shift_right_logical3A_24 = vector.broadcast %shift_right_logical3A_23 : i32 to vector<16xi32>
    %shift_right_logical3A_25 = arith.shrui %get3A_22, %shift_right_logical3A_24 : vector<16xi32>
    %swap3A_26 = arith.constant 16 : index
    %swap3A_27 = tpu.vector_load %arg15[%swap3A_26] {strides = array<i32>} : memref<512xi32, #tpu.memory_space<vmem>>, vector<16xi32>,
    tpu.vector_store %arg15[%swap3A_26], %shift_right_logical3A_25 {strides = array<i32>} : memref<512xi32, #tpu.memory_space<vmem>>, vector<16xi32>,
    %get3A_28 = arith.constant 32 : index
    %get3A_29 = tpu.vector_load %arg12[%get3A_28] {strides = array<i32>} : memref<512xi32, #tpu.memory_space<vmem>>, vector<16xi32>,
    %shift_right_logical3A_30 = arith.constant 4 : i32
    %shift_right_logical3A_31 = vector.broadcast %shift_right_logical3A_30 : i32 to vector<16xi32>
    %shift_right_logical3A_32 = arith.shrui %get3A_29, %shift_right_logical3A_31 : vector<16xi32>
    %swap3A_33 = arith.constant 32 : index
    %swap3A_34 = tpu.vector_load %arg14[%swap3A_33] {strides = array<i32>} : memref<512xi32, #tpu.memory_space<vmem>>, vector<16xi32>,
    tpu.vector_store %arg14[%swap3A_33], %shift_right_logical3A_32 {strides = array<i32>} : memref<512xi32, #tpu.memory_space<vmem>>, vector<16xi32>,
    %get3A_35 = arith.constant 32 : index
    %get3A_36 = tpu.vector_load %arg13[%get3A_35] {strides = array<i32>} : memref<512xi32, #tpu.memory_space<vmem>>, vector<16xi32>,
    %shift_right_logical3A_37 = arith.constant 4 : i32
    %shift_right_logical3A_38 = vector.broadcast %shift_right_logical3A_37 : i32 to vector<16xi32>
    %shift_right_logical3A_39 = arith.shrui %get3A_36, %shift_right_logical3A_38 : vector<16xi32>
    %swap3A_40 = arith.constant 32 : index
    %swap3A_41 = tpu.vector_load %arg15[%swap3A_40] {strides = array<i32>} : memref<512xi32, #tpu.memory_space<vmem>>, vector<16xi32>,
    tpu.vector_store %arg15[%swap3A_40], %shift_right_logical3A_39 {strides = array<i32>} : memref<512xi32, #tpu.memory_space<vmem>>, vector<16xi32>,
    %get3A_42 = arith.constant 48 : index
    %get3A_43 = tpu.vector_load %arg12[%get3A_42] {strides = array<i32>} : memref<512xi32, #tpu.memory_space<vmem>>, vector<16xi32>,
    %shift_right_logical3A_44 = arith.constant 4 : i32
    %shift_right_logical3A_45 = vector.broadcast %shift_right_logical3A_44 : i32 to vector<16xi32>
    %shift_right_logical3A_46 = arith.shrui %get3A_43, %shift_right_logical3A_45 : vector<16xi32>
    %swap3A_47 = arith.constant 48 : index
    %swap3A_48 = tpu.vector_load %arg14[%swap3A_47] {strides = array<i32>} : memref<512xi32, #tpu.memory_space<vmem>>, vector<16xi32>,
    tpu.vector_store %arg14[%swap3A_47], %shift_right_logical3A_46 {strides = array<i32>} : memref<512xi32, #tpu.memory_space<vmem>>, vector<16xi32>,
    %get3A_49 = arith.constant 48 : index
    %get3A_50 = tpu.vector_load %arg13[%get3A_49] {strides = array<i32>} : memref<512xi32, #tpu.memory_space<vmem>>, vector<16xi32>,
    %shift_right_logical3A_51 = arith.constant 4 : i32
    %shift_right_logical3A_52 = vector.broadcast %shift_right_logical3A_51 : i32 to vector<16xi32>
    %shift_right_logical3A_53 = arith.shrui %get3A_50, %shift_right_logical3A_52 : vector<16xi32>
    %swap3A_54 = arith.constant 48 : index
    %swap3A_55 = tpu.vector_load %arg15[%swap3A_54] {strides = array<i32>} : memref<512xi32, #tpu.memory_space<vmem>>, vector<16xi32>,
    tpu.vector_store %arg15[%swap3A_54], %shift_right_logical3A_53 {strides = array<i32>} : memref<512xi32, #tpu.memory_space<vmem>>, vector<16xi32>,
    %get3A_56 = arith.constant 64 : index
    %get3A_57 = tpu.vector_load %arg12[%get3A_56] {strides = array<i32>} : memref<512xi32, #tpu.memory_space<vmem>>, vector<16xi32>,
    %shift_right_logical3A_58 = arith.constant 4 : i32
    %shift_right_logical3A_59 = vector.broadcast %shift_right_logical3A_58 : i32 to vector<16xi32>
    %shift_right_logical3A_60 = arith.shrui %get3A_57, %shift_right_logical3A_59 : vector<16xi32>
    %swap3A_61 = arith.constant 64 : index
    %swap3A_62 = tpu.vector_load %arg14[%swap3A_61] {strides = array<i32>} : memref<512xi32, #tpu.memory_space<vmem>>, vector<16xi32>,
    tpu.vector_store %arg14[%swap3A_61], %shift_right_logical3A_60 {strides = array<i32>} : memref<512xi32, #tpu.memory_space<vmem>>, vector<16xi32>,
    %get3A_63 = arith.constant 64 : index
    %get3A_64 = tpu.vector_load %arg13[%get3A_63] {strides = array<i32>} : memref<512xi32, #tpu.memory_space<vmem>>, vector<16xi32>,
    %shift_right_logical3A_65 = arith.constant 4 : i32
    %shift_right_logical3A_66 = vector.broadcast %shift_right_logical3A_65 : i32 to vector<16xi32>
    %shift_right_logical3A_67 = arith.shrui %get3A_64, %shift_right_logical3A_66 : vector<16xi32>
    %swap3A_68 = arith.constant 64 : index
    %swap3A_69 = tpu.vector_load %arg15[%swap3A_68] {strides = array<i32>} : memref<512xi32, #tpu.memory_space<vmem>>, vector<16xi32>,
    tpu.vector_store %arg15[%swap3A_68], %shift_right_logical3A_67 {strides = array<i32>} : memref<512xi32, #tpu.memory_space<vmem>>, vector<16xi32>,
    %get3A_70 = arith.constant 80 : index
    %get3A_71 = tpu.vector_load %arg12[%get3A_70] {strides = array<i32>} : memref<512xi32, #tpu.memory_space<vmem>>, vector<16xi32>,
    %shift_right_logical3A_72 = arith.constant 4 : i32
    %shift_right_logical3A_73 = vector.broadcast %shift_right_logical3A_72 : i32 to vector<16xi32>
    %shift_right_logical3A_74 = arith.shrui %get3A_71, %shift_right_logical3A_73 : vector<16xi32>
    %swap3A_75 = arith.constant 80 : index
    %swap3A_76 = tpu.vector_load %arg14[%swap3A_75] {strides = array<i32>} : memref<512xi32, #tpu.memory_space<vmem>>, vector<16xi32>,
    tpu.vector_store %arg14[%swap3A_75], %shift_right_logical3A_74 {strides = array<i32>} : memref<512xi32, #tpu.memory_space<vmem>>, vector<16xi32>,
    %get3A_77 = arith.constant 80 : index
    %get3A_78 = tpu.vector_load %arg13[%get3A_77] {strides = array<i32>} : memref<512xi32, #tpu.memory_space<vmem>>, vector<16xi32>,
    %shift_right_logical3A_79 = arith.constant 4 : i32
    %shift_right_logical3A_80 = vector.broadcast %shift_right_logical3A_79 : i32 to vector<16xi32>
    %shift_right_logical3A_81 = arith.shrui %get3A_78, %shift_right_logical3A_80 : vector<16xi32>
    %swap3A_82 = arith.constant 80 : index
    %swap3A_83 = tpu.vector_load %arg15[%swap3A_82] {strides = array<i32>} : memref<512xi32, #tpu.memory_space<vmem>>, vector<16xi32>,
    tpu.vector_store %arg15[%swap3A_82], %shift_right_logical3A_81 {strides = array<i32>} : memref<512xi32, #tpu.memory_space<vmem>>, vector<16xi32>,
    %get3A_84 = arith.constant 96 : index
    %get3A_85 = tpu.vector_load %arg12[%get3A_84] {strides = array<i32>} : memref<512xi32, #tpu.memory_space<vmem>>, vector<16xi32>,
    %shift_right_logical3A_86 = arith.constant 4 : i32
    %shift_right_logical3A_87 = vector.broadcast %shift_right_logical3A_86 : i32 to vector<16xi32>
    %shift_right_logical3A_88 = arith.shrui %get3A_85, %shift_right_logical3A_87 : vector<16xi32>
    %swap3A_89 = arith.constant 96 : index
    %swap3A_90 = tpu.vector_load %arg14[%swap3A_89] {strides = array<i32>} : memref<512xi32, #tpu.memory_space<vmem>>, vector<16xi32>,
    tpu.vector_store %arg14[%swap3A_89], %shift_right_logical3A_88 {strides = array<i32>} : memref<512xi32, #tpu.memory_space<vmem>>, vector<16xi32>,
    %get3A_91 = arith.constant 96 : index
    %get3A_92 = tpu.vector_load %arg13[%get3A_91] {strides = array<i32>} : memref<512xi32, #tpu.memory_space<vmem>>, vector<16xi32>,
    %shift_right_logical3A_93 = arith.constant 4 : i32
    %shift_right_logical3A_94 = vector.broadcast %shift_right_logical3A_93 : i32 to vector<16xi32>
    %shift_right_logical3A_95 = arith.shrui %get3A_92, %shift_right_logical3A_94 : vector<16xi32>
    %swap3A_96 = arith.constant 96 : index
    %swap3A_97 = tpu.vector_load %arg15[%swap3A_96] {strides = array<i32>} : memref<512xi32, #tpu.memory_space<vmem>>, vector<16xi32>,
    tpu.vector_store %arg15[%swap3A_96], %shift_right_logical3A_95 {strides = array<i32>} : memref<512xi32, #tpu.memory_space<vmem>>, vector<16xi32>,
    %get3A_98 = arith.constant 112 : index
    %get3A_99 = tpu.vector_load %arg12[%get3A_98] {strides = array<i32>} : memref<512xi32, #tpu.memory_space<vmem>>, vector<16xi32>,
    %shift_right_logical3A_100 = arith.constant 4 : i32
    %shift_right_logical3A_101 = vector.broadcast %shift_right_logical3A_100 : i32 to vector<16xi32>
    %shift_right_logical3A_102 = arith.shrui %get3A_99, %shift_right_logical3A_101 : vector<16xi32>
    %swap3A_103 = arith.constant 112 : index
    %swap3A_104 = tpu.vector_load %arg14[%swap3A_103] {strides = array<i32>} : memref<512xi32, #tpu.memory_space<vmem>>, vector<16xi32>,
    tpu.vector_store %arg14[%swap3A_103], %shift_right_logical3A_102 {strides = array<i32>} : memref<512xi32, #tpu.memory_space<vmem>>, vector<16xi32>,
    %get3A_105 = arith.constant 112 : index
    %get3A_106 = tpu.vector_load %arg13[%get3A_105] {strides = array<i32>} : memref<512xi32, #tpu.memory_space<vmem>>, vector<16xi32>,
    %shift_right_logical3A_107 = arith.constant 4 : i32
    %shift_right_logical3A_108 = vector.broadcast %shift_right_logical3A_107 : i32 to vector<16xi32>
    %shift_right_logical3A_109 = arith.shrui %get3A_106, %shift_right_logical3A_108 : vector<16xi32>
    %swap3A_110 = arith.constant 112 : index
    %swap3A_111 = tpu.vector_load %arg15[%swap3A_110] {strides = array<i32>} : memref<512xi32, #tpu.memory_space<vmem>>, vector<16xi32>,
    tpu.vector_store %arg15[%swap3A_110], %shift_right_logical3A_109 {strides = array<i32>} : memref<512xi32, #tpu.memory_space<vmem>>, vector<16xi32>,
    %get3A_112 = arith.constant 128 : index
    %get3A_113 = tpu.vector_load %arg12[%get3A_112] {strides = array<i32>} : memref<512xi32, #tpu.memory_space<vmem>>, vector<16xi32>,
    %shift_right_logical3A_114 = arith.constant 4 : i32
    %shift_right_logical3A_115 = vector.broadcast %shift_right_logical3A_114 : i32 to vector<16xi32>
    %shift_right_logical3A_116 = arith.shrui %get3A_113, %shift_right_logical3A_115 : vector<16xi32>
    %swap3A_117 = arith.constant 128 : index
    %swap3A_118 = tpu.vector_load %arg14[%swap3A_117] {strides = array<i32>} : memref<512xi32, #tpu.memory_space<vmem>>, vector<16xi32>,
    tpu.vector_store %arg14[%swap3A_117], %shift_right_logical3A_116 {strides = array<i32>} : memref<512xi32, #tpu.memory_space<vmem>>, vector<16xi32>,
    %get3A_119 = arith.constant 128 : index
    %get3A_120 = tpu.vector_load %arg13[%get3A_119] {strides = array<i32>} : memref<512xi32, #tpu.memory_space<vmem>>, vector<16xi32>,
    %shift_right_logical3A_121 = arith.constant 4 : i32
    %shift_right_logical3A_122 = vector.broadcast %shift_right_logical3A_121 : i32 to vector<16xi32>
    %shift_right_logical3A_123 = arith.shrui %get3A_120, %shift_right_logical3A_122 : vector<16xi32>
    %swap3A_124 = arith.constant 128 : index
    %swap3A_125 = tpu.vector_load %arg15[%swap3A_124] {strides = array<i32>} : memref<512xi32, #tpu.memory_space<vmem>>, vector<16xi32>,
    tpu.vector_store %arg15[%swap3A_124], %shift_right_logical3A_123 {strides = array<i32>} : memref<512xi32, #tpu.memory_space<vmem>>, vector<16xi32>,
    %get3A_126 = arith.constant 144 : index
    %get3A_127 = tpu.vector_load %arg12[%get3A_126] {strides = array<i32>} : memref<512xi32, #tpu.memory_space<vmem>>, vector<16xi32>,
    %shift_right_logical3A_128 = arith.constant 4 : i32
    %shift_right_logical3A_129 = vector.broadcast %shift_right_logical3A_128 : i32 to vector<16xi32>
    %shift_right_logical3A_130 = arith.shrui %get3A_127, %shift_right_logical3A_129 : vector<16xi32>
    %swap3A_131 = arith.constant 144 : index
    %swap3A_132 = tpu.vector_load %arg14[%swap3A_131] {strides = array<i32>} : memref<512xi32, #tpu.memory_space<vmem>>, vector<16xi32>,
    tpu.vector_store %arg14[%swap3A_131], %shift_right_logical3A_130 {strides = array<i32>} : memref<512xi32, #tpu.memory_space<vmem>>, vector<16xi32>,
    %get3A_133 = arith.constant 144 : index
    %get3A_134 = tpu.vector_load %arg13[%get3A_133] {strides = array<i32>} : memref<512xi32, #tpu.memory_space<vmem>>, vector<16xi32>,
    %shift_right_logical3A_135 = arith.constant 4 : i32
    %shift_right_logical3A_136 = vector.broadcast %shift_right_logical3A_135 : i32 to vector<16xi32>
    %shift_right_logical3A_137 = arith.shrui %get3A_134, %shift_right_logical3A_136 : vector<16xi32>
    %swap3A_138 = arith.constant 144 : index
    %swap3A_139 = tpu.vector_load %arg15[%swap3A_138] {strides = array<i32>} : memref<512xi32, #tpu.memory_space<vmem>>, vector<16xi32>,
    tpu.vector_store %arg15[%swap3A_138], %shift_right_logical3A_137 {strides = array<i32>} : memref<512xi32, #tpu.memory_space<vmem>>, vector<16xi32>,
    %get3A_140 = arith.constant 160 : index
    %get3A_141 = tpu.vector_load %arg12[%get3A_140] {strides = array<i32>} : memref<512xi32, #tpu.memory_space<vmem>>, vector<16xi32>,
    %shift_right_logical3A_142 = arith.constant 4 : i32
    %shift_right_logical3A_143 = vector.broadcast %shift_right_logical3A_142 : i32 to vector<16xi32>
    %shift_right_logical3A_144 = arith.shrui %get3A_141, %shift_right_logical3A_143 : vector<16xi32>
    %swap3A_145 = arith.constant 160 : index
    %swap3A_146 = tpu.vector_load %arg14[%swap3A_145] {strides = array<i32>} : memref<512xi32, #tpu.memory_space<vmem>>, vector<16xi32>,
    tpu.vector_store %arg14[%swap3A_145], %shift_right_logical3A_144 {strides = array<i32>} : memref<512xi32, #tpu.memory_space<vmem>>, vector<16xi32>,
    %get3A_147 = arith.constant 160 : index
    %get3A_148 = tpu.vector_load %arg13[%get3A_147] {strides = array<i32>} : memref<512xi32, #tpu.memory_space<vmem>>, vector<16xi32>,
    %shift_right_logical3A_149 = arith.constant 4 : i32
    %shift_right_logical3A_150 = vector.broadcast %shift_right_logical3A_149 : i32 to vector<16xi32>
    %shift_right_logical3A_151 = arith.shrui %get3A_148, %shift_right_logical3A_150 : vector<16xi32>
    %swap3A_152 = arith.constant 160 : index
    %swap3A_153 = tpu.vector_load %arg15[%swap3A_152] {strides = array<i32>} : memref<512xi32, #tpu.memory_space<vmem>>, vector<16xi32>,
    tpu.vector_store %arg15[%swap3A_152], %shift_right_logical3A_151 {strides = array<i32>} : memref<512xi32, #tpu.memory_space<vmem>>, vector<16xi32>,
    %get3A_154 = arith.constant 176 : index
    %get3A_155 = tpu.vector_load %arg12[%get3A_154] {strides = array<i32>} : memref<512xi32, #tpu.memory_space<vmem>>, vector<16xi32>,
    %shift_right_logical3A_156 = arith.constant 4 : i32
    %shift_right_logical3A_157 = vector.broadcast %shift_right_logical3A_156 : i32 to vector<16xi32>
    %shift_right_logical3A_158 = arith.shrui %get3A_155, %shift_right_logical3A_157 : vector<16xi32>
    %swap3A_159 = arith.constant 176 : index
    %swap3A_160 = tpu.vector_load %arg14[%swap3A_159] {strides = array<i32>} : memref<512xi32, #tpu.memory_space<vmem>>, vector<16xi32>,
    tpu.vector_store %arg14[%swap3A_159], %shift_right_logical3A_158 {strides = array<i32>} : memref<512xi32, #tpu.memory_space<vmem>>, vector<16xi32>,
    %get3A_161 = arith.constant 176 : index
    %get3A_162 = tpu.vector_load %arg13[%get3A_161] {strides = array<i32>} : memref<512xi32, #tpu.memory_space<vmem>>, vector<16xi32>,
    %shift_right_logical3A_163 = arith.constant 4 : i32
    %shift_right_logical3A_164 = vector.broadcast %shift_right_logical3A_163 : i32 to vector<16xi32>
    %shift_right_logical3A_165 = arith.shrui %get3A_162, %shift_right_logical3A_164 : vector<16xi32>
    %swap3A_166 = arith.constant 176 : index
    %swap3A_167 = tpu.vector_load %arg15[%swap3A_166] {strides = array<i32>} : memref<512xi32, #tpu.memory_space<vmem>>, vector<16xi32>,
    tpu.vector_store %arg15[%swap3A_166], %shift_right_logical3A_165 {strides = array<i32>} : memref<512xi32, #tpu.memory_space<vmem>>, vector<16xi32>,
    %get3A_168 = arith.constant 192 : index
    %get3A_169 = tpu.vector_load %arg12[%get3A_168] {strides = array<i32>} : memref<512xi32, #tpu.memory_space<vmem>>, vector<16xi32>,
    %shift_right_logical3A_170 = arith.constant 4 : i32
    %shift_right_logical3A_171 = vector.broadcast %shift_right_logical3A_170 : i32 to vector<16xi32>
    %shift_right_logical3A_172 = arith.shrui %get3A_169, %shift_right_logical3A_171 : vector<16xi32>
    %swap3A_173 = arith.constant 192 : index
    %swap3A_174 = tpu.vector_load %arg14[%swap3A_173] {strides = array<i32>} : memref<512xi32, #tpu.memory_space<vmem>>, vector<16xi32>,
    tpu.vector_store %arg14[%swap3A_173], %shift_right_logical3A_172 {strides = array<i32>} : memref<512xi32, #tpu.memory_space<vmem>>, vector<16xi32>,
    %get3A_175 = arith.constant 192 : index
    %get3A_176 = tpu.vector_load %arg13[%get3A_175] {strides = array<i32>} : memref<512xi32, #tpu.memory_space<vmem>>, vector<16xi32>,
    %shift_right_logical3A_177 = arith.constant 4 : i32
    %shift_right_logical3A_178 = vector.broadcast %shift_right_logical3A_177 : i32 to vector<16xi32>
    %shift_right_logical3A_179 = arith.shrui %get3A_176, %shift_right_logical3A_178 : vector<16xi32>
    %swap3A_180 = arith.constant 192 : index
    %swap3A_181 = tpu.vector_load %arg15[%swap3A_180] {strides = array<i32>} : memref<512xi32, #tpu.memory_space<vmem>>, vector<16xi32>,
    tpu.vector_store %arg15[%swap3A_180], %shift_right_logical3A_179 {strides = array<i32>} : memref<512xi32, #tpu.memory_space<vmem>>, vector<16xi32>,
    %get3A_182 = arith.constant 208 : index
    %get3A_183 = tpu.vector_load %arg12[%get3A_182] {strides = array<i32>} : memref<512xi32, #tpu.memory_space<vmem>>, vector<16xi32>,
    %shift_right_logical3A_184 = arith.constant 4 : i32
    %shift_right_logical3A_185 = vector.broadcast %shift_right_logical3A_184 : i32 to vector<16xi32>
    %shift_right_logical3A_186 = arith.shrui %get3A_183, %shift_right_logical3A_185 : vector<16xi32>
    %swap3A_187 = arith.constant 208 : index
    %swap3A_188 = tpu.vector_load %arg14[%swap3A_187] {strides = array<i32>} : memref<512xi32, #tpu.memory_space<vmem>>, vector<16xi32>,
    tpu.vector_store %arg14[%swap3A_187], %shift_right_logical3A_186 {strides = array<i32>} : memref<512xi32, #tpu.memory_space<vmem>>, vector<16xi32>,
    %get3A_189 = arith.constant 208 : index
    %get3A_190 = tpu.vector_load %arg13[%get3A_189] {strides = array<i32>} : memref<512xi32, #tpu.memory_space<vmem>>, vector<16xi32>,
    %shift_right_logical3A_191 = arith.constant 4 : i32
    %shift_right_logical3A_192 = vector.broadcast %shift_right_logical3A_191 : i32 to vector<16xi32>
    %shift_right_logical3A_193 = arith.shrui %get3A_190, %shift_right_logical3A_192 : vector<16xi32>
    %swap3A_194 = arith.constant 208 : index
    %swap3A_195 = tpu.vector_load %arg15[%swap3A_194] {strides = array<i32>} : memref<512xi32, #tpu.memory_space<vmem>>, vector<16xi32>,
    tpu.vector_store %arg15[%swap3A_194], %shift_right_logical3A_193 {strides = array<i32>} : memref<512xi32, #tpu.memory_space<vmem>>, vector<16xi32>,
    %get3A_196 = arith.constant 224 : index
    %get3A_197 = tpu.vector_load %arg12[%get3A_196] {strides = array<i32>} : memref<512xi32, #tpu.memory_space<vmem>>, vector<16xi32>,
    %shift_right_logical3A_198 = arith.constant 4 : i32
    %shift_right_logical3A_199 = vector.broadcast %shift_right_logical3A_198 : i32 to vector<16xi32>
    %shift_right_logical3A_200 = arith.shrui %get3A_197, %shift_right_logical3A_199 : vector<16xi32>
    %swap3A_201 = arith.constant 224 : index
    %swap3A_202 = tpu.vector_load %arg14[%swap3A_201] {strides = array<i32>} : memref<512xi32, #tpu.memory_space<vmem>>, vector<16xi32>,
    tpu.vector_store %arg14[%swap3A_201], %shift_right_logical3A_200 {strides = array<i32>} : memref<512xi32, #tpu.memory_space<vmem>>, vector<16xi32>,
    %get3A_203 = arith.constant 224 : index
    %get3A_204 = tpu.vector_load %arg13[%get3A_203] {strides = array<i32>} : memref<512xi32, #tpu.memory_space<vmem>>, vector<16xi32>,
    %shift_right_logical3A_205 = arith.constant 4 : i32
    %shift_right_logical3A_206 = vector.broadcast %shift_right_logical3A_205 : i32 to vector<16xi32>
    %shift_right_logical3A_207 = arith.shrui %get3A_204, %shift_right_logical3A_206 : vector<16xi32>
    %swap3A_208 = arith.constant 224 : index
    %swap3A_209 = tpu.vector_load %arg15[%swap3A_208] {strides = array<i32>} : memref<512xi32, #tpu.memory_space<vmem>>, vector<16xi32>,
    tpu.vector_store %arg15[%swap3A_208], %shift_right_logical3A_207 {strides = array<i32>} : memref<512xi32, #tpu.memory_space<vmem>>, vector<16xi32>,
    %get3A_210 = arith.constant 240 : index
    %get3A_211 = tpu.vector_load %arg12[%get3A_210] {strides = array<i32>} : memref<512xi32, #tpu.memory_space<vmem>>, vector<16xi32>,
    %shift_right_logical3A_212 = arith.constant 4 : i32
    %shift_right_logical3A_213 = vector.broadcast %shift_right_logical3A_212 : i32 to vector<16xi32>
    %shift_right_logical3A_214 = arith.shrui %get3A_211, %shift_right_logical3A_213 : vector<16xi32>
    %swap3A_215 = arith.constant 240 : index
    %swap3A_216 = tpu.vector_load %arg14[%swap3A_215] {strides = array<i32>} : memref<512xi32, #tpu.memory_space<vmem>>, vector<16xi32>,
    tpu.vector_store %arg14[%swap3A_215], %shift_right_logical3A_214 {strides = array<i32>} : memref<512xi32, #tpu.memory_space<vmem>>, vector<16xi32>,
    %get3A_217 = arith.constant 240 : index
    %get3A_218 = tpu.vector_load %arg13[%get3A_217] {strides = array<i32>} : memref<512xi32, #tpu.memory_space<vmem>>, vector<16xi32>,
    %shift_right_logical3A_219 = arith.constant 4 : i32
    %shift_right_logical3A_220 = vector.broadcast %shift_right_logical3A_219 : i32 to vector<16xi32>
    %shift_right_logical3A_221 = arith.shrui %get3A_218, %shift_right_logical3A_220 : vector<16xi32>
    %swap3A_222 = arith.constant 240 : index
    %swap3A_223 = tpu.vector_load %arg15[%swap3A_222] {strides = array<i32>} : memref<512xi32, #tpu.memory_space<vmem>>, vector<16xi32>,
    tpu.vector_store %arg15[%swap3A_222], %shift_right_logical3A_221 {strides = array<i32>} : memref<512xi32, #tpu.memory_space<vmem>>, vector<16xi32>,
    %get3A_224 = arith.constant 256 : index
    %get3A_225 = tpu.vector_load %arg12[%get3A_224] {strides = array<i32>} : memref<512xi32, #tpu.memory_space<vmem>>, vector<16xi32>,
    %shift_right_logical3A_226 = arith.constant 4 : i32
    %shift_right_logical3A_227 = vector.broadcast %shift_right_logical3A_226 : i32 to vector<16xi32>
    %shift_right_logical3A_228 = arith.shrui %get3A_225, %shift_right_logical3A_227 : vector<16xi32>
    %swap3A_229 = arith.constant 256 : index
    %swap3A_230 = tpu.vector_load %arg14[%swap3A_229] {strides = array<i32>} : memref<512xi32, #tpu.memory_space<vmem>>, vector<16xi32>,
    tpu.vector_store %arg14[%swap3A_229], %shift_right_logical3A_228 {strides = array<i32>} : memref<512xi32, #tpu.memory_space<vmem>>, vector<16xi32>,
    %get3A_231 = arith.constant 256 : index
    %get3A_232 = tpu.vector_load %arg13[%get3A_231] {strides = array<i32>} : memref<512xi32, #tpu.memory_space<vmem>>, vector<16xi32>,
    %shift_right_logical3A_233 = arith.constant 4 : i32
    %shift_right_logical3A_234 = vector.broadcast %shift_right_logical3A_233 : i32 to vector<16xi32>
    %shift_right_logical3A_235 = arith.shrui %get3A_232, %shift_right_logical3A_234 : vector<16xi32>
    %swap3A_236 = arith.constant 256 : index
    %swap3A_237 = tpu.vector_load %arg15[%swap3A_236] {strides = array<i32>} : memref<512xi32, #tpu.memory_space<vmem>>, vector<16xi32>,
    tpu.vector_store %arg15[%swap3A_236], %shift_right_logical3A_235 {strides = array<i32>} : memref<512xi32, #tpu.memory_space<vmem>>, vector<16xi32>,
    %get3A_238 = arith.constant 272 : index
    %get3A_239 = tpu.vector_load %arg12[%get3A_238] {strides = array<i32>} : memref<512xi32, #tpu.memory_space<vmem>>, vector<16xi32>,
    %shift_right_logical3A_240 = arith.constant 4 : i32
    %shift_right_logical3A_241 = vector.broadcast %shift_right_logical3A_240 : i32 to vector<16xi32>
    %shift_right_logical3A_242 = arith.shrui %get3A_239, %shift_right_logical3A_241 : vector<16xi32>
    %swap3A_243 = arith.constant 272 : index
    %swap3A_244 = tpu.vector_load %arg14[%swap3A_243] {strides = array<i32>} : memref<512xi32, #tpu.memory_space<vmem>>, vector<16xi32>,
    tpu.vector_store %arg14[%swap3A_243], %shift_right_logical3A_242 {strides = array<i32>} : memref<512xi32, #tpu.memory_space<vmem>>, vector<16xi32>,
    %get3A_245 = arith.constant 272 : index
    %get3A_246 = tpu.vector_load %arg13[%get3A_245] {strides = array<i32>} : memref<512xi32, #tpu.memory_space<vmem>>, vector<16xi32>,
    %shift_right_logical3A_247 = arith.constant 4 : i32
    %shift_right_logical3A_248 = vector.broadcast %shift_right_logical3A_247 : i32 to vector<16xi32>
    %shift_right_logical3A_249 = arith.shrui %get3A_246, %shift_right_logical3A_248 : vector<16xi32>
    %swap3A_250 = arith.constant 272 : index
    %swap3A_251 = tpu.vector_load %arg15[%swap3A_250] {strides = array<i32>} : memref<512xi32, #tpu.memory_space<vmem>>, vector<16xi32>,
    tpu.vector_store %arg15[%swap3A_250], %shift_right_logical3A_249 {strides = array<i32>} : memref<512xi32, #tpu.memory_space<vmem>>, vector<16xi32>,
    %get3A_252 = arith.constant 288 : index
    %get3A_253 = tpu.vector_load %arg12[%get3A_252] {strides = array<i32>} : memref<512xi32, #tpu.memory_space<vmem>>, vector<16xi32>,
    %shift_right_logical3A_254 = arith.constant 4 : i32
    %shift_right_logical3A_255 = vector.broadcast %shift_right_logical3A_254 : i32 to vector<16xi32>
    %shift_right_logical3A_256 = arith.shrui %get3A_253, %shift_right_logical3A_255 : vector<16xi32>
    %swap3A_257 = arith.constant 288 : index
    %swap3A_258 = tpu.vector_load %arg14[%swap3A_257] {strides = array<i32>} : memref<512xi32, #tpu.memory_space<vmem>>, vector<16xi32>,
    tpu.vector_store %arg14[%swap3A_257], %shift_right_logical3A_256 {strides = array<i32>} : memref<512xi32, #tpu.memory_space<vmem>>, vector<16xi32>,
    %get3A_259 = arith.constant 288 : index
    %get3A_260 = tpu.vector_load %arg13[%get3A_259] {strides = array<i32>} : memref<512xi32, #tpu.memory_space<vmem>>, vector<16xi32>,
    %shift_right_logical3A_261 = arith.constant 4 : i32
    %shift_right_logical3A_262 = vector.broadcast %shift_right_logical3A_261 : i32 to vector<16xi32>
    %shift_right_logical3A_263 = arith.shrui %get3A_260, %shift_right_logical3A_262 : vector<16xi32>
    %swap3A_264 = arith.constant 288 : index
    %swap3A_265 = tpu.vector_load %arg15[%swap3A_264] {strides = array<i32>} : memref<512xi32, #tpu.memory_space<vmem>>, vector<16xi32>,
    tpu.vector_store %arg15[%swap3A_264], %shift_right_logical3A_263 {strides = array<i32>} : memref<512xi32, #tpu.memory_space<vmem>>, vector<16xi32>,
    %get3A_266 = arith.constant 304 : index
    %get3A_267 = tpu.vector_load %arg12[%get3A_266] {strides = array<i32>} : memref<512xi32, #tpu.memory_space<vmem>>, vector<16xi32>,
    %shift_right_logical3A_268 = arith.constant 4 : i32
    %shift_right_logical3A_269 = vector.broadcast %shift_right_logical3A_268 : i32 to vector<16xi32>
    %shift_right_logical3A_270 = arith.shrui %get3A_267, %shift_right_logical3A_269 : vector<16xi32>
    %swap3A_271 = arith.constant 304 : index
    %swap3A_272 = tpu.vector_load %arg14[%swap3A_271] {strides = array<i32>} : memref<512xi32, #tpu.memory_space<vmem>>, vector<16xi32>,
    tpu.vector_store %arg14[%swap3A_271], %shift_right_logical3A_270 {strides = array<i32>} : memref<512xi32, #tpu.memory_space<vmem>>, vector<16xi32>,
    %get3A_273 = arith.constant 304 : index
    %get3A_274 = tpu.vector_load %arg13[%get3A_273] {strides = array<i32>} : memref<512xi32, #tpu.memory_space<vmem>>, vector<16xi32>,
    %shift_right_logical3A_275 = arith.constant 4 : i32
    %shift_right_logical3A_276 = vector.broadcast %shift_right_logical3A_275 : i32 to vector<16xi32>
    %shift_right_logical3A_277 = arith.shrui %get3A_274, %shift_right_logical3A_276 : vector<16xi32>
    %swap3A_278 = arith.constant 304 : index
    %swap3A_279 = tpu.vector_load %arg15[%swap3A_278] {strides = array<i32>} : memref<512xi32, #tpu.memory_space<vmem>>, vector<16xi32>,
    tpu.vector_store %arg15[%swap3A_278], %shift_right_logical3A_277 {strides = array<i32>} : memref<512xi32, #tpu.memory_space<vmem>>, vector<16xi32>,
    %get3A_280 = arith.constant 320 : index
    %get3A_281 = tpu.vector_load %arg12[%get3A_280] {strides = array<i32>} : memref<512xi32, #tpu.memory_space<vmem>>, vector<16xi32>,
    %shift_right_logical3A_282 = arith.constant 4 : i32
    %shift_right_logical3A_283 = vector.broadcast %shift_right_logical3A_282 : i32 to vector<16xi32>
    %shift_right_logical3A_284 = arith.shrui %get3A_281, %shift_right_logical3A_283 : vector<16xi32>
    %swap3A_285 = arith.constant 320 : index
    %swap3A_286 = tpu.vector_load %arg14[%swap3A_285] {strides = array<i32>} : memref<512xi32, #tpu.memory_space<vmem>>, vector<16xi32>,
    tpu.vector_store %arg14[%swap3A_285], %shift_right_logical3A_284 {strides = array<i32>} : memref<512xi32, #tpu.memory_space<vmem>>, vector<16xi32>,
    %get3A_287 = arith.constant 320 : index
    %get3A_288 = tpu.vector_load %arg13[%get3A_287] {strides = array<i32>} : memref<512xi32, #tpu.memory_space<vmem>>, vector<16xi32>,
    %shift_right_logical3A_289 = arith.constant 4 : i32
    %shift_right_logical3A_290 = vector.broadcast %shift_right_logical3A_289 : i32 to vector<16xi32>
    %shift_right_logical3A_291 = arith.shrui %get3A_288, %shift_right_logical3A_290 : vector<16xi32>
    %swap3A_292 = arith.constant 320 : index
    %swap3A_293 = tpu.vector_load %arg15[%swap3A_292] {strides = array<i32>} : memref<512xi32, #tpu.memory_space<vmem>>, vector<16xi32>,
    tpu.vector_store %arg15[%swap3A_292], %shift_right_logical3A_291 {strides = array<i32>} : memref<512xi32, #tpu.memory_space<vmem>>, vector<16xi32>,
    %get3A_294 = arith.constant 336 : index
    %get3A_295 = tpu.vector_load %arg12[%get3A_294] {strides = array<i32>} : memref<512xi32, #tpu.memory_space<vmem>>, vector<16xi32>,
    %shift_right_logical3A_296 = arith.constant 4 : i32
    %shift_right_logical3A_297 = vector.broadcast %shift_right_logical3A_296 : i32 to vector<16xi32>
    %shift_right_logical3A_298 = arith.shrui %get3A_295, %shift_right_logical3A_297 : vector<16xi32>
    %swap3A_299 = arith.constant 336 : index
    %swap3A_300 = tpu.vector_load %arg14[%swap3A_299] {strides = array<i32>} : memref<512xi32, #tpu.memory_space<vmem>>, vector<16xi32>,
    tpu.vector_store %arg14[%swap3A_299], %shift_right_logical3A_298 {strides = array<i32>} : memref<512xi32, #tpu.memory_space<vmem>>, vector<16xi32>,
    %get3A_301 = arith.constant 336 : index
    %get3A_302 = tpu.vector_load %arg13[%get3A_301] {strides = array<i32>} : memref<512xi32, #tpu.memory_space<vmem>>, vector<16xi32>,
    %shift_right_logical3A_303 = arith.constant 4 : i32
    %shift_right_logical3A_304 = vector.broadcast %shift_right_logical3A_303 : i32 to vector<16xi32>
    %shift_right_logical3A_305 = arith.shrui %get3A_302, %shift_right_logical3A_304 : vector<16xi32>
    %swap3A_306 = arith.constant 336 : index
    %swap3A_307 = tpu.vector_load %arg15[%swap3A_306] {strides = array<i32>} : memref<512xi32, #tpu.memory_space<vmem>>, vector<16xi32>,
    tpu.vector_store %arg15[%swap3A_306], %shift_right_logical3A_305 {strides = array<i32>} : memref<512xi32, #tpu.memory_space<vmem>>, vector<16xi32>,
    %get3A_308 = arith.constant 352 : index
    %get3A_309 = tpu.vector_load %arg12[%get3A_308] {strides = array<i32>} : memref<512xi32, #tpu.memory_space<vmem>>, vector<16xi32>,
    %shift_right_logical3A_310 = arith.constant 4 : i32
    %shift_right_logical3A_311 = vector.broadcast %shift_right_logical3A_310 : i32 to vector<16xi32>
    %shift_right_logical3A_312 = arith.shrui %get3A_309, %shift_right_logical3A_311 : vector<16xi32>
    %swap3A_313 = arith.constant 352 : index
    %swap3A_314 = tpu.vector_load %arg14[%swap3A_313] {strides = array<i32>} : memref<512xi32, #tpu.memory_space<vmem>>, vector<16xi32>,
    tpu.vector_store %arg14[%swap3A_313], %shift_right_logical3A_312 {strides = array<i32>} : memref<512xi32, #tpu.memory_space<vmem>>, vector<16xi32>,
    %get3A_315 = arith.constant 352 : index
    %get3A_316 = tpu.vector_load %arg13[%get3A_315] {strides = array<i32>} : memref<512xi32, #tpu.memory_space<vmem>>, vector<16xi32>,
    %shift_right_logical3A_317 = arith.constant 4 : i32
    %shift_right_logical3A_318 = vector.broadcast %shift_right_logical3A_317 : i32 to vector<16xi32>
    %shift_right_logical3A_319 = arith.shrui %get3A_316, %shift_right_logical3A_318 : vector<16xi32>
    %swap3A_320 = arith.constant 352 : index
    %swap3A_321 = tpu.vector_load %arg15[%swap3A_320] {strides = array<i32>} : memref<512xi32, #tpu.memory_space<vmem>>, vector<16xi32>,
    tpu.vector_store %arg15[%swap3A_320], %shift_right_logical3A_319 {strides = array<i32>} : memref<512xi32, #tpu.memory_space<vmem>>, vector<16xi32>,
    %get3A_322 = arith.constant 368 : index
    %get3A_323 = tpu.vector_load %arg12[%get3A_322] {strides = array<i32>} : memref<512xi32, #tpu.memory_space<vmem>>, vector<16xi32>,
    %shift_right_logical3A_324 = arith.constant 4 : i32
    %shift_right_logical3A_325 = vector.broadcast %shift_right_logical3A_324 : i32 to vector<16xi32>
    %shift_right_logical3A_326 = arith.shrui %get3A_323, %shift_right_logical3A_325 : vector<16xi32>
    %swap3A_327 = arith.constant 368 : index
    %swap3A_328 = tpu.vector_load %arg14[%swap3A_327] {strides = array<i32>} : memref<512xi32, #tpu.memory_space<vmem>>, vector<16xi32>,
    tpu.vector_store %arg14[%swap3A_327], %shift_right_logical3A_326 {strides = array<i32>} : memref<512xi32, #tpu.memory_space<vmem>>, vector<16xi32>,
    %get3A_329 = arith.constant 368 : index
    %get3A_330 = tpu.vector_load %arg13[%get3A_329] {strides = array<i32>} : memref<512xi32, #tpu.memory_space<vmem>>, vector<16xi32>,
    %shift_right_logical3A_331 = arith.constant 4 : i32
    %shift_right_logical3A_332 = vector.broadcast %shift_right_logical3A_331 : i32 to vector<16xi32>
    %shift_right_logical3A_333 = arith.shrui %get3A_330, %shift_right_logical3A_332 : vector<16xi32>
    %swap3A_334 = arith.constant 368 : index
    %swap3A_335 = tpu.vector_load %arg15[%swap3A_334] {strides = array<i32>} : memref<512xi32, #tpu.memory_space<vmem>>, vector<16xi32>,
    tpu.vector_store %arg15[%swap3A_334], %shift_right_logical3A_333 {strides = array<i32>} : memref<512xi32, #tpu.memory_space<vmem>>, vector<16xi32>,
    %get3A_336 = arith.constant 384 : index
    %get3A_337 = tpu.vector_load %arg12[%get3A_336] {strides = array<i32>} : memref<512xi32, #tpu.memory_space<vmem>>, vector<16xi32>,
    %shift_right_logical3A_338 = arith.constant 4 : i32
    %shift_right_logical3A_339 = vector.broadcast %shift_right_logical3A_338 : i32 to vector<16xi32>
    %shift_right_logical3A_340 = arith.shrui %get3A_337, %shift_right_logical3A_339 : vector<16xi32>
    %swap3A_341 = arith.constant 384 : index
    %swap3A_342 = tpu.vector_load %arg14[%swap3A_341] {strides = array<i32>} : memref<512xi32, #tpu.memory_space<vmem>>, vector<16xi32>,
    tpu.vector_store %arg14[%swap3A_341], %shift_right_logical3A_340 {strides = array<i32>} : memref<512xi32, #tpu.memory_space<vmem>>, vector<16xi32>,
    %get3A_343 = arith.constant 384 : index
    %get3A_344 = tpu.vector_load %arg13[%get3A_343] {strides = array<i32>} : memref<512xi32, #tpu.memory_space<vmem>>, vector<16xi32>,
    %shift_right_logical3A_345 = arith.constant 4 : i32
    %shift_right_logical3A_346 = vector.broadcast %shift_right_logical3A_345 : i32 to vector<16xi32>
    %shift_right_logical3A_347 = arith.shrui %get3A_344, %shift_right_logical3A_346 : vector<16xi32>
    %swap3A_348 = arith.constant 384 : index
    %swap3A_349 = tpu.vector_load %arg15[%swap3A_348] {strides = array<i32>} : memref<512xi32, #tpu.memory_space<vmem>>, vector<16xi32>,
    tpu.vector_store %arg15[%swap3A_348], %shift_right_logical3A_347 {strides = array<i32>} : memref<512xi32, #tpu.memory_space<vmem>>, vector<16xi32>,
    %get3A_350 = arith.constant 400 : index
    %get3A_351 = tpu.vector_load %arg12[%get3A_350] {strides = array<i32>} : memref<512xi32, #tpu.memory_space<vmem>>, vector<16xi32>,
    %shift_right_logical3A_352 = arith.constant 4 : i32
    %shift_right_logical3A_353 = vector.broadcast %shift_right_logical3A_352 : i32 to vector<16xi32>
    %shift_right_logical3A_354 = arith.shrui %get3A_351, %shift_right_logical3A_353 : vector<16xi32>
    %swap3A_355 = arith.constant 400 : index
    %swap3A_356 = tpu.vector_load %arg14[%swap3A_355] {strides = array<i32>} : memref<512xi32, #tpu.memory_space<vmem>>, vector<16xi32>,
    tpu.vector_store %arg14[%swap3A_355], %shift_right_logical3A_354 {strides = array<i32>} : memref<512xi32, #tpu.memory_space<vmem>>, vector<16xi32>,
    %get3A_357 = arith.constant 400 : index
    %get3A_358 = tpu.vector_load %arg13[%get3A_357] {strides = array<i32>} : memref<512xi32, #tpu.memory_space<vmem>>, vector<16xi32>,
    %shift_right_logical3A_359 = arith.constant 4 : i32
    %shift_right_logical3A_360 = vector.broadcast %shift_right_logical3A_359 : i32 to vector<16xi32>
    %shift_right_logical3A_361 = arith.shrui %get3A_358, %shift_right_logical3A_360 : vector<16xi32>
    %swap3A_362 = arith.constant 400 : index
    %swap3A_363 = tpu.vector_load %arg15[%swap3A_362] {strides = array<i32>} : memref<512xi32, #tpu.memory_space<vmem>>, vector<16xi32>,
    tpu.vector_store %arg15[%swap3A_362], %shift_right_logical3A_361 {strides = array<i32>} : memref<512xi32, #tpu.memory_space<vmem>>, vector<16xi32>,
    %get3A_364 = arith.constant 416 : index
    %get3A_365 = tpu.vector_load %arg12[%get3A_364] {strides = array<i32>} : memref<512xi32, #tpu.memory_space<vmem>>, vector<16xi32>,
    %shift_right_logical3A_366 = arith.constant 4 : i32
    %shift_right_logical3A_367 = vector.broadcast %shift_right_logical3A_366 : i32 to vector<16xi32>
    %shift_right_logical3A_368 = arith.shrui %get3A_365, %shift_right_logical3A_367 : vector<16xi32>
    %swap3A_369 = arith.constant 416 : index
    %swap3A_370 = tpu.vector_load %arg14[%swap3A_369] {strides = array<i32>} : memref<512xi32, #tpu.memory_space<vmem>>, vector<16xi32>,
    tpu.vector_store %arg14[%swap3A_369], %shift_right_logical3A_368 {strides = array<i32>} : memref<512xi32, #tpu.memory_space<vmem>>, vector<16xi32>,
    %get3A_371 = arith.constant 416 : index
    %get3A_372 = tpu.vector_load %arg13[%get3A_371] {strides = array<i32>} : memref<512xi32, #tpu.memory_space<vmem>>, vector<16xi32>,
    %shift_right_logical3A_373 = arith.constant 4 : i32
    %shift_right_logical3A_374 = vector.broadcast %shift_right_logical3A_373 : i32 to vector<16xi32>
    %shift_right_logical3A_375 = arith.shrui %get3A_372, %shift_right_logical3A_374 : vector<16xi32>
    %swap3A_376 = arith.constant 416 : index
    %swap3A_377 = tpu.vector_load %arg15[%swap3A_376] {strides = array<i32>} : memref<512xi32, #tpu.memory_space<vmem>>, vector<16xi32>,
    tpu.vector_store %arg15[%swap3A_376], %shift_right_logical3A_375 {strides = array<i32>} : memref<512xi32, #tpu.memory_space<vmem>>, vector<16xi32>,
    %get3A_378 = arith.constant 432 : index
    %get3A_379 = tpu.vector_load %arg12[%get3A_378] {strides = array<i32>} : memref<512xi32, #tpu.memory_space<vmem>>, vector<16xi32>,
    %shift_right_logical3A_380 = arith.constant 4 : i32
    %shift_right_logical3A_381 = vector.broadcast %shift_right_logical3A_380 : i32 to vector<16xi32>
    %shift_right_logical3A_382 = arith.shrui %get3A_379, %shift_right_logical3A_381 : vector<16xi32>
    %swap3A_383 = arith.constant 432 : index
    %swap3A_384 = tpu.vector_load %arg14[%swap3A_383] {strides = array<i32>} : memref<512xi32, #tpu.memory_space<vmem>>, vector<16xi32>,
    tpu.vector_store %arg14[%swap3A_383], %shift_right_logical3A_382 {strides = array<i32>} : memref<512xi32, #tpu.memory_space<vmem>>, vector<16xi32>,
    %get3A_385 = arith.constant 432 : index
    %get3A_386 = tpu.vector_load %arg13[%get3A_385] {strides = array<i32>} : memref<512xi32, #tpu.memory_space<vmem>>, vector<16xi32>,
    %shift_right_logical3A_387 = arith.constant 4 : i32
    %shift_right_logical3A_388 = vector.broadcast %shift_right_logical3A_387 : i32 to vector<16xi32>
    %shift_right_logical3A_389 = arith.shrui %get3A_386, %shift_right_logical3A_388 : vector<16xi32>
    %swap3A_390 = arith.constant 432 : index
    %swap3A_391 = tpu.vector_load %arg15[%swap3A_390] {strides = array<i32>} : memref<512xi32, #tpu.memory_space<vmem>>, vector<16xi32>,
    tpu.vector_store %arg15[%swap3A_390], %shift_right_logical3A_389 {strides = array<i32>} : memref<512xi32, #tpu.memory_space<vmem>>, vector<16xi32>,
    %get3A_392 = arith.constant 448 : index
    %get3A_393 = tpu.vector_load %arg12[%get3A_392] {strides = array<i32>} : memref<512xi32, #tpu.memory_space<vmem>>, vector<16xi32>,
    %shift_right_logical3A_394 = arith.constant 4 : i32
    %shift_right_logical3A_395 = vector.broadcast %shift_right_logical3A_394 : i32 to vector<16xi32>
    %shift_right_logical3A_396 = arith.shrui %get3A_393, %shift_right_logical3A_395 : vector<16xi32>
    %swap3A_397 = arith.constant 448 : index
    %swap3A_398 = tpu.vector_load %arg14[%swap3A_397] {strides = array<i32>} : memref<512xi32, #tpu.memory_space<vmem>>, vector<16xi32>,
    tpu.vector_store %arg14[%swap3A_397], %shift_right_logical3A_396 {strides = array<i32>} : memref<512xi32, #tpu.memory_space<vmem>>, vector<16xi32>,
    %get3A_399 = arith.constant 448 : index
    %get3A_400 = tpu.vector_load %arg13[%get3A_399] {strides = array<i32>} : memref<512xi32, #tpu.memory_space<vmem>>, vector<16xi32>,
    %shift_right_logical3A_401 = arith.constant 4 : i32
    %shift_right_logical3A_402 = vector.broadcast %shift_right_logical3A_401 : i32 to vector<16xi32>
    %shift_right_logical3A_403 = arith.shrui %get3A_400, %shift_right_logical3A_402 : vector<16xi32>
    %swap3A_404 = arith.constant 448 : index
    %swap3A_405 = tpu.vector_load %arg15[%swap3A_404] {strides = array<i32>} : memref<512xi32, #tpu.memory_space<vmem>>, vector<16xi32>,
    tpu.vector_store %arg15[%swap3A_404], %shift_right_logical3A_403 {strides = array<i32>} : memref<512xi32, #tpu.memory_space<vmem>>, vector<16xi32>,
    %get3A_406 = arith.constant 464 : index
    %get3A_407 = tpu.vector_load %arg12[%get3A_406] {strides = array<i32>} : memref<512xi32, #tpu.memory_space<vmem>>, vector<16xi32>,
    %shift_right_logical3A_408 = arith.constant 4 : i32
    %shift_right_logical3A_409 = vector.broadcast %shift_right_logical3A_408 : i32 to vector<16xi32>
    %shift_right_logical3A_410 = arith.shrui %get3A_407, %shift_right_logical3A_409 : vector<16xi32>
    %swap3A_411 = arith.constant 464 : index
    %swap3A_412 = tpu.vector_load %arg14[%swap3A_411] {strides = array<i32>} : memref<512xi32, #tpu.memory_space<vmem>>, vector<16xi32>,
    tpu.vector_store %arg14[%swap3A_411], %shift_right_logical3A_410 {strides = array<i32>} : memref<512xi32, #tpu.memory_space<vmem>>, vector<16xi32>,
    %get3A_413 = arith.constant 464 : index
    %get3A_414 = tpu.vector_load %arg13[%get3A_413] {strides = array<i32>} : memref<512xi32, #tpu.memory_space<vmem>>, vector<16xi32>,
    %shift_right_logical3A_415 = arith.constant 4 : i32
    %shift_right_logical3A_416 = vector.broadcast %shift_right_logical3A_415 : i32 to vector<16xi32>
    %shift_right_logical3A_417 = arith.shrui %get3A_414, %shift_right_logical3A_416 : vector<16xi32>
    %swap3A_418 = arith.constant 464 : index
    %swap3A_419 = tpu.vector_load %arg15[%swap3A_418] {strides = array<i32>} : memref<512xi32, #tpu.memory_space<vmem>>, vector<16xi32>,
    tpu.vector_store %arg15[%swap3A_418], %shift_right_logical3A_417 {strides = array<i32>} : memref<512xi32, #tpu.memory_space<vmem>>, vector<16xi32>,
    %get3A_420 = arith.constant 480 : index
    %get3A_421 = tpu.vector_load %arg12[%get3A_420] {strides = array<i32>} : memref<512xi32, #tpu.memory_space<vmem>>, vector<16xi32>,
    %shift_right_logical3A_422 = arith.constant 4 : i32
    %shift_right_logical3A_423 = vector.broadcast %shift_right_logical3A_422 : i32 to vector<16xi32>
    %shift_right_logical3A_424 = arith.shrui %get3A_421, %shift_right_logical3A_423 : vector<16xi32>
    %swap3A_425 = arith.constant 480 : index
    %swap3A_426 = tpu.vector_load %arg14[%swap3A_425] {strides = array<i32>} : memref<512xi32, #tpu.memory_space<vmem>>, vector<16xi32>,
    tpu.vector_store %arg14[%swap3A_425], %shift_right_logical3A_424 {strides = array<i32>} : memref<512xi32, #tpu.memory_space<vmem>>, vector<16xi32>,
    %get3A_427 = arith.constant 480 : index
    %get3A_428 = tpu.vector_load %arg13[%get3A_427] {strides = array<i32>} : memref<512xi32, #tpu.memory_space<vmem>>, vector<16xi32>,
    %shift_right_logical3A_429 = arith.constant 4 : i32
    %shift_right_logical3A_430 = vector.broadcast %shift_right_logical3A_429 : i32 to vector<16xi32>
    %shift_right_logical3A_431 = arith.shrui %get3A_428, %shift_right_logical3A_430 : vector<16xi32>
    %swap3A_432 = arith.constant 480 : index
    %swap3A_433 = tpu.vector_load %arg15[%swap3A_432] {strides = array<i32>} : memref<512xi32, #tpu.memory_space<vmem>>, vector<16xi32>,
    tpu.vector_store %arg15[%swap3A_432], %shift_right_logical3A_431 {strides = array<i32>} : memref<512xi32, #tpu.memory_space<vmem>>, vector<16xi32>,
    %get3A_434 = arith.constant 496 : index
    %get3A_435 = tpu.vector_load %arg12[%get3A_434] {strides = array<i32>} : memref<512xi32, #tpu.memory_space<vmem>>, vector<16xi32>,
    %shift_right_logical3A_436 = arith.constant 4 : i32
    %shift_right_logical3A_437 = vector.broadcast %shift_right_logical3A_436 : i32 to vector<16xi32>
    %shift_right_logical3A_438 = arith.shrui %get3A_435, %shift_right_logical3A_437 : vector<16xi32>
    %swap3A_439 = arith.constant 496 : index
    %swap3A_440 = tpu.vector_load %arg14[%swap3A_439] {strides = array<i32>} : memref<512xi32, #tpu.memory_space<vmem>>, vector<16xi32>,
    tpu.vector_store %arg14[%swap3A_439], %shift_right_logical3A_438 {strides = array<i32>} : memref<512xi32, #tpu.memory_space<vmem>>, vector<16xi32>,
    %get3A_441 = arith.constant 496 : index
    %get3A_442 = tpu.vector_load %arg13[%get3A_441] {strides = array<i32>} : memref<512xi32, #tpu.memory_space<vmem>>, vector<16xi32>,
    %shift_right_logical3A_443 = arith.constant 4 : i32
    %shift_right_logical3A_444 = vector.broadcast %shift_right_logical3A_443 : i32 to vector<16xi32>
    %shift_right_logical3A_445 = arith.shrui %get3A_442, %shift_right_logical3A_444 : vector<16xi32>
    %swap3A_446 = arith.constant 496 : index
    %swap3A_447 = tpu.vector_load %arg15[%swap3A_446] {strides = array<i32>} : memref<512xi32, #tpu.memory_space<vmem>>, vector<16xi32>,
    tpu.vector_store %arg15[%swap3A_446], %shift_right_logical3A_445 {strides = array<i32>} : memref<512xi32, #tpu.memory_space<vmem>>, vector<16xi32>,
    %dma_start3A = arith.constant 0 : i32
    %dma_start3A_448 = arith.constant 0 : i32
    %dma_start3A_449 = tpu.memref_slice %arg16[%dma_start3A, %dma_start3A_448] : memref<512x32xf32, #tpu.memory_space<vmem>> -> memref<128x32xf32, #tpu.memory_space<vmem>>
    %dma_start3A_450 = arith.constant 0 : i32
    %dma_start3A_451 = tpu.memref_slice %arg12[%dma_start3A_450] : memref<512xi32, #tpu.memory_space<vmem>> -> memref<128xi32, #tpu.memory_space<vmem>>
    %dma_start3A_452 = arith.constant 0 : i32
    %dma_start3A_453 = arith.constant 0 : i32
    %dma_start3A_454 = tpu.memref_slice %arg4[%dma_start3A_452, %dma_start3A_453] : memref<1000000x32xf32, #tpu.memory_space<hbm>> -> memref<1000000x32xf32, #tpu.memory_space<hbm>>
    tpu.enqueue_indirect_dma source(%dma_start3A_454 : memref<1000000x32xf32, #tpu.memory_space<hbm>>) target(%dma_start3A_449 : memref<128x32xf32, #tpu.memory_space<vmem>>) offsets(%dma_start3A_451 : memref<128xi32, #tpu.memory_space<vmem>>) semaphore(%arg24 : memref<!tpu.dma_semaphore, #tpu.memory_space<semaphore_mem>>)
    %dma_start3A_455 = arith.constant 0 : i32
    %dma_start3A_456 = arith.constant 0 : i32
    %dma_start3A_457 = tpu.memref_slice %arg17[%dma_start3A_455, %dma_start3A_456] : memref<512x32xf32, #tpu.memory_space<vmem>> -> memref<128x32xf32, #tpu.memory_space<vmem>>
    %dma_start3A_458 = arith.constant 0 : i32
    %dma_start3A_459 = tpu.memref_slice %arg13[%dma_start3A_458] : memref<512xi32, #tpu.memory_space<vmem>> -> memref<128xi32, #tpu.memory_space<vmem>>
    %dma_start3A_460 = arith.constant 0 : i32
    %dma_start3A_461 = arith.constant 0 : i32
    %dma_start3A_462 = tpu.memref_slice %arg5[%dma_start3A_460, %dma_start3A_461] : memref<1000000x32xf32, #tpu.memory_space<hbm>> -> memref<1000000x32xf32, #tpu.memory_space<hbm>>
    tpu.enqueue_indirect_dma source(%dma_start3A_462 : memref<1000000x32xf32, #tpu.memory_space<hbm>>) target(%dma_start3A_457 : memref<128x32xf32, #tpu.memory_space<vmem>>) offsets(%dma_start3A_459 : memref<128xi32, #tpu.memory_space<vmem>>) semaphore(%arg24 : memref<!tpu.dma_semaphore, #tpu.memory_space<semaphore_mem>>)
    %dma_start3A_463 = arith.constant 0 : i32
    %dma_start3A_464 = arith.constant 0 : i32
    %dma_start3A_465 = tpu.memref_slice %arg18[%dma_start3A_463, %dma_start3A_464] : memref<512x16xf32, #tpu.memory_space<vmem>> -> memref<128x16xf32, #tpu.memory_space<vmem>>
    %dma_start3A_466 = arith.constant 0 : i32
    %dma_start3A_467 = tpu.memref_slice %arg13[%dma_start3A_466] : memref<512xi32, #tpu.memory_space<vmem>> -> memref<128xi32, #tpu.memory_space<vmem>>
    %dma_start3A_468 = arith.constant 0 : i32
    %dma_start3A_469 = arith.constant 0 : i32
    %dma_start3A_470 = tpu.memref_slice %arg10[%dma_start3A_468, %dma_start3A_469] : memref<1000000x16xf32, #tpu.memory_space<hbm>> -> memref<1000000x16xf32, #tpu.memory_space<hbm>>
    tpu.enqueue_indirect_dma source(%dma_start3A_470 : memref<1000000x16xf32, #tpu.memory_space<hbm>>) target(%dma_start3A_465 : memref<128x16xf32, #tpu.memory_space<vmem>>) offsets(%dma_start3A_467 : memref<128xi32, #tpu.memory_space<vmem>>) semaphore(%arg24 : memref<!tpu.dma_semaphore, #tpu.memory_space<semaphore_mem>>)
    %dma_start3A_471 = arith.constant 0 : i32
    %dma_start3A_472 = arith.constant 0 : i32
    %dma_start3A_473 = tpu.memref_slice %arg19[%dma_start3A_471, %dma_start3A_472] : memref<512x16xf32, #tpu.memory_space<vmem>> -> memref<128x16xf32, #tpu.memory_space<vmem>>
    %dma_start3A_474 = arith.constant 0 : i32
    %dma_start3A_475 = tpu.memref_slice %arg14[%dma_start3A_474] : memref<512xi32, #tpu.memory_space<vmem>> -> memref<128xi32, #tpu.memory_space<vmem>>
    %dma_start3A_476 = arith.constant 0 : i32
    %dma_start3A_477 = arith.constant 0 : i32
    %dma_start3A_478 = tpu.memref_slice %arg6[%dma_start3A_476, %dma_start3A_477] : memref<62500x16xf32, #tpu.memory_space<hbm>> -> memref<62500x16xf32, #tpu.memory_space<hbm>>
    tpu.enqueue_indirect_dma source(%dma_start3A_478 : memref<62500x16xf32, #tpu.memory_space<hbm>>) target(%dma_start3A_473 : memref<128x16xf32, #tpu.memory_space<vmem>>) offsets(%dma_start3A_475 : memref<128xi32, #tpu.memory_space<vmem>>) semaphore(%arg24 : memref<!tpu.dma_semaphore, #tpu.memory_space<semaphore_mem>>)
    %dma_start3A_479 = arith.constant 0 : i32
    %dma_start3A_480 = arith.constant 0 : i32
    %dma_start3A_481 = tpu.memref_slice %arg20[%dma_start3A_479, %dma_start3A_480] : memref<512x16xf32, #tpu.memory_space<vmem>> -> memref<128x16xf32, #tpu.memory_space<vmem>>
    %dma_start3A_482 = arith.constant 0 : i32
    %dma_start3A_483 = tpu.memref_slice %arg15[%dma_start3A_482] : memref<512xi32, #tpu.memory_space<vmem>> -> memref<128xi32, #tpu.memory_space<vmem>>
    %dma_start3A_484 = arith.constant 0 : i32
    %dma_start3A_485 = arith.constant 0 : i32
    %dma_start3A_486 = tpu.memref_slice %arg7[%dma_start3A_484, %dma_start3A_485] : memref<62500x16xf32, #tpu.memory_space<hbm>> -> memref<62500x16xf32, #tpu.memory_space<hbm>>
    tpu.enqueue_indirect_dma source(%dma_start3A_486 : memref<62500x16xf32, #tpu.memory_space<hbm>>) target(%dma_start3A_481 : memref<128x16xf32, #tpu.memory_space<vmem>>) offsets(%dma_start3A_483 : memref<128xi32, #tpu.memory_space<vmem>>) semaphore(%arg24 : memref<!tpu.dma_semaphore, #tpu.memory_space<semaphore_mem>>)
    %dma_start3A_487 = arith.constant 128 : i32
    %dma_start3A_488 = arith.constant 0 : i32
    %dma_start3A_489 = tpu.memref_slice %arg16[%dma_start3A_487, %dma_start3A_488] : memref<512x32xf32, #tpu.memory_space<vmem>> -> memref<128x32xf32, #tpu.memory_space<vmem>>
    %dma_start3A_490 = arith.constant 128 : i32
    %dma_start3A_491 = tpu.memref_slice %arg12[%dma_start3A_490] : memref<512xi32, #tpu.memory_space<vmem>> -> memref<128xi32, #tpu.memory_space<vmem>>
    %dma_start3A_492 = arith.constant 0 : i32
    %dma_start3A_493 = arith.constant 0 : i32
    %dma_start3A_494 = tpu.memref_slice %arg4[%dma_start3A_492, %dma_start3A_493] : memref<1000000x32xf32, #tpu.memory_space<hbm>> -> memref<1000000x32xf32, #tpu.memory_space<hbm>>
    tpu.enqueue_indirect_dma source(%dma_start3A_494 : memref<1000000x32xf32, #tpu.memory_space<hbm>>) target(%dma_start3A_489 : memref<128x32xf32, #tpu.memory_space<vmem>>) offsets(%dma_start3A_491 : memref<128xi32, #tpu.memory_space<vmem>>) semaphore(%arg24 : memref<!tpu.dma_semaphore, #tpu.memory_space<semaphore_mem>>)
    %dma_start3A_495 = arith.constant 128 : i32
    %dma_start3A_496 = arith.constant 0 : i32
    %dma_start3A_497 = tpu.memref_slice %arg17[%dma_start3A_495, %dma_start3A_496] : memref<512x32xf32, #tpu.memory_space<vmem>> -> memref<128x32xf32, #tpu.memory_space<vmem>>
    %dma_start3A_498 = arith.constant 128 : i32
    %dma_start3A_499 = tpu.memref_slice %arg13[%dma_start3A_498] : memref<512xi32, #tpu.memory_space<vmem>> -> memref<128xi32, #tpu.memory_space<vmem>>
    %dma_start3A_500 = arith.constant 0 : i32
    %dma_start3A_501 = arith.constant 0 : i32
    %dma_start3A_502 = tpu.memref_slice %arg5[%dma_start3A_500, %dma_start3A_501] : memref<1000000x32xf32, #tpu.memory_space<hbm>> -> memref<1000000x32xf32, #tpu.memory_space<hbm>>
    tpu.enqueue_indirect_dma source(%dma_start3A_502 : memref<1000000x32xf32, #tpu.memory_space<hbm>>) target(%dma_start3A_497 : memref<128x32xf32, #tpu.memory_space<vmem>>) offsets(%dma_start3A_499 : memref<128xi32, #tpu.memory_space<vmem>>) semaphore(%arg24 : memref<!tpu.dma_semaphore, #tpu.memory_space<semaphore_mem>>)
    %dma_start3A_503 = arith.constant 128 : i32
    %dma_start3A_504 = arith.constant 0 : i32
    %dma_start3A_505 = tpu.memref_slice %arg18[%dma_start3A_503, %dma_start3A_504] : memref<512x16xf32, #tpu.memory_space<vmem>> -> memref<128x16xf32, #tpu.memory_space<vmem>>
    %dma_start3A_506 = arith.constant 128 : i32
    %dma_start3A_507 = tpu.memref_slice %arg13[%dma_start3A_506] : memref<512xi32, #tpu.memory_space<vmem>> -> memref<128xi32, #tpu.memory_space<vmem>>
    %dma_start3A_508 = arith.constant 0 : i32
    %dma_start3A_509 = arith.constant 0 : i32
    %dma_start3A_510 = tpu.memref_slice %arg10[%dma_start3A_508, %dma_start3A_509] : memref<1000000x16xf32, #tpu.memory_space<hbm>> -> memref<1000000x16xf32, #tpu.memory_space<hbm>>
    tpu.enqueue_indirect_dma source(%dma_start3A_510 : memref<1000000x16xf32, #tpu.memory_space<hbm>>) target(%dma_start3A_505 : memref<128x16xf32, #tpu.memory_space<vmem>>) offsets(%dma_start3A_507 : memref<128xi32, #tpu.memory_space<vmem>>) semaphore(%arg24 : memref<!tpu.dma_semaphore, #tpu.memory_space<semaphore_mem>>)
    %dma_start3A_511 = arith.constant 128 : i32
    %dma_start3A_512 = arith.constant 0 : i32
    %dma_start3A_513 = tpu.memref_slice %arg19[%dma_start3A_511, %dma_start3A_512] : memref<512x16xf32, #tpu.memory_space<vmem>> -> memref<128x16xf32, #tpu.memory_space<vmem>>
    %dma_start3A_514 = arith.constant 128 : i32
    %dma_start3A_515 = tpu.memref_slice %arg14[%dma_start3A_514] : memref<512xi32, #tpu.memory_space<vmem>> -> memref<128xi32, #tpu.memory_space<vmem>>
    %dma_start3A_516 = arith.constant 0 : i32
    %dma_start3A_517 = arith.constant 0 : i32
    %dma_start3A_518 = tpu.memref_slice %arg6[%dma_start3A_516, %dma_start3A_517] : memref<62500x16xf32, #tpu.memory_space<hbm>> -> memref<62500x16xf32, #tpu.memory_space<hbm>>
    tpu.enqueue_indirect_dma source(%dma_start3A_518 : memref<62500x16xf32, #tpu.memory_space<hbm>>) target(%dma_start3A_513 : memref<128x16xf32, #tpu.memory_space<vmem>>) offsets(%dma_start3A_515 : memref<128xi32, #tpu.memory_space<vmem>>) semaphore(%arg24 : memref<!tpu.dma_semaphore, #tpu.memory_space<semaphore_mem>>)
    %dma_start3A_519 = arith.constant 128 : i32
    %dma_start3A_520 = arith.constant 0 : i32
    %dma_start3A_521 = tpu.memref_slice %arg20[%dma_start3A_519, %dma_start3A_520] : memref<512x16xf32, #tpu.memory_space<vmem>> -> memref<128x16xf32, #tpu.memory_space<vmem>>
    %dma_start3A_522 = arith.constant 128 : i32
    %dma_start3A_523 = tpu.memref_slice %arg15[%dma_start3A_522] : memref<512xi32, #tpu.memory_space<vmem>> -> memref<128xi32, #tpu.memory_space<vmem>>
    %dma_start3A_524 = arith.constant 0 : i32
    %dma_start3A_525 = arith.constant 0 : i32
    %dma_start3A_526 = tpu.memref_slice %arg7[%dma_start3A_524, %dma_start3A_525] : memref<62500x16xf32, #tpu.memory_space<hbm>> -> memref<62500x16xf32, #tpu.memory_space<hbm>>
    tpu.enqueue_indirect_dma source(%dma_start3A_526 : memref<62500x16xf32, #tpu.memory_space<hbm>>) target(%dma_start3A_521 : memref<128x16xf32, #tpu.memory_space<vmem>>) offsets(%dma_start3A_523 : memref<128xi32, #tpu.memory_space<vmem>>) semaphore(%arg24 : memref<!tpu.dma_semaphore, #tpu.memory_space<semaphore_mem>>)
    %dma_start3A_527 = arith.constant 256 : i32
    %dma_start3A_528 = arith.constant 0 : i32
    %dma_start3A_529 = tpu.memref_slice %arg16[%dma_start3A_527, %dma_start3A_528] : memref<512x32xf32, #tpu.memory_space<vmem>> -> memref<128x32xf32, #tpu.memory_space<vmem>>
    %dma_start3A_530 = arith.constant 256 : i32
    %dma_start3A_531 = tpu.memref_slice %arg12[%dma_start3A_530] : memref<512xi32, #tpu.memory_space<vmem>> -> memref<128xi32, #tpu.memory_space<vmem>>
    %dma_start3A_532 = arith.constant 0 : i32
    %dma_start3A_533 = arith.constant 0 : i32
    %dma_start3A_534 = tpu.memref_slice %arg4[%dma_start3A_532, %dma_start3A_533] : memref<1000000x32xf32, #tpu.memory_space<hbm>> -> memref<1000000x32xf32, #tpu.memory_space<hbm>>
    tpu.enqueue_indirect_dma source(%dma_start3A_534 : memref<1000000x32xf32, #tpu.memory_space<hbm>>) target(%dma_start3A_529 : memref<128x32xf32, #tpu.memory_space<vmem>>) offsets(%dma_start3A_531 : memref<128xi32, #tpu.memory_space<vmem>>) semaphore(%arg24 : memref<!tpu.dma_semaphore, #tpu.memory_space<semaphore_mem>>)
    %dma_start3A_535 = arith.constant 256 : i32
    %dma_start3A_536 = arith.constant 0 : i32
    %dma_start3A_537 = tpu.memref_slice %arg17[%dma_start3A_535, %dma_start3A_536] : memref<512x32xf32, #tpu.memory_space<vmem>> -> memref<128x32xf32, #tpu.memory_space<vmem>>
    %dma_start3A_538 = arith.constant 256 : i32
    %dma_start3A_539 = tpu.memref_slice %arg13[%dma_start3A_538] : memref<512xi32, #tpu.memory_space<vmem>> -> memref<128xi32, #tpu.memory_space<vmem>>
    %dma_start3A_540 = arith.constant 0 : i32
    %dma_start3A_541 = arith.constant 0 : i32
    %dma_start3A_542 = tpu.memref_slice %arg5[%dma_start3A_540, %dma_start3A_541] : memref<1000000x32xf32, #tpu.memory_space<hbm>> -> memref<1000000x32xf32, #tpu.memory_space<hbm>>
    tpu.enqueue_indirect_dma source(%dma_start3A_542 : memref<1000000x32xf32, #tpu.memory_space<hbm>>) target(%dma_start3A_537 : memref<128x32xf32, #tpu.memory_space<vmem>>) offsets(%dma_start3A_539 : memref<128xi32, #tpu.memory_space<vmem>>) semaphore(%arg24 : memref<!tpu.dma_semaphore, #tpu.memory_space<semaphore_mem>>)
    %dma_start3A_543 = arith.constant 256 : i32
    %dma_start3A_544 = arith.constant 0 : i32
    %dma_start3A_545 = tpu.memref_slice %arg18[%dma_start3A_543, %dma_start3A_544] : memref<512x16xf32, #tpu.memory_space<vmem>> -> memref<128x16xf32, #tpu.memory_space<vmem>>
    %dma_start3A_546 = arith.constant 256 : i32
    %dma_start3A_547 = tpu.memref_slice %arg13[%dma_start3A_546] : memref<512xi32, #tpu.memory_space<vmem>> -> memref<128xi32, #tpu.memory_space<vmem>>
    %dma_start3A_548 = arith.constant 0 : i32
    %dma_start3A_549 = arith.constant 0 : i32
    %dma_start3A_550 = tpu.memref_slice %arg10[%dma_start3A_548, %dma_start3A_549] : memref<1000000x16xf32, #tpu.memory_space<hbm>> -> memref<1000000x16xf32, #tpu.memory_space<hbm>>
    tpu.enqueue_indirect_dma source(%dma_start3A_550 : memref<1000000x16xf32, #tpu.memory_space<hbm>>) target(%dma_start3A_545 : memref<128x16xf32, #tpu.memory_space<vmem>>) offsets(%dma_start3A_547 : memref<128xi32, #tpu.memory_space<vmem>>) semaphore(%arg24 : memref<!tpu.dma_semaphore, #tpu.memory_space<semaphore_mem>>)
    %dma_start3A_551 = arith.constant 256 : i32
    %dma_start3A_552 = arith.constant 0 : i32
    %dma_start3A_553 = tpu.memref_slice %arg19[%dma_start3A_551, %dma_start3A_552] : memref<512x16xf32, #tpu.memory_space<vmem>> -> memref<128x16xf32, #tpu.memory_space<vmem>>
    %dma_start3A_554 = arith.constant 256 : i32
    %dma_start3A_555 = tpu.memref_slice %arg14[%dma_start3A_554] : memref<512xi32, #tpu.memory_space<vmem>> -> memref<128xi32, #tpu.memory_space<vmem>>
    %dma_start3A_556 = arith.constant 0 : i32
    %dma_start3A_557 = arith.constant 0 : i32
    %dma_start3A_558 = tpu.memref_slice %arg6[%dma_start3A_556, %dma_start3A_557] : memref<62500x16xf32, #tpu.memory_space<hbm>> -> memref<62500x16xf32, #tpu.memory_space<hbm>>
    tpu.enqueue_indirect_dma source(%dma_start3A_558 : memref<62500x16xf32, #tpu.memory_space<hbm>>) target(%dma_start3A_553 : memref<128x16xf32, #tpu.memory_space<vmem>>) offsets(%dma_start3A_555 : memref<128xi32, #tpu.memory_space<vmem>>) semaphore(%arg24 : memref<!tpu.dma_semaphore, #tpu.memory_space<semaphore_mem>>)
    %dma_start3A_559 = arith.constant 256 : i32
    %dma_start3A_560 = arith.constant 0 : i32
    %dma_start3A_561 = tpu.memref_slice %arg20[%dma_start3A_559, %dma_start3A_560] : memref<512x16xf32, #tpu.memory_space<vmem>> -> memref<128x16xf32, #tpu.memory_space<vmem>>
    %dma_start3A_562 = arith.constant 256 : i32
    %dma_start3A_563 = tpu.memref_slice %arg15[%dma_start3A_562] : memref<512xi32, #tpu.memory_space<vmem>> -> memref<128xi32, #tpu.memory_space<vmem>>
    %dma_start3A_564 = arith.constant 0 : i32
    %dma_start3A_565 = arith.constant 0 : i32
    %dma_start3A_566 = tpu.memref_slice %arg7[%dma_start3A_564, %dma_start3A_565] : memref<62500x16xf32, #tpu.memory_space<hbm>> -> memref<62500x16xf32, #tpu.memory_space<hbm>>
    tpu.enqueue_indirect_dma source(%dma_start3A_566 : memref<62500x16xf32, #tpu.memory_space<hbm>>) target(%dma_start3A_561 : memref<128x16xf32, #tpu.memory_space<vmem>>) offsets(%dma_start3A_563 : memref<128xi32, #tpu.memory_space<vmem>>) semaphore(%arg24 : memref<!tpu.dma_semaphore, #tpu.memory_space<semaphore_mem>>)
    %dma_start3A_567 = arith.constant 384 : i32
    %dma_start3A_568 = arith.constant 0 : i32
    %dma_start3A_569 = tpu.memref_slice %arg16[%dma_start3A_567, %dma_start3A_568] : memref<512x32xf32, #tpu.memory_space<vmem>> -> memref<128x32xf32, #tpu.memory_space<vmem>>
    %dma_start3A_570 = arith.constant 384 : i32
    %dma_start3A_571 = tpu.memref_slice %arg12[%dma_start3A_570] : memref<512xi32, #tpu.memory_space<vmem>> -> memref<128xi32, #tpu.memory_space<vmem>>
    %dma_start3A_572 = arith.constant 0 : i32
    %dma_start3A_573 = arith.constant 0 : i32
    %dma_start3A_574 = tpu.memref_slice %arg4[%dma_start3A_572, %dma_start3A_573] : memref<1000000x32xf32, #tpu.memory_space<hbm>> -> memref<1000000x32xf32, #tpu.memory_space<hbm>>
    tpu.enqueue_indirect_dma source(%dma_start3A_574 : memref<1000000x32xf32, #tpu.memory_space<hbm>>) target(%dma_start3A_569 : memref<128x32xf32, #tpu.memory_space<vmem>>) offsets(%dma_start3A_571 : memref<128xi32, #tpu.memory_space<vmem>>) semaphore(%arg24 : memref<!tpu.dma_semaphore, #tpu.memory_space<semaphore_mem>>)
    %dma_start3A_575 = arith.constant 384 : i32
    %dma_start3A_576 = arith.constant 0 : i32
    %dma_start3A_577 = tpu.memref_slice %arg17[%dma_start3A_575, %dma_start3A_576] : memref<512x32xf32, #tpu.memory_space<vmem>> -> memref<128x32xf32, #tpu.memory_space<vmem>>
    %dma_start3A_578 = arith.constant 384 : i32
    %dma_start3A_579 = tpu.memref_slice %arg13[%dma_start3A_578] : memref<512xi32, #tpu.memory_space<vmem>> -> memref<128xi32, #tpu.memory_space<vmem>>
    %dma_start3A_580 = arith.constant 0 : i32
    %dma_start3A_581 = arith.constant 0 : i32
    %dma_start3A_582 = tpu.memref_slice %arg5[%dma_start3A_580, %dma_start3A_581] : memref<1000000x32xf32, #tpu.memory_space<hbm>> -> memref<1000000x32xf32, #tpu.memory_space<hbm>>
    tpu.enqueue_indirect_dma source(%dma_start3A_582 : memref<1000000x32xf32, #tpu.memory_space<hbm>>) target(%dma_start3A_577 : memref<128x32xf32, #tpu.memory_space<vmem>>) offsets(%dma_start3A_579 : memref<128xi32, #tpu.memory_space<vmem>>) semaphore(%arg24 : memref<!tpu.dma_semaphore, #tpu.memory_space<semaphore_mem>>)
    %dma_start3A_583 = arith.constant 384 : i32
    %dma_start3A_584 = arith.constant 0 : i32
    %dma_start3A_585 = tpu.memref_slice %arg18[%dma_start3A_583, %dma_start3A_584] : memref<512x16xf32, #tpu.memory_space<vmem>> -> memref<128x16xf32, #tpu.memory_space<vmem>>
    %dma_start3A_586 = arith.constant 384 : i32
    %dma_start3A_587 = tpu.memref_slice %arg13[%dma_start3A_586] : memref<512xi32, #tpu.memory_space<vmem>> -> memref<128xi32, #tpu.memory_space<vmem>>
    %dma_start3A_588 = arith.constant 0 : i32
    %dma_start3A_589 = arith.constant 0 : i32
    %dma_start3A_590 = tpu.memref_slice %arg10[%dma_start3A_588, %dma_start3A_589] : memref<1000000x16xf32, #tpu.memory_space<hbm>> -> memref<1000000x16xf32, #tpu.memory_space<hbm>>
    tpu.enqueue_indirect_dma source(%dma_start3A_590 : memref<1000000x16xf32, #tpu.memory_space<hbm>>) target(%dma_start3A_585 : memref<128x16xf32, #tpu.memory_space<vmem>>) offsets(%dma_start3A_587 : memref<128xi32, #tpu.memory_space<vmem>>) semaphore(%arg24 : memref<!tpu.dma_semaphore, #tpu.memory_space<semaphore_mem>>)
    %dma_start3A_591 = arith.constant 384 : i32
    %dma_start3A_592 = arith.constant 0 : i32
    %dma_start3A_593 = tpu.memref_slice %arg19[%dma_start3A_591, %dma_start3A_592] : memref<512x16xf32, #tpu.memory_space<vmem>> -> memref<128x16xf32, #tpu.memory_space<vmem>>
    %dma_start3A_594 = arith.constant 384 : i32
    %dma_start3A_595 = tpu.memref_slice %arg14[%dma_start3A_594] : memref<512xi32, #tpu.memory_space<vmem>> -> memref<128xi32, #tpu.memory_space<vmem>>
    %dma_start3A_596 = arith.constant 0 : i32
    %dma_start3A_597 = arith.constant 0 : i32
    %dma_start3A_598 = tpu.memref_slice %arg6[%dma_start3A_596, %dma_start3A_597] : memref<62500x16xf32, #tpu.memory_space<hbm>> -> memref<62500x16xf32, #tpu.memory_space<hbm>>
    tpu.enqueue_indirect_dma source(%dma_start3A_598 : memref<62500x16xf32, #tpu.memory_space<hbm>>) target(%dma_start3A_593 : memref<128x16xf32, #tpu.memory_space<vmem>>) offsets(%dma_start3A_595 : memref<128xi32, #tpu.memory_space<vmem>>) semaphore(%arg24 : memref<!tpu.dma_semaphore, #tpu.memory_space<semaphore_mem>>)
    %dma_start3A_599 = arith.constant 384 : i32
    %dma_start3A_600 = arith.constant 0 : i32
    %dma_start3A_601 = tpu.memref_slice %arg20[%dma_start3A_599, %dma_start3A_600] : memref<512x16xf32, #tpu.memory_space<vmem>> -> memref<128x16xf32, #tpu.memory_space<vmem>>
    %dma_start3A_602 = arith.constant 384 : i32
    %dma_start3A_603 = tpu.memref_slice %arg15[%dma_start3A_602] : memref<512xi32, #tpu.memory_space<vmem>> -> memref<128xi32, #tpu.memory_space<vmem>>
    %dma_start3A_604 = arith.constant 0 : i32
    %dma_start3A_605 = arith.constant 0 : i32
    %dma_start3A_606 = tpu.memref_slice %arg7[%dma_start3A_604, %dma_start3A_605] : memref<62500x16xf32, #tpu.memory_space<hbm>> -> memref<62500x16xf32, #tpu.memory_space<hbm>>
    tpu.enqueue_indirect_dma source(%dma_start3A_606 : memref<62500x16xf32, #tpu.memory_space<hbm>>) target(%dma_start3A_601 : memref<128x16xf32, #tpu.memory_space<vmem>>) offsets(%dma_start3A_603 : memref<128xi32, #tpu.memory_space<vmem>>) semaphore(%arg24 : memref<!tpu.dma_semaphore, #tpu.memory_space<semaphore_mem>>)
    %dma_wait3A = arith.constant 0 : i32
    %dma_wait3A_607 = arith.constant 0 : i32
    %dma_wait3A_608 = tpu.memref_slice %arg16[%dma_wait3A, %dma_wait3A_607] : memref<512x32xf32, #tpu.memory_space<vmem>> -> memref<128x32xf32, #tpu.memory_space<vmem>>
    %dma_wait3A_609 = arith.constant 0 : i32
    %dma_wait3A_610 = tpu.memref_slice %arg12[%dma_wait3A_609] : memref<512xi32, #tpu.memory_space<vmem>> -> memref<128xi32, #tpu.memory_space<vmem>>
    %dma_wait3A_611 = arith.constant 0 : i32
    %dma_wait3A_612 = arith.constant 0 : i32
    %dma_wait3A_613 = tpu.memref_slice %arg4[%dma_wait3A_611, %dma_wait3A_612] : memref<1000000x32xf32, #tpu.memory_space<hbm>> -> memref<1000000x32xf32, #tpu.memory_space<hbm>>
    tpu.wait_indirect_dma semaphore(%arg24 : memref<!tpu.dma_semaphore, #tpu.memory_space<semaphore_mem>>) src(%dma_wait3A_613 : memref<1000000x32xf32, #tpu.memory_space<hbm>>) dst(%dma_wait3A_608 : memref<128x32xf32, #tpu.memory_space<vmem>>)
    %dma_wait3A_614 = arith.constant 0 : i32
    %dma_wait3A_615 = arith.constant 0 : i32
    %dma_wait3A_616 = tpu.memref_slice %arg17[%dma_wait3A_614, %dma_wait3A_615] : memref<512x32xf32, #tpu.memory_space<vmem>> -> memref<128x32xf32, #tpu.memory_space<vmem>>
    %dma_wait3A_617 = arith.constant 0 : i32
    %dma_wait3A_618 = tpu.memref_slice %arg13[%dma_wait3A_617] : memref<512xi32, #tpu.memory_space<vmem>> -> memref<128xi32, #tpu.memory_space<vmem>>
    %dma_wait3A_619 = arith.constant 0 : i32
    %dma_wait3A_620 = arith.constant 0 : i32
    %dma_wait3A_621 = tpu.memref_slice %arg5[%dma_wait3A_619, %dma_wait3A_620] : memref<1000000x32xf32, #tpu.memory_space<hbm>> -> memref<1000000x32xf32, #tpu.memory_space<hbm>>
    tpu.wait_indirect_dma semaphore(%arg24 : memref<!tpu.dma_semaphore, #tpu.memory_space<semaphore_mem>>) src(%dma_wait3A_621 : memref<1000000x32xf32, #tpu.memory_space<hbm>>) dst(%dma_wait3A_616 : memref<128x32xf32, #tpu.memory_space<vmem>>)
    %dma_wait3A_622 = arith.constant 0 : i32
    %dma_wait3A_623 = arith.constant 0 : i32
    %dma_wait3A_624 = tpu.memref_slice %arg18[%dma_wait3A_622, %dma_wait3A_623] : memref<512x16xf32, #tpu.memory_space<vmem>> -> memref<128x16xf32, #tpu.memory_space<vmem>>
    %dma_wait3A_625 = arith.constant 0 : i32
    %dma_wait3A_626 = tpu.memref_slice %arg13[%dma_wait3A_625] : memref<512xi32, #tpu.memory_space<vmem>> -> memref<128xi32, #tpu.memory_space<vmem>>
    %dma_wait3A_627 = arith.constant 0 : i32
    %dma_wait3A_628 = arith.constant 0 : i32
    %dma_wait3A_629 = tpu.memref_slice %arg10[%dma_wait3A_627, %dma_wait3A_628] : memref<1000000x16xf32, #tpu.memory_space<hbm>> -> memref<1000000x16xf32, #tpu.memory_space<hbm>>
    tpu.wait_indirect_dma semaphore(%arg24 : memref<!tpu.dma_semaphore, #tpu.memory_space<semaphore_mem>>) src(%dma_wait3A_629 : memref<1000000x16xf32, #tpu.memory_space<hbm>>) dst(%dma_wait3A_624 : memref<128x16xf32, #tpu.memory_space<vmem>>)
    %dma_wait3A_630 = arith.constant 0 : i32
    %dma_wait3A_631 = arith.constant 0 : i32
    %dma_wait3A_632 = tpu.memref_slice %arg19[%dma_wait3A_630, %dma_wait3A_631] : memref<512x16xf32, #tpu.memory_space<vmem>> -> memref<128x16xf32, #tpu.memory_space<vmem>>
    %dma_wait3A_633 = arith.constant 0 : i32
    %dma_wait3A_634 = tpu.memref_slice %arg14[%dma_wait3A_633] : memref<512xi32, #tpu.memory_space<vmem>> -> memref<128xi32, #tpu.memory_space<vmem>>
    %dma_wait3A_635 = arith.constant 0 : i32
    %dma_wait3A_636 = arith.constant 0 : i32
    %dma_wait3A_637 = tpu.memref_slice %arg6[%dma_wait3A_635, %dma_wait3A_636] : memref<62500x16xf32, #tpu.memory_space<hbm>> -> memref<62500x16xf32, #tpu.memory_space<hbm>>
    tpu.wait_indirect_dma semaphore(%arg24 : memref<!tpu.dma_semaphore, #tpu.memory_space<semaphore_mem>>) src(%dma_wait3A_637 : memref<62500x16xf32, #tpu.memory_space<hbm>>) dst(%dma_wait3A_632 : memref<128x16xf32, #tpu.memory_space<vmem>>)
    %dma_wait3A_638 = arith.constant 0 : i32
    %dma_wait3A_639 = arith.constant 0 : i32
    %dma_wait3A_640 = tpu.memref_slice %arg20[%dma_wait3A_638, %dma_wait3A_639] : memref<512x16xf32, #tpu.memory_space<vmem>> -> memref<128x16xf32, #tpu.memory_space<vmem>>
    %dma_wait3A_641 = arith.constant 0 : i32
    %dma_wait3A_642 = tpu.memref_slice %arg15[%dma_wait3A_641] : memref<512xi32, #tpu.memory_space<vmem>> -> memref<128xi32, #tpu.memory_space<vmem>>
    %dma_wait3A_643 = arith.constant 0 : i32
    %dma_wait3A_644 = arith.constant 0 : i32
    %dma_wait3A_645 = tpu.memref_slice %arg7[%dma_wait3A_643, %dma_wait3A_644] : memref<62500x16xf32, #tpu.memory_space<hbm>> -> memref<62500x16xf32, #tpu.memory_space<hbm>>
    tpu.wait_indirect_dma semaphore(%arg24 : memref<!tpu.dma_semaphore, #tpu.memory_space<semaphore_mem>>) src(%dma_wait3A_645 : memref<62500x16xf32, #tpu.memory_space<hbm>>) dst(%dma_wait3A_640 : memref<128x16xf32, #tpu.memory_space<vmem>>)
    %dma_wait3A_646 = arith.constant 128 : i32
    %dma_wait3A_647 = arith.constant 0 : i32
    %dma_wait3A_648 = tpu.memref_slice %arg16[%dma_wait3A_646, %dma_wait3A_647] : memref<512x32xf32, #tpu.memory_space<vmem>> -> memref<128x32xf32, #tpu.memory_space<vmem>>
    %dma_wait3A_649 = arith.constant 128 : i32
    %dma_wait3A_650 = tpu.memref_slice %arg12[%dma_wait3A_649] : memref<512xi32, #tpu.memory_space<vmem>> -> memref<128xi32, #tpu.memory_space<vmem>>
    %dma_wait3A_651 = arith.constant 0 : i32
    %dma_wait3A_652 = arith.constant 0 : i32
    %dma_wait3A_653 = tpu.memref_slice %arg4[%dma_wait3A_651, %dma_wait3A_652] : memref<1000000x32xf32, #tpu.memory_space<hbm>> -> memref<1000000x32xf32, #tpu.memory_space<hbm>>
    tpu.wait_indirect_dma semaphore(%arg24 : memref<!tpu.dma_semaphore, #tpu.memory_space<semaphore_mem>>) src(%dma_wait3A_653 : memref<1000000x32xf32, #tpu.memory_space<hbm>>) dst(%dma_wait3A_648 : memref<128x32xf32, #tpu.memory_space<vmem>>)
    %dma_wait3A_654 = arith.constant 128 : i32
    %dma_wait3A_655 = arith.constant 0 : i32
    %dma_wait3A_656 = tpu.memref_slice %arg17[%dma_wait3A_654, %dma_wait3A_655] : memref<512x32xf32, #tpu.memory_space<vmem>> -> memref<128x32xf32, #tpu.memory_space<vmem>>
    %dma_wait3A_657 = arith.constant 128 : i32
    %dma_wait3A_658 = tpu.memref_slice %arg13[%dma_wait3A_657] : memref<512xi32, #tpu.memory_space<vmem>> -> memref<128xi32, #tpu.memory_space<vmem>>
    %dma_wait3A_659 = arith.constant 0 : i32
    %dma_wait3A_660 = arith.constant 0 : i32
    %dma_wait3A_661 = tpu.memref_slice %arg5[%dma_wait3A_659, %dma_wait3A_660] : memref<1000000x32xf32, #tpu.memory_space<hbm>> -> memref<1000000x32xf32, #tpu.memory_space<hbm>>
    tpu.wait_indirect_dma semaphore(%arg24 : memref<!tpu.dma_semaphore, #tpu.memory_space<semaphore_mem>>) src(%dma_wait3A_661 : memref<1000000x32xf32, #tpu.memory_space<hbm>>) dst(%dma_wait3A_656 : memref<128x32xf32, #tpu.memory_space<vmem>>)
    %dma_wait3A_662 = arith.constant 128 : i32
    %dma_wait3A_663 = arith.constant 0 : i32
    %dma_wait3A_664 = tpu.memref_slice %arg18[%dma_wait3A_662, %dma_wait3A_663] : memref<512x16xf32, #tpu.memory_space<vmem>> -> memref<128x16xf32, #tpu.memory_space<vmem>>
    %dma_wait3A_665 = arith.constant 128 : i32
    %dma_wait3A_666 = tpu.memref_slice %arg13[%dma_wait3A_665] : memref<512xi32, #tpu.memory_space<vmem>> -> memref<128xi32, #tpu.memory_space<vmem>>
    %dma_wait3A_667 = arith.constant 0 : i32
    %dma_wait3A_668 = arith.constant 0 : i32
    %dma_wait3A_669 = tpu.memref_slice %arg10[%dma_wait3A_667, %dma_wait3A_668] : memref<1000000x16xf32, #tpu.memory_space<hbm>> -> memref<1000000x16xf32, #tpu.memory_space<hbm>>
    tpu.wait_indirect_dma semaphore(%arg24 : memref<!tpu.dma_semaphore, #tpu.memory_space<semaphore_mem>>) src(%dma_wait3A_669 : memref<1000000x16xf32, #tpu.memory_space<hbm>>) dst(%dma_wait3A_664 : memref<128x16xf32, #tpu.memory_space<vmem>>)
    %dma_wait3A_670 = arith.constant 128 : i32
    %dma_wait3A_671 = arith.constant 0 : i32
    %dma_wait3A_672 = tpu.memref_slice %arg19[%dma_wait3A_670, %dma_wait3A_671] : memref<512x16xf32, #tpu.memory_space<vmem>> -> memref<128x16xf32, #tpu.memory_space<vmem>>
    %dma_wait3A_673 = arith.constant 128 : i32
    %dma_wait3A_674 = tpu.memref_slice %arg14[%dma_wait3A_673] : memref<512xi32, #tpu.memory_space<vmem>> -> memref<128xi32, #tpu.memory_space<vmem>>
    %dma_wait3A_675 = arith.constant 0 : i32
    %dma_wait3A_676 = arith.constant 0 : i32
    %dma_wait3A_677 = tpu.memref_slice %arg6[%dma_wait3A_675, %dma_wait3A_676] : memref<62500x16xf32, #tpu.memory_space<hbm>> -> memref<62500x16xf32, #tpu.memory_space<hbm>>
    tpu.wait_indirect_dma semaphore(%arg24 : memref<!tpu.dma_semaphore, #tpu.memory_space<semaphore_mem>>) src(%dma_wait3A_677 : memref<62500x16xf32, #tpu.memory_space<hbm>>) dst(%dma_wait3A_672 : memref<128x16xf32, #tpu.memory_space<vmem>>)
    %dma_wait3A_678 = arith.constant 128 : i32
    %dma_wait3A_679 = arith.constant 0 : i32
    %dma_wait3A_680 = tpu.memref_slice %arg20[%dma_wait3A_678, %dma_wait3A_679] : memref<512x16xf32, #tpu.memory_space<vmem>> -> memref<128x16xf32, #tpu.memory_space<vmem>>
    %dma_wait3A_681 = arith.constant 128 : i32
    %dma_wait3A_682 = tpu.memref_slice %arg15[%dma_wait3A_681] : memref<512xi32, #tpu.memory_space<vmem>> -> memref<128xi32, #tpu.memory_space<vmem>>
    %dma_wait3A_683 = arith.constant 0 : i32
    %dma_wait3A_684 = arith.constant 0 : i32
    %dma_wait3A_685 = tpu.memref_slice %arg7[%dma_wait3A_683, %dma_wait3A_684] : memref<62500x16xf32, #tpu.memory_space<hbm>> -> memref<62500x16xf32, #tpu.memory_space<hbm>>
    tpu.wait_indirect_dma semaphore(%arg24 : memref<!tpu.dma_semaphore, #tpu.memory_space<semaphore_mem>>) src(%dma_wait3A_685 : memref<62500x16xf32, #tpu.memory_space<hbm>>) dst(%dma_wait3A_680 : memref<128x16xf32, #tpu.memory_space<vmem>>)
    %dma_wait3A_686 = arith.constant 256 : i32
    %dma_wait3A_687 = arith.constant 0 : i32
    %dma_wait3A_688 = tpu.memref_slice %arg16[%dma_wait3A_686, %dma_wait3A_687] : memref<512x32xf32, #tpu.memory_space<vmem>> -> memref<128x32xf32, #tpu.memory_space<vmem>>
    %dma_wait3A_689 = arith.constant 256 : i32
    %dma_wait3A_690 = tpu.memref_slice %arg12[%dma_wait3A_689] : memref<512xi32, #tpu.memory_space<vmem>> -> memref<128xi32, #tpu.memory_space<vmem>>
    %dma_wait3A_691 = arith.constant 0 : i32
    %dma_wait3A_692 = arith.constant 0 : i32
    %dma_wait3A_693 = tpu.memref_slice %arg4[%dma_wait3A_691, %dma_wait3A_692] : memref<1000000x32xf32, #tpu.memory_space<hbm>> -> memref<1000000x32xf32, #tpu.memory_space<hbm>>
    tpu.wait_indirect_dma semaphore(%arg24 : memref<!tpu.dma_semaphore, #tpu.memory_space<semaphore_mem>>) src(%dma_wait3A_693 : memref<1000000x32xf32, #tpu.memory_space<hbm>>) dst(%dma_wait3A_688 : memref<128x32xf32, #tpu.memory_space<vmem>>)
    %dma_wait3A_694 = arith.constant 256 : i32
    %dma_wait3A_695 = arith.constant 0 : i32
    %dma_wait3A_696 = tpu.memref_slice %arg17[%dma_wait3A_694, %dma_wait3A_695] : memref<512x32xf32, #tpu.memory_space<vmem>> -> memref<128x32xf32, #tpu.memory_space<vmem>>
    %dma_wait3A_697 = arith.constant 256 : i32
    %dma_wait3A_698 = tpu.memref_slice %arg13[%dma_wait3A_697] : memref<512xi32, #tpu.memory_space<vmem>> -> memref<128xi32, #tpu.memory_space<vmem>>
    %dma_wait3A_699 = arith.constant 0 : i32
    %dma_wait3A_700 = arith.constant 0 : i32
    %dma_wait3A_701 = tpu.memref_slice %arg5[%dma_wait3A_699, %dma_wait3A_700] : memref<1000000x32xf32, #tpu.memory_space<hbm>> -> memref<1000000x32xf32, #tpu.memory_space<hbm>>
    tpu.wait_indirect_dma semaphore(%arg24 : memref<!tpu.dma_semaphore, #tpu.memory_space<semaphore_mem>>) src(%dma_wait3A_701 : memref<1000000x32xf32, #tpu.memory_space<hbm>>) dst(%dma_wait3A_696 : memref<128x32xf32, #tpu.memory_space<vmem>>)
    %dma_wait3A_702 = arith.constant 256 : i32
    %dma_wait3A_703 = arith.constant 0 : i32
    %dma_wait3A_704 = tpu.memref_slice %arg18[%dma_wait3A_702, %dma_wait3A_703] : memref<512x16xf32, #tpu.memory_space<vmem>> -> memref<128x16xf32, #tpu.memory_space<vmem>>
    %dma_wait3A_705 = arith.constant 256 : i32
    %dma_wait3A_706 = tpu.memref_slice %arg13[%dma_wait3A_705] : memref<512xi32, #tpu.memory_space<vmem>> -> memref<128xi32, #tpu.memory_space<vmem>>
    %dma_wait3A_707 = arith.constant 0 : i32
    %dma_wait3A_708 = arith.constant 0 : i32
    %dma_wait3A_709 = tpu.memref_slice %arg10[%dma_wait3A_707, %dma_wait3A_708] : memref<1000000x16xf32, #tpu.memory_space<hbm>> -> memref<1000000x16xf32, #tpu.memory_space<hbm>>
    tpu.wait_indirect_dma semaphore(%arg24 : memref<!tpu.dma_semaphore, #tpu.memory_space<semaphore_mem>>) src(%dma_wait3A_709 : memref<1000000x16xf32, #tpu.memory_space<hbm>>) dst(%dma_wait3A_704 : memref<128x16xf32, #tpu.memory_space<vmem>>)
    %dma_wait3A_710 = arith.constant 256 : i32
    %dma_wait3A_711 = arith.constant 0 : i32
    %dma_wait3A_712 = tpu.memref_slice %arg19[%dma_wait3A_710, %dma_wait3A_711] : memref<512x16xf32, #tpu.memory_space<vmem>> -> memref<128x16xf32, #tpu.memory_space<vmem>>
    %dma_wait3A_713 = arith.constant 256 : i32
    %dma_wait3A_714 = tpu.memref_slice %arg14[%dma_wait3A_713] : memref<512xi32, #tpu.memory_space<vmem>> -> memref<128xi32, #tpu.memory_space<vmem>>
    %dma_wait3A_715 = arith.constant 0 : i32
    %dma_wait3A_716 = arith.constant 0 : i32
    %dma_wait3A_717 = tpu.memref_slice %arg6[%dma_wait3A_715, %dma_wait3A_716] : memref<62500x16xf32, #tpu.memory_space<hbm>> -> memref<62500x16xf32, #tpu.memory_space<hbm>>
    tpu.wait_indirect_dma semaphore(%arg24 : memref<!tpu.dma_semaphore, #tpu.memory_space<semaphore_mem>>) src(%dma_wait3A_717 : memref<62500x16xf32, #tpu.memory_space<hbm>>) dst(%dma_wait3A_712 : memref<128x16xf32, #tpu.memory_space<vmem>>)
    %dma_wait3A_718 = arith.constant 256 : i32
    %dma_wait3A_719 = arith.constant 0 : i32
    %dma_wait3A_720 = tpu.memref_slice %arg20[%dma_wait3A_718, %dma_wait3A_719] : memref<512x16xf32, #tpu.memory_space<vmem>> -> memref<128x16xf32, #tpu.memory_space<vmem>>
    %dma_wait3A_721 = arith.constant 256 : i32
    %dma_wait3A_722 = tpu.memref_slice %arg15[%dma_wait3A_721] : memref<512xi32, #tpu.memory_space<vmem>> -> memref<128xi32, #tpu.memory_space<vmem>>
    %dma_wait3A_723 = arith.constant 0 : i32
    %dma_wait3A_724 = arith.constant 0 : i32
    %dma_wait3A_725 = tpu.memref_slice %arg7[%dma_wait3A_723, %dma_wait3A_724] : memref<62500x16xf32, #tpu.memory_space<hbm>> -> memref<62500x16xf32, #tpu.memory_space<hbm>>
    tpu.wait_indirect_dma semaphore(%arg24 : memref<!tpu.dma_semaphore, #tpu.memory_space<semaphore_mem>>) src(%dma_wait3A_725 : memref<62500x16xf32, #tpu.memory_space<hbm>>) dst(%dma_wait3A_720 : memref<128x16xf32, #tpu.memory_space<vmem>>)
    %dma_wait3A_726 = arith.constant 384 : i32
    %dma_wait3A_727 = arith.constant 0 : i32
    %dma_wait3A_728 = tpu.memref_slice %arg16[%dma_wait3A_726, %dma_wait3A_727] : memref<512x32xf32, #tpu.memory_space<vmem>> -> memref<128x32xf32, #tpu.memory_space<vmem>>
    %dma_wait3A_729 = arith.constant 384 : i32
    %dma_wait3A_730 = tpu.memref_slice %arg12[%dma_wait3A_729] : memref<512xi32, #tpu.memory_space<vmem>> -> memref<128xi32, #tpu.memory_space<vmem>>
    %dma_wait3A_731 = arith.constant 0 : i32
    %dma_wait3A_732 = arith.constant 0 : i32
    %dma_wait3A_733 = tpu.memref_slice %arg4[%dma_wait3A_731, %dma_wait3A_732] : memref<1000000x32xf32, #tpu.memory_space<hbm>> -> memref<1000000x32xf32, #tpu.memory_space<hbm>>
    tpu.wait_indirect_dma semaphore(%arg24 : memref<!tpu.dma_semaphore, #tpu.memory_space<semaphore_mem>>) src(%dma_wait3A_733 : memref<1000000x32xf32, #tpu.memory_space<hbm>>) dst(%dma_wait3A_728 : memref<128x32xf32, #tpu.memory_space<vmem>>)
    %dma_wait3A_734 = arith.constant 384 : i32
    %dma_wait3A_735 = arith.constant 0 : i32
    %dma_wait3A_736 = tpu.memref_slice %arg17[%dma_wait3A_734, %dma_wait3A_735] : memref<512x32xf32, #tpu.memory_space<vmem>> -> memref<128x32xf32, #tpu.memory_space<vmem>>
    %dma_wait3A_737 = arith.constant 384 : i32
    %dma_wait3A_738 = tpu.memref_slice %arg13[%dma_wait3A_737] : memref<512xi32, #tpu.memory_space<vmem>> -> memref<128xi32, #tpu.memory_space<vmem>>
    %dma_wait3A_739 = arith.constant 0 : i32
    %dma_wait3A_740 = arith.constant 0 : i32
    %dma_wait3A_741 = tpu.memref_slice %arg5[%dma_wait3A_739, %dma_wait3A_740] : memref<1000000x32xf32, #tpu.memory_space<hbm>> -> memref<1000000x32xf32, #tpu.memory_space<hbm>>
    tpu.wait_indirect_dma semaphore(%arg24 : memref<!tpu.dma_semaphore, #tpu.memory_space<semaphore_mem>>) src(%dma_wait3A_741 : memref<1000000x32xf32, #tpu.memory_space<hbm>>) dst(%dma_wait3A_736 : memref<128x32xf32, #tpu.memory_space<vmem>>)
    %dma_wait3A_742 = arith.constant 384 : i32
    %dma_wait3A_743 = arith.constant 0 : i32
    %dma_wait3A_744 = tpu.memref_slice %arg18[%dma_wait3A_742, %dma_wait3A_743] : memref<512x16xf32, #tpu.memory_space<vmem>> -> memref<128x16xf32, #tpu.memory_space<vmem>>
    %dma_wait3A_745 = arith.constant 384 : i32
    %dma_wait3A_746 = tpu.memref_slice %arg13[%dma_wait3A_745] : memref<512xi32, #tpu.memory_space<vmem>> -> memref<128xi32, #tpu.memory_space<vmem>>
    %dma_wait3A_747 = arith.constant 0 : i32
    %dma_wait3A_748 = arith.constant 0 : i32
    %dma_wait3A_749 = tpu.memref_slice %arg10[%dma_wait3A_747, %dma_wait3A_748] : memref<1000000x16xf32, #tpu.memory_space<hbm>> -> memref<1000000x16xf32, #tpu.memory_space<hbm>>
    tpu.wait_indirect_dma semaphore(%arg24 : memref<!tpu.dma_semaphore, #tpu.memory_space<semaphore_mem>>) src(%dma_wait3A_749 : memref<1000000x16xf32, #tpu.memory_space<hbm>>) dst(%dma_wait3A_744 : memref<128x16xf32, #tpu.memory_space<vmem>>)
    %dma_wait3A_750 = arith.constant 384 : i32
    %dma_wait3A_751 = arith.constant 0 : i32
    %dma_wait3A_752 = tpu.memref_slice %arg19[%dma_wait3A_750, %dma_wait3A_751] : memref<512x16xf32, #tpu.memory_space<vmem>> -> memref<128x16xf32, #tpu.memory_space<vmem>>
    %dma_wait3A_753 = arith.constant 384 : i32
    %dma_wait3A_754 = tpu.memref_slice %arg14[%dma_wait3A_753] : memref<512xi32, #tpu.memory_space<vmem>> -> memref<128xi32, #tpu.memory_space<vmem>>
    %dma_wait3A_755 = arith.constant 0 : i32
    %dma_wait3A_756 = arith.constant 0 : i32
    %dma_wait3A_757 = tpu.memref_slice %arg6[%dma_wait3A_755, %dma_wait3A_756] : memref<62500x16xf32, #tpu.memory_space<hbm>> -> memref<62500x16xf32, #tpu.memory_space<hbm>>
    tpu.wait_indirect_dma semaphore(%arg24 : memref<!tpu.dma_semaphore, #tpu.memory_space<semaphore_mem>>) src(%dma_wait3A_757 : memref<62500x16xf32, #tpu.memory_space<hbm>>) dst(%dma_wait3A_752 : memref<128x16xf32, #tpu.memory_space<vmem>>)
    %dma_wait3A_758 = arith.constant 384 : i32
    %dma_wait3A_759 = arith.constant 0 : i32
    %dma_wait3A_760 = tpu.memref_slice %arg20[%dma_wait3A_758, %dma_wait3A_759] : memref<512x16xf32, #tpu.memory_space<vmem>> -> memref<128x16xf32, #tpu.memory_space<vmem>>
    %dma_wait3A_761 = arith.constant 384 : i32
    %dma_wait3A_762 = tpu.memref_slice %arg15[%dma_wait3A_761] : memref<512xi32, #tpu.memory_space<vmem>> -> memref<128xi32, #tpu.memory_space<vmem>>
    %dma_wait3A_763 = arith.constant 0 : i32
    %dma_wait3A_764 = arith.constant 0 : i32
    %dma_wait3A_765 = tpu.memref_slice %arg7[%dma_wait3A_763, %dma_wait3A_764] : memref<62500x16xf32, #tpu.memory_space<hbm>> -> memref<62500x16xf32, #tpu.memory_space<hbm>>
    tpu.wait_indirect_dma semaphore(%arg24 : memref<!tpu.dma_semaphore, #tpu.memory_space<semaphore_mem>>) src(%dma_wait3A_765 : memref<62500x16xf32, #tpu.memory_space<hbm>>) dst(%dma_wait3A_760 : memref<128x16xf32, #tpu.memory_space<vmem>>)
    %iota3A = tpu.iota {dimensions = array<i32: 0>} : vector<16xi32>
    %get3A_766 = arith.constant 0 : index
    %get3A_767 = tpu.vector_load %arg22[%get3A_766] {strides = array<i32>} : memref<16xf32, #tpu.memory_space<vmem>>, vector<16xf32>,
    %broadcast_in_dim3A = arith.constant 15 : i32
    %broadcast_in_dim3A_768 = vector.broadcast %broadcast_in_dim3A : i32 to vector<16xi32>
    %scan3A = arith.constant 0 : i32
    %scan3A_769 = arith.constant 0 : i32
    %scan3A_770 = arith.constant 32 : i32
    %scan3A_771 = arith.addi %scan3A_769, %scan3A_770 : i32
    %scan3A_772 = arith.constant 1 : i32
    scf.for %scan3A_774 = %scan3A_769 to %scan3A_771 step %scan3A_772  : i32 {
      %mul3A_775 = arith.constant 16 : i32
      %mul3A_776 = arith.muli %scan3A_774, %mul3A_775 : i32
      %multiple_of3A_777 = tpu.assume_multiple %mul3A_776, 16 : i32
      %add3A_778 = vector.broadcast %multiple_of3A_777 : i32 to vector<16xi32>
      %add3A_779 = arith.addi %add3A_778, %iota3A : vector<16xi32>
      %get3A_780 = arith.index_cast %multiple_of3A_777 : i32 to index
      %get3A_781 = tpu.vector_load %arg12[%get3A_780] {strides = array<i32>} : memref<512xi32, #tpu.memory_space<vmem>>, vector<16xi32>,
      %get3A_782 = arith.index_cast %multiple_of3A_777 : i32 to index
      %get3A_783 = tpu.vector_load %arg13[%get3A_782] {strides = array<i32>} : memref<512xi32, #tpu.memory_space<vmem>>, vector<16xi32>,
      %and3A = arith.andi %get3A_781, %broadcast_in_dim3A_768 : vector<16xi32>
      %gather3A = tpu.vector_load_idx %arg19[%add3A_779, %and3A] : memref<512x16xf32, #tpu.memory_space<vmem>>[vector<16xi32>, vector<16xi32>], vector<16xf32>,
      %and3A_784 = arith.andi %get3A_783, %broadcast_in_dim3A_768 : vector<16xi32>
      %gather3A_785 = tpu.vector_load_idx %arg20[%add3A_779, %and3A_784] : memref<512x16xf32, #tpu.memory_space<vmem>>[vector<16xi32>, vector<16xi32>], vector<16xf32>,
      %broadcast_in_dim3A_786 = arith.constant 0 : i32
      %broadcast_in_dim3A_787 = vector.broadcast %broadcast_in_dim3A_786 : i32 to vector<16xi32>
      %gather3A_788 = tpu.vector_load_idx %arg18[%add3A_779, %broadcast_in_dim3A_787] : memref<512x16xf32, #tpu.memory_space<vmem>>[vector<16xi32>, vector<16xi32>], vector<16xf32>,
      %broadcast_in_dim3A_789 = arith.constant 1 : i32
      %broadcast_in_dim3A_790 = vector.broadcast %broadcast_in_dim3A_789 : i32 to vector<16xi32>
      %gather3A_791 = tpu.vector_load_idx %arg18[%add3A_779, %broadcast_in_dim3A_790] : memref<512x16xf32, #tpu.memory_space<vmem>>[vector<16xi32>, vector<16xi32>], vector<16xf32>,
      %broadcast_in_dim3A_792 = arith.constant 2 : i32
      %broadcast_in_dim3A_793 = vector.broadcast %broadcast_in_dim3A_792 : i32 to vector<16xi32>
      %gather3A_794 = tpu.vector_load_idx %arg18[%add3A_779, %broadcast_in_dim3A_793] : memref<512x16xf32, #tpu.memory_space<vmem>>[vector<16xi32>, vector<16xi32>], vector<16xf32>,
      %broadcast_in_dim3A_795 = arith.constant 3 : i32
      %broadcast_in_dim3A_796 = vector.broadcast %broadcast_in_dim3A_795 : i32 to vector<16xi32>
      %gather3A_797 = tpu.vector_load_idx %arg18[%add3A_779, %broadcast_in_dim3A_796] : memref<512x16xf32, #tpu.memory_space<vmem>>[vector<16xi32>, vector<16xi32>], vector<16xf32>,
      %broadcast_in_dim3A_798 = arith.constant 4 : i32
      %broadcast_in_dim3A_799 = vector.broadcast %broadcast_in_dim3A_798 : i32 to vector<16xi32>
      %gather3A_800 = tpu.vector_load_idx %arg18[%add3A_779, %broadcast_in_dim3A_799] : memref<512x16xf32, #tpu.memory_space<vmem>>[vector<16xi32>, vector<16xi32>], vector<16xf32>,
      %broadcast_in_dim3A_801 = arith.constant 5 : i32
      %broadcast_in_dim3A_802 = vector.broadcast %broadcast_in_dim3A_801 : i32 to vector<16xi32>
      %gather3A_803 = tpu.vector_load_idx %arg18[%add3A_779, %broadcast_in_dim3A_802] : memref<512x16xf32, #tpu.memory_space<vmem>>[vector<16xi32>, vector<16xi32>], vector<16xf32>,
      %broadcast_in_dim3A_804 = arith.constant 6 : i32
      %broadcast_in_dim3A_805 = vector.broadcast %broadcast_in_dim3A_804 : i32 to vector<16xi32>
      %gather3A_806 = tpu.vector_load_idx %arg18[%add3A_779, %broadcast_in_dim3A_805] : memref<512x16xf32, #tpu.memory_space<vmem>>[vector<16xi32>, vector<16xi32>], vector<16xf32>,
      %broadcast_in_dim3A_807 = arith.constant 7 : i32
      %broadcast_in_dim3A_808 = vector.broadcast %broadcast_in_dim3A_807 : i32 to vector<16xi32>
      %gather3A_809 = tpu.vector_load_idx %arg18[%add3A_779, %broadcast_in_dim3A_808] : memref<512x16xf32, #tpu.memory_space<vmem>>[vector<16xi32>, vector<16xi32>], vector<16xf32>,
      %broadcast_in_dim3A_810 = arith.constant 8 : i32
      %broadcast_in_dim3A_811 = vector.broadcast %broadcast_in_dim3A_810 : i32 to vector<16xi32>
      %gather3A_812 = tpu.vector_load_idx %arg18[%add3A_779, %broadcast_in_dim3A_811] : memref<512x16xf32, #tpu.memory_space<vmem>>[vector<16xi32>, vector<16xi32>], vector<16xf32>,
      %broadcast_in_dim3A_813 = arith.constant 9 : i32
      %broadcast_in_dim3A_814 = vector.broadcast %broadcast_in_dim3A_813 : i32 to vector<16xi32>
      %gather3A_815 = tpu.vector_load_idx %arg18[%add3A_779, %broadcast_in_dim3A_814] : memref<512x16xf32, #tpu.memory_space<vmem>>[vector<16xi32>, vector<16xi32>], vector<16xf32>,
      %broadcast_in_dim3A_816 = arith.constant 10 : i32
      %broadcast_in_dim3A_817 = vector.broadcast %broadcast_in_dim3A_816 : i32 to vector<16xi32>
      %gather3A_818 = tpu.vector_load_idx %arg18[%add3A_779, %broadcast_in_dim3A_817] : memref<512x16xf32, #tpu.memory_space<vmem>>[vector<16xi32>, vector<16xi32>], vector<16xf32>,
      %broadcast_in_dim3A_819 = arith.constant 11 : i32
      %broadcast_in_dim3A_820 = vector.broadcast %broadcast_in_dim3A_819 : i32 to vector<16xi32>
      %gather3A_821 = tpu.vector_load_idx %arg18[%add3A_779, %broadcast_in_dim3A_820] : memref<512x16xf32, #tpu.memory_space<vmem>>[vector<16xi32>, vector<16xi32>], vector<16xf32>,
      %broadcast_in_dim3A_822 = arith.constant 12 : i32
      %broadcast_in_dim3A_823 = vector.broadcast %broadcast_in_dim3A_822 : i32 to vector<16xi32>
      %gather3A_824 = tpu.vector_load_idx %arg18[%add3A_779, %broadcast_in_dim3A_823] : memref<512x16xf32, #tpu.memory_space<vmem>>[vector<16xi32>, vector<16xi32>], vector<16xf32>,
      %broadcast_in_dim3A_825 = arith.constant 13 : i32
      %broadcast_in_dim3A_826 = vector.broadcast %broadcast_in_dim3A_825 : i32 to vector<16xi32>
      %gather3A_827 = tpu.vector_load_idx %arg18[%add3A_779, %broadcast_in_dim3A_826] : memref<512x16xf32, #tpu.memory_space<vmem>>[vector<16xi32>, vector<16xi32>], vector<16xf32>,
      %broadcast_in_dim3A_828 = arith.constant 14 : i32
      %broadcast_in_dim3A_829 = vector.broadcast %broadcast_in_dim3A_828 : i32 to vector<16xi32>
      %gather3A_830 = tpu.vector_load_idx %arg18[%add3A_779, %broadcast_in_dim3A_829] : memref<512x16xf32, #tpu.memory_space<vmem>>[vector<16xi32>, vector<16xi32>], vector<16xf32>,
      %broadcast_in_dim3A_831 = arith.constant 15 : i32
      %broadcast_in_dim3A_832 = vector.broadcast %broadcast_in_dim3A_831 : i32 to vector<16xi32>
      %gather3A_833 = tpu.vector_load_idx %arg18[%add3A_779, %broadcast_in_dim3A_832] : memref<512x16xf32, #tpu.memory_space<vmem>>[vector<16xi32>, vector<16xi32>], vector<16xf32>,
      %add3A_834 = arith.addf %gather3A, %gather3A_785 : vector<16xf32>
      %add3A_835 = arith.addf %add3A_834, %get3A_767 : vector<16xf32>
      %broadcast_in_dim3A_836 = arith.constant 0 : i32
      %broadcast_in_dim3A_837 = vector.broadcast %broadcast_in_dim3A_836 : i32 to vector<16xi32>
      %gather3A_838 = tpu.vector_load_idx %arg16[%add3A_779, %broadcast_in_dim3A_837] : memref<512x32xf32, #tpu.memory_space<vmem>>[vector<16xi32>, vector<16xi32>], vector<16xf32>,
      %gather3A_839 = tpu.vector_load_idx %arg17[%add3A_779, %broadcast_in_dim3A_837] : memref<512x32xf32, #tpu.memory_space<vmem>>[vector<16xi32>, vector<16xi32>], vector<16xf32>,
      %get3A_840 = arith.constant 0 : i32
      %get3A_841 = arith.index_cast %get3A_840 : i32 to index
      %get3A_842 = arith.constant 0 : index
      %get3A_843 = tpu.vector_load %arg21[%get3A_841, %get3A_842] {strides = array<i32>} : memref<32x16xf32, #tpu.memory_space<vmem>>, vector<16xf32>,
      %slice3A = vector.extract_strided_slice %get3A_843 {offsets = [0], sizes = [1], strides = [1]} : vector<16xf32> to vector<1xf32>
      %squeeze3A = vector.extract %slice3A[0] : f32 from vector<1xf32>
      %mul3A_844 = vector.broadcast %squeeze3A : f32 to vector<16xf32>
      %mul3A_845 = arith.mulf %gather3A_788, %mul3A_844 : vector<16xf32>
      %add3A_846 = arith.addf %gather3A_839, %mul3A_845 : vector<16xf32>
      %slice3A_847 = vector.extract_strided_slice %get3A_843 {offsets = [1], sizes = [1], strides = [1]} : vector<16xf32> to vector<1xf32>
      %squeeze3A_848 = vector.extract %slice3A_847[0] : f32 from vector<1xf32>
      %mul3A_849 = vector.broadcast %squeeze3A_848 : f32 to vector<16xf32>
      %mul3A_850 = arith.mulf %gather3A_791, %mul3A_849 : vector<16xf32>
      %add3A_851 = arith.addf %add3A_846, %mul3A_850 : vector<16xf32>
      %slice3A_852 = vector.extract_strided_slice %get3A_843 {offsets = [2], sizes = [1], strides = [1]} : vector<16xf32> to vector<1xf32>
      %squeeze3A_853 = vector.extract %slice3A_852[0] : f32 from vector<1xf32>
      %mul3A_854 = vector.broadcast %squeeze3A_853 : f32 to vector<16xf32>
      %mul3A_855 = arith.mulf %gather3A_794, %mul3A_854 : vector<16xf32>
      %add3A_856 = arith.addf %add3A_851, %mul3A_855 : vector<16xf32>
      %slice3A_857 = vector.extract_strided_slice %get3A_843 {offsets = [3], sizes = [1], strides = [1]} : vector<16xf32> to vector<1xf32>
      %squeeze3A_858 = vector.extract %slice3A_857[0] : f32 from vector<1xf32>
      %mul3A_859 = vector.broadcast %squeeze3A_858 : f32 to vector<16xf32>
      %mul3A_860 = arith.mulf %gather3A_797, %mul3A_859 : vector<16xf32>
      %add3A_861 = arith.addf %add3A_856, %mul3A_860 : vector<16xf32>
      %slice3A_862 = vector.extract_strided_slice %get3A_843 {offsets = [4], sizes = [1], strides = [1]} : vector<16xf32> to vector<1xf32>
      %squeeze3A_863 = vector.extract %slice3A_862[0] : f32 from vector<1xf32>
      %mul3A_864 = vector.broadcast %squeeze3A_863 : f32 to vector<16xf32>
      %mul3A_865 = arith.mulf %gather3A_800, %mul3A_864 : vector<16xf32>
      %add3A_866 = arith.addf %add3A_861, %mul3A_865 : vector<16xf32>
      %slice3A_867 = vector.extract_strided_slice %get3A_843 {offsets = [5], sizes = [1], strides = [1]} : vector<16xf32> to vector<1xf32>
      %squeeze3A_868 = vector.extract %slice3A_867[0] : f32 from vector<1xf32>
      %mul3A_869 = vector.broadcast %squeeze3A_868 : f32 to vector<16xf32>
      %mul3A_870 = arith.mulf %gather3A_803, %mul3A_869 : vector<16xf32>
      %add3A_871 = arith.addf %add3A_866, %mul3A_870 : vector<16xf32>
      %slice3A_872 = vector.extract_strided_slice %get3A_843 {offsets = [6], sizes = [1], strides = [1]} : vector<16xf32> to vector<1xf32>
      %squeeze3A_873 = vector.extract %slice3A_872[0] : f32 from vector<1xf32>
      %mul3A_874 = vector.broadcast %squeeze3A_873 : f32 to vector<16xf32>
      %mul3A_875 = arith.mulf %gather3A_806, %mul3A_874 : vector<16xf32>
      %add3A_876 = arith.addf %add3A_871, %mul3A_875 : vector<16xf32>
      %slice3A_877 = vector.extract_strided_slice %get3A_843 {offsets = [7], sizes = [1], strides = [1]} : vector<16xf32> to vector<1xf32>
      %squeeze3A_878 = vector.extract %slice3A_877[0] : f32 from vector<1xf32>
      %mul3A_879 = vector.broadcast %squeeze3A_878 : f32 to vector<16xf32>
      %mul3A_880 = arith.mulf %gather3A_809, %mul3A_879 : vector<16xf32>
      %add3A_881 = arith.addf %add3A_876, %mul3A_880 : vector<16xf32>
      %slice3A_882 = vector.extract_strided_slice %get3A_843 {offsets = [8], sizes = [1], strides = [1]} : vector<16xf32> to vector<1xf32>
      %squeeze3A_883 = vector.extract %slice3A_882[0] : f32 from vector<1xf32>
      %mul3A_884 = vector.broadcast %squeeze3A_883 : f32 to vector<16xf32>
      %mul3A_885 = arith.mulf %gather3A_812, %mul3A_884 : vector<16xf32>
      %add3A_886 = arith.addf %add3A_881, %mul3A_885 : vector<16xf32>
      %slice3A_887 = vector.extract_strided_slice %get3A_843 {offsets = [9], sizes = [1], strides = [1]} : vector<16xf32> to vector<1xf32>
      %squeeze3A_888 = vector.extract %slice3A_887[0] : f32 from vector<1xf32>
      %mul3A_889 = vector.broadcast %squeeze3A_888 : f32 to vector<16xf32>
      %mul3A_890 = arith.mulf %gather3A_815, %mul3A_889 : vector<16xf32>
      %add3A_891 = arith.addf %add3A_886, %mul3A_890 : vector<16xf32>
      %slice3A_892 = vector.extract_strided_slice %get3A_843 {offsets = [10], sizes = [1], strides = [1]} : vector<16xf32> to vector<1xf32>
      %squeeze3A_893 = vector.extract %slice3A_892[0] : f32 from vector<1xf32>
      %mul3A_894 = vector.broadcast %squeeze3A_893 : f32 to vector<16xf32>
      %mul3A_895 = arith.mulf %gather3A_818, %mul3A_894 : vector<16xf32>
      %add3A_896 = arith.addf %add3A_891, %mul3A_895 : vector<16xf32>
      %slice3A_897 = vector.extract_strided_slice %get3A_843 {offsets = [11], sizes = [1], strides = [1]} : vector<16xf32> to vector<1xf32>
      %squeeze3A_898 = vector.extract %slice3A_897[0] : f32 from vector<1xf32>
      %mul3A_899 = vector.broadcast %squeeze3A_898 : f32 to vector<16xf32>
      %mul3A_900 = arith.mulf %gather3A_821, %mul3A_899 : vector<16xf32>
      %add3A_901 = arith.addf %add3A_896, %mul3A_900 : vector<16xf32>
      %slice3A_902 = vector.extract_strided_slice %get3A_843 {offsets = [12], sizes = [1], strides = [1]} : vector<16xf32> to vector<1xf32>
      %squeeze3A_903 = vector.extract %slice3A_902[0] : f32 from vector<1xf32>
      %mul3A_904 = vector.broadcast %squeeze3A_903 : f32 to vector<16xf32>
      %mul3A_905 = arith.mulf %gather3A_824, %mul3A_904 : vector<16xf32>
      %add3A_906 = arith.addf %add3A_901, %mul3A_905 : vector<16xf32>
      %slice3A_907 = vector.extract_strided_slice %get3A_843 {offsets = [13], sizes = [1], strides = [1]} : vector<16xf32> to vector<1xf32>
      %squeeze3A_908 = vector.extract %slice3A_907[0] : f32 from vector<1xf32>
      %mul3A_909 = vector.broadcast %squeeze3A_908 : f32 to vector<16xf32>
      %mul3A_910 = arith.mulf %gather3A_827, %mul3A_909 : vector<16xf32>
      %add3A_911 = arith.addf %add3A_906, %mul3A_910 : vector<16xf32>
      %slice3A_912 = vector.extract_strided_slice %get3A_843 {offsets = [14], sizes = [1], strides = [1]} : vector<16xf32> to vector<1xf32>
      %squeeze3A_913 = vector.extract %slice3A_912[0] : f32 from vector<1xf32>
      %mul3A_914 = vector.broadcast %squeeze3A_913 : f32 to vector<16xf32>
      %mul3A_915 = arith.mulf %gather3A_830, %mul3A_914 : vector<16xf32>
      %add3A_916 = arith.addf %add3A_911, %mul3A_915 : vector<16xf32>
      %slice3A_917 = vector.extract_strided_slice %get3A_843 {offsets = [15], sizes = [1], strides = [1]} : vector<16xf32> to vector<1xf32>
      %squeeze3A_918 = vector.extract %slice3A_917[0] : f32 from vector<1xf32>
      %mul3A_919 = vector.broadcast %squeeze3A_918 : f32 to vector<16xf32>
      %mul3A_920 = arith.mulf %gather3A_833, %mul3A_919 : vector<16xf32>
      %add3A_921 = arith.addf %add3A_916, %mul3A_920 : vector<16xf32>
      %mul3A_922 = arith.mulf %gather3A_838, %add3A_921 : vector<16xf32>
      %add3A_923 = arith.addf %add3A_835, %mul3A_922 : vector<16xf32>
      %broadcast_in_dim3A_924 = arith.constant 1 : i32
      %broadcast_in_dim3A_925 = vector.broadcast %broadcast_in_dim3A_924 : i32 to vector<16xi32>
      %gather3A_926 = tpu.vector_load_idx %arg16[%add3A_779, %broadcast_in_dim3A_925] : memref<512x32xf32, #tpu.memory_space<vmem>>[vector<16xi32>, vector<16xi32>], vector<16xf32>,
      %gather3A_927 = tpu.vector_load_idx %arg17[%add3A_779, %broadcast_in_dim3A_925] : memref<512x32xf32, #tpu.memory_space<vmem>>[vector<16xi32>, vector<16xi32>], vector<16xf32>,
      %get3A_928 = arith.constant 1 : i32
      %get3A_929 = arith.index_cast %get3A_928 : i32 to index
      %get3A_930 = arith.constant 0 : index
      %get3A_931 = tpu.vector_load %arg21[%get3A_929, %get3A_930] {strides = array<i32>} : memref<32x16xf32, #tpu.memory_space<vmem>>, vector<16xf32>,
      %slice3A_932 = vector.extract_strided_slice %get3A_931 {offsets = [0], sizes = [1], strides = [1]} : vector<16xf32> to vector<1xf32>
      %squeeze3A_933 = vector.extract %slice3A_932[0] : f32 from vector<1xf32>
      %mul3A_934 = vector.broadcast %squeeze3A_933 : f32 to vector<16xf32>
      %mul3A_935 = arith.mulf %gather3A_788, %mul3A_934 : vector<16xf32>
      %add3A_936 = arith.addf %gather3A_927, %mul3A_935 : vector<16xf32>
      %slice3A_937 = vector.extract_strided_slice %get3A_931 {offsets = [1], sizes = [1], strides = [1]} : vector<16xf32> to vector<1xf32>
      %squeeze3A_938 = vector.extract %slice3A_937[0] : f32 from vector<1xf32>
      %mul3A_939 = vector.broadcast %squeeze3A_938 : f32 to vector<16xf32>
      %mul3A_940 = arith.mulf %gather3A_791, %mul3A_939 : vector<16xf32>
      %add3A_941 = arith.addf %add3A_936, %mul3A_940 : vector<16xf32>
      %slice3A_942 = vector.extract_strided_slice %get3A_931 {offsets = [2], sizes = [1], strides = [1]} : vector<16xf32> to vector<1xf32>
      %squeeze3A_943 = vector.extract %slice3A_942[0] : f32 from vector<1xf32>
      %mul3A_944 = vector.broadcast %squeeze3A_943 : f32 to vector<16xf32>
      %mul3A_945 = arith.mulf %gather3A_794, %mul3A_944 : vector<16xf32>
      %add3A_946 = arith.addf %add3A_941, %mul3A_945 : vector<16xf32>
      %slice3A_947 = vector.extract_strided_slice %get3A_931 {offsets = [3], sizes = [1], strides = [1]} : vector<16xf32> to vector<1xf32>
      %squeeze3A_948 = vector.extract %slice3A_947[0] : f32 from vector<1xf32>
      %mul3A_949 = vector.broadcast %squeeze3A_948 : f32 to vector<16xf32>
      %mul3A_950 = arith.mulf %gather3A_797, %mul3A_949 : vector<16xf32>
      %add3A_951 = arith.addf %add3A_946, %mul3A_950 : vector<16xf32>
      %slice3A_952 = vector.extract_strided_slice %get3A_931 {offsets = [4], sizes = [1], strides = [1]} : vector<16xf32> to vector<1xf32>
      %squeeze3A_953 = vector.extract %slice3A_952[0] : f32 from vector<1xf32>
      %mul3A_954 = vector.broadcast %squeeze3A_953 : f32 to vector<16xf32>
      %mul3A_955 = arith.mulf %gather3A_800, %mul3A_954 : vector<16xf32>
      %add3A_956 = arith.addf %add3A_951, %mul3A_955 : vector<16xf32>
      %slice3A_957 = vector.extract_strided_slice %get3A_931 {offsets = [5], sizes = [1], strides = [1]} : vector<16xf32> to vector<1xf32>
      %squeeze3A_958 = vector.extract %slice3A_957[0] : f32 from vector<1xf32>
      %mul3A_959 = vector.broadcast %squeeze3A_958 : f32 to vector<16xf32>
      %mul3A_960 = arith.mulf %gather3A_803, %mul3A_959 : vector<16xf32>
      %add3A_961 = arith.addf %add3A_956, %mul3A_960 : vector<16xf32>
      %slice3A_962 = vector.extract_strided_slice %get3A_931 {offsets = [6], sizes = [1], strides = [1]} : vector<16xf32> to vector<1xf32>
      %squeeze3A_963 = vector.extract %slice3A_962[0] : f32 from vector<1xf32>
      %mul3A_964 = vector.broadcast %squeeze3A_963 : f32 to vector<16xf32>
      %mul3A_965 = arith.mulf %gather3A_806, %mul3A_964 : vector<16xf32>
      %add3A_966 = arith.addf %add3A_961, %mul3A_965 : vector<16xf32>
      %slice3A_967 = vector.extract_strided_slice %get3A_931 {offsets = [7], sizes = [1], strides = [1]} : vector<16xf32> to vector<1xf32>
      %squeeze3A_968 = vector.extract %slice3A_967[0] : f32 from vector<1xf32>
      %mul3A_969 = vector.broadcast %squeeze3A_968 : f32 to vector<16xf32>
      %mul3A_970 = arith.mulf %gather3A_809, %mul3A_969 : vector<16xf32>
      %add3A_971 = arith.addf %add3A_966, %mul3A_970 : vector<16xf32>
      %slice3A_972 = vector.extract_strided_slice %get3A_931 {offsets = [8], sizes = [1], strides = [1]} : vector<16xf32> to vector<1xf32>
      %squeeze3A_973 = vector.extract %slice3A_972[0] : f32 from vector<1xf32>
      %mul3A_974 = vector.broadcast %squeeze3A_973 : f32 to vector<16xf32>
      %mul3A_975 = arith.mulf %gather3A_812, %mul3A_974 : vector<16xf32>
      %add3A_976 = arith.addf %add3A_971, %mul3A_975 : vector<16xf32>
      %slice3A_977 = vector.extract_strided_slice %get3A_931 {offsets = [9], sizes = [1], strides = [1]} : vector<16xf32> to vector<1xf32>
      %squeeze3A_978 = vector.extract %slice3A_977[0] : f32 from vector<1xf32>
      %mul3A_979 = vector.broadcast %squeeze3A_978 : f32 to vector<16xf32>
      %mul3A_980 = arith.mulf %gather3A_815, %mul3A_979 : vector<16xf32>
      %add3A_981 = arith.addf %add3A_976, %mul3A_980 : vector<16xf32>
      %slice3A_982 = vector.extract_strided_slice %get3A_931 {offsets = [10], sizes = [1], strides = [1]} : vector<16xf32> to vector<1xf32>
      %squeeze3A_983 = vector.extract %slice3A_982[0] : f32 from vector<1xf32>
      %mul3A_984 = vector.broadcast %squeeze3A_983 : f32 to vector<16xf32>
      %mul3A_985 = arith.mulf %gather3A_818, %mul3A_984 : vector<16xf32>
      %add3A_986 = arith.addf %add3A_981, %mul3A_985 : vector<16xf32>
      %slice3A_987 = vector.extract_strided_slice %get3A_931 {offsets = [11], sizes = [1], strides = [1]} : vector<16xf32> to vector<1xf32>
      %squeeze3A_988 = vector.extract %slice3A_987[0] : f32 from vector<1xf32>
      %mul3A_989 = vector.broadcast %squeeze3A_988 : f32 to vector<16xf32>
      %mul3A_990 = arith.mulf %gather3A_821, %mul3A_989 : vector<16xf32>
      %add3A_991 = arith.addf %add3A_986, %mul3A_990 : vector<16xf32>
      %slice3A_992 = vector.extract_strided_slice %get3A_931 {offsets = [12], sizes = [1], strides = [1]} : vector<16xf32> to vector<1xf32>
      %squeeze3A_993 = vector.extract %slice3A_992[0] : f32 from vector<1xf32>
      %mul3A_994 = vector.broadcast %squeeze3A_993 : f32 to vector<16xf32>
      %mul3A_995 = arith.mulf %gather3A_824, %mul3A_994 : vector<16xf32>
      %add3A_996 = arith.addf %add3A_991, %mul3A_995 : vector<16xf32>
      %slice3A_997 = vector.extract_strided_slice %get3A_931 {offsets = [13], sizes = [1], strides = [1]} : vector<16xf32> to vector<1xf32>
      %squeeze3A_998 = vector.extract %slice3A_997[0] : f32 from vector<1xf32>
      %mul3A_999 = vector.broadcast %squeeze3A_998 : f32 to vector<16xf32>
      %mul3A_1000 = arith.mulf %gather3A_827, %mul3A_999 : vector<16xf32>
      %add3A_1001 = arith.addf %add3A_996, %mul3A_1000 : vector<16xf32>
      %slice3A_1002 = vector.extract_strided_slice %get3A_931 {offsets = [14], sizes = [1], strides = [1]} : vector<16xf32> to vector<1xf32>
      %squeeze3A_1003 = vector.extract %slice3A_1002[0] : f32 from vector<1xf32>
      %mul3A_1004 = vector.broadcast %squeeze3A_1003 : f32 to vector<16xf32>
      %mul3A_1005 = arith.mulf %gather3A_830, %mul3A_1004 : vector<16xf32>
      %add3A_1006 = arith.addf %add3A_1001, %mul3A_1005 : vector<16xf32>
      %slice3A_1007 = vector.extract_strided_slice %get3A_931 {offsets = [15], sizes = [1], strides = [1]} : vector<16xf32> to vector<1xf32>
      %squeeze3A_1008 = vector.extract %slice3A_1007[0] : f32 from vector<1xf32>
      %mul3A_1009 = vector.broadcast %squeeze3A_1008 : f32 to vector<16xf32>
      %mul3A_1010 = arith.mulf %gather3A_833, %mul3A_1009 : vector<16xf32>
      %add3A_1011 = arith.addf %add3A_1006, %mul3A_1010 : vector<16xf32>
      %mul3A_1012 = arith.mulf %gather3A_926, %add3A_1011 : vector<16xf32>
      %add3A_1013 = arith.addf %add3A_923, %mul3A_1012 : vector<16xf32>
      %broadcast_in_dim3A_1014 = arith.constant 2 : i32
      %broadcast_in_dim3A_1015 = vector.broadcast %broadcast_in_dim3A_1014 : i32 to vector<16xi32>
      %gather3A_1016 = tpu.vector_load_idx %arg16[%add3A_779, %broadcast_in_dim3A_1015] : memref<512x32xf32, #tpu.memory_space<vmem>>[vector<16xi32>, vector<16xi32>], vector<16xf32>,
      %gather3A_1017 = tpu.vector_load_idx %arg17[%add3A_779, %broadcast_in_dim3A_1015] : memref<512x32xf32, #tpu.memory_space<vmem>>[vector<16xi32>, vector<16xi32>], vector<16xf32>,
      %get3A_1018 = arith.constant 2 : i32
      %get3A_1019 = arith.index_cast %get3A_1018 : i32 to index
      %get3A_1020 = arith.constant 0 : index
      %get3A_1021 = tpu.vector_load %arg21[%get3A_1019, %get3A_1020] {strides = array<i32>} : memref<32x16xf32, #tpu.memory_space<vmem>>, vector<16xf32>,
      %slice3A_1022 = vector.extract_strided_slice %get3A_1021 {offsets = [0], sizes = [1], strides = [1]} : vector<16xf32> to vector<1xf32>
      %squeeze3A_1023 = vector.extract %slice3A_1022[0] : f32 from vector<1xf32>
      %mul3A_1024 = vector.broadcast %squeeze3A_1023 : f32 to vector<16xf32>
      %mul3A_1025 = arith.mulf %gather3A_788, %mul3A_1024 : vector<16xf32>
      %add3A_1026 = arith.addf %gather3A_1017, %mul3A_1025 : vector<16xf32>
      %slice3A_1027 = vector.extract_strided_slice %get3A_1021 {offsets = [1], sizes = [1], strides = [1]} : vector<16xf32> to vector<1xf32>
      %squeeze3A_1028 = vector.extract %slice3A_1027[0] : f32 from vector<1xf32>
      %mul3A_1029 = vector.broadcast %squeeze3A_1028 : f32 to vector<16xf32>
      %mul3A_1030 = arith.mulf %gather3A_791, %mul3A_1029 : vector<16xf32>
      %add3A_1031 = arith.addf %add3A_1026, %mul3A_1030 : vector<16xf32>
      %slice3A_1032 = vector.extract_strided_slice %get3A_1021 {offsets = [2], sizes = [1], strides = [1]} : vector<16xf32> to vector<1xf32>
      %squeeze3A_1033 = vector.extract %slice3A_1032[0] : f32 from vector<1xf32>
      %mul3A_1034 = vector.broadcast %squeeze3A_1033 : f32 to vector<16xf32>
      %mul3A_1035 = arith.mulf %gather3A_794, %mul3A_1034 : vector<16xf32>
      %add3A_1036 = arith.addf %add3A_1031, %mul3A_1035 : vector<16xf32>
      %slice3A_1037 = vector.extract_strided_slice %get3A_1021 {offsets = [3], sizes = [1], strides = [1]} : vector<16xf32> to vector<1xf32>
      %squeeze3A_1038 = vector.extract %slice3A_1037[0] : f32 from vector<1xf32>
      %mul3A_1039 = vector.broadcast %squeeze3A_1038 : f32 to vector<16xf32>
      %mul3A_1040 = arith.mulf %gather3A_797, %mul3A_1039 : vector<16xf32>
      %add3A_1041 = arith.addf %add3A_1036, %mul3A_1040 : vector<16xf32>
      %slice3A_1042 = vector.extract_strided_slice %get3A_1021 {offsets = [4], sizes = [1], strides = [1]} : vector<16xf32> to vector<1xf32>
      %squeeze3A_1043 = vector.extract %slice3A_1042[0] : f32 from vector<1xf32>
      %mul3A_1044 = vector.broadcast %squeeze3A_1043 : f32 to vector<16xf32>
      %mul3A_1045 = arith.mulf %gather3A_800, %mul3A_1044 : vector<16xf32>
      %add3A_1046 = arith.addf %add3A_1041, %mul3A_1045 : vector<16xf32>
      %slice3A_1047 = vector.extract_strided_slice %get3A_1021 {offsets = [5], sizes = [1], strides = [1]} : vector<16xf32> to vector<1xf32>
      %squeeze3A_1048 = vector.extract %slice3A_1047[0] : f32 from vector<1xf32>
      %mul3A_1049 = vector.broadcast %squeeze3A_1048 : f32 to vector<16xf32>
      %mul3A_1050 = arith.mulf %gather3A_803, %mul3A_1049 : vector<16xf32>
      %add3A_1051 = arith.addf %add3A_1046, %mul3A_1050 : vector<16xf32>
      %slice3A_1052 = vector.extract_strided_slice %get3A_1021 {offsets = [6], sizes = [1], strides = [1]} : vector<16xf32> to vector<1xf32>
      %squeeze3A_1053 = vector.extract %slice3A_1052[0] : f32 from vector<1xf32>
      %mul3A_1054 = vector.broadcast %squeeze3A_1053 : f32 to vector<16xf32>
      %mul3A_1055 = arith.mulf %gather3A_806, %mul3A_1054 : vector<16xf32>
      %add3A_1056 = arith.addf %add3A_1051, %mul3A_1055 : vector<16xf32>
      %slice3A_1057 = vector.extract_strided_slice %get3A_1021 {offsets = [7], sizes = [1], strides = [1]} : vector<16xf32> to vector<1xf32>
      %squeeze3A_1058 = vector.extract %slice3A_1057[0] : f32 from vector<1xf32>
      %mul3A_1059 = vector.broadcast %squeeze3A_1058 : f32 to vector<16xf32>
      %mul3A_1060 = arith.mulf %gather3A_809, %mul3A_1059 : vector<16xf32>
      %add3A_1061 = arith.addf %add3A_1056, %mul3A_1060 : vector<16xf32>
      %slice3A_1062 = vector.extract_strided_slice %get3A_1021 {offsets = [8], sizes = [1], strides = [1]} : vector<16xf32> to vector<1xf32>
      %squeeze3A_1063 = vector.extract %slice3A_1062[0] : f32 from vector<1xf32>
      %mul3A_1064 = vector.broadcast %squeeze3A_1063 : f32 to vector<16xf32>
      %mul3A_1065 = arith.mulf %gather3A_812, %mul3A_1064 : vector<16xf32>
      %add3A_1066 = arith.addf %add3A_1061, %mul3A_1065 : vector<16xf32>
      %slice3A_1067 = vector.extract_strided_slice %get3A_1021 {offsets = [9], sizes = [1], strides = [1]} : vector<16xf32> to vector<1xf32>
      %squeeze3A_1068 = vector.extract %slice3A_1067[0] : f32 from vector<1xf32>
      %mul3A_1069 = vector.broadcast %squeeze3A_1068 : f32 to vector<16xf32>
      %mul3A_1070 = arith.mulf %gather3A_815, %mul3A_1069 : vector<16xf32>
      %add3A_1071 = arith.addf %add3A_1066, %mul3A_1070 : vector<16xf32>
      %slice3A_1072 = vector.extract_strided_slice %get3A_1021 {offsets = [10], sizes = [1], strides = [1]} : vector<16xf32> to vector<1xf32>
      %squeeze3A_1073 = vector.extract %slice3A_1072[0] : f32 from vector<1xf32>
      %mul3A_1074 = vector.broadcast %squeeze3A_1073 : f32 to vector<16xf32>
      %mul3A_1075 = arith.mulf %gather3A_818, %mul3A_1074 : vector<16xf32>
      %add3A_1076 = arith.addf %add3A_1071, %mul3A_1075 : vector<16xf32>
      %slice3A_1077 = vector.extract_strided_slice %get3A_1021 {offsets = [11], sizes = [1], strides = [1]} : vector<16xf32> to vector<1xf32>
      %squeeze3A_1078 = vector.extract %slice3A_1077[0] : f32 from vector<1xf32>
      %mul3A_1079 = vector.broadcast %squeeze3A_1078 : f32 to vector<16xf32>
      %mul3A_1080 = arith.mulf %gather3A_821, %mul3A_1079 : vector<16xf32>
      %add3A_1081 = arith.addf %add3A_1076, %mul3A_1080 : vector<16xf32>
      %slice3A_1082 = vector.extract_strided_slice %get3A_1021 {offsets = [12], sizes = [1], strides = [1]} : vector<16xf32> to vector<1xf32>
      %squeeze3A_1083 = vector.extract %slice3A_1082[0] : f32 from vector<1xf32>
      %mul3A_1084 = vector.broadcast %squeeze3A_1083 : f32 to vector<16xf32>
      %mul3A_1085 = arith.mulf %gather3A_824, %mul3A_1084 : vector<16xf32>
      %add3A_1086 = arith.addf %add3A_1081, %mul3A_1085 : vector<16xf32>
      %slice3A_1087 = vector.extract_strided_slice %get3A_1021 {offsets = [13], sizes = [1], strides = [1]} : vector<16xf32> to vector<1xf32>
      %squeeze3A_1088 = vector.extract %slice3A_1087[0] : f32 from vector<1xf32>
      %mul3A_1089 = vector.broadcast %squeeze3A_1088 : f32 to vector<16xf32>
      %mul3A_1090 = arith.mulf %gather3A_827, %mul3A_1089 : vector<16xf32>
      %add3A_1091 = arith.addf %add3A_1086, %mul3A_1090 : vector<16xf32>
      %slice3A_1092 = vector.extract_strided_slice %get3A_1021 {offsets = [14], sizes = [1], strides = [1]} : vector<16xf32> to vector<1xf32>
      %squeeze3A_1093 = vector.extract %slice3A_1092[0] : f32 from vector<1xf32>
      %mul3A_1094 = vector.broadcast %squeeze3A_1093 : f32 to vector<16xf32>
      %mul3A_1095 = arith.mulf %gather3A_830, %mul3A_1094 : vector<16xf32>
      %add3A_1096 = arith.addf %add3A_1091, %mul3A_1095 : vector<16xf32>
      %slice3A_1097 = vector.extract_strided_slice %get3A_1021 {offsets = [15], sizes = [1], strides = [1]} : vector<16xf32> to vector<1xf32>
      %squeeze3A_1098 = vector.extract %slice3A_1097[0] : f32 from vector<1xf32>
      %mul3A_1099 = vector.broadcast %squeeze3A_1098 : f32 to vector<16xf32>
      %mul3A_1100 = arith.mulf %gather3A_833, %mul3A_1099 : vector<16xf32>
      %add3A_1101 = arith.addf %add3A_1096, %mul3A_1100 : vector<16xf32>
      %mul3A_1102 = arith.mulf %gather3A_1016, %add3A_1101 : vector<16xf32>
      %add3A_1103 = arith.addf %add3A_1013, %mul3A_1102 : vector<16xf32>
      %broadcast_in_dim3A_1104 = arith.constant 3 : i32
      %broadcast_in_dim3A_1105 = vector.broadcast %broadcast_in_dim3A_1104 : i32 to vector<16xi32>
      %gather3A_1106 = tpu.vector_load_idx %arg16[%add3A_779, %broadcast_in_dim3A_1105] : memref<512x32xf32, #tpu.memory_space<vmem>>[vector<16xi32>, vector<16xi32>], vector<16xf32>,
      %gather3A_1107 = tpu.vector_load_idx %arg17[%add3A_779, %broadcast_in_dim3A_1105] : memref<512x32xf32, #tpu.memory_space<vmem>>[vector<16xi32>, vector<16xi32>], vector<16xf32>,
      %get3A_1108 = arith.constant 3 : i32
      %get3A_1109 = arith.index_cast %get3A_1108 : i32 to index
      %get3A_1110 = arith.constant 0 : index
      %get3A_1111 = tpu.vector_load %arg21[%get3A_1109, %get3A_1110] {strides = array<i32>} : memref<32x16xf32, #tpu.memory_space<vmem>>, vector<16xf32>,
      %slice3A_1112 = vector.extract_strided_slice %get3A_1111 {offsets = [0], sizes = [1], strides = [1]} : vector<16xf32> to vector<1xf32>
      %squeeze3A_1113 = vector.extract %slice3A_1112[0] : f32 from vector<1xf32>
      %mul3A_1114 = vector.broadcast %squeeze3A_1113 : f32 to vector<16xf32>
      %mul3A_1115 = arith.mulf %gather3A_788, %mul3A_1114 : vector<16xf32>
      %add3A_1116 = arith.addf %gather3A_1107, %mul3A_1115 : vector<16xf32>
      %slice3A_1117 = vector.extract_strided_slice %get3A_1111 {offsets = [1], sizes = [1], strides = [1]} : vector<16xf32> to vector<1xf32>
      %squeeze3A_1118 = vector.extract %slice3A_1117[0] : f32 from vector<1xf32>
      %mul3A_1119 = vector.broadcast %squeeze3A_1118 : f32 to vector<16xf32>
      %mul3A_1120 = arith.mulf %gather3A_791, %mul3A_1119 : vector<16xf32>
      %add3A_1121 = arith.addf %add3A_1116, %mul3A_1120 : vector<16xf32>
      %slice3A_1122 = vector.extract_strided_slice %get3A_1111 {offsets = [2], sizes = [1], strides = [1]} : vector<16xf32> to vector<1xf32>
      %squeeze3A_1123 = vector.extract %slice3A_1122[0] : f32 from vector<1xf32>
      %mul3A_1124 = vector.broadcast %squeeze3A_1123 : f32 to vector<16xf32>
      %mul3A_1125 = arith.mulf %gather3A_794, %mul3A_1124 : vector<16xf32>
      %add3A_1126 = arith.addf %add3A_1121, %mul3A_1125 : vector<16xf32>
      %slice3A_1127 = vector.extract_strided_slice %get3A_1111 {offsets = [3], sizes = [1], strides = [1]} : vector<16xf32> to vector<1xf32>
      %squeeze3A_1128 = vector.extract %slice3A_1127[0] : f32 from vector<1xf32>
      %mul3A_1129 = vector.broadcast %squeeze3A_1128 : f32 to vector<16xf32>
      %mul3A_1130 = arith.mulf %gather3A_797, %mul3A_1129 : vector<16xf32>
      %add3A_1131 = arith.addf %add3A_1126, %mul3A_1130 : vector<16xf32>
      %slice3A_1132 = vector.extract_strided_slice %get3A_1111 {offsets = [4], sizes = [1], strides = [1]} : vector<16xf32> to vector<1xf32>
      %squeeze3A_1133 = vector.extract %slice3A_1132[0] : f32 from vector<1xf32>
      %mul3A_1134 = vector.broadcast %squeeze3A_1133 : f32 to vector<16xf32>
      %mul3A_1135 = arith.mulf %gather3A_800, %mul3A_1134 : vector<16xf32>
      %add3A_1136 = arith.addf %add3A_1131, %mul3A_1135 : vector<16xf32>
      %slice3A_1137 = vector.extract_strided_slice %get3A_1111 {offsets = [5], sizes = [1], strides = [1]} : vector<16xf32> to vector<1xf32>
      %squeeze3A_1138 = vector.extract %slice3A_1137[0] : f32 from vector<1xf32>
      %mul3A_1139 = vector.broadcast %squeeze3A_1138 : f32 to vector<16xf32>
      %mul3A_1140 = arith.mulf %gather3A_803, %mul3A_1139 : vector<16xf32>
      %add3A_1141 = arith.addf %add3A_1136, %mul3A_1140 : vector<16xf32>
      %slice3A_1142 = vector.extract_strided_slice %get3A_1111 {offsets = [6], sizes = [1], strides = [1]} : vector<16xf32> to vector<1xf32>
      %squeeze3A_1143 = vector.extract %slice3A_1142[0] : f32 from vector<1xf32>
      %mul3A_1144 = vector.broadcast %squeeze3A_1143 : f32 to vector<16xf32>
      %mul3A_1145 = arith.mulf %gather3A_806, %mul3A_1144 : vector<16xf32>
      %add3A_1146 = arith.addf %add3A_1141, %mul3A_1145 : vector<16xf32>
      %slice3A_1147 = vector.extract_strided_slice %get3A_1111 {offsets = [7], sizes = [1], strides = [1]} : vector<16xf32> to vector<1xf32>
      %squeeze3A_1148 = vector.extract %slice3A_1147[0] : f32 from vector<1xf32>
      %mul3A_1149 = vector.broadcast %squeeze3A_1148 : f32 to vector<16xf32>
      %mul3A_1150 = arith.mulf %gather3A_809, %mul3A_1149 : vector<16xf32>
      %add3A_1151 = arith.addf %add3A_1146, %mul3A_1150 : vector<16xf32>
      %slice3A_1152 = vector.extract_strided_slice %get3A_1111 {offsets = [8], sizes = [1], strides = [1]} : vector<16xf32> to vector<1xf32>
      %squeeze3A_1153 = vector.extract %slice3A_1152[0] : f32 from vector<1xf32>
      %mul3A_1154 = vector.broadcast %squeeze3A_1153 : f32 to vector<16xf32>
      %mul3A_1155 = arith.mulf %gather3A_812, %mul3A_1154 : vector<16xf32>
      %add3A_1156 = arith.addf %add3A_1151, %mul3A_1155 : vector<16xf32>
      %slice3A_1157 = vector.extract_strided_slice %get3A_1111 {offsets = [9], sizes = [1], strides = [1]} : vector<16xf32> to vector<1xf32>
      %squeeze3A_1158 = vector.extract %slice3A_1157[0] : f32 from vector<1xf32>
      %mul3A_1159 = vector.broadcast %squeeze3A_1158 : f32 to vector<16xf32>
      %mul3A_1160 = arith.mulf %gather3A_815, %mul3A_1159 : vector<16xf32>
      %add3A_1161 = arith.addf %add3A_1156, %mul3A_1160 : vector<16xf32>
      %slice3A_1162 = vector.extract_strided_slice %get3A_1111 {offsets = [10], sizes = [1], strides = [1]} : vector<16xf32> to vector<1xf32>
      %squeeze3A_1163 = vector.extract %slice3A_1162[0] : f32 from vector<1xf32>
      %mul3A_1164 = vector.broadcast %squeeze3A_1163 : f32 to vector<16xf32>
      %mul3A_1165 = arith.mulf %gather3A_818, %mul3A_1164 : vector<16xf32>
      %add3A_1166 = arith.addf %add3A_1161, %mul3A_1165 : vector<16xf32>
      %slice3A_1167 = vector.extract_strided_slice %get3A_1111 {offsets = [11], sizes = [1], strides = [1]} : vector<16xf32> to vector<1xf32>
      %squeeze3A_1168 = vector.extract %slice3A_1167[0] : f32 from vector<1xf32>
      %mul3A_1169 = vector.broadcast %squeeze3A_1168 : f32 to vector<16xf32>
      %mul3A_1170 = arith.mulf %gather3A_821, %mul3A_1169 : vector<16xf32>
      %add3A_1171 = arith.addf %add3A_1166, %mul3A_1170 : vector<16xf32>
      %slice3A_1172 = vector.extract_strided_slice %get3A_1111 {offsets = [12], sizes = [1], strides = [1]} : vector<16xf32> to vector<1xf32>
      %squeeze3A_1173 = vector.extract %slice3A_1172[0] : f32 from vector<1xf32>
      %mul3A_1174 = vector.broadcast %squeeze3A_1173 : f32 to vector<16xf32>
      %mul3A_1175 = arith.mulf %gather3A_824, %mul3A_1174 : vector<16xf32>
      %add3A_1176 = arith.addf %add3A_1171, %mul3A_1175 : vector<16xf32>
      %slice3A_1177 = vector.extract_strided_slice %get3A_1111 {offsets = [13], sizes = [1], strides = [1]} : vector<16xf32> to vector<1xf32>
      %squeeze3A_1178 = vector.extract %slice3A_1177[0] : f32 from vector<1xf32>
      %mul3A_1179 = vector.broadcast %squeeze3A_1178 : f32 to vector<16xf32>
      %mul3A_1180 = arith.mulf %gather3A_827, %mul3A_1179 : vector<16xf32>
      %add3A_1181 = arith.addf %add3A_1176, %mul3A_1180 : vector<16xf32>
      %slice3A_1182 = vector.extract_strided_slice %get3A_1111 {offsets = [14], sizes = [1], strides = [1]} : vector<16xf32> to vector<1xf32>
      %squeeze3A_1183 = vector.extract %slice3A_1182[0] : f32 from vector<1xf32>
      %mul3A_1184 = vector.broadcast %squeeze3A_1183 : f32 to vector<16xf32>
      %mul3A_1185 = arith.mulf %gather3A_830, %mul3A_1184 : vector<16xf32>
      %add3A_1186 = arith.addf %add3A_1181, %mul3A_1185 : vector<16xf32>
      %slice3A_1187 = vector.extract_strided_slice %get3A_1111 {offsets = [15], sizes = [1], strides = [1]} : vector<16xf32> to vector<1xf32>
      %squeeze3A_1188 = vector.extract %slice3A_1187[0] : f32 from vector<1xf32>
      %mul3A_1189 = vector.broadcast %squeeze3A_1188 : f32 to vector<16xf32>
      %mul3A_1190 = arith.mulf %gather3A_833, %mul3A_1189 : vector<16xf32>
      %add3A_1191 = arith.addf %add3A_1186, %mul3A_1190 : vector<16xf32>
      %mul3A_1192 = arith.mulf %gather3A_1106, %add3A_1191 : vector<16xf32>
      %add3A_1193 = arith.addf %add3A_1103, %mul3A_1192 : vector<16xf32>
      %broadcast_in_dim3A_1194 = arith.constant 4 : i32
      %broadcast_in_dim3A_1195 = vector.broadcast %broadcast_in_dim3A_1194 : i32 to vector<16xi32>
      %gather3A_1196 = tpu.vector_load_idx %arg16[%add3A_779, %broadcast_in_dim3A_1195] : memref<512x32xf32, #tpu.memory_space<vmem>>[vector<16xi32>, vector<16xi32>], vector<16xf32>,
      %gather3A_1197 = tpu.vector_load_idx %arg17[%add3A_779, %broadcast_in_dim3A_1195] : memref<512x32xf32, #tpu.memory_space<vmem>>[vector<16xi32>, vector<16xi32>], vector<16xf32>,
      %get3A_1198 = arith.constant 4 : i32
      %get3A_1199 = arith.index_cast %get3A_1198 : i32 to index
      %get3A_1200 = arith.constant 0 : index
      %get3A_1201 = tpu.vector_load %arg21[%get3A_1199, %get3A_1200] {strides = array<i32>} : memref<32x16xf32, #tpu.memory_space<vmem>>, vector<16xf32>,
      %slice3A_1202 = vector.extract_strided_slice %get3A_1201 {offsets = [0], sizes = [1], strides = [1]} : vector<16xf32> to vector<1xf32>
      %squeeze3A_1203 = vector.extract %slice3A_1202[0] : f32 from vector<1xf32>
      %mul3A_1204 = vector.broadcast %squeeze3A_1203 : f32 to vector<16xf32>
      %mul3A_1205 = arith.mulf %gather3A_788, %mul3A_1204 : vector<16xf32>
      %add3A_1206 = arith.addf %gather3A_1197, %mul3A_1205 : vector<16xf32>
      %slice3A_1207 = vector.extract_strided_slice %get3A_1201 {offsets = [1], sizes = [1], strides = [1]} : vector<16xf32> to vector<1xf32>
      %squeeze3A_1208 = vector.extract %slice3A_1207[0] : f32 from vector<1xf32>
      %mul3A_1209 = vector.broadcast %squeeze3A_1208 : f32 to vector<16xf32>
      %mul3A_1210 = arith.mulf %gather3A_791, %mul3A_1209 : vector<16xf32>
      %add3A_1211 = arith.addf %add3A_1206, %mul3A_1210 : vector<16xf32>
      %slice3A_1212 = vector.extract_strided_slice %get3A_1201 {offsets = [2], sizes = [1], strides = [1]} : vector<16xf32> to vector<1xf32>
      %squeeze3A_1213 = vector.extract %slice3A_1212[0] : f32 from vector<1xf32>
      %mul3A_1214 = vector.broadcast %squeeze3A_1213 : f32 to vector<16xf32>
      %mul3A_1215 = arith.mulf %gather3A_794, %mul3A_1214 : vector<16xf32>
      %add3A_1216 = arith.addf %add3A_1211, %mul3A_1215 : vector<16xf32>
      %slice3A_1217 = vector.extract_strided_slice %get3A_1201 {offsets = [3], sizes = [1], strides = [1]} : vector<16xf32> to vector<1xf32>
      %squeeze3A_1218 = vector.extract %slice3A_1217[0] : f32 from vector<1xf32>
      %mul3A_1219 = vector.broadcast %squeeze3A_1218 : f32 to vector<16xf32>
      %mul3A_1220 = arith.mulf %gather3A_797, %mul3A_1219 : vector<16xf32>
      %add3A_1221 = arith.addf %add3A_1216, %mul3A_1220 : vector<16xf32>
      %slice3A_1222 = vector.extract_strided_slice %get3A_1201 {offsets = [4], sizes = [1], strides = [1]} : vector<16xf32> to vector<1xf32>
      %squeeze3A_1223 = vector.extract %slice3A_1222[0] : f32 from vector<1xf32>
      %mul3A_1224 = vector.broadcast %squeeze3A_1223 : f32 to vector<16xf32>
      %mul3A_1225 = arith.mulf %gather3A_800, %mul3A_1224 : vector<16xf32>
      %add3A_1226 = arith.addf %add3A_1221, %mul3A_1225 : vector<16xf32>
      %slice3A_1227 = vector.extract_strided_slice %get3A_1201 {offsets = [5], sizes = [1], strides = [1]} : vector<16xf32> to vector<1xf32>
      %squeeze3A_1228 = vector.extract %slice3A_1227[0] : f32 from vector<1xf32>
      %mul3A_1229 = vector.broadcast %squeeze3A_1228 : f32 to vector<16xf32>
      %mul3A_1230 = arith.mulf %gather3A_803, %mul3A_1229 : vector<16xf32>
      %add3A_1231 = arith.addf %add3A_1226, %mul3A_1230 : vector<16xf32>
      %slice3A_1232 = vector.extract_strided_slice %get3A_1201 {offsets = [6], sizes = [1], strides = [1]} : vector<16xf32> to vector<1xf32>
      %squeeze3A_1233 = vector.extract %slice3A_1232[0] : f32 from vector<1xf32>
      %mul3A_1234 = vector.broadcast %squeeze3A_1233 : f32 to vector<16xf32>
      %mul3A_1235 = arith.mulf %gather3A_806, %mul3A_1234 : vector<16xf32>
      %add3A_1236 = arith.addf %add3A_1231, %mul3A_1235 : vector<16xf32>
      %slice3A_1237 = vector.extract_strided_slice %get3A_1201 {offsets = [7], sizes = [1], strides = [1]} : vector<16xf32> to vector<1xf32>
      %squeeze3A_1238 = vector.extract %slice3A_1237[0] : f32 from vector<1xf32>
      %mul3A_1239 = vector.broadcast %squeeze3A_1238 : f32 to vector<16xf32>
      %mul3A_1240 = arith.mulf %gather3A_809, %mul3A_1239 : vector<16xf32>
      %add3A_1241 = arith.addf %add3A_1236, %mul3A_1240 : vector<16xf32>
      %slice3A_1242 = vector.extract_strided_slice %get3A_1201 {offsets = [8], sizes = [1], strides = [1]} : vector<16xf32> to vector<1xf32>
      %squeeze3A_1243 = vector.extract %slice3A_1242[0] : f32 from vector<1xf32>
      %mul3A_1244 = vector.broadcast %squeeze3A_1243 : f32 to vector<16xf32>
      %mul3A_1245 = arith.mulf %gather3A_812, %mul3A_1244 : vector<16xf32>
      %add3A_1246 = arith.addf %add3A_1241, %mul3A_1245 : vector<16xf32>
      %slice3A_1247 = vector.extract_strided_slice %get3A_1201 {offsets = [9], sizes = [1], strides = [1]} : vector<16xf32> to vector<1xf32>
      %squeeze3A_1248 = vector.extract %slice3A_1247[0] : f32 from vector<1xf32>
      %mul3A_1249 = vector.broadcast %squeeze3A_1248 : f32 to vector<16xf32>
      %mul3A_1250 = arith.mulf %gather3A_815, %mul3A_1249 : vector<16xf32>
      %add3A_1251 = arith.addf %add3A_1246, %mul3A_1250 : vector<16xf32>
      %slice3A_1252 = vector.extract_strided_slice %get3A_1201 {offsets = [10], sizes = [1], strides = [1]} : vector<16xf32> to vector<1xf32>
      %squeeze3A_1253 = vector.extract %slice3A_1252[0] : f32 from vector<1xf32>
      %mul3A_1254 = vector.broadcast %squeeze3A_1253 : f32 to vector<16xf32>
      %mul3A_1255 = arith.mulf %gather3A_818, %mul3A_1254 : vector<16xf32>
      %add3A_1256 = arith.addf %add3A_1251, %mul3A_1255 : vector<16xf32>
      %slice3A_1257 = vector.extract_strided_slice %get3A_1201 {offsets = [11], sizes = [1], strides = [1]} : vector<16xf32> to vector<1xf32>
      %squeeze3A_1258 = vector.extract %slice3A_1257[0] : f32 from vector<1xf32>
      %mul3A_1259 = vector.broadcast %squeeze3A_1258 : f32 to vector<16xf32>
      %mul3A_1260 = arith.mulf %gather3A_821, %mul3A_1259 : vector<16xf32>
      %add3A_1261 = arith.addf %add3A_1256, %mul3A_1260 : vector<16xf32>
      %slice3A_1262 = vector.extract_strided_slice %get3A_1201 {offsets = [12], sizes = [1], strides = [1]} : vector<16xf32> to vector<1xf32>
      %squeeze3A_1263 = vector.extract %slice3A_1262[0] : f32 from vector<1xf32>
      %mul3A_1264 = vector.broadcast %squeeze3A_1263 : f32 to vector<16xf32>
      %mul3A_1265 = arith.mulf %gather3A_824, %mul3A_1264 : vector<16xf32>
      %add3A_1266 = arith.addf %add3A_1261, %mul3A_1265 : vector<16xf32>
      %slice3A_1267 = vector.extract_strided_slice %get3A_1201 {offsets = [13], sizes = [1], strides = [1]} : vector<16xf32> to vector<1xf32>
      %squeeze3A_1268 = vector.extract %slice3A_1267[0] : f32 from vector<1xf32>
      %mul3A_1269 = vector.broadcast %squeeze3A_1268 : f32 to vector<16xf32>
      %mul3A_1270 = arith.mulf %gather3A_827, %mul3A_1269 : vector<16xf32>
      %add3A_1271 = arith.addf %add3A_1266, %mul3A_1270 : vector<16xf32>
      %slice3A_1272 = vector.extract_strided_slice %get3A_1201 {offsets = [14], sizes = [1], strides = [1]} : vector<16xf32> to vector<1xf32>
      %squeeze3A_1273 = vector.extract %slice3A_1272[0] : f32 from vector<1xf32>
      %mul3A_1274 = vector.broadcast %squeeze3A_1273 : f32 to vector<16xf32>
      %mul3A_1275 = arith.mulf %gather3A_830, %mul3A_1274 : vector<16xf32>
      %add3A_1276 = arith.addf %add3A_1271, %mul3A_1275 : vector<16xf32>
      %slice3A_1277 = vector.extract_strided_slice %get3A_1201 {offsets = [15], sizes = [1], strides = [1]} : vector<16xf32> to vector<1xf32>
      %squeeze3A_1278 = vector.extract %slice3A_1277[0] : f32 from vector<1xf32>
      %mul3A_1279 = vector.broadcast %squeeze3A_1278 : f32 to vector<16xf32>
      %mul3A_1280 = arith.mulf %gather3A_833, %mul3A_1279 : vector<16xf32>
      %add3A_1281 = arith.addf %add3A_1276, %mul3A_1280 : vector<16xf32>
      %mul3A_1282 = arith.mulf %gather3A_1196, %add3A_1281 : vector<16xf32>
      %add3A_1283 = arith.addf %add3A_1193, %mul3A_1282 : vector<16xf32>
      %broadcast_in_dim3A_1284 = arith.constant 5 : i32
      %broadcast_in_dim3A_1285 = vector.broadcast %broadcast_in_dim3A_1284 : i32 to vector<16xi32>
      %gather3A_1286 = tpu.vector_load_idx %arg16[%add3A_779, %broadcast_in_dim3A_1285] : memref<512x32xf32, #tpu.memory_space<vmem>>[vector<16xi32>, vector<16xi32>], vector<16xf32>,
      %gather3A_1287 = tpu.vector_load_idx %arg17[%add3A_779, %broadcast_in_dim3A_1285] : memref<512x32xf32, #tpu.memory_space<vmem>>[vector<16xi32>, vector<16xi32>], vector<16xf32>,
      %get3A_1288 = arith.constant 5 : i32
      %get3A_1289 = arith.index_cast %get3A_1288 : i32 to index
      %get3A_1290 = arith.constant 0 : index
      %get3A_1291 = tpu.vector_load %arg21[%get3A_1289, %get3A_1290] {strides = array<i32>} : memref<32x16xf32, #tpu.memory_space<vmem>>, vector<16xf32>,
      %slice3A_1292 = vector.extract_strided_slice %get3A_1291 {offsets = [0], sizes = [1], strides = [1]} : vector<16xf32> to vector<1xf32>
      %squeeze3A_1293 = vector.extract %slice3A_1292[0] : f32 from vector<1xf32>
      %mul3A_1294 = vector.broadcast %squeeze3A_1293 : f32 to vector<16xf32>
      %mul3A_1295 = arith.mulf %gather3A_788, %mul3A_1294 : vector<16xf32>
      %add3A_1296 = arith.addf %gather3A_1287, %mul3A_1295 : vector<16xf32>
      %slice3A_1297 = vector.extract_strided_slice %get3A_1291 {offsets = [1], sizes = [1], strides = [1]} : vector<16xf32> to vector<1xf32>
      %squeeze3A_1298 = vector.extract %slice3A_1297[0] : f32 from vector<1xf32>
      %mul3A_1299 = vector.broadcast %squeeze3A_1298 : f32 to vector<16xf32>
      %mul3A_1300 = arith.mulf %gather3A_791, %mul3A_1299 : vector<16xf32>
      %add3A_1301 = arith.addf %add3A_1296, %mul3A_1300 : vector<16xf32>
      %slice3A_1302 = vector.extract_strided_slice %get3A_1291 {offsets = [2], sizes = [1], strides = [1]} : vector<16xf32> to vector<1xf32>
      %squeeze3A_1303 = vector.extract %slice3A_1302[0] : f32 from vector<1xf32>
      %mul3A_1304 = vector.broadcast %squeeze3A_1303 : f32 to vector<16xf32>
      %mul3A_1305 = arith.mulf %gather3A_794, %mul3A_1304 : vector<16xf32>
      %add3A_1306 = arith.addf %add3A_1301, %mul3A_1305 : vector<16xf32>
      %slice3A_1307 = vector.extract_strided_slice %get3A_1291 {offsets = [3], sizes = [1], strides = [1]} : vector<16xf32> to vector<1xf32>
      %squeeze3A_1308 = vector.extract %slice3A_1307[0] : f32 from vector<1xf32>
      %mul3A_1309 = vector.broadcast %squeeze3A_1308 : f32 to vector<16xf32>
      %mul3A_1310 = arith.mulf %gather3A_797, %mul3A_1309 : vector<16xf32>
      %add3A_1311 = arith.addf %add3A_1306, %mul3A_1310 : vector<16xf32>
      %slice3A_1312 = vector.extract_strided_slice %get3A_1291 {offsets = [4], sizes = [1], strides = [1]} : vector<16xf32> to vector<1xf32>
      %squeeze3A_1313 = vector.extract %slice3A_1312[0] : f32 from vector<1xf32>
      %mul3A_1314 = vector.broadcast %squeeze3A_1313 : f32 to vector<16xf32>
      %mul3A_1315 = arith.mulf %gather3A_800, %mul3A_1314 : vector<16xf32>
      %add3A_1316 = arith.addf %add3A_1311, %mul3A_1315 : vector<16xf32>
      %slice3A_1317 = vector.extract_strided_slice %get3A_1291 {offsets = [5], sizes = [1], strides = [1]} : vector<16xf32> to vector<1xf32>
      %squeeze3A_1318 = vector.extract %slice3A_1317[0] : f32 from vector<1xf32>
      %mul3A_1319 = vector.broadcast %squeeze3A_1318 : f32 to vector<16xf32>
      %mul3A_1320 = arith.mulf %gather3A_803, %mul3A_1319 : vector<16xf32>
      %add3A_1321 = arith.addf %add3A_1316, %mul3A_1320 : vector<16xf32>
      %slice3A_1322 = vector.extract_strided_slice %get3A_1291 {offsets = [6], sizes = [1], strides = [1]} : vector<16xf32> to vector<1xf32>
      %squeeze3A_1323 = vector.extract %slice3A_1322[0] : f32 from vector<1xf32>
      %mul3A_1324 = vector.broadcast %squeeze3A_1323 : f32 to vector<16xf32>
      %mul3A_1325 = arith.mulf %gather3A_806, %mul3A_1324 : vector<16xf32>
      %add3A_1326 = arith.addf %add3A_1321, %mul3A_1325 : vector<16xf32>
      %slice3A_1327 = vector.extract_strided_slice %get3A_1291 {offsets = [7], sizes = [1], strides = [1]} : vector<16xf32> to vector<1xf32>
      %squeeze3A_1328 = vector.extract %slice3A_1327[0] : f32 from vector<1xf32>
      %mul3A_1329 = vector.broadcast %squeeze3A_1328 : f32 to vector<16xf32>
      %mul3A_1330 = arith.mulf %gather3A_809, %mul3A_1329 : vector<16xf32>
      %add3A_1331 = arith.addf %add3A_1326, %mul3A_1330 : vector<16xf32>
      %slice3A_1332 = vector.extract_strided_slice %get3A_1291 {offsets = [8], sizes = [1], strides = [1]} : vector<16xf32> to vector<1xf32>
      %squeeze3A_1333 = vector.extract %slice3A_1332[0] : f32 from vector<1xf32>
      %mul3A_1334 = vector.broadcast %squeeze3A_1333 : f32 to vector<16xf32>
      %mul3A_1335 = arith.mulf %gather3A_812, %mul3A_1334 : vector<16xf32>
      %add3A_1336 = arith.addf %add3A_1331, %mul3A_1335 : vector<16xf32>
      %slice3A_1337 = vector.extract_strided_slice %get3A_1291 {offsets = [9], sizes = [1], strides = [1]} : vector<16xf32> to vector<1xf32>
      %squeeze3A_1338 = vector.extract %slice3A_1337[0] : f32 from vector<1xf32>
      %mul3A_1339 = vector.broadcast %squeeze3A_1338 : f32 to vector<16xf32>
      %mul3A_1340 = arith.mulf %gather3A_815, %mul3A_1339 : vector<16xf32>
      %add3A_1341 = arith.addf %add3A_1336, %mul3A_1340 : vector<16xf32>
      %slice3A_1342 = vector.extract_strided_slice %get3A_1291 {offsets = [10], sizes = [1], strides = [1]} : vector<16xf32> to vector<1xf32>
      %squeeze3A_1343 = vector.extract %slice3A_1342[0] : f32 from vector<1xf32>
      %mul3A_1344 = vector.broadcast %squeeze3A_1343 : f32 to vector<16xf32>
      %mul3A_1345 = arith.mulf %gather3A_818, %mul3A_1344 : vector<16xf32>
      %add3A_1346 = arith.addf %add3A_1341, %mul3A_1345 : vector<16xf32>
      %slice3A_1347 = vector.extract_strided_slice %get3A_1291 {offsets = [11], sizes = [1], strides = [1]} : vector<16xf32> to vector<1xf32>
      %squeeze3A_1348 = vector.extract %slice3A_1347[0] : f32 from vector<1xf32>
      %mul3A_1349 = vector.broadcast %squeeze3A_1348 : f32 to vector<16xf32>
      %mul3A_1350 = arith.mulf %gather3A_821, %mul3A_1349 : vector<16xf32>
      %add3A_1351 = arith.addf %add3A_1346, %mul3A_1350 : vector<16xf32>
      %slice3A_1352 = vector.extract_strided_slice %get3A_1291 {offsets = [12], sizes = [1], strides = [1]} : vector<16xf32> to vector<1xf32>
      %squeeze3A_1353 = vector.extract %slice3A_1352[0] : f32 from vector<1xf32>
      %mul3A_1354 = vector.broadcast %squeeze3A_1353 : f32 to vector<16xf32>
      %mul3A_1355 = arith.mulf %gather3A_824, %mul3A_1354 : vector<16xf32>
      %add3A_1356 = arith.addf %add3A_1351, %mul3A_1355 : vector<16xf32>
      %slice3A_1357 = vector.extract_strided_slice %get3A_1291 {offsets = [13], sizes = [1], strides = [1]} : vector<16xf32> to vector<1xf32>
      %squeeze3A_1358 = vector.extract %slice3A_1357[0] : f32 from vector<1xf32>
      %mul3A_1359 = vector.broadcast %squeeze3A_1358 : f32 to vector<16xf32>
      %mul3A_1360 = arith.mulf %gather3A_827, %mul3A_1359 : vector<16xf32>
      %add3A_1361 = arith.addf %add3A_1356, %mul3A_1360 : vector<16xf32>
      %slice3A_1362 = vector.extract_strided_slice %get3A_1291 {offsets = [14], sizes = [1], strides = [1]} : vector<16xf32> to vector<1xf32>
      %squeeze3A_1363 = vector.extract %slice3A_1362[0] : f32 from vector<1xf32>
      %mul3A_1364 = vector.broadcast %squeeze3A_1363 : f32 to vector<16xf32>
      %mul3A_1365 = arith.mulf %gather3A_830, %mul3A_1364 : vector<16xf32>
      %add3A_1366 = arith.addf %add3A_1361, %mul3A_1365 : vector<16xf32>
      %slice3A_1367 = vector.extract_strided_slice %get3A_1291 {offsets = [15], sizes = [1], strides = [1]} : vector<16xf32> to vector<1xf32>
      %squeeze3A_1368 = vector.extract %slice3A_1367[0] : f32 from vector<1xf32>
      %mul3A_1369 = vector.broadcast %squeeze3A_1368 : f32 to vector<16xf32>
      %mul3A_1370 = arith.mulf %gather3A_833, %mul3A_1369 : vector<16xf32>
      %add3A_1371 = arith.addf %add3A_1366, %mul3A_1370 : vector<16xf32>
      %mul3A_1372 = arith.mulf %gather3A_1286, %add3A_1371 : vector<16xf32>
      %add3A_1373 = arith.addf %add3A_1283, %mul3A_1372 : vector<16xf32>
      %broadcast_in_dim3A_1374 = arith.constant 6 : i32
      %broadcast_in_dim3A_1375 = vector.broadcast %broadcast_in_dim3A_1374 : i32 to vector<16xi32>
      %gather3A_1376 = tpu.vector_load_idx %arg16[%add3A_779, %broadcast_in_dim3A_1375] : memref<512x32xf32, #tpu.memory_space<vmem>>[vector<16xi32>, vector<16xi32>], vector<16xf32>,
      %gather3A_1377 = tpu.vector_load_idx %arg17[%add3A_779, %broadcast_in_dim3A_1375] : memref<512x32xf32, #tpu.memory_space<vmem>>[vector<16xi32>, vector<16xi32>], vector<16xf32>,
      %get3A_1378 = arith.constant 6 : i32
      %get3A_1379 = arith.index_cast %get3A_1378 : i32 to index
      %get3A_1380 = arith.constant 0 : index
      %get3A_1381 = tpu.vector_load %arg21[%get3A_1379, %get3A_1380] {strides = array<i32>} : memref<32x16xf32, #tpu.memory_space<vmem>>, vector<16xf32>,
      %slice3A_1382 = vector.extract_strided_slice %get3A_1381 {offsets = [0], sizes = [1], strides = [1]} : vector<16xf32> to vector<1xf32>
      %squeeze3A_1383 = vector.extract %slice3A_1382[0] : f32 from vector<1xf32>
      %mul3A_1384 = vector.broadcast %squeeze3A_1383 : f32 to vector<16xf32>
      %mul3A_1385 = arith.mulf %gather3A_788, %mul3A_1384 : vector<16xf32>
      %add3A_1386 = arith.addf %gather3A_1377, %mul3A_1385 : vector<16xf32>
      %slice3A_1387 = vector.extract_strided_slice %get3A_1381 {offsets = [1], sizes = [1], strides = [1]} : vector<16xf32> to vector<1xf32>
      %squeeze3A_1388 = vector.extract %slice3A_1387[0] : f32 from vector<1xf32>
      %mul3A_1389 = vector.broadcast %squeeze3A_1388 : f32 to vector<16xf32>
      %mul3A_1390 = arith.mulf %gather3A_791, %mul3A_1389 : vector<16xf32>
      %add3A_1391 = arith.addf %add3A_1386, %mul3A_1390 : vector<16xf32>
      %slice3A_1392 = vector.extract_strided_slice %get3A_1381 {offsets = [2], sizes = [1], strides = [1]} : vector<16xf32> to vector<1xf32>
      %squeeze3A_1393 = vector.extract %slice3A_1392[0] : f32 from vector<1xf32>
      %mul3A_1394 = vector.broadcast %squeeze3A_1393 : f32 to vector<16xf32>
      %mul3A_1395 = arith.mulf %gather3A_794, %mul3A_1394 : vector<16xf32>
      %add3A_1396 = arith.addf %add3A_1391, %mul3A_1395 : vector<16xf32>
      %slice3A_1397 = vector.extract_strided_slice %get3A_1381 {offsets = [3], sizes = [1], strides = [1]} : vector<16xf32> to vector<1xf32>
      %squeeze3A_1398 = vector.extract %slice3A_1397[0] : f32 from vector<1xf32>
      %mul3A_1399 = vector.broadcast %squeeze3A_1398 : f32 to vector<16xf32>
      %mul3A_1400 = arith.mulf %gather3A_797, %mul3A_1399 : vector<16xf32>
      %add3A_1401 = arith.addf %add3A_1396, %mul3A_1400 : vector<16xf32>
      %slice3A_1402 = vector.extract_strided_slice %get3A_1381 {offsets = [4], sizes = [1], strides = [1]} : vector<16xf32> to vector<1xf32>
      %squeeze3A_1403 = vector.extract %slice3A_1402[0] : f32 from vector<1xf32>
      %mul3A_1404 = vector.broadcast %squeeze3A_1403 : f32 to vector<16xf32>
      %mul3A_1405 = arith.mulf %gather3A_800, %mul3A_1404 : vector<16xf32>
      %add3A_1406 = arith.addf %add3A_1401, %mul3A_1405 : vector<16xf32>
      %slice3A_1407 = vector.extract_strided_slice %get3A_1381 {offsets = [5], sizes = [1], strides = [1]} : vector<16xf32> to vector<1xf32>
      %squeeze3A_1408 = vector.extract %slice3A_1407[0] : f32 from vector<1xf32>
      %mul3A_1409 = vector.broadcast %squeeze3A_1408 : f32 to vector<16xf32>
      %mul3A_1410 = arith.mulf %gather3A_803, %mul3A_1409 : vector<16xf32>
      %add3A_1411 = arith.addf %add3A_1406, %mul3A_1410 : vector<16xf32>
      %slice3A_1412 = vector.extract_strided_slice %get3A_1381 {offsets = [6], sizes = [1], strides = [1]} : vector<16xf32> to vector<1xf32>
      %squeeze3A_1413 = vector.extract %slice3A_1412[0] : f32 from vector<1xf32>
      %mul3A_1414 = vector.broadcast %squeeze3A_1413 : f32 to vector<16xf32>
      %mul3A_1415 = arith.mulf %gather3A_806, %mul3A_1414 : vector<16xf32>
      %add3A_1416 = arith.addf %add3A_1411, %mul3A_1415 : vector<16xf32>
      %slice3A_1417 = vector.extract_strided_slice %get3A_1381 {offsets = [7], sizes = [1], strides = [1]} : vector<16xf32> to vector<1xf32>
      %squeeze3A_1418 = vector.extract %slice3A_1417[0] : f32 from vector<1xf32>
      %mul3A_1419 = vector.broadcast %squeeze3A_1418 : f32 to vector<16xf32>
      %mul3A_1420 = arith.mulf %gather3A_809, %mul3A_1419 : vector<16xf32>
      %add3A_1421 = arith.addf %add3A_1416, %mul3A_1420 : vector<16xf32>
      %slice3A_1422 = vector.extract_strided_slice %get3A_1381 {offsets = [8], sizes = [1], strides = [1]} : vector<16xf32> to vector<1xf32>
      %squeeze3A_1423 = vector.extract %slice3A_1422[0] : f32 from vector<1xf32>
      %mul3A_1424 = vector.broadcast %squeeze3A_1423 : f32 to vector<16xf32>
      %mul3A_1425 = arith.mulf %gather3A_812, %mul3A_1424 : vector<16xf32>
      %add3A_1426 = arith.addf %add3A_1421, %mul3A_1425 : vector<16xf32>
      %slice3A_1427 = vector.extract_strided_slice %get3A_1381 {offsets = [9], sizes = [1], strides = [1]} : vector<16xf32> to vector<1xf32>
      %squeeze3A_1428 = vector.extract %slice3A_1427[0] : f32 from vector<1xf32>
      %mul3A_1429 = vector.broadcast %squeeze3A_1428 : f32 to vector<16xf32>
      %mul3A_1430 = arith.mulf %gather3A_815, %mul3A_1429 : vector<16xf32>
      %add3A_1431 = arith.addf %add3A_1426, %mul3A_1430 : vector<16xf32>
      %slice3A_1432 = vector.extract_strided_slice %get3A_1381 {offsets = [10], sizes = [1], strides = [1]} : vector<16xf32> to vector<1xf32>
      %squeeze3A_1433 = vector.extract %slice3A_1432[0] : f32 from vector<1xf32>
      %mul3A_1434 = vector.broadcast %squeeze3A_1433 : f32 to vector<16xf32>
      %mul3A_1435 = arith.mulf %gather3A_818, %mul3A_1434 : vector<16xf32>
      %add3A_1436 = arith.addf %add3A_1431, %mul3A_1435 : vector<16xf32>
      %slice3A_1437 = vector.extract_strided_slice %get3A_1381 {offsets = [11], sizes = [1], strides = [1]} : vector<16xf32> to vector<1xf32>
      %squeeze3A_1438 = vector.extract %slice3A_1437[0] : f32 from vector<1xf32>
      %mul3A_1439 = vector.broadcast %squeeze3A_1438 : f32 to vector<16xf32>
      %mul3A_1440 = arith.mulf %gather3A_821, %mul3A_1439 : vector<16xf32>
      %add3A_1441 = arith.addf %add3A_1436, %mul3A_1440 : vector<16xf32>
      %slice3A_1442 = vector.extract_strided_slice %get3A_1381 {offsets = [12], sizes = [1], strides = [1]} : vector<16xf32> to vector<1xf32>
      %squeeze3A_1443 = vector.extract %slice3A_1442[0] : f32 from vector<1xf32>
      %mul3A_1444 = vector.broadcast %squeeze3A_1443 : f32 to vector<16xf32>
      %mul3A_1445 = arith.mulf %gather3A_824, %mul3A_1444 : vector<16xf32>
      %add3A_1446 = arith.addf %add3A_1441, %mul3A_1445 : vector<16xf32>
      %slice3A_1447 = vector.extract_strided_slice %get3A_1381 {offsets = [13], sizes = [1], strides = [1]} : vector<16xf32> to vector<1xf32>
      %squeeze3A_1448 = vector.extract %slice3A_1447[0] : f32 from vector<1xf32>
      %mul3A_1449 = vector.broadcast %squeeze3A_1448 : f32 to vector<16xf32>
      %mul3A_1450 = arith.mulf %gather3A_827, %mul3A_1449 : vector<16xf32>
      %add3A_1451 = arith.addf %add3A_1446, %mul3A_1450 : vector<16xf32>
      %slice3A_1452 = vector.extract_strided_slice %get3A_1381 {offsets = [14], sizes = [1], strides = [1]} : vector<16xf32> to vector<1xf32>
      %squeeze3A_1453 = vector.extract %slice3A_1452[0] : f32 from vector<1xf32>
      %mul3A_1454 = vector.broadcast %squeeze3A_1453 : f32 to vector<16xf32>
      %mul3A_1455 = arith.mulf %gather3A_830, %mul3A_1454 : vector<16xf32>
      %add3A_1456 = arith.addf %add3A_1451, %mul3A_1455 : vector<16xf32>
      %slice3A_1457 = vector.extract_strided_slice %get3A_1381 {offsets = [15], sizes = [1], strides = [1]} : vector<16xf32> to vector<1xf32>
      %squeeze3A_1458 = vector.extract %slice3A_1457[0] : f32 from vector<1xf32>
      %mul3A_1459 = vector.broadcast %squeeze3A_1458 : f32 to vector<16xf32>
      %mul3A_1460 = arith.mulf %gather3A_833, %mul3A_1459 : vector<16xf32>
      %add3A_1461 = arith.addf %add3A_1456, %mul3A_1460 : vector<16xf32>
      %mul3A_1462 = arith.mulf %gather3A_1376, %add3A_1461 : vector<16xf32>
      %add3A_1463 = arith.addf %add3A_1373, %mul3A_1462 : vector<16xf32>
      %broadcast_in_dim3A_1464 = arith.constant 7 : i32
      %broadcast_in_dim3A_1465 = vector.broadcast %broadcast_in_dim3A_1464 : i32 to vector<16xi32>
      %gather3A_1466 = tpu.vector_load_idx %arg16[%add3A_779, %broadcast_in_dim3A_1465] : memref<512x32xf32, #tpu.memory_space<vmem>>[vector<16xi32>, vector<16xi32>], vector<16xf32>,
      %gather3A_1467 = tpu.vector_load_idx %arg17[%add3A_779, %broadcast_in_dim3A_1465] : memref<512x32xf32, #tpu.memory_space<vmem>>[vector<16xi32>, vector<16xi32>], vector<16xf32>,
      %get3A_1468 = arith.constant 7 : i32
      %get3A_1469 = arith.index_cast %get3A_1468 : i32 to index
      %get3A_1470 = arith.constant 0 : index
      %get3A_1471 = tpu.vector_load %arg21[%get3A_1469, %get3A_1470] {strides = array<i32>} : memref<32x16xf32, #tpu.memory_space<vmem>>, vector<16xf32>,
      %slice3A_1472 = vector.extract_strided_slice %get3A_1471 {offsets = [0], sizes = [1], strides = [1]} : vector<16xf32> to vector<1xf32>
      %squeeze3A_1473 = vector.extract %slice3A_1472[0] : f32 from vector<1xf32>
      %mul3A_1474 = vector.broadcast %squeeze3A_1473 : f32 to vector<16xf32>
      %mul3A_1475 = arith.mulf %gather3A_788, %mul3A_1474 : vector<16xf32>
      %add3A_1476 = arith.addf %gather3A_1467, %mul3A_1475 : vector<16xf32>
      %slice3A_1477 = vector.extract_strided_slice %get3A_1471 {offsets = [1], sizes = [1], strides = [1]} : vector<16xf32> to vector<1xf32>
      %squeeze3A_1478 = vector.extract %slice3A_1477[0] : f32 from vector<1xf32>
      %mul3A_1479 = vector.broadcast %squeeze3A_1478 : f32 to vector<16xf32>
      %mul3A_1480 = arith.mulf %gather3A_791, %mul3A_1479 : vector<16xf32>
      %add3A_1481 = arith.addf %add3A_1476, %mul3A_1480 : vector<16xf32>
      %slice3A_1482 = vector.extract_strided_slice %get3A_1471 {offsets = [2], sizes = [1], strides = [1]} : vector<16xf32> to vector<1xf32>
      %squeeze3A_1483 = vector.extract %slice3A_1482[0] : f32 from vector<1xf32>
      %mul3A_1484 = vector.broadcast %squeeze3A_1483 : f32 to vector<16xf32>
      %mul3A_1485 = arith.mulf %gather3A_794, %mul3A_1484 : vector<16xf32>
      %add3A_1486 = arith.addf %add3A_1481, %mul3A_1485 : vector<16xf32>
      %slice3A_1487 = vector.extract_strided_slice %get3A_1471 {offsets = [3], sizes = [1], strides = [1]} : vector<16xf32> to vector<1xf32>
      %squeeze3A_1488 = vector.extract %slice3A_1487[0] : f32 from vector<1xf32>
      %mul3A_1489 = vector.broadcast %squeeze3A_1488 : f32 to vector<16xf32>
      %mul3A_1490 = arith.mulf %gather3A_797, %mul3A_1489 : vector<16xf32>
      %add3A_1491 = arith.addf %add3A_1486, %mul3A_1490 : vector<16xf32>
      %slice3A_1492 = vector.extract_strided_slice %get3A_1471 {offsets = [4], sizes = [1], strides = [1]} : vector<16xf32> to vector<1xf32>
      %squeeze3A_1493 = vector.extract %slice3A_1492[0] : f32 from vector<1xf32>
      %mul3A_1494 = vector.broadcast %squeeze3A_1493 : f32 to vector<16xf32>
      %mul3A_1495 = arith.mulf %gather3A_800, %mul3A_1494 : vector<16xf32>
      %add3A_1496 = arith.addf %add3A_1491, %mul3A_1495 : vector<16xf32>
      %slice3A_1497 = vector.extract_strided_slice %get3A_1471 {offsets = [5], sizes = [1], strides = [1]} : vector<16xf32> to vector<1xf32>
      %squeeze3A_1498 = vector.extract %slice3A_1497[0] : f32 from vector<1xf32>
      %mul3A_1499 = vector.broadcast %squeeze3A_1498 : f32 to vector<16xf32>
      %mul3A_1500 = arith.mulf %gather3A_803, %mul3A_1499 : vector<16xf32>
      %add3A_1501 = arith.addf %add3A_1496, %mul3A_1500 : vector<16xf32>
      %slice3A_1502 = vector.extract_strided_slice %get3A_1471 {offsets = [6], sizes = [1], strides = [1]} : vector<16xf32> to vector<1xf32>
      %squeeze3A_1503 = vector.extract %slice3A_1502[0] : f32 from vector<1xf32>
      %mul3A_1504 = vector.broadcast %squeeze3A_1503 : f32 to vector<16xf32>
      %mul3A_1505 = arith.mulf %gather3A_806, %mul3A_1504 : vector<16xf32>
      %add3A_1506 = arith.addf %add3A_1501, %mul3A_1505 : vector<16xf32>
      %slice3A_1507 = vector.extract_strided_slice %get3A_1471 {offsets = [7], sizes = [1], strides = [1]} : vector<16xf32> to vector<1xf32>
      %squeeze3A_1508 = vector.extract %slice3A_1507[0] : f32 from vector<1xf32>
      %mul3A_1509 = vector.broadcast %squeeze3A_1508 : f32 to vector<16xf32>
      %mul3A_1510 = arith.mulf %gather3A_809, %mul3A_1509 : vector<16xf32>
      %add3A_1511 = arith.addf %add3A_1506, %mul3A_1510 : vector<16xf32>
      %slice3A_1512 = vector.extract_strided_slice %get3A_1471 {offsets = [8], sizes = [1], strides = [1]} : vector<16xf32> to vector<1xf32>
      %squeeze3A_1513 = vector.extract %slice3A_1512[0] : f32 from vector<1xf32>
      %mul3A_1514 = vector.broadcast %squeeze3A_1513 : f32 to vector<16xf32>
      %mul3A_1515 = arith.mulf %gather3A_812, %mul3A_1514 : vector<16xf32>
      %add3A_1516 = arith.addf %add3A_1511, %mul3A_1515 : vector<16xf32>
      %slice3A_1517 = vector.extract_strided_slice %get3A_1471 {offsets = [9], sizes = [1], strides = [1]} : vector<16xf32> to vector<1xf32>
      %squeeze3A_1518 = vector.extract %slice3A_1517[0] : f32 from vector<1xf32>
      %mul3A_1519 = vector.broadcast %squeeze3A_1518 : f32 to vector<16xf32>
      %mul3A_1520 = arith.mulf %gather3A_815, %mul3A_1519 : vector<16xf32>
      %add3A_1521 = arith.addf %add3A_1516, %mul3A_1520 : vector<16xf32>
      %slice3A_1522 = vector.extract_strided_slice %get3A_1471 {offsets = [10], sizes = [1], strides = [1]} : vector<16xf32> to vector<1xf32>
      %squeeze3A_1523 = vector.extract %slice3A_1522[0] : f32 from vector<1xf32>
      %mul3A_1524 = vector.broadcast %squeeze3A_1523 : f32 to vector<16xf32>
      %mul3A_1525 = arith.mulf %gather3A_818, %mul3A_1524 : vector<16xf32>
      %add3A_1526 = arith.addf %add3A_1521, %mul3A_1525 : vector<16xf32>
      %slice3A_1527 = vector.extract_strided_slice %get3A_1471 {offsets = [11], sizes = [1], strides = [1]} : vector<16xf32> to vector<1xf32>
      %squeeze3A_1528 = vector.extract %slice3A_1527[0] : f32 from vector<1xf32>
      %mul3A_1529 = vector.broadcast %squeeze3A_1528 : f32 to vector<16xf32>
      %mul3A_1530 = arith.mulf %gather3A_821, %mul3A_1529 : vector<16xf32>
      %add3A_1531 = arith.addf %add3A_1526, %mul3A_1530 : vector<16xf32>
      %slice3A_1532 = vector.extract_strided_slice %get3A_1471 {offsets = [12], sizes = [1], strides = [1]} : vector<16xf32> to vector<1xf32>
      %squeeze3A_1533 = vector.extract %slice3A_1532[0] : f32 from vector<1xf32>
      %mul3A_1534 = vector.broadcast %squeeze3A_1533 : f32 to vector<16xf32>
      %mul3A_1535 = arith.mulf %gather3A_824, %mul3A_1534 : vector<16xf32>
      %add3A_1536 = arith.addf %add3A_1531, %mul3A_1535 : vector<16xf32>
      %slice3A_1537 = vector.extract_strided_slice %get3A_1471 {offsets = [13], sizes = [1], strides = [1]} : vector<16xf32> to vector<1xf32>
      %squeeze3A_1538 = vector.extract %slice3A_1537[0] : f32 from vector<1xf32>
      %mul3A_1539 = vector.broadcast %squeeze3A_1538 : f32 to vector<16xf32>
      %mul3A_1540 = arith.mulf %gather3A_827, %mul3A_1539 : vector<16xf32>
      %add3A_1541 = arith.addf %add3A_1536, %mul3A_1540 : vector<16xf32>
      %slice3A_1542 = vector.extract_strided_slice %get3A_1471 {offsets = [14], sizes = [1], strides = [1]} : vector<16xf32> to vector<1xf32>
      %squeeze3A_1543 = vector.extract %slice3A_1542[0] : f32 from vector<1xf32>
      %mul3A_1544 = vector.broadcast %squeeze3A_1543 : f32 to vector<16xf32>
      %mul3A_1545 = arith.mulf %gather3A_830, %mul3A_1544 : vector<16xf32>
      %add3A_1546 = arith.addf %add3A_1541, %mul3A_1545 : vector<16xf32>
      %slice3A_1547 = vector.extract_strided_slice %get3A_1471 {offsets = [15], sizes = [1], strides = [1]} : vector<16xf32> to vector<1xf32>
      %squeeze3A_1548 = vector.extract %slice3A_1547[0] : f32 from vector<1xf32>
      %mul3A_1549 = vector.broadcast %squeeze3A_1548 : f32 to vector<16xf32>
      %mul3A_1550 = arith.mulf %gather3A_833, %mul3A_1549 : vector<16xf32>
      %add3A_1551 = arith.addf %add3A_1546, %mul3A_1550 : vector<16xf32>
      %mul3A_1552 = arith.mulf %gather3A_1466, %add3A_1551 : vector<16xf32>
      %add3A_1553 = arith.addf %add3A_1463, %mul3A_1552 : vector<16xf32>
      %broadcast_in_dim3A_1554 = arith.constant 8 : i32
      %broadcast_in_dim3A_1555 = vector.broadcast %broadcast_in_dim3A_1554 : i32 to vector<16xi32>
      %gather3A_1556 = tpu.vector_load_idx %arg16[%add3A_779, %broadcast_in_dim3A_1555] : memref<512x32xf32, #tpu.memory_space<vmem>>[vector<16xi32>, vector<16xi32>], vector<16xf32>,
      %gather3A_1557 = tpu.vector_load_idx %arg17[%add3A_779, %broadcast_in_dim3A_1555] : memref<512x32xf32, #tpu.memory_space<vmem>>[vector<16xi32>, vector<16xi32>], vector<16xf32>,
      %get3A_1558 = arith.constant 8 : i32
      %get3A_1559 = arith.index_cast %get3A_1558 : i32 to index
      %get3A_1560 = arith.constant 0 : index
      %get3A_1561 = tpu.vector_load %arg21[%get3A_1559, %get3A_1560] {strides = array<i32>} : memref<32x16xf32, #tpu.memory_space<vmem>>, vector<16xf32>,
      %slice3A_1562 = vector.extract_strided_slice %get3A_1561 {offsets = [0], sizes = [1], strides = [1]} : vector<16xf32> to vector<1xf32>
      %squeeze3A_1563 = vector.extract %slice3A_1562[0] : f32 from vector<1xf32>
      %mul3A_1564 = vector.broadcast %squeeze3A_1563 : f32 to vector<16xf32>
      %mul3A_1565 = arith.mulf %gather3A_788, %mul3A_1564 : vector<16xf32>
      %add3A_1566 = arith.addf %gather3A_1557, %mul3A_1565 : vector<16xf32>
      %slice3A_1567 = vector.extract_strided_slice %get3A_1561 {offsets = [1], sizes = [1], strides = [1]} : vector<16xf32> to vector<1xf32>
      %squeeze3A_1568 = vector.extract %slice3A_1567[0] : f32 from vector<1xf32>
      %mul3A_1569 = vector.broadcast %squeeze3A_1568 : f32 to vector<16xf32>
      %mul3A_1570 = arith.mulf %gather3A_791, %mul3A_1569 : vector<16xf32>
      %add3A_1571 = arith.addf %add3A_1566, %mul3A_1570 : vector<16xf32>
      %slice3A_1572 = vector.extract_strided_slice %get3A_1561 {offsets = [2], sizes = [1], strides = [1]} : vector<16xf32> to vector<1xf32>
      %squeeze3A_1573 = vector.extract %slice3A_1572[0] : f32 from vector<1xf32>
      %mul3A_1574 = vector.broadcast %squeeze3A_1573 : f32 to vector<16xf32>
      %mul3A_1575 = arith.mulf %gather3A_794, %mul3A_1574 : vector<16xf32>
      %add3A_1576 = arith.addf %add3A_1571, %mul3A_1575 : vector<16xf32>
      %slice3A_1577 = vector.extract_strided_slice %get3A_1561 {offsets = [3], sizes = [1], strides = [1]} : vector<16xf32> to vector<1xf32>
      %squeeze3A_1578 = vector.extract %slice3A_1577[0] : f32 from vector<1xf32>
      %mul3A_1579 = vector.broadcast %squeeze3A_1578 : f32 to vector<16xf32>
      %mul3A_1580 = arith.mulf %gather3A_797, %mul3A_1579 : vector<16xf32>
      %add3A_1581 = arith.addf %add3A_1576, %mul3A_1580 : vector<16xf32>
      %slice3A_1582 = vector.extract_strided_slice %get3A_1561 {offsets = [4], sizes = [1], strides = [1]} : vector<16xf32> to vector<1xf32>
      %squeeze3A_1583 = vector.extract %slice3A_1582[0] : f32 from vector<1xf32>
      %mul3A_1584 = vector.broadcast %squeeze3A_1583 : f32 to vector<16xf32>
      %mul3A_1585 = arith.mulf %gather3A_800, %mul3A_1584 : vector<16xf32>
      %add3A_1586 = arith.addf %add3A_1581, %mul3A_1585 : vector<16xf32>
      %slice3A_1587 = vector.extract_strided_slice %get3A_1561 {offsets = [5], sizes = [1], strides = [1]} : vector<16xf32> to vector<1xf32>
      %squeeze3A_1588 = vector.extract %slice3A_1587[0] : f32 from vector<1xf32>
      %mul3A_1589 = vector.broadcast %squeeze3A_1588 : f32 to vector<16xf32>
      %mul3A_1590 = arith.mulf %gather3A_803, %mul3A_1589 : vector<16xf32>
      %add3A_1591 = arith.addf %add3A_1586, %mul3A_1590 : vector<16xf32>
      %slice3A_1592 = vector.extract_strided_slice %get3A_1561 {offsets = [6], sizes = [1], strides = [1]} : vector<16xf32> to vector<1xf32>
      %squeeze3A_1593 = vector.extract %slice3A_1592[0] : f32 from vector<1xf32>
      %mul3A_1594 = vector.broadcast %squeeze3A_1593 : f32 to vector<16xf32>
      %mul3A_1595 = arith.mulf %gather3A_806, %mul3A_1594 : vector<16xf32>
      %add3A_1596 = arith.addf %add3A_1591, %mul3A_1595 : vector<16xf32>
      %slice3A_1597 = vector.extract_strided_slice %get3A_1561 {offsets = [7], sizes = [1], strides = [1]} : vector<16xf32> to vector<1xf32>
      %squeeze3A_1598 = vector.extract %slice3A_1597[0] : f32 from vector<1xf32>
      %mul3A_1599 = vector.broadcast %squeeze3A_1598 : f32 to vector<16xf32>
      %mul3A_1600 = arith.mulf %gather3A_809, %mul3A_1599 : vector<16xf32>
      %add3A_1601 = arith.addf %add3A_1596, %mul3A_1600 : vector<16xf32>
      %slice3A_1602 = vector.extract_strided_slice %get3A_1561 {offsets = [8], sizes = [1], strides = [1]} : vector<16xf32> to vector<1xf32>
      %squeeze3A_1603 = vector.extract %slice3A_1602[0] : f32 from vector<1xf32>
      %mul3A_1604 = vector.broadcast %squeeze3A_1603 : f32 to vector<16xf32>
      %mul3A_1605 = arith.mulf %gather3A_812, %mul3A_1604 : vector<16xf32>
      %add3A_1606 = arith.addf %add3A_1601, %mul3A_1605 : vector<16xf32>
      %slice3A_1607 = vector.extract_strided_slice %get3A_1561 {offsets = [9], sizes = [1], strides = [1]} : vector<16xf32> to vector<1xf32>
      %squeeze3A_1608 = vector.extract %slice3A_1607[0] : f32 from vector<1xf32>
      %mul3A_1609 = vector.broadcast %squeeze3A_1608 : f32 to vector<16xf32>
      %mul3A_1610 = arith.mulf %gather3A_815, %mul3A_1609 : vector<16xf32>
      %add3A_1611 = arith.addf %add3A_1606, %mul3A_1610 : vector<16xf32>
      %slice3A_1612 = vector.extract_strided_slice %get3A_1561 {offsets = [10], sizes = [1], strides = [1]} : vector<16xf32> to vector<1xf32>
      %squeeze3A_1613 = vector.extract %slice3A_1612[0] : f32 from vector<1xf32>
      %mul3A_1614 = vector.broadcast %squeeze3A_1613 : f32 to vector<16xf32>
      %mul3A_1615 = arith.mulf %gather3A_818, %mul3A_1614 : vector<16xf32>
      %add3A_1616 = arith.addf %add3A_1611, %mul3A_1615 : vector<16xf32>
      %slice3A_1617 = vector.extract_strided_slice %get3A_1561 {offsets = [11], sizes = [1], strides = [1]} : vector<16xf32> to vector<1xf32>
      %squeeze3A_1618 = vector.extract %slice3A_1617[0] : f32 from vector<1xf32>
      %mul3A_1619 = vector.broadcast %squeeze3A_1618 : f32 to vector<16xf32>
      %mul3A_1620 = arith.mulf %gather3A_821, %mul3A_1619 : vector<16xf32>
      %add3A_1621 = arith.addf %add3A_1616, %mul3A_1620 : vector<16xf32>
      %slice3A_1622 = vector.extract_strided_slice %get3A_1561 {offsets = [12], sizes = [1], strides = [1]} : vector<16xf32> to vector<1xf32>
      %squeeze3A_1623 = vector.extract %slice3A_1622[0] : f32 from vector<1xf32>
      %mul3A_1624 = vector.broadcast %squeeze3A_1623 : f32 to vector<16xf32>
      %mul3A_1625 = arith.mulf %gather3A_824, %mul3A_1624 : vector<16xf32>
      %add3A_1626 = arith.addf %add3A_1621, %mul3A_1625 : vector<16xf32>
      %slice3A_1627 = vector.extract_strided_slice %get3A_1561 {offsets = [13], sizes = [1], strides = [1]} : vector<16xf32> to vector<1xf32>
      %squeeze3A_1628 = vector.extract %slice3A_1627[0] : f32 from vector<1xf32>
      %mul3A_1629 = vector.broadcast %squeeze3A_1628 : f32 to vector<16xf32>
      %mul3A_1630 = arith.mulf %gather3A_827, %mul3A_1629 : vector<16xf32>
      %add3A_1631 = arith.addf %add3A_1626, %mul3A_1630 : vector<16xf32>
      %slice3A_1632 = vector.extract_strided_slice %get3A_1561 {offsets = [14], sizes = [1], strides = [1]} : vector<16xf32> to vector<1xf32>
      %squeeze3A_1633 = vector.extract %slice3A_1632[0] : f32 from vector<1xf32>
      %mul3A_1634 = vector.broadcast %squeeze3A_1633 : f32 to vector<16xf32>
      %mul3A_1635 = arith.mulf %gather3A_830, %mul3A_1634 : vector<16xf32>
      %add3A_1636 = arith.addf %add3A_1631, %mul3A_1635 : vector<16xf32>
      %slice3A_1637 = vector.extract_strided_slice %get3A_1561 {offsets = [15], sizes = [1], strides = [1]} : vector<16xf32> to vector<1xf32>
      %squeeze3A_1638 = vector.extract %slice3A_1637[0] : f32 from vector<1xf32>
      %mul3A_1639 = vector.broadcast %squeeze3A_1638 : f32 to vector<16xf32>
      %mul3A_1640 = arith.mulf %gather3A_833, %mul3A_1639 : vector<16xf32>
      %add3A_1641 = arith.addf %add3A_1636, %mul3A_1640 : vector<16xf32>
      %mul3A_1642 = arith.mulf %gather3A_1556, %add3A_1641 : vector<16xf32>
      %add3A_1643 = arith.addf %add3A_1553, %mul3A_1642 : vector<16xf32>
      %broadcast_in_dim3A_1644 = arith.constant 9 : i32
      %broadcast_in_dim3A_1645 = vector.broadcast %broadcast_in_dim3A_1644 : i32 to vector<16xi32>
      %gather3A_1646 = tpu.vector_load_idx %arg16[%add3A_779, %broadcast_in_dim3A_1645] : memref<512x32xf32, #tpu.memory_space<vmem>>[vector<16xi32>, vector<16xi32>], vector<16xf32>,
      %gather3A_1647 = tpu.vector_load_idx %arg17[%add3A_779, %broadcast_in_dim3A_1645] : memref<512x32xf32, #tpu.memory_space<vmem>>[vector<16xi32>, vector<16xi32>], vector<16xf32>,
      %get3A_1648 = arith.constant 9 : i32
      %get3A_1649 = arith.index_cast %get3A_1648 : i32 to index
      %get3A_1650 = arith.constant 0 : index
      %get3A_1651 = tpu.vector_load %arg21[%get3A_1649, %get3A_1650] {strides = array<i32>} : memref<32x16xf32, #tpu.memory_space<vmem>>, vector<16xf32>,
      %slice3A_1652 = vector.extract_strided_slice %get3A_1651 {offsets = [0], sizes = [1], strides = [1]} : vector<16xf32> to vector<1xf32>
      %squeeze3A_1653 = vector.extract %slice3A_1652[0] : f32 from vector<1xf32>
      %mul3A_1654 = vector.broadcast %squeeze3A_1653 : f32 to vector<16xf32>
      %mul3A_1655 = arith.mulf %gather3A_788, %mul3A_1654 : vector<16xf32>
      %add3A_1656 = arith.addf %gather3A_1647, %mul3A_1655 : vector<16xf32>
      %slice3A_1657 = vector.extract_strided_slice %get3A_1651 {offsets = [1], sizes = [1], strides = [1]} : vector<16xf32> to vector<1xf32>
      %squeeze3A_1658 = vector.extract %slice3A_1657[0] : f32 from vector<1xf32>
      %mul3A_1659 = vector.broadcast %squeeze3A_1658 : f32 to vector<16xf32>
      %mul3A_1660 = arith.mulf %gather3A_791, %mul3A_1659 : vector<16xf32>
      %add3A_1661 = arith.addf %add3A_1656, %mul3A_1660 : vector<16xf32>
      %slice3A_1662 = vector.extract_strided_slice %get3A_1651 {offsets = [2], sizes = [1], strides = [1]} : vector<16xf32> to vector<1xf32>
      %squeeze3A_1663 = vector.extract %slice3A_1662[0] : f32 from vector<1xf32>
      %mul3A_1664 = vector.broadcast %squeeze3A_1663 : f32 to vector<16xf32>
      %mul3A_1665 = arith.mulf %gather3A_794, %mul3A_1664 : vector<16xf32>
      %add3A_1666 = arith.addf %add3A_1661, %mul3A_1665 : vector<16xf32>
      %slice3A_1667 = vector.extract_strided_slice %get3A_1651 {offsets = [3], sizes = [1], strides = [1]} : vector<16xf32> to vector<1xf32>
      %squeeze3A_1668 = vector.extract %slice3A_1667[0] : f32 from vector<1xf32>
      %mul3A_1669 = vector.broadcast %squeeze3A_1668 : f32 to vector<16xf32>
      %mul3A_1670 = arith.mulf %gather3A_797, %mul3A_1669 : vector<16xf32>
      %add3A_1671 = arith.addf %add3A_1666, %mul3A_1670 : vector<16xf32>
      %slice3A_1672 = vector.extract_strided_slice %get3A_1651 {offsets = [4], sizes = [1], strides = [1]} : vector<16xf32> to vector<1xf32>
      %squeeze3A_1673 = vector.extract %slice3A_1672[0] : f32 from vector<1xf32>
      %mul3A_1674 = vector.broadcast %squeeze3A_1673 : f32 to vector<16xf32>
      %mul3A_1675 = arith.mulf %gather3A_800, %mul3A_1674 : vector<16xf32>
      %add3A_1676 = arith.addf %add3A_1671, %mul3A_1675 : vector<16xf32>
      %slice3A_1677 = vector.extract_strided_slice %get3A_1651 {offsets = [5], sizes = [1], strides = [1]} : vector<16xf32> to vector<1xf32>
      %squeeze3A_1678 = vector.extract %slice3A_1677[0] : f32 from vector<1xf32>
      %mul3A_1679 = vector.broadcast %squeeze3A_1678 : f32 to vector<16xf32>
      %mul3A_1680 = arith.mulf %gather3A_803, %mul3A_1679 : vector<16xf32>
      %add3A_1681 = arith.addf %add3A_1676, %mul3A_1680 : vector<16xf32>
      %slice3A_1682 = vector.extract_strided_slice %get3A_1651 {offsets = [6], sizes = [1], strides = [1]} : vector<16xf32> to vector<1xf32>
      %squeeze3A_1683 = vector.extract %slice3A_1682[0] : f32 from vector<1xf32>
      %mul3A_1684 = vector.broadcast %squeeze3A_1683 : f32 to vector<16xf32>
      %mul3A_1685 = arith.mulf %gather3A_806, %mul3A_1684 : vector<16xf32>
      %add3A_1686 = arith.addf %add3A_1681, %mul3A_1685 : vector<16xf32>
      %slice3A_1687 = vector.extract_strided_slice %get3A_1651 {offsets = [7], sizes = [1], strides = [1]} : vector<16xf32> to vector<1xf32>
      %squeeze3A_1688 = vector.extract %slice3A_1687[0] : f32 from vector<1xf32>
      %mul3A_1689 = vector.broadcast %squeeze3A_1688 : f32 to vector<16xf32>
      %mul3A_1690 = arith.mulf %gather3A_809, %mul3A_1689 : vector<16xf32>
      %add3A_1691 = arith.addf %add3A_1686, %mul3A_1690 : vector<16xf32>
      %slice3A_1692 = vector.extract_strided_slice %get3A_1651 {offsets = [8], sizes = [1], strides = [1]} : vector<16xf32> to vector<1xf32>
      %squeeze3A_1693 = vector.extract %slice3A_1692[0] : f32 from vector<1xf32>
      %mul3A_1694 = vector.broadcast %squeeze3A_1693 : f32 to vector<16xf32>
      %mul3A_1695 = arith.mulf %gather3A_812, %mul3A_1694 : vector<16xf32>
      %add3A_1696 = arith.addf %add3A_1691, %mul3A_1695 : vector<16xf32>
      %slice3A_1697 = vector.extract_strided_slice %get3A_1651 {offsets = [9], sizes = [1], strides = [1]} : vector<16xf32> to vector<1xf32>
      %squeeze3A_1698 = vector.extract %slice3A_1697[0] : f32 from vector<1xf32>
      %mul3A_1699 = vector.broadcast %squeeze3A_1698 : f32 to vector<16xf32>
      %mul3A_1700 = arith.mulf %gather3A_815, %mul3A_1699 : vector<16xf32>
      %add3A_1701 = arith.addf %add3A_1696, %mul3A_1700 : vector<16xf32>
      %slice3A_1702 = vector.extract_strided_slice %get3A_1651 {offsets = [10], sizes = [1], strides = [1]} : vector<16xf32> to vector<1xf32>
      %squeeze3A_1703 = vector.extract %slice3A_1702[0] : f32 from vector<1xf32>
      %mul3A_1704 = vector.broadcast %squeeze3A_1703 : f32 to vector<16xf32>
      %mul3A_1705 = arith.mulf %gather3A_818, %mul3A_1704 : vector<16xf32>
      %add3A_1706 = arith.addf %add3A_1701, %mul3A_1705 : vector<16xf32>
      %slice3A_1707 = vector.extract_strided_slice %get3A_1651 {offsets = [11], sizes = [1], strides = [1]} : vector<16xf32> to vector<1xf32>
      %squeeze3A_1708 = vector.extract %slice3A_1707[0] : f32 from vector<1xf32>
      %mul3A_1709 = vector.broadcast %squeeze3A_1708 : f32 to vector<16xf32>
      %mul3A_1710 = arith.mulf %gather3A_821, %mul3A_1709 : vector<16xf32>
      %add3A_1711 = arith.addf %add3A_1706, %mul3A_1710 : vector<16xf32>
      %slice3A_1712 = vector.extract_strided_slice %get3A_1651 {offsets = [12], sizes = [1], strides = [1]} : vector<16xf32> to vector<1xf32>
      %squeeze3A_1713 = vector.extract %slice3A_1712[0] : f32 from vector<1xf32>
      %mul3A_1714 = vector.broadcast %squeeze3A_1713 : f32 to vector<16xf32>
      %mul3A_1715 = arith.mulf %gather3A_824, %mul3A_1714 : vector<16xf32>
      %add3A_1716 = arith.addf %add3A_1711, %mul3A_1715 : vector<16xf32>
      %slice3A_1717 = vector.extract_strided_slice %get3A_1651 {offsets = [13], sizes = [1], strides = [1]} : vector<16xf32> to vector<1xf32>
      %squeeze3A_1718 = vector.extract %slice3A_1717[0] : f32 from vector<1xf32>
      %mul3A_1719 = vector.broadcast %squeeze3A_1718 : f32 to vector<16xf32>
      %mul3A_1720 = arith.mulf %gather3A_827, %mul3A_1719 : vector<16xf32>
      %add3A_1721 = arith.addf %add3A_1716, %mul3A_1720 : vector<16xf32>
      %slice3A_1722 = vector.extract_strided_slice %get3A_1651 {offsets = [14], sizes = [1], strides = [1]} : vector<16xf32> to vector<1xf32>
      %squeeze3A_1723 = vector.extract %slice3A_1722[0] : f32 from vector<1xf32>
      %mul3A_1724 = vector.broadcast %squeeze3A_1723 : f32 to vector<16xf32>
      %mul3A_1725 = arith.mulf %gather3A_830, %mul3A_1724 : vector<16xf32>
      %add3A_1726 = arith.addf %add3A_1721, %mul3A_1725 : vector<16xf32>
      %slice3A_1727 = vector.extract_strided_slice %get3A_1651 {offsets = [15], sizes = [1], strides = [1]} : vector<16xf32> to vector<1xf32>
      %squeeze3A_1728 = vector.extract %slice3A_1727[0] : f32 from vector<1xf32>
      %mul3A_1729 = vector.broadcast %squeeze3A_1728 : f32 to vector<16xf32>
      %mul3A_1730 = arith.mulf %gather3A_833, %mul3A_1729 : vector<16xf32>
      %add3A_1731 = arith.addf %add3A_1726, %mul3A_1730 : vector<16xf32>
      %mul3A_1732 = arith.mulf %gather3A_1646, %add3A_1731 : vector<16xf32>
      %add3A_1733 = arith.addf %add3A_1643, %mul3A_1732 : vector<16xf32>
      %broadcast_in_dim3A_1734 = arith.constant 10 : i32
      %broadcast_in_dim3A_1735 = vector.broadcast %broadcast_in_dim3A_1734 : i32 to vector<16xi32>
      %gather3A_1736 = tpu.vector_load_idx %arg16[%add3A_779, %broadcast_in_dim3A_1735] : memref<512x32xf32, #tpu.memory_space<vmem>>[vector<16xi32>, vector<16xi32>], vector<16xf32>,
      %gather3A_1737 = tpu.vector_load_idx %arg17[%add3A_779, %broadcast_in_dim3A_1735] : memref<512x32xf32, #tpu.memory_space<vmem>>[vector<16xi32>, vector<16xi32>], vector<16xf32>,
      %get3A_1738 = arith.constant 10 : i32
      %get3A_1739 = arith.index_cast %get3A_1738 : i32 to index
      %get3A_1740 = arith.constant 0 : index
      %get3A_1741 = tpu.vector_load %arg21[%get3A_1739, %get3A_1740] {strides = array<i32>} : memref<32x16xf32, #tpu.memory_space<vmem>>, vector<16xf32>,
      %slice3A_1742 = vector.extract_strided_slice %get3A_1741 {offsets = [0], sizes = [1], strides = [1]} : vector<16xf32> to vector<1xf32>
      %squeeze3A_1743 = vector.extract %slice3A_1742[0] : f32 from vector<1xf32>
      %mul3A_1744 = vector.broadcast %squeeze3A_1743 : f32 to vector<16xf32>
      %mul3A_1745 = arith.mulf %gather3A_788, %mul3A_1744 : vector<16xf32>
      %add3A_1746 = arith.addf %gather3A_1737, %mul3A_1745 : vector<16xf32>
      %slice3A_1747 = vector.extract_strided_slice %get3A_1741 {offsets = [1], sizes = [1], strides = [1]} : vector<16xf32> to vector<1xf32>
      %squeeze3A_1748 = vector.extract %slice3A_1747[0] : f32 from vector<1xf32>
      %mul3A_1749 = vector.broadcast %squeeze3A_1748 : f32 to vector<16xf32>
      %mul3A_1750 = arith.mulf %gather3A_791, %mul3A_1749 : vector<16xf32>
      %add3A_1751 = arith.addf %add3A_1746, %mul3A_1750 : vector<16xf32>
      %slice3A_1752 = vector.extract_strided_slice %get3A_1741 {offsets = [2], sizes = [1], strides = [1]} : vector<16xf32> to vector<1xf32>
      %squeeze3A_1753 = vector.extract %slice3A_1752[0] : f32 from vector<1xf32>
      %mul3A_1754 = vector.broadcast %squeeze3A_1753 : f32 to vector<16xf32>
      %mul3A_1755 = arith.mulf %gather3A_794, %mul3A_1754 : vector<16xf32>
      %add3A_1756 = arith.addf %add3A_1751, %mul3A_1755 : vector<16xf32>
      %slice3A_1757 = vector.extract_strided_slice %get3A_1741 {offsets = [3], sizes = [1], strides = [1]} : vector<16xf32> to vector<1xf32>
      %squeeze3A_1758 = vector.extract %slice3A_1757[0] : f32 from vector<1xf32>
      %mul3A_1759 = vector.broadcast %squeeze3A_1758 : f32 to vector<16xf32>
      %mul3A_1760 = arith.mulf %gather3A_797, %mul3A_1759 : vector<16xf32>
      %add3A_1761 = arith.addf %add3A_1756, %mul3A_1760 : vector<16xf32>
      %slice3A_1762 = vector.extract_strided_slice %get3A_1741 {offsets = [4], sizes = [1], strides = [1]} : vector<16xf32> to vector<1xf32>
      %squeeze3A_1763 = vector.extract %slice3A_1762[0] : f32 from vector<1xf32>
      %mul3A_1764 = vector.broadcast %squeeze3A_1763 : f32 to vector<16xf32>
      %mul3A_1765 = arith.mulf %gather3A_800, %mul3A_1764 : vector<16xf32>
      %add3A_1766 = arith.addf %add3A_1761, %mul3A_1765 : vector<16xf32>
      %slice3A_1767 = vector.extract_strided_slice %get3A_1741 {offsets = [5], sizes = [1], strides = [1]} : vector<16xf32> to vector<1xf32>
      %squeeze3A_1768 = vector.extract %slice3A_1767[0] : f32 from vector<1xf32>
      %mul3A_1769 = vector.broadcast %squeeze3A_1768 : f32 to vector<16xf32>
      %mul3A_1770 = arith.mulf %gather3A_803, %mul3A_1769 : vector<16xf32>
      %add3A_1771 = arith.addf %add3A_1766, %mul3A_1770 : vector<16xf32>
      %slice3A_1772 = vector.extract_strided_slice %get3A_1741 {offsets = [6], sizes = [1], strides = [1]} : vector<16xf32> to vector<1xf32>
      %squeeze3A_1773 = vector.extract %slice3A_1772[0] : f32 from vector<1xf32>
      %mul3A_1774 = vector.broadcast %squeeze3A_1773 : f32 to vector<16xf32>
      %mul3A_1775 = arith.mulf %gather3A_806, %mul3A_1774 : vector<16xf32>
      %add3A_1776 = arith.addf %add3A_1771, %mul3A_1775 : vector<16xf32>
      %slice3A_1777 = vector.extract_strided_slice %get3A_1741 {offsets = [7], sizes = [1], strides = [1]} : vector<16xf32> to vector<1xf32>
      %squeeze3A_1778 = vector.extract %slice3A_1777[0] : f32 from vector<1xf32>
      %mul3A_1779 = vector.broadcast %squeeze3A_1778 : f32 to vector<16xf32>
      %mul3A_1780 = arith.mulf %gather3A_809, %mul3A_1779 : vector<16xf32>
      %add3A_1781 = arith.addf %add3A_1776, %mul3A_1780 : vector<16xf32>
      %slice3A_1782 = vector.extract_strided_slice %get3A_1741 {offsets = [8], sizes = [1], strides = [1]} : vector<16xf32> to vector<1xf32>
      %squeeze3A_1783 = vector.extract %slice3A_1782[0] : f32 from vector<1xf32>
      %mul3A_1784 = vector.broadcast %squeeze3A_1783 : f32 to vector<16xf32>
      %mul3A_1785 = arith.mulf %gather3A_812, %mul3A_1784 : vector<16xf32>
      %add3A_1786 = arith.addf %add3A_1781, %mul3A_1785 : vector<16xf32>
      %slice3A_1787 = vector.extract_strided_slice %get3A_1741 {offsets = [9], sizes = [1], strides = [1]} : vector<16xf32> to vector<1xf32>
      %squeeze3A_1788 = vector.extract %slice3A_1787[0] : f32 from vector<1xf32>
      %mul3A_1789 = vector.broadcast %squeeze3A_1788 : f32 to vector<16xf32>
      %mul3A_1790 = arith.mulf %gather3A_815, %mul3A_1789 : vector<16xf32>
      %add3A_1791 = arith.addf %add3A_1786, %mul3A_1790 : vector<16xf32>
      %slice3A_1792 = vector.extract_strided_slice %get3A_1741 {offsets = [10], sizes = [1], strides = [1]} : vector<16xf32> to vector<1xf32>
      %squeeze3A_1793 = vector.extract %slice3A_1792[0] : f32 from vector<1xf32>
      %mul3A_1794 = vector.broadcast %squeeze3A_1793 : f32 to vector<16xf32>
      %mul3A_1795 = arith.mulf %gather3A_818, %mul3A_1794 : vector<16xf32>
      %add3A_1796 = arith.addf %add3A_1791, %mul3A_1795 : vector<16xf32>
      %slice3A_1797 = vector.extract_strided_slice %get3A_1741 {offsets = [11], sizes = [1], strides = [1]} : vector<16xf32> to vector<1xf32>
      %squeeze3A_1798 = vector.extract %slice3A_1797[0] : f32 from vector<1xf32>
      %mul3A_1799 = vector.broadcast %squeeze3A_1798 : f32 to vector<16xf32>
      %mul3A_1800 = arith.mulf %gather3A_821, %mul3A_1799 : vector<16xf32>
      %add3A_1801 = arith.addf %add3A_1796, %mul3A_1800 : vector<16xf32>
      %slice3A_1802 = vector.extract_strided_slice %get3A_1741 {offsets = [12], sizes = [1], strides = [1]} : vector<16xf32> to vector<1xf32>
      %squeeze3A_1803 = vector.extract %slice3A_1802[0] : f32 from vector<1xf32>
      %mul3A_1804 = vector.broadcast %squeeze3A_1803 : f32 to vector<16xf32>
      %mul3A_1805 = arith.mulf %gather3A_824, %mul3A_1804 : vector<16xf32>
      %add3A_1806 = arith.addf %add3A_1801, %mul3A_1805 : vector<16xf32>
      %slice3A_1807 = vector.extract_strided_slice %get3A_1741 {offsets = [13], sizes = [1], strides = [1]} : vector<16xf32> to vector<1xf32>
      %squeeze3A_1808 = vector.extract %slice3A_1807[0] : f32 from vector<1xf32>
      %mul3A_1809 = vector.broadcast %squeeze3A_1808 : f32 to vector<16xf32>
      %mul3A_1810 = arith.mulf %gather3A_827, %mul3A_1809 : vector<16xf32>
      %add3A_1811 = arith.addf %add3A_1806, %mul3A_1810 : vector<16xf32>
      %slice3A_1812 = vector.extract_strided_slice %get3A_1741 {offsets = [14], sizes = [1], strides = [1]} : vector<16xf32> to vector<1xf32>
      %squeeze3A_1813 = vector.extract %slice3A_1812[0] : f32 from vector<1xf32>
      %mul3A_1814 = vector.broadcast %squeeze3A_1813 : f32 to vector<16xf32>
      %mul3A_1815 = arith.mulf %gather3A_830, %mul3A_1814 : vector<16xf32>
      %add3A_1816 = arith.addf %add3A_1811, %mul3A_1815 : vector<16xf32>
      %slice3A_1817 = vector.extract_strided_slice %get3A_1741 {offsets = [15], sizes = [1], strides = [1]} : vector<16xf32> to vector<1xf32>
      %squeeze3A_1818 = vector.extract %slice3A_1817[0] : f32 from vector<1xf32>
      %mul3A_1819 = vector.broadcast %squeeze3A_1818 : f32 to vector<16xf32>
      %mul3A_1820 = arith.mulf %gather3A_833, %mul3A_1819 : vector<16xf32>
      %add3A_1821 = arith.addf %add3A_1816, %mul3A_1820 : vector<16xf32>
      %mul3A_1822 = arith.mulf %gather3A_1736, %add3A_1821 : vector<16xf32>
      %add3A_1823 = arith.addf %add3A_1733, %mul3A_1822 : vector<16xf32>
      %broadcast_in_dim3A_1824 = arith.constant 11 : i32
      %broadcast_in_dim3A_1825 = vector.broadcast %broadcast_in_dim3A_1824 : i32 to vector<16xi32>
      %gather3A_1826 = tpu.vector_load_idx %arg16[%add3A_779, %broadcast_in_dim3A_1825] : memref<512x32xf32, #tpu.memory_space<vmem>>[vector<16xi32>, vector<16xi32>], vector<16xf32>,
      %gather3A_1827 = tpu.vector_load_idx %arg17[%add3A_779, %broadcast_in_dim3A_1825] : memref<512x32xf32, #tpu.memory_space<vmem>>[vector<16xi32>, vector<16xi32>], vector<16xf32>,
      %get3A_1828 = arith.constant 11 : i32
      %get3A_1829 = arith.index_cast %get3A_1828 : i32 to index
      %get3A_1830 = arith.constant 0 : index
      %get3A_1831 = tpu.vector_load %arg21[%get3A_1829, %get3A_1830] {strides = array<i32>} : memref<32x16xf32, #tpu.memory_space<vmem>>, vector<16xf32>,
      %slice3A_1832 = vector.extract_strided_slice %get3A_1831 {offsets = [0], sizes = [1], strides = [1]} : vector<16xf32> to vector<1xf32>
      %squeeze3A_1833 = vector.extract %slice3A_1832[0] : f32 from vector<1xf32>
      %mul3A_1834 = vector.broadcast %squeeze3A_1833 : f32 to vector<16xf32>
      %mul3A_1835 = arith.mulf %gather3A_788, %mul3A_1834 : vector<16xf32>
      %add3A_1836 = arith.addf %gather3A_1827, %mul3A_1835 : vector<16xf32>
      %slice3A_1837 = vector.extract_strided_slice %get3A_1831 {offsets = [1], sizes = [1], strides = [1]} : vector<16xf32> to vector<1xf32>
      %squeeze3A_1838 = vector.extract %slice3A_1837[0] : f32 from vector<1xf32>
      %mul3A_1839 = vector.broadcast %squeeze3A_1838 : f32 to vector<16xf32>
      %mul3A_1840 = arith.mulf %gather3A_791, %mul3A_1839 : vector<16xf32>
      %add3A_1841 = arith.addf %add3A_1836, %mul3A_1840 : vector<16xf32>
      %slice3A_1842 = vector.extract_strided_slice %get3A_1831 {offsets = [2], sizes = [1], strides = [1]} : vector<16xf32> to vector<1xf32>
      %squeeze3A_1843 = vector.extract %slice3A_1842[0] : f32 from vector<1xf32>
      %mul3A_1844 = vector.broadcast %squeeze3A_1843 : f32 to vector<16xf32>
      %mul3A_1845 = arith.mulf %gather3A_794, %mul3A_1844 : vector<16xf32>
      %add3A_1846 = arith.addf %add3A_1841, %mul3A_1845 : vector<16xf32>
      %slice3A_1847 = vector.extract_strided_slice %get3A_1831 {offsets = [3], sizes = [1], strides = [1]} : vector<16xf32> to vector<1xf32>
      %squeeze3A_1848 = vector.extract %slice3A_1847[0] : f32 from vector<1xf32>
      %mul3A_1849 = vector.broadcast %squeeze3A_1848 : f32 to vector<16xf32>
      %mul3A_1850 = arith.mulf %gather3A_797, %mul3A_1849 : vector<16xf32>
      %add3A_1851 = arith.addf %add3A_1846, %mul3A_1850 : vector<16xf32>
      %slice3A_1852 = vector.extract_strided_slice %get3A_1831 {offsets = [4], sizes = [1], strides = [1]} : vector<16xf32> to vector<1xf32>
      %squeeze3A_1853 = vector.extract %slice3A_1852[0] : f32 from vector<1xf32>
      %mul3A_1854 = vector.broadcast %squeeze3A_1853 : f32 to vector<16xf32>
      %mul3A_1855 = arith.mulf %gather3A_800, %mul3A_1854 : vector<16xf32>
      %add3A_1856 = arith.addf %add3A_1851, %mul3A_1855 : vector<16xf32>
      %slice3A_1857 = vector.extract_strided_slice %get3A_1831 {offsets = [5], sizes = [1], strides = [1]} : vector<16xf32> to vector<1xf32>
      %squeeze3A_1858 = vector.extract %slice3A_1857[0] : f32 from vector<1xf32>
      %mul3A_1859 = vector.broadcast %squeeze3A_1858 : f32 to vector<16xf32>
      %mul3A_1860 = arith.mulf %gather3A_803, %mul3A_1859 : vector<16xf32>
      %add3A_1861 = arith.addf %add3A_1856, %mul3A_1860 : vector<16xf32>
      %slice3A_1862 = vector.extract_strided_slice %get3A_1831 {offsets = [6], sizes = [1], strides = [1]} : vector<16xf32> to vector<1xf32>
      %squeeze3A_1863 = vector.extract %slice3A_1862[0] : f32 from vector<1xf32>
      %mul3A_1864 = vector.broadcast %squeeze3A_1863 : f32 to vector<16xf32>
      %mul3A_1865 = arith.mulf %gather3A_806, %mul3A_1864 : vector<16xf32>
      %add3A_1866 = arith.addf %add3A_1861, %mul3A_1865 : vector<16xf32>
      %slice3A_1867 = vector.extract_strided_slice %get3A_1831 {offsets = [7], sizes = [1], strides = [1]} : vector<16xf32> to vector<1xf32>
      %squeeze3A_1868 = vector.extract %slice3A_1867[0] : f32 from vector<1xf32>
      %mul3A_1869 = vector.broadcast %squeeze3A_1868 : f32 to vector<16xf32>
      %mul3A_1870 = arith.mulf %gather3A_809, %mul3A_1869 : vector<16xf32>
      %add3A_1871 = arith.addf %add3A_1866, %mul3A_1870 : vector<16xf32>
      %slice3A_1872 = vector.extract_strided_slice %get3A_1831 {offsets = [8], sizes = [1], strides = [1]} : vector<16xf32> to vector<1xf32>
      %squeeze3A_1873 = vector.extract %slice3A_1872[0] : f32 from vector<1xf32>
      %mul3A_1874 = vector.broadcast %squeeze3A_1873 : f32 to vector<16xf32>
      %mul3A_1875 = arith.mulf %gather3A_812, %mul3A_1874 : vector<16xf32>
      %add3A_1876 = arith.addf %add3A_1871, %mul3A_1875 : vector<16xf32>
      %slice3A_1877 = vector.extract_strided_slice %get3A_1831 {offsets = [9], sizes = [1], strides = [1]} : vector<16xf32> to vector<1xf32>
      %squeeze3A_1878 = vector.extract %slice3A_1877[0] : f32 from vector<1xf32>
      %mul3A_1879 = vector.broadcast %squeeze3A_1878 : f32 to vector<16xf32>
      %mul3A_1880 = arith.mulf %gather3A_815, %mul3A_1879 : vector<16xf32>
      %add3A_1881 = arith.addf %add3A_1876, %mul3A_1880 : vector<16xf32>
      %slice3A_1882 = vector.extract_strided_slice %get3A_1831 {offsets = [10], sizes = [1], strides = [1]} : vector<16xf32> to vector<1xf32>
      %squeeze3A_1883 = vector.extract %slice3A_1882[0] : f32 from vector<1xf32>
      %mul3A_1884 = vector.broadcast %squeeze3A_1883 : f32 to vector<16xf32>
      %mul3A_1885 = arith.mulf %gather3A_818, %mul3A_1884 : vector<16xf32>
      %add3A_1886 = arith.addf %add3A_1881, %mul3A_1885 : vector<16xf32>
      %slice3A_1887 = vector.extract_strided_slice %get3A_1831 {offsets = [11], sizes = [1], strides = [1]} : vector<16xf32> to vector<1xf32>
      %squeeze3A_1888 = vector.extract %slice3A_1887[0] : f32 from vector<1xf32>
      %mul3A_1889 = vector.broadcast %squeeze3A_1888 : f32 to vector<16xf32>
      %mul3A_1890 = arith.mulf %gather3A_821, %mul3A_1889 : vector<16xf32>
      %add3A_1891 = arith.addf %add3A_1886, %mul3A_1890 : vector<16xf32>
      %slice3A_1892 = vector.extract_strided_slice %get3A_1831 {offsets = [12], sizes = [1], strides = [1]} : vector<16xf32> to vector<1xf32>
      %squeeze3A_1893 = vector.extract %slice3A_1892[0] : f32 from vector<1xf32>
      %mul3A_1894 = vector.broadcast %squeeze3A_1893 : f32 to vector<16xf32>
      %mul3A_1895 = arith.mulf %gather3A_824, %mul3A_1894 : vector<16xf32>
      %add3A_1896 = arith.addf %add3A_1891, %mul3A_1895 : vector<16xf32>
      %slice3A_1897 = vector.extract_strided_slice %get3A_1831 {offsets = [13], sizes = [1], strides = [1]} : vector<16xf32> to vector<1xf32>
      %squeeze3A_1898 = vector.extract %slice3A_1897[0] : f32 from vector<1xf32>
      %mul3A_1899 = vector.broadcast %squeeze3A_1898 : f32 to vector<16xf32>
      %mul3A_1900 = arith.mulf %gather3A_827, %mul3A_1899 : vector<16xf32>
      %add3A_1901 = arith.addf %add3A_1896, %mul3A_1900 : vector<16xf32>
      %slice3A_1902 = vector.extract_strided_slice %get3A_1831 {offsets = [14], sizes = [1], strides = [1]} : vector<16xf32> to vector<1xf32>
      %squeeze3A_1903 = vector.extract %slice3A_1902[0] : f32 from vector<1xf32>
      %mul3A_1904 = vector.broadcast %squeeze3A_1903 : f32 to vector<16xf32>
      %mul3A_1905 = arith.mulf %gather3A_830, %mul3A_1904 : vector<16xf32>
      %add3A_1906 = arith.addf %add3A_1901, %mul3A_1905 : vector<16xf32>
      %slice3A_1907 = vector.extract_strided_slice %get3A_1831 {offsets = [15], sizes = [1], strides = [1]} : vector<16xf32> to vector<1xf32>
      %squeeze3A_1908 = vector.extract %slice3A_1907[0] : f32 from vector<1xf32>
      %mul3A_1909 = vector.broadcast %squeeze3A_1908 : f32 to vector<16xf32>
      %mul3A_1910 = arith.mulf %gather3A_833, %mul3A_1909 : vector<16xf32>
      %add3A_1911 = arith.addf %add3A_1906, %mul3A_1910 : vector<16xf32>
      %mul3A_1912 = arith.mulf %gather3A_1826, %add3A_1911 : vector<16xf32>
      %add3A_1913 = arith.addf %add3A_1823, %mul3A_1912 : vector<16xf32>
      %broadcast_in_dim3A_1914 = arith.constant 12 : i32
      %broadcast_in_dim3A_1915 = vector.broadcast %broadcast_in_dim3A_1914 : i32 to vector<16xi32>
      %gather3A_1916 = tpu.vector_load_idx %arg16[%add3A_779, %broadcast_in_dim3A_1915] : memref<512x32xf32, #tpu.memory_space<vmem>>[vector<16xi32>, vector<16xi32>], vector<16xf32>,
      %gather3A_1917 = tpu.vector_load_idx %arg17[%add3A_779, %broadcast_in_dim3A_1915] : memref<512x32xf32, #tpu.memory_space<vmem>>[vector<16xi32>, vector<16xi32>], vector<16xf32>,
      %get3A_1918 = arith.constant 12 : i32
      %get3A_1919 = arith.index_cast %get3A_1918 : i32 to index
      %get3A_1920 = arith.constant 0 : index
      %get3A_1921 = tpu.vector_load %arg21[%get3A_1919, %get3A_1920] {strides = array<i32>} : memref<32x16xf32, #tpu.memory_space<vmem>>, vector<16xf32>,
      %slice3A_1922 = vector.extract_strided_slice %get3A_1921 {offsets = [0], sizes = [1], strides = [1]} : vector<16xf32> to vector<1xf32>
      %squeeze3A_1923 = vector.extract %slice3A_1922[0] : f32 from vector<1xf32>
      %mul3A_1924 = vector.broadcast %squeeze3A_1923 : f32 to vector<16xf32>
      %mul3A_1925 = arith.mulf %gather3A_788, %mul3A_1924 : vector<16xf32>
      %add3A_1926 = arith.addf %gather3A_1917, %mul3A_1925 : vector<16xf32>
      %slice3A_1927 = vector.extract_strided_slice %get3A_1921 {offsets = [1], sizes = [1], strides = [1]} : vector<16xf32> to vector<1xf32>
      %squeeze3A_1928 = vector.extract %slice3A_1927[0] : f32 from vector<1xf32>
      %mul3A_1929 = vector.broadcast %squeeze3A_1928 : f32 to vector<16xf32>
      %mul3A_1930 = arith.mulf %gather3A_791, %mul3A_1929 : vector<16xf32>
      %add3A_1931 = arith.addf %add3A_1926, %mul3A_1930 : vector<16xf32>
      %slice3A_1932 = vector.extract_strided_slice %get3A_1921 {offsets = [2], sizes = [1], strides = [1]} : vector<16xf32> to vector<1xf32>
      %squeeze3A_1933 = vector.extract %slice3A_1932[0] : f32 from vector<1xf32>
      %mul3A_1934 = vector.broadcast %squeeze3A_1933 : f32 to vector<16xf32>
      %mul3A_1935 = arith.mulf %gather3A_794, %mul3A_1934 : vector<16xf32>
      %add3A_1936 = arith.addf %add3A_1931, %mul3A_1935 : vector<16xf32>
      %slice3A_1937 = vector.extract_strided_slice %get3A_1921 {offsets = [3], sizes = [1], strides = [1]} : vector<16xf32> to vector<1xf32>
      %squeeze3A_1938 = vector.extract %slice3A_1937[0] : f32 from vector<1xf32>
      %mul3A_1939 = vector.broadcast %squeeze3A_1938 : f32 to vector<16xf32>
      %mul3A_1940 = arith.mulf %gather3A_797, %mul3A_1939 : vector<16xf32>
      %add3A_1941 = arith.addf %add3A_1936, %mul3A_1940 : vector<16xf32>
      %slice3A_1942 = vector.extract_strided_slice %get3A_1921 {offsets = [4], sizes = [1], strides = [1]} : vector<16xf32> to vector<1xf32>
      %squeeze3A_1943 = vector.extract %slice3A_1942[0] : f32 from vector<1xf32>
      %mul3A_1944 = vector.broadcast %squeeze3A_1943 : f32 to vector<16xf32>
      %mul3A_1945 = arith.mulf %gather3A_800, %mul3A_1944 : vector<16xf32>
      %add3A_1946 = arith.addf %add3A_1941, %mul3A_1945 : vector<16xf32>
      %slice3A_1947 = vector.extract_strided_slice %get3A_1921 {offsets = [5], sizes = [1], strides = [1]} : vector<16xf32> to vector<1xf32>
      %squeeze3A_1948 = vector.extract %slice3A_1947[0] : f32 from vector<1xf32>
      %mul3A_1949 = vector.broadcast %squeeze3A_1948 : f32 to vector<16xf32>
      %mul3A_1950 = arith.mulf %gather3A_803, %mul3A_1949 : vector<16xf32>
      %add3A_1951 = arith.addf %add3A_1946, %mul3A_1950 : vector<16xf32>
      %slice3A_1952 = vector.extract_strided_slice %get3A_1921 {offsets = [6], sizes = [1], strides = [1]} : vector<16xf32> to vector<1xf32>
      %squeeze3A_1953 = vector.extract %slice3A_1952[0] : f32 from vector<1xf32>
      %mul3A_1954 = vector.broadcast %squeeze3A_1953 : f32 to vector<16xf32>
      %mul3A_1955 = arith.mulf %gather3A_806, %mul3A_1954 : vector<16xf32>
      %add3A_1956 = arith.addf %add3A_1951, %mul3A_1955 : vector<16xf32>
      %slice3A_1957 = vector.extract_strided_slice %get3A_1921 {offsets = [7], sizes = [1], strides = [1]} : vector<16xf32> to vector<1xf32>
      %squeeze3A_1958 = vector.extract %slice3A_1957[0] : f32 from vector<1xf32>
      %mul3A_1959 = vector.broadcast %squeeze3A_1958 : f32 to vector<16xf32>
      %mul3A_1960 = arith.mulf %gather3A_809, %mul3A_1959 : vector<16xf32>
      %add3A_1961 = arith.addf %add3A_1956, %mul3A_1960 : vector<16xf32>
      %slice3A_1962 = vector.extract_strided_slice %get3A_1921 {offsets = [8], sizes = [1], strides = [1]} : vector<16xf32> to vector<1xf32>
      %squeeze3A_1963 = vector.extract %slice3A_1962[0] : f32 from vector<1xf32>
      %mul3A_1964 = vector.broadcast %squeeze3A_1963 : f32 to vector<16xf32>
      %mul3A_1965 = arith.mulf %gather3A_812, %mul3A_1964 : vector<16xf32>
      %add3A_1966 = arith.addf %add3A_1961, %mul3A_1965 : vector<16xf32>
      %slice3A_1967 = vector.extract_strided_slice %get3A_1921 {offsets = [9], sizes = [1], strides = [1]} : vector<16xf32> to vector<1xf32>
      %squeeze3A_1968 = vector.extract %slice3A_1967[0] : f32 from vector<1xf32>
      %mul3A_1969 = vector.broadcast %squeeze3A_1968 : f32 to vector<16xf32>
      %mul3A_1970 = arith.mulf %gather3A_815, %mul3A_1969 : vector<16xf32>
      %add3A_1971 = arith.addf %add3A_1966, %mul3A_1970 : vector<16xf32>
      %slice3A_1972 = vector.extract_strided_slice %get3A_1921 {offsets = [10], sizes = [1], strides = [1]} : vector<16xf32> to vector<1xf32>
      %squeeze3A_1973 = vector.extract %slice3A_1972[0] : f32 from vector<1xf32>
      %mul3A_1974 = vector.broadcast %squeeze3A_1973 : f32 to vector<16xf32>
      %mul3A_1975 = arith.mulf %gather3A_818, %mul3A_1974 : vector<16xf32>
      %add3A_1976 = arith.addf %add3A_1971, %mul3A_1975 : vector<16xf32>
      %slice3A_1977 = vector.extract_strided_slice %get3A_1921 {offsets = [11], sizes = [1], strides = [1]} : vector<16xf32> to vector<1xf32>
      %squeeze3A_1978 = vector.extract %slice3A_1977[0] : f32 from vector<1xf32>
      %mul3A_1979 = vector.broadcast %squeeze3A_1978 : f32 to vector<16xf32>
      %mul3A_1980 = arith.mulf %gather3A_821, %mul3A_1979 : vector<16xf32>
      %add3A_1981 = arith.addf %add3A_1976, %mul3A_1980 : vector<16xf32>
      %slice3A_1982 = vector.extract_strided_slice %get3A_1921 {offsets = [12], sizes = [1], strides = [1]} : vector<16xf32> to vector<1xf32>
      %squeeze3A_1983 = vector.extract %slice3A_1982[0] : f32 from vector<1xf32>
      %mul3A_1984 = vector.broadcast %squeeze3A_1983 : f32 to vector<16xf32>
      %mul3A_1985 = arith.mulf %gather3A_824, %mul3A_1984 : vector<16xf32>
      %add3A_1986 = arith.addf %add3A_1981, %mul3A_1985 : vector<16xf32>
      %slice3A_1987 = vector.extract_strided_slice %get3A_1921 {offsets = [13], sizes = [1], strides = [1]} : vector<16xf32> to vector<1xf32>
      %squeeze3A_1988 = vector.extract %slice3A_1987[0] : f32 from vector<1xf32>
      %mul3A_1989 = vector.broadcast %squeeze3A_1988 : f32 to vector<16xf32>
      %mul3A_1990 = arith.mulf %gather3A_827, %mul3A_1989 : vector<16xf32>
      %add3A_1991 = arith.addf %add3A_1986, %mul3A_1990 : vector<16xf32>
      %slice3A_1992 = vector.extract_strided_slice %get3A_1921 {offsets = [14], sizes = [1], strides = [1]} : vector<16xf32> to vector<1xf32>
      %squeeze3A_1993 = vector.extract %slice3A_1992[0] : f32 from vector<1xf32>
      %mul3A_1994 = vector.broadcast %squeeze3A_1993 : f32 to vector<16xf32>
      %mul3A_1995 = arith.mulf %gather3A_830, %mul3A_1994 : vector<16xf32>
      %add3A_1996 = arith.addf %add3A_1991, %mul3A_1995 : vector<16xf32>
      %slice3A_1997 = vector.extract_strided_slice %get3A_1921 {offsets = [15], sizes = [1], strides = [1]} : vector<16xf32> to vector<1xf32>
      %squeeze3A_1998 = vector.extract %slice3A_1997[0] : f32 from vector<1xf32>
      %mul3A_1999 = vector.broadcast %squeeze3A_1998 : f32 to vector<16xf32>
      %mul3A_2000 = arith.mulf %gather3A_833, %mul3A_1999 : vector<16xf32>
      %add3A_2001 = arith.addf %add3A_1996, %mul3A_2000 : vector<16xf32>
      %mul3A_2002 = arith.mulf %gather3A_1916, %add3A_2001 : vector<16xf32>
      %add3A_2003 = arith.addf %add3A_1913, %mul3A_2002 : vector<16xf32>
      %broadcast_in_dim3A_2004 = arith.constant 13 : i32
      %broadcast_in_dim3A_2005 = vector.broadcast %broadcast_in_dim3A_2004 : i32 to vector<16xi32>
      %gather3A_2006 = tpu.vector_load_idx %arg16[%add3A_779, %broadcast_in_dim3A_2005] : memref<512x32xf32, #tpu.memory_space<vmem>>[vector<16xi32>, vector<16xi32>], vector<16xf32>,
      %gather3A_2007 = tpu.vector_load_idx %arg17[%add3A_779, %broadcast_in_dim3A_2005] : memref<512x32xf32, #tpu.memory_space<vmem>>[vector<16xi32>, vector<16xi32>], vector<16xf32>,
      %get3A_2008 = arith.constant 13 : i32
      %get3A_2009 = arith.index_cast %get3A_2008 : i32 to index
      %get3A_2010 = arith.constant 0 : index
      %get3A_2011 = tpu.vector_load %arg21[%get3A_2009, %get3A_2010] {strides = array<i32>} : memref<32x16xf32, #tpu.memory_space<vmem>>, vector<16xf32>,
      %slice3A_2012 = vector.extract_strided_slice %get3A_2011 {offsets = [0], sizes = [1], strides = [1]} : vector<16xf32> to vector<1xf32>
      %squeeze3A_2013 = vector.extract %slice3A_2012[0] : f32 from vector<1xf32>
      %mul3A_2014 = vector.broadcast %squeeze3A_2013 : f32 to vector<16xf32>
      %mul3A_2015 = arith.mulf %gather3A_788, %mul3A_2014 : vector<16xf32>
      %add3A_2016 = arith.addf %gather3A_2007, %mul3A_2015 : vector<16xf32>
      %slice3A_2017 = vector.extract_strided_slice %get3A_2011 {offsets = [1], sizes = [1], strides = [1]} : vector<16xf32> to vector<1xf32>
      %squeeze3A_2018 = vector.extract %slice3A_2017[0] : f32 from vector<1xf32>
      %mul3A_2019 = vector.broadcast %squeeze3A_2018 : f32 to vector<16xf32>
      %mul3A_2020 = arith.mulf %gather3A_791, %mul3A_2019 : vector<16xf32>
      %add3A_2021 = arith.addf %add3A_2016, %mul3A_2020 : vector<16xf32>
      %slice3A_2022 = vector.extract_strided_slice %get3A_2011 {offsets = [2], sizes = [1], strides = [1]} : vector<16xf32> to vector<1xf32>
      %squeeze3A_2023 = vector.extract %slice3A_2022[0] : f32 from vector<1xf32>
      %mul3A_2024 = vector.broadcast %squeeze3A_2023 : f32 to vector<16xf32>
      %mul3A_2025 = arith.mulf %gather3A_794, %mul3A_2024 : vector<16xf32>
      %add3A_2026 = arith.addf %add3A_2021, %mul3A_2025 : vector<16xf32>
      %slice3A_2027 = vector.extract_strided_slice %get3A_2011 {offsets = [3], sizes = [1], strides = [1]} : vector<16xf32> to vector<1xf32>
      %squeeze3A_2028 = vector.extract %slice3A_2027[0] : f32 from vector<1xf32>
      %mul3A_2029 = vector.broadcast %squeeze3A_2028 : f32 to vector<16xf32>
      %mul3A_2030 = arith.mulf %gather3A_797, %mul3A_2029 : vector<16xf32>
      %add3A_2031 = arith.addf %add3A_2026, %mul3A_2030 : vector<16xf32>
      %slice3A_2032 = vector.extract_strided_slice %get3A_2011 {offsets = [4], sizes = [1], strides = [1]} : vector<16xf32> to vector<1xf32>
      %squeeze3A_2033 = vector.extract %slice3A_2032[0] : f32 from vector<1xf32>
      %mul3A_2034 = vector.broadcast %squeeze3A_2033 : f32 to vector<16xf32>
      %mul3A_2035 = arith.mulf %gather3A_800, %mul3A_2034 : vector<16xf32>
      %add3A_2036 = arith.addf %add3A_2031, %mul3A_2035 : vector<16xf32>
      %slice3A_2037 = vector.extract_strided_slice %get3A_2011 {offsets = [5], sizes = [1], strides = [1]} : vector<16xf32> to vector<1xf32>
      %squeeze3A_2038 = vector.extract %slice3A_2037[0] : f32 from vector<1xf32>
      %mul3A_2039 = vector.broadcast %squeeze3A_2038 : f32 to vector<16xf32>
      %mul3A_2040 = arith.mulf %gather3A_803, %mul3A_2039 : vector<16xf32>
      %add3A_2041 = arith.addf %add3A_2036, %mul3A_2040 : vector<16xf32>
      %slice3A_2042 = vector.extract_strided_slice %get3A_2011 {offsets = [6], sizes = [1], strides = [1]} : vector<16xf32> to vector<1xf32>
      %squeeze3A_2043 = vector.extract %slice3A_2042[0] : f32 from vector<1xf32>
      %mul3A_2044 = vector.broadcast %squeeze3A_2043 : f32 to vector<16xf32>
      %mul3A_2045 = arith.mulf %gather3A_806, %mul3A_2044 : vector<16xf32>
      %add3A_2046 = arith.addf %add3A_2041, %mul3A_2045 : vector<16xf32>
      %slice3A_2047 = vector.extract_strided_slice %get3A_2011 {offsets = [7], sizes = [1], strides = [1]} : vector<16xf32> to vector<1xf32>
      %squeeze3A_2048 = vector.extract %slice3A_2047[0] : f32 from vector<1xf32>
      %mul3A_2049 = vector.broadcast %squeeze3A_2048 : f32 to vector<16xf32>
      %mul3A_2050 = arith.mulf %gather3A_809, %mul3A_2049 : vector<16xf32>
      %add3A_2051 = arith.addf %add3A_2046, %mul3A_2050 : vector<16xf32>
      %slice3A_2052 = vector.extract_strided_slice %get3A_2011 {offsets = [8], sizes = [1], strides = [1]} : vector<16xf32> to vector<1xf32>
      %squeeze3A_2053 = vector.extract %slice3A_2052[0] : f32 from vector<1xf32>
      %mul3A_2054 = vector.broadcast %squeeze3A_2053 : f32 to vector<16xf32>
      %mul3A_2055 = arith.mulf %gather3A_812, %mul3A_2054 : vector<16xf32>
      %add3A_2056 = arith.addf %add3A_2051, %mul3A_2055 : vector<16xf32>
      %slice3A_2057 = vector.extract_strided_slice %get3A_2011 {offsets = [9], sizes = [1], strides = [1]} : vector<16xf32> to vector<1xf32>
      %squeeze3A_2058 = vector.extract %slice3A_2057[0] : f32 from vector<1xf32>
      %mul3A_2059 = vector.broadcast %squeeze3A_2058 : f32 to vector<16xf32>
      %mul3A_2060 = arith.mulf %gather3A_815, %mul3A_2059 : vector<16xf32>
      %add3A_2061 = arith.addf %add3A_2056, %mul3A_2060 : vector<16xf32>
      %slice3A_2062 = vector.extract_strided_slice %get3A_2011 {offsets = [10], sizes = [1], strides = [1]} : vector<16xf32> to vector<1xf32>
      %squeeze3A_2063 = vector.extract %slice3A_2062[0] : f32 from vector<1xf32>
      %mul3A_2064 = vector.broadcast %squeeze3A_2063 : f32 to vector<16xf32>
      %mul3A_2065 = arith.mulf %gather3A_818, %mul3A_2064 : vector<16xf32>
      %add3A_2066 = arith.addf %add3A_2061, %mul3A_2065 : vector<16xf32>
      %slice3A_2067 = vector.extract_strided_slice %get3A_2011 {offsets = [11], sizes = [1], strides = [1]} : vector<16xf32> to vector<1xf32>
      %squeeze3A_2068 = vector.extract %slice3A_2067[0] : f32 from vector<1xf32>
      %mul3A_2069 = vector.broadcast %squeeze3A_2068 : f32 to vector<16xf32>
      %mul3A_2070 = arith.mulf %gather3A_821, %mul3A_2069 : vector<16xf32>
      %add3A_2071 = arith.addf %add3A_2066, %mul3A_2070 : vector<16xf32>
      %slice3A_2072 = vector.extract_strided_slice %get3A_2011 {offsets = [12], sizes = [1], strides = [1]} : vector<16xf32> to vector<1xf32>
      %squeeze3A_2073 = vector.extract %slice3A_2072[0] : f32 from vector<1xf32>
      %mul3A_2074 = vector.broadcast %squeeze3A_2073 : f32 to vector<16xf32>
      %mul3A_2075 = arith.mulf %gather3A_824, %mul3A_2074 : vector<16xf32>
      %add3A_2076 = arith.addf %add3A_2071, %mul3A_2075 : vector<16xf32>
      %slice3A_2077 = vector.extract_strided_slice %get3A_2011 {offsets = [13], sizes = [1], strides = [1]} : vector<16xf32> to vector<1xf32>
      %squeeze3A_2078 = vector.extract %slice3A_2077[0] : f32 from vector<1xf32>
      %mul3A_2079 = vector.broadcast %squeeze3A_2078 : f32 to vector<16xf32>
      %mul3A_2080 = arith.mulf %gather3A_827, %mul3A_2079 : vector<16xf32>
      %add3A_2081 = arith.addf %add3A_2076, %mul3A_2080 : vector<16xf32>
      %slice3A_2082 = vector.extract_strided_slice %get3A_2011 {offsets = [14], sizes = [1], strides = [1]} : vector<16xf32> to vector<1xf32>
      %squeeze3A_2083 = vector.extract %slice3A_2082[0] : f32 from vector<1xf32>
      %mul3A_2084 = vector.broadcast %squeeze3A_2083 : f32 to vector<16xf32>
      %mul3A_2085 = arith.mulf %gather3A_830, %mul3A_2084 : vector<16xf32>
      %add3A_2086 = arith.addf %add3A_2081, %mul3A_2085 : vector<16xf32>
      %slice3A_2087 = vector.extract_strided_slice %get3A_2011 {offsets = [15], sizes = [1], strides = [1]} : vector<16xf32> to vector<1xf32>
      %squeeze3A_2088 = vector.extract %slice3A_2087[0] : f32 from vector<1xf32>
      %mul3A_2089 = vector.broadcast %squeeze3A_2088 : f32 to vector<16xf32>
      %mul3A_2090 = arith.mulf %gather3A_833, %mul3A_2089 : vector<16xf32>
      %add3A_2091 = arith.addf %add3A_2086, %mul3A_2090 : vector<16xf32>
      %mul3A_2092 = arith.mulf %gather3A_2006, %add3A_2091 : vector<16xf32>
      %add3A_2093 = arith.addf %add3A_2003, %mul3A_2092 : vector<16xf32>
      %broadcast_in_dim3A_2094 = arith.constant 14 : i32
      %broadcast_in_dim3A_2095 = vector.broadcast %broadcast_in_dim3A_2094 : i32 to vector<16xi32>
      %gather3A_2096 = tpu.vector_load_idx %arg16[%add3A_779, %broadcast_in_dim3A_2095] : memref<512x32xf32, #tpu.memory_space<vmem>>[vector<16xi32>, vector<16xi32>], vector<16xf32>,
      %gather3A_2097 = tpu.vector_load_idx %arg17[%add3A_779, %broadcast_in_dim3A_2095] : memref<512x32xf32, #tpu.memory_space<vmem>>[vector<16xi32>, vector<16xi32>], vector<16xf32>,
      %get3A_2098 = arith.constant 14 : i32
      %get3A_2099 = arith.index_cast %get3A_2098 : i32 to index
      %get3A_2100 = arith.constant 0 : index
      %get3A_2101 = tpu.vector_load %arg21[%get3A_2099, %get3A_2100] {strides = array<i32>} : memref<32x16xf32, #tpu.memory_space<vmem>>, vector<16xf32>,
      %slice3A_2102 = vector.extract_strided_slice %get3A_2101 {offsets = [0], sizes = [1], strides = [1]} : vector<16xf32> to vector<1xf32>
      %squeeze3A_2103 = vector.extract %slice3A_2102[0] : f32 from vector<1xf32>
      %mul3A_2104 = vector.broadcast %squeeze3A_2103 : f32 to vector<16xf32>
      %mul3A_2105 = arith.mulf %gather3A_788, %mul3A_2104 : vector<16xf32>
      %add3A_2106 = arith.addf %gather3A_2097, %mul3A_2105 : vector<16xf32>
      %slice3A_2107 = vector.extract_strided_slice %get3A_2101 {offsets = [1], sizes = [1], strides = [1]} : vector<16xf32> to vector<1xf32>
      %squeeze3A_2108 = vector.extract %slice3A_2107[0] : f32 from vector<1xf32>
      %mul3A_2109 = vector.broadcast %squeeze3A_2108 : f32 to vector<16xf32>
      %mul3A_2110 = arith.mulf %gather3A_791, %mul3A_2109 : vector<16xf32>
      %add3A_2111 = arith.addf %add3A_2106, %mul3A_2110 : vector<16xf32>
      %slice3A_2112 = vector.extract_strided_slice %get3A_2101 {offsets = [2], sizes = [1], strides = [1]} : vector<16xf32> to vector<1xf32>
      %squeeze3A_2113 = vector.extract %slice3A_2112[0] : f32 from vector<1xf32>
      %mul3A_2114 = vector.broadcast %squeeze3A_2113 : f32 to vector<16xf32>
      %mul3A_2115 = arith.mulf %gather3A_794, %mul3A_2114 : vector<16xf32>
      %add3A_2116 = arith.addf %add3A_2111, %mul3A_2115 : vector<16xf32>
      %slice3A_2117 = vector.extract_strided_slice %get3A_2101 {offsets = [3], sizes = [1], strides = [1]} : vector<16xf32> to vector<1xf32>
      %squeeze3A_2118 = vector.extract %slice3A_2117[0] : f32 from vector<1xf32>
      %mul3A_2119 = vector.broadcast %squeeze3A_2118 : f32 to vector<16xf32>
      %mul3A_2120 = arith.mulf %gather3A_797, %mul3A_2119 : vector<16xf32>
      %add3A_2121 = arith.addf %add3A_2116, %mul3A_2120 : vector<16xf32>
      %slice3A_2122 = vector.extract_strided_slice %get3A_2101 {offsets = [4], sizes = [1], strides = [1]} : vector<16xf32> to vector<1xf32>
      %squeeze3A_2123 = vector.extract %slice3A_2122[0] : f32 from vector<1xf32>
      %mul3A_2124 = vector.broadcast %squeeze3A_2123 : f32 to vector<16xf32>
      %mul3A_2125 = arith.mulf %gather3A_800, %mul3A_2124 : vector<16xf32>
      %add3A_2126 = arith.addf %add3A_2121, %mul3A_2125 : vector<16xf32>
      %slice3A_2127 = vector.extract_strided_slice %get3A_2101 {offsets = [5], sizes = [1], strides = [1]} : vector<16xf32> to vector<1xf32>
      %squeeze3A_2128 = vector.extract %slice3A_2127[0] : f32 from vector<1xf32>
      %mul3A_2129 = vector.broadcast %squeeze3A_2128 : f32 to vector<16xf32>
      %mul3A_2130 = arith.mulf %gather3A_803, %mul3A_2129 : vector<16xf32>
      %add3A_2131 = arith.addf %add3A_2126, %mul3A_2130 : vector<16xf32>
      %slice3A_2132 = vector.extract_strided_slice %get3A_2101 {offsets = [6], sizes = [1], strides = [1]} : vector<16xf32> to vector<1xf32>
      %squeeze3A_2133 = vector.extract %slice3A_2132[0] : f32 from vector<1xf32>
      %mul3A_2134 = vector.broadcast %squeeze3A_2133 : f32 to vector<16xf32>
      %mul3A_2135 = arith.mulf %gather3A_806, %mul3A_2134 : vector<16xf32>
      %add3A_2136 = arith.addf %add3A_2131, %mul3A_2135 : vector<16xf32>
      %slice3A_2137 = vector.extract_strided_slice %get3A_2101 {offsets = [7], sizes = [1], strides = [1]} : vector<16xf32> to vector<1xf32>
      %squeeze3A_2138 = vector.extract %slice3A_2137[0] : f32 from vector<1xf32>
      %mul3A_2139 = vector.broadcast %squeeze3A_2138 : f32 to vector<16xf32>
      %mul3A_2140 = arith.mulf %gather3A_809, %mul3A_2139 : vector<16xf32>
      %add3A_2141 = arith.addf %add3A_2136, %mul3A_2140 : vector<16xf32>
      %slice3A_2142 = vector.extract_strided_slice %get3A_2101 {offsets = [8], sizes = [1], strides = [1]} : vector<16xf32> to vector<1xf32>
      %squeeze3A_2143 = vector.extract %slice3A_2142[0] : f32 from vector<1xf32>
      %mul3A_2144 = vector.broadcast %squeeze3A_2143 : f32 to vector<16xf32>
      %mul3A_2145 = arith.mulf %gather3A_812, %mul3A_2144 : vector<16xf32>
      %add3A_2146 = arith.addf %add3A_2141, %mul3A_2145 : vector<16xf32>
      %slice3A_2147 = vector.extract_strided_slice %get3A_2101 {offsets = [9], sizes = [1], strides = [1]} : vector<16xf32> to vector<1xf32>
      %squeeze3A_2148 = vector.extract %slice3A_2147[0] : f32 from vector<1xf32>
      %mul3A_2149 = vector.broadcast %squeeze3A_2148 : f32 to vector<16xf32>
      %mul3A_2150 = arith.mulf %gather3A_815, %mul3A_2149 : vector<16xf32>
      %add3A_2151 = arith.addf %add3A_2146, %mul3A_2150 : vector<16xf32>
      %slice3A_2152 = vector.extract_strided_slice %get3A_2101 {offsets = [10], sizes = [1], strides = [1]} : vector<16xf32> to vector<1xf32>
      %squeeze3A_2153 = vector.extract %slice3A_2152[0] : f32 from vector<1xf32>
      %mul3A_2154 = vector.broadcast %squeeze3A_2153 : f32 to vector<16xf32>
      %mul3A_2155 = arith.mulf %gather3A_818, %mul3A_2154 : vector<16xf32>
      %add3A_2156 = arith.addf %add3A_2151, %mul3A_2155 : vector<16xf32>
      %slice3A_2157 = vector.extract_strided_slice %get3A_2101 {offsets = [11], sizes = [1], strides = [1]} : vector<16xf32> to vector<1xf32>
      %squeeze3A_2158 = vector.extract %slice3A_2157[0] : f32 from vector<1xf32>
      %mul3A_2159 = vector.broadcast %squeeze3A_2158 : f32 to vector<16xf32>
      %mul3A_2160 = arith.mulf %gather3A_821, %mul3A_2159 : vector<16xf32>
      %add3A_2161 = arith.addf %add3A_2156, %mul3A_2160 : vector<16xf32>
      %slice3A_2162 = vector.extract_strided_slice %get3A_2101 {offsets = [12], sizes = [1], strides = [1]} : vector<16xf32> to vector<1xf32>
      %squeeze3A_2163 = vector.extract %slice3A_2162[0] : f32 from vector<1xf32>
      %mul3A_2164 = vector.broadcast %squeeze3A_2163 : f32 to vector<16xf32>
      %mul3A_2165 = arith.mulf %gather3A_824, %mul3A_2164 : vector<16xf32>
      %add3A_2166 = arith.addf %add3A_2161, %mul3A_2165 : vector<16xf32>
      %slice3A_2167 = vector.extract_strided_slice %get3A_2101 {offsets = [13], sizes = [1], strides = [1]} : vector<16xf32> to vector<1xf32>
      %squeeze3A_2168 = vector.extract %slice3A_2167[0] : f32 from vector<1xf32>
      %mul3A_2169 = vector.broadcast %squeeze3A_2168 : f32 to vector<16xf32>
      %mul3A_2170 = arith.mulf %gather3A_827, %mul3A_2169 : vector<16xf32>
      %add3A_2171 = arith.addf %add3A_2166, %mul3A_2170 : vector<16xf32>
      %slice3A_2172 = vector.extract_strided_slice %get3A_2101 {offsets = [14], sizes = [1], strides = [1]} : vector<16xf32> to vector<1xf32>
      %squeeze3A_2173 = vector.extract %slice3A_2172[0] : f32 from vector<1xf32>
      %mul3A_2174 = vector.broadcast %squeeze3A_2173 : f32 to vector<16xf32>
      %mul3A_2175 = arith.mulf %gather3A_830, %mul3A_2174 : vector<16xf32>
      %add3A_2176 = arith.addf %add3A_2171, %mul3A_2175 : vector<16xf32>
      %slice3A_2177 = vector.extract_strided_slice %get3A_2101 {offsets = [15], sizes = [1], strides = [1]} : vector<16xf32> to vector<1xf32>
      %squeeze3A_2178 = vector.extract %slice3A_2177[0] : f32 from vector<1xf32>
      %mul3A_2179 = vector.broadcast %squeeze3A_2178 : f32 to vector<16xf32>
      %mul3A_2180 = arith.mulf %gather3A_833, %mul3A_2179 : vector<16xf32>
      %add3A_2181 = arith.addf %add3A_2176, %mul3A_2180 : vector<16xf32>
      %mul3A_2182 = arith.mulf %gather3A_2096, %add3A_2181 : vector<16xf32>
      %add3A_2183 = arith.addf %add3A_2093, %mul3A_2182 : vector<16xf32>
      %broadcast_in_dim3A_2184 = arith.constant 15 : i32
      %broadcast_in_dim3A_2185 = vector.broadcast %broadcast_in_dim3A_2184 : i32 to vector<16xi32>
      %gather3A_2186 = tpu.vector_load_idx %arg16[%add3A_779, %broadcast_in_dim3A_2185] : memref<512x32xf32, #tpu.memory_space<vmem>>[vector<16xi32>, vector<16xi32>], vector<16xf32>,
      %gather3A_2187 = tpu.vector_load_idx %arg17[%add3A_779, %broadcast_in_dim3A_2185] : memref<512x32xf32, #tpu.memory_space<vmem>>[vector<16xi32>, vector<16xi32>], vector<16xf32>,
      %get3A_2188 = arith.constant 15 : i32
      %get3A_2189 = arith.index_cast %get3A_2188 : i32 to index
      %get3A_2190 = arith.constant 0 : index
      %get3A_2191 = tpu.vector_load %arg21[%get3A_2189, %get3A_2190] {strides = array<i32>} : memref<32x16xf32, #tpu.memory_space<vmem>>, vector<16xf32>,
      %slice3A_2192 = vector.extract_strided_slice %get3A_2191 {offsets = [0], sizes = [1], strides = [1]} : vector<16xf32> to vector<1xf32>
      %squeeze3A_2193 = vector.extract %slice3A_2192[0] : f32 from vector<1xf32>
      %mul3A_2194 = vector.broadcast %squeeze3A_2193 : f32 to vector<16xf32>
      %mul3A_2195 = arith.mulf %gather3A_788, %mul3A_2194 : vector<16xf32>
      %add3A_2196 = arith.addf %gather3A_2187, %mul3A_2195 : vector<16xf32>
      %slice3A_2197 = vector.extract_strided_slice %get3A_2191 {offsets = [1], sizes = [1], strides = [1]} : vector<16xf32> to vector<1xf32>
      %squeeze3A_2198 = vector.extract %slice3A_2197[0] : f32 from vector<1xf32>
      %mul3A_2199 = vector.broadcast %squeeze3A_2198 : f32 to vector<16xf32>
      %mul3A_2200 = arith.mulf %gather3A_791, %mul3A_2199 : vector<16xf32>
      %add3A_2201 = arith.addf %add3A_2196, %mul3A_2200 : vector<16xf32>
      %slice3A_2202 = vector.extract_strided_slice %get3A_2191 {offsets = [2], sizes = [1], strides = [1]} : vector<16xf32> to vector<1xf32>
      %squeeze3A_2203 = vector.extract %slice3A_2202[0] : f32 from vector<1xf32>
      %mul3A_2204 = vector.broadcast %squeeze3A_2203 : f32 to vector<16xf32>
      %mul3A_2205 = arith.mulf %gather3A_794, %mul3A_2204 : vector<16xf32>
      %add3A_2206 = arith.addf %add3A_2201, %mul3A_2205 : vector<16xf32>
      %slice3A_2207 = vector.extract_strided_slice %get3A_2191 {offsets = [3], sizes = [1], strides = [1]} : vector<16xf32> to vector<1xf32>
      %squeeze3A_2208 = vector.extract %slice3A_2207[0] : f32 from vector<1xf32>
      %mul3A_2209 = vector.broadcast %squeeze3A_2208 : f32 to vector<16xf32>
      %mul3A_2210 = arith.mulf %gather3A_797, %mul3A_2209 : vector<16xf32>
      %add3A_2211 = arith.addf %add3A_2206, %mul3A_2210 : vector<16xf32>
      %slice3A_2212 = vector.extract_strided_slice %get3A_2191 {offsets = [4], sizes = [1], strides = [1]} : vector<16xf32> to vector<1xf32>
      %squeeze3A_2213 = vector.extract %slice3A_2212[0] : f32 from vector<1xf32>
      %mul3A_2214 = vector.broadcast %squeeze3A_2213 : f32 to vector<16xf32>
      %mul3A_2215 = arith.mulf %gather3A_800, %mul3A_2214 : vector<16xf32>
      %add3A_2216 = arith.addf %add3A_2211, %mul3A_2215 : vector<16xf32>
      %slice3A_2217 = vector.extract_strided_slice %get3A_2191 {offsets = [5], sizes = [1], strides = [1]} : vector<16xf32> to vector<1xf32>
      %squeeze3A_2218 = vector.extract %slice3A_2217[0] : f32 from vector<1xf32>
      %mul3A_2219 = vector.broadcast %squeeze3A_2218 : f32 to vector<16xf32>
      %mul3A_2220 = arith.mulf %gather3A_803, %mul3A_2219 : vector<16xf32>
      %add3A_2221 = arith.addf %add3A_2216, %mul3A_2220 : vector<16xf32>
      %slice3A_2222 = vector.extract_strided_slice %get3A_2191 {offsets = [6], sizes = [1], strides = [1]} : vector<16xf32> to vector<1xf32>
      %squeeze3A_2223 = vector.extract %slice3A_2222[0] : f32 from vector<1xf32>
      %mul3A_2224 = vector.broadcast %squeeze3A_2223 : f32 to vector<16xf32>
      %mul3A_2225 = arith.mulf %gather3A_806, %mul3A_2224 : vector<16xf32>
      %add3A_2226 = arith.addf %add3A_2221, %mul3A_2225 : vector<16xf32>
      %slice3A_2227 = vector.extract_strided_slice %get3A_2191 {offsets = [7], sizes = [1], strides = [1]} : vector<16xf32> to vector<1xf32>
      %squeeze3A_2228 = vector.extract %slice3A_2227[0] : f32 from vector<1xf32>
      %mul3A_2229 = vector.broadcast %squeeze3A_2228 : f32 to vector<16xf32>
      %mul3A_2230 = arith.mulf %gather3A_809, %mul3A_2229 : vector<16xf32>
      %add3A_2231 = arith.addf %add3A_2226, %mul3A_2230 : vector<16xf32>
      %slice3A_2232 = vector.extract_strided_slice %get3A_2191 {offsets = [8], sizes = [1], strides = [1]} : vector<16xf32> to vector<1xf32>
      %squeeze3A_2233 = vector.extract %slice3A_2232[0] : f32 from vector<1xf32>
      %mul3A_2234 = vector.broadcast %squeeze3A_2233 : f32 to vector<16xf32>
      %mul3A_2235 = arith.mulf %gather3A_812, %mul3A_2234 : vector<16xf32>
      %add3A_2236 = arith.addf %add3A_2231, %mul3A_2235 : vector<16xf32>
      %slice3A_2237 = vector.extract_strided_slice %get3A_2191 {offsets = [9], sizes = [1], strides = [1]} : vector<16xf32> to vector<1xf32>
      %squeeze3A_2238 = vector.extract %slice3A_2237[0] : f32 from vector<1xf32>
      %mul3A_2239 = vector.broadcast %squeeze3A_2238 : f32 to vector<16xf32>
      %mul3A_2240 = arith.mulf %gather3A_815, %mul3A_2239 : vector<16xf32>
      %add3A_2241 = arith.addf %add3A_2236, %mul3A_2240 : vector<16xf32>
      %slice3A_2242 = vector.extract_strided_slice %get3A_2191 {offsets = [10], sizes = [1], strides = [1]} : vector<16xf32> to vector<1xf32>
      %squeeze3A_2243 = vector.extract %slice3A_2242[0] : f32 from vector<1xf32>
      %mul3A_2244 = vector.broadcast %squeeze3A_2243 : f32 to vector<16xf32>
      %mul3A_2245 = arith.mulf %gather3A_818, %mul3A_2244 : vector<16xf32>
      %add3A_2246 = arith.addf %add3A_2241, %mul3A_2245 : vector<16xf32>
      %slice3A_2247 = vector.extract_strided_slice %get3A_2191 {offsets = [11], sizes = [1], strides = [1]} : vector<16xf32> to vector<1xf32>
      %squeeze3A_2248 = vector.extract %slice3A_2247[0] : f32 from vector<1xf32>
      %mul3A_2249 = vector.broadcast %squeeze3A_2248 : f32 to vector<16xf32>
      %mul3A_2250 = arith.mulf %gather3A_821, %mul3A_2249 : vector<16xf32>
      %add3A_2251 = arith.addf %add3A_2246, %mul3A_2250 : vector<16xf32>
      %slice3A_2252 = vector.extract_strided_slice %get3A_2191 {offsets = [12], sizes = [1], strides = [1]} : vector<16xf32> to vector<1xf32>
      %squeeze3A_2253 = vector.extract %slice3A_2252[0] : f32 from vector<1xf32>
      %mul3A_2254 = vector.broadcast %squeeze3A_2253 : f32 to vector<16xf32>
      %mul3A_2255 = arith.mulf %gather3A_824, %mul3A_2254 : vector<16xf32>
      %add3A_2256 = arith.addf %add3A_2251, %mul3A_2255 : vector<16xf32>
      %slice3A_2257 = vector.extract_strided_slice %get3A_2191 {offsets = [13], sizes = [1], strides = [1]} : vector<16xf32> to vector<1xf32>
      %squeeze3A_2258 = vector.extract %slice3A_2257[0] : f32 from vector<1xf32>
      %mul3A_2259 = vector.broadcast %squeeze3A_2258 : f32 to vector<16xf32>
      %mul3A_2260 = arith.mulf %gather3A_827, %mul3A_2259 : vector<16xf32>
      %add3A_2261 = arith.addf %add3A_2256, %mul3A_2260 : vector<16xf32>
      %slice3A_2262 = vector.extract_strided_slice %get3A_2191 {offsets = [14], sizes = [1], strides = [1]} : vector<16xf32> to vector<1xf32>
      %squeeze3A_2263 = vector.extract %slice3A_2262[0] : f32 from vector<1xf32>
      %mul3A_2264 = vector.broadcast %squeeze3A_2263 : f32 to vector<16xf32>
      %mul3A_2265 = arith.mulf %gather3A_830, %mul3A_2264 : vector<16xf32>
      %add3A_2266 = arith.addf %add3A_2261, %mul3A_2265 : vector<16xf32>
      %slice3A_2267 = vector.extract_strided_slice %get3A_2191 {offsets = [15], sizes = [1], strides = [1]} : vector<16xf32> to vector<1xf32>
      %squeeze3A_2268 = vector.extract %slice3A_2267[0] : f32 from vector<1xf32>
      %mul3A_2269 = vector.broadcast %squeeze3A_2268 : f32 to vector<16xf32>
      %mul3A_2270 = arith.mulf %gather3A_833, %mul3A_2269 : vector<16xf32>
      %add3A_2271 = arith.addf %add3A_2266, %mul3A_2270 : vector<16xf32>
      %mul3A_2272 = arith.mulf %gather3A_2186, %add3A_2271 : vector<16xf32>
      %add3A_2273 = arith.addf %add3A_2183, %mul3A_2272 : vector<16xf32>
      %broadcast_in_dim3A_2274 = arith.constant 16 : i32
      %broadcast_in_dim3A_2275 = vector.broadcast %broadcast_in_dim3A_2274 : i32 to vector<16xi32>
      %gather3A_2276 = tpu.vector_load_idx %arg16[%add3A_779, %broadcast_in_dim3A_2275] : memref<512x32xf32, #tpu.memory_space<vmem>>[vector<16xi32>, vector<16xi32>], vector<16xf32>,
      %gather3A_2277 = tpu.vector_load_idx %arg17[%add3A_779, %broadcast_in_dim3A_2275] : memref<512x32xf32, #tpu.memory_space<vmem>>[vector<16xi32>, vector<16xi32>], vector<16xf32>,
      %get3A_2278 = arith.constant 16 : i32
      %get3A_2279 = arith.index_cast %get3A_2278 : i32 to index
      %get3A_2280 = arith.constant 0 : index
      %get3A_2281 = tpu.vector_load %arg21[%get3A_2279, %get3A_2280] {strides = array<i32>} : memref<32x16xf32, #tpu.memory_space<vmem>>, vector<16xf32>,
      %slice3A_2282 = vector.extract_strided_slice %get3A_2281 {offsets = [0], sizes = [1], strides = [1]} : vector<16xf32> to vector<1xf32>
      %squeeze3A_2283 = vector.extract %slice3A_2282[0] : f32 from vector<1xf32>
      %mul3A_2284 = vector.broadcast %squeeze3A_2283 : f32 to vector<16xf32>
      %mul3A_2285 = arith.mulf %gather3A_788, %mul3A_2284 : vector<16xf32>
      %add3A_2286 = arith.addf %gather3A_2277, %mul3A_2285 : vector<16xf32>
      %slice3A_2287 = vector.extract_strided_slice %get3A_2281 {offsets = [1], sizes = [1], strides = [1]} : vector<16xf32> to vector<1xf32>
      %squeeze3A_2288 = vector.extract %slice3A_2287[0] : f32 from vector<1xf32>
      %mul3A_2289 = vector.broadcast %squeeze3A_2288 : f32 to vector<16xf32>
      %mul3A_2290 = arith.mulf %gather3A_791, %mul3A_2289 : vector<16xf32>
      %add3A_2291 = arith.addf %add3A_2286, %mul3A_2290 : vector<16xf32>
      %slice3A_2292 = vector.extract_strided_slice %get3A_2281 {offsets = [2], sizes = [1], strides = [1]} : vector<16xf32> to vector<1xf32>
      %squeeze3A_2293 = vector.extract %slice3A_2292[0] : f32 from vector<1xf32>
      %mul3A_2294 = vector.broadcast %squeeze3A_2293 : f32 to vector<16xf32>
      %mul3A_2295 = arith.mulf %gather3A_794, %mul3A_2294 : vector<16xf32>
      %add3A_2296 = arith.addf %add3A_2291, %mul3A_2295 : vector<16xf32>
      %slice3A_2297 = vector.extract_strided_slice %get3A_2281 {offsets = [3], sizes = [1], strides = [1]} : vector<16xf32> to vector<1xf32>
      %squeeze3A_2298 = vector.extract %slice3A_2297[0] : f32 from vector<1xf32>
      %mul3A_2299 = vector.broadcast %squeeze3A_2298 : f32 to vector<16xf32>
      %mul3A_2300 = arith.mulf %gather3A_797, %mul3A_2299 : vector<16xf32>
      %add3A_2301 = arith.addf %add3A_2296, %mul3A_2300 : vector<16xf32>
      %slice3A_2302 = vector.extract_strided_slice %get3A_2281 {offsets = [4], sizes = [1], strides = [1]} : vector<16xf32> to vector<1xf32>
      %squeeze3A_2303 = vector.extract %slice3A_2302[0] : f32 from vector<1xf32>
      %mul3A_2304 = vector.broadcast %squeeze3A_2303 : f32 to vector<16xf32>
      %mul3A_2305 = arith.mulf %gather3A_800, %mul3A_2304 : vector<16xf32>
      %add3A_2306 = arith.addf %add3A_2301, %mul3A_2305 : vector<16xf32>
      %slice3A_2307 = vector.extract_strided_slice %get3A_2281 {offsets = [5], sizes = [1], strides = [1]} : vector<16xf32> to vector<1xf32>
      %squeeze3A_2308 = vector.extract %slice3A_2307[0] : f32 from vector<1xf32>
      %mul3A_2309 = vector.broadcast %squeeze3A_2308 : f32 to vector<16xf32>
      %mul3A_2310 = arith.mulf %gather3A_803, %mul3A_2309 : vector<16xf32>
      %add3A_2311 = arith.addf %add3A_2306, %mul3A_2310 : vector<16xf32>
      %slice3A_2312 = vector.extract_strided_slice %get3A_2281 {offsets = [6], sizes = [1], strides = [1]} : vector<16xf32> to vector<1xf32>
      %squeeze3A_2313 = vector.extract %slice3A_2312[0] : f32 from vector<1xf32>
      %mul3A_2314 = vector.broadcast %squeeze3A_2313 : f32 to vector<16xf32>
      %mul3A_2315 = arith.mulf %gather3A_806, %mul3A_2314 : vector<16xf32>
      %add3A_2316 = arith.addf %add3A_2311, %mul3A_2315 : vector<16xf32>
      %slice3A_2317 = vector.extract_strided_slice %get3A_2281 {offsets = [7], sizes = [1], strides = [1]} : vector<16xf32> to vector<1xf32>
      %squeeze3A_2318 = vector.extract %slice3A_2317[0] : f32 from vector<1xf32>
      %mul3A_2319 = vector.broadcast %squeeze3A_2318 : f32 to vector<16xf32>
      %mul3A_2320 = arith.mulf %gather3A_809, %mul3A_2319 : vector<16xf32>
      %add3A_2321 = arith.addf %add3A_2316, %mul3A_2320 : vector<16xf32>
      %slice3A_2322 = vector.extract_strided_slice %get3A_2281 {offsets = [8], sizes = [1], strides = [1]} : vector<16xf32> to vector<1xf32>
      %squeeze3A_2323 = vector.extract %slice3A_2322[0] : f32 from vector<1xf32>
      %mul3A_2324 = vector.broadcast %squeeze3A_2323 : f32 to vector<16xf32>
      %mul3A_2325 = arith.mulf %gather3A_812, %mul3A_2324 : vector<16xf32>
      %add3A_2326 = arith.addf %add3A_2321, %mul3A_2325 : vector<16xf32>
      %slice3A_2327 = vector.extract_strided_slice %get3A_2281 {offsets = [9], sizes = [1], strides = [1]} : vector<16xf32> to vector<1xf32>
      %squeeze3A_2328 = vector.extract %slice3A_2327[0] : f32 from vector<1xf32>
      %mul3A_2329 = vector.broadcast %squeeze3A_2328 : f32 to vector<16xf32>
      %mul3A_2330 = arith.mulf %gather3A_815, %mul3A_2329 : vector<16xf32>
      %add3A_2331 = arith.addf %add3A_2326, %mul3A_2330 : vector<16xf32>
      %slice3A_2332 = vector.extract_strided_slice %get3A_2281 {offsets = [10], sizes = [1], strides = [1]} : vector<16xf32> to vector<1xf32>
      %squeeze3A_2333 = vector.extract %slice3A_2332[0] : f32 from vector<1xf32>
      %mul3A_2334 = vector.broadcast %squeeze3A_2333 : f32 to vector<16xf32>
      %mul3A_2335 = arith.mulf %gather3A_818, %mul3A_2334 : vector<16xf32>
      %add3A_2336 = arith.addf %add3A_2331, %mul3A_2335 : vector<16xf32>
      %slice3A_2337 = vector.extract_strided_slice %get3A_2281 {offsets = [11], sizes = [1], strides = [1]} : vector<16xf32> to vector<1xf32>
      %squeeze3A_2338 = vector.extract %slice3A_2337[0] : f32 from vector<1xf32>
      %mul3A_2339 = vector.broadcast %squeeze3A_2338 : f32 to vector<16xf32>
      %mul3A_2340 = arith.mulf %gather3A_821, %mul3A_2339 : vector<16xf32>
      %add3A_2341 = arith.addf %add3A_2336, %mul3A_2340 : vector<16xf32>
      %slice3A_2342 = vector.extract_strided_slice %get3A_2281 {offsets = [12], sizes = [1], strides = [1]} : vector<16xf32> to vector<1xf32>
      %squeeze3A_2343 = vector.extract %slice3A_2342[0] : f32 from vector<1xf32>
      %mul3A_2344 = vector.broadcast %squeeze3A_2343 : f32 to vector<16xf32>
      %mul3A_2345 = arith.mulf %gather3A_824, %mul3A_2344 : vector<16xf32>
      %add3A_2346 = arith.addf %add3A_2341, %mul3A_2345 : vector<16xf32>
      %slice3A_2347 = vector.extract_strided_slice %get3A_2281 {offsets = [13], sizes = [1], strides = [1]} : vector<16xf32> to vector<1xf32>
      %squeeze3A_2348 = vector.extract %slice3A_2347[0] : f32 from vector<1xf32>
      %mul3A_2349 = vector.broadcast %squeeze3A_2348 : f32 to vector<16xf32>
      %mul3A_2350 = arith.mulf %gather3A_827, %mul3A_2349 : vector<16xf32>
      %add3A_2351 = arith.addf %add3A_2346, %mul3A_2350 : vector<16xf32>
      %slice3A_2352 = vector.extract_strided_slice %get3A_2281 {offsets = [14], sizes = [1], strides = [1]} : vector<16xf32> to vector<1xf32>
      %squeeze3A_2353 = vector.extract %slice3A_2352[0] : f32 from vector<1xf32>
      %mul3A_2354 = vector.broadcast %squeeze3A_2353 : f32 to vector<16xf32>
      %mul3A_2355 = arith.mulf %gather3A_830, %mul3A_2354 : vector<16xf32>
      %add3A_2356 = arith.addf %add3A_2351, %mul3A_2355 : vector<16xf32>
      %slice3A_2357 = vector.extract_strided_slice %get3A_2281 {offsets = [15], sizes = [1], strides = [1]} : vector<16xf32> to vector<1xf32>
      %squeeze3A_2358 = vector.extract %slice3A_2357[0] : f32 from vector<1xf32>
      %mul3A_2359 = vector.broadcast %squeeze3A_2358 : f32 to vector<16xf32>
      %mul3A_2360 = arith.mulf %gather3A_833, %mul3A_2359 : vector<16xf32>
      %add3A_2361 = arith.addf %add3A_2356, %mul3A_2360 : vector<16xf32>
      %mul3A_2362 = arith.mulf %gather3A_2276, %add3A_2361 : vector<16xf32>
      %add3A_2363 = arith.addf %add3A_2273, %mul3A_2362 : vector<16xf32>
      %broadcast_in_dim3A_2364 = arith.constant 17 : i32
      %broadcast_in_dim3A_2365 = vector.broadcast %broadcast_in_dim3A_2364 : i32 to vector<16xi32>
      %gather3A_2366 = tpu.vector_load_idx %arg16[%add3A_779, %broadcast_in_dim3A_2365] : memref<512x32xf32, #tpu.memory_space<vmem>>[vector<16xi32>, vector<16xi32>], vector<16xf32>,
      %gather3A_2367 = tpu.vector_load_idx %arg17[%add3A_779, %broadcast_in_dim3A_2365] : memref<512x32xf32, #tpu.memory_space<vmem>>[vector<16xi32>, vector<16xi32>], vector<16xf32>,
      %get3A_2368 = arith.constant 17 : i32
      %get3A_2369 = arith.index_cast %get3A_2368 : i32 to index
      %get3A_2370 = arith.constant 0 : index
      %get3A_2371 = tpu.vector_load %arg21[%get3A_2369, %get3A_2370] {strides = array<i32>} : memref<32x16xf32, #tpu.memory_space<vmem>>, vector<16xf32>,
      %slice3A_2372 = vector.extract_strided_slice %get3A_2371 {offsets = [0], sizes = [1], strides = [1]} : vector<16xf32> to vector<1xf32>
      %squeeze3A_2373 = vector.extract %slice3A_2372[0] : f32 from vector<1xf32>
      %mul3A_2374 = vector.broadcast %squeeze3A_2373 : f32 to vector<16xf32>
      %mul3A_2375 = arith.mulf %gather3A_788, %mul3A_2374 : vector<16xf32>
      %add3A_2376 = arith.addf %gather3A_2367, %mul3A_2375 : vector<16xf32>
      %slice3A_2377 = vector.extract_strided_slice %get3A_2371 {offsets = [1], sizes = [1], strides = [1]} : vector<16xf32> to vector<1xf32>
      %squeeze3A_2378 = vector.extract %slice3A_2377[0] : f32 from vector<1xf32>
      %mul3A_2379 = vector.broadcast %squeeze3A_2378 : f32 to vector<16xf32>
      %mul3A_2380 = arith.mulf %gather3A_791, %mul3A_2379 : vector<16xf32>
      %add3A_2381 = arith.addf %add3A_2376, %mul3A_2380 : vector<16xf32>
      %slice3A_2382 = vector.extract_strided_slice %get3A_2371 {offsets = [2], sizes = [1], strides = [1]} : vector<16xf32> to vector<1xf32>
      %squeeze3A_2383 = vector.extract %slice3A_2382[0] : f32 from vector<1xf32>
      %mul3A_2384 = vector.broadcast %squeeze3A_2383 : f32 to vector<16xf32>
      %mul3A_2385 = arith.mulf %gather3A_794, %mul3A_2384 : vector<16xf32>
      %add3A_2386 = arith.addf %add3A_2381, %mul3A_2385 : vector<16xf32>
      %slice3A_2387 = vector.extract_strided_slice %get3A_2371 {offsets = [3], sizes = [1], strides = [1]} : vector<16xf32> to vector<1xf32>
      %squeeze3A_2388 = vector.extract %slice3A_2387[0] : f32 from vector<1xf32>
      %mul3A_2389 = vector.broadcast %squeeze3A_2388 : f32 to vector<16xf32>
      %mul3A_2390 = arith.mulf %gather3A_797, %mul3A_2389 : vector<16xf32>
      %add3A_2391 = arith.addf %add3A_2386, %mul3A_2390 : vector<16xf32>
      %slice3A_2392 = vector.extract_strided_slice %get3A_2371 {offsets = [4], sizes = [1], strides = [1]} : vector<16xf32> to vector<1xf32>
      %squeeze3A_2393 = vector.extract %slice3A_2392[0] : f32 from vector<1xf32>
      %mul3A_2394 = vector.broadcast %squeeze3A_2393 : f32 to vector<16xf32>
      %mul3A_2395 = arith.mulf %gather3A_800, %mul3A_2394 : vector<16xf32>
      %add3A_2396 = arith.addf %add3A_2391, %mul3A_2395 : vector<16xf32>
      %slice3A_2397 = vector.extract_strided_slice %get3A_2371 {offsets = [5], sizes = [1], strides = [1]} : vector<16xf32> to vector<1xf32>
      %squeeze3A_2398 = vector.extract %slice3A_2397[0] : f32 from vector<1xf32>
      %mul3A_2399 = vector.broadcast %squeeze3A_2398 : f32 to vector<16xf32>
      %mul3A_2400 = arith.mulf %gather3A_803, %mul3A_2399 : vector<16xf32>
      %add3A_2401 = arith.addf %add3A_2396, %mul3A_2400 : vector<16xf32>
      %slice3A_2402 = vector.extract_strided_slice %get3A_2371 {offsets = [6], sizes = [1], strides = [1]} : vector<16xf32> to vector<1xf32>
      %squeeze3A_2403 = vector.extract %slice3A_2402[0] : f32 from vector<1xf32>
      %mul3A_2404 = vector.broadcast %squeeze3A_2403 : f32 to vector<16xf32>
      %mul3A_2405 = arith.mulf %gather3A_806, %mul3A_2404 : vector<16xf32>
      %add3A_2406 = arith.addf %add3A_2401, %mul3A_2405 : vector<16xf32>
      %slice3A_2407 = vector.extract_strided_slice %get3A_2371 {offsets = [7], sizes = [1], strides = [1]} : vector<16xf32> to vector<1xf32>
      %squeeze3A_2408 = vector.extract %slice3A_2407[0] : f32 from vector<1xf32>
      %mul3A_2409 = vector.broadcast %squeeze3A_2408 : f32 to vector<16xf32>
      %mul3A_2410 = arith.mulf %gather3A_809, %mul3A_2409 : vector<16xf32>
      %add3A_2411 = arith.addf %add3A_2406, %mul3A_2410 : vector<16xf32>
      %slice3A_2412 = vector.extract_strided_slice %get3A_2371 {offsets = [8], sizes = [1], strides = [1]} : vector<16xf32> to vector<1xf32>
      %squeeze3A_2413 = vector.extract %slice3A_2412[0] : f32 from vector<1xf32>
      %mul3A_2414 = vector.broadcast %squeeze3A_2413 : f32 to vector<16xf32>
      %mul3A_2415 = arith.mulf %gather3A_812, %mul3A_2414 : vector<16xf32>
      %add3A_2416 = arith.addf %add3A_2411, %mul3A_2415 : vector<16xf32>
      %slice3A_2417 = vector.extract_strided_slice %get3A_2371 {offsets = [9], sizes = [1], strides = [1]} : vector<16xf32> to vector<1xf32>
      %squeeze3A_2418 = vector.extract %slice3A_2417[0] : f32 from vector<1xf32>
      %mul3A_2419 = vector.broadcast %squeeze3A_2418 : f32 to vector<16xf32>
      %mul3A_2420 = arith.mulf %gather3A_815, %mul3A_2419 : vector<16xf32>
      %add3A_2421 = arith.addf %add3A_2416, %mul3A_2420 : vector<16xf32>
      %slice3A_2422 = vector.extract_strided_slice %get3A_2371 {offsets = [10], sizes = [1], strides = [1]} : vector<16xf32> to vector<1xf32>
      %squeeze3A_2423 = vector.extract %slice3A_2422[0] : f32 from vector<1xf32>
      %mul3A_2424 = vector.broadcast %squeeze3A_2423 : f32 to vector<16xf32>
      %mul3A_2425 = arith.mulf %gather3A_818, %mul3A_2424 : vector<16xf32>
      %add3A_2426 = arith.addf %add3A_2421, %mul3A_2425 : vector<16xf32>
      %slice3A_2427 = vector.extract_strided_slice %get3A_2371 {offsets = [11], sizes = [1], strides = [1]} : vector<16xf32> to vector<1xf32>
      %squeeze3A_2428 = vector.extract %slice3A_2427[0] : f32 from vector<1xf32>
      %mul3A_2429 = vector.broadcast %squeeze3A_2428 : f32 to vector<16xf32>
      %mul3A_2430 = arith.mulf %gather3A_821, %mul3A_2429 : vector<16xf32>
      %add3A_2431 = arith.addf %add3A_2426, %mul3A_2430 : vector<16xf32>
      %slice3A_2432 = vector.extract_strided_slice %get3A_2371 {offsets = [12], sizes = [1], strides = [1]} : vector<16xf32> to vector<1xf32>
      %squeeze3A_2433 = vector.extract %slice3A_2432[0] : f32 from vector<1xf32>
      %mul3A_2434 = vector.broadcast %squeeze3A_2433 : f32 to vector<16xf32>
      %mul3A_2435 = arith.mulf %gather3A_824, %mul3A_2434 : vector<16xf32>
      %add3A_2436 = arith.addf %add3A_2431, %mul3A_2435 : vector<16xf32>
      %slice3A_2437 = vector.extract_strided_slice %get3A_2371 {offsets = [13], sizes = [1], strides = [1]} : vector<16xf32> to vector<1xf32>
      %squeeze3A_2438 = vector.extract %slice3A_2437[0] : f32 from vector<1xf32>
      %mul3A_2439 = vector.broadcast %squeeze3A_2438 : f32 to vector<16xf32>
      %mul3A_2440 = arith.mulf %gather3A_827, %mul3A_2439 : vector<16xf32>
      %add3A_2441 = arith.addf %add3A_2436, %mul3A_2440 : vector<16xf32>
      %slice3A_2442 = vector.extract_strided_slice %get3A_2371 {offsets = [14], sizes = [1], strides = [1]} : vector<16xf32> to vector<1xf32>
      %squeeze3A_2443 = vector.extract %slice3A_2442[0] : f32 from vector<1xf32>
      %mul3A_2444 = vector.broadcast %squeeze3A_2443 : f32 to vector<16xf32>
      %mul3A_2445 = arith.mulf %gather3A_830, %mul3A_2444 : vector<16xf32>
      %add3A_2446 = arith.addf %add3A_2441, %mul3A_2445 : vector<16xf32>
      %slice3A_2447 = vector.extract_strided_slice %get3A_2371 {offsets = [15], sizes = [1], strides = [1]} : vector<16xf32> to vector<1xf32>
      %squeeze3A_2448 = vector.extract %slice3A_2447[0] : f32 from vector<1xf32>
      %mul3A_2449 = vector.broadcast %squeeze3A_2448 : f32 to vector<16xf32>
      %mul3A_2450 = arith.mulf %gather3A_833, %mul3A_2449 : vector<16xf32>
      %add3A_2451 = arith.addf %add3A_2446, %mul3A_2450 : vector<16xf32>
      %mul3A_2452 = arith.mulf %gather3A_2366, %add3A_2451 : vector<16xf32>
      %add3A_2453 = arith.addf %add3A_2363, %mul3A_2452 : vector<16xf32>
      %broadcast_in_dim3A_2454 = arith.constant 18 : i32
      %broadcast_in_dim3A_2455 = vector.broadcast %broadcast_in_dim3A_2454 : i32 to vector<16xi32>
      %gather3A_2456 = tpu.vector_load_idx %arg16[%add3A_779, %broadcast_in_dim3A_2455] : memref<512x32xf32, #tpu.memory_space<vmem>>[vector<16xi32>, vector<16xi32>], vector<16xf32>,
      %gather3A_2457 = tpu.vector_load_idx %arg17[%add3A_779, %broadcast_in_dim3A_2455] : memref<512x32xf32, #tpu.memory_space<vmem>>[vector<16xi32>, vector<16xi32>], vector<16xf32>,
      %get3A_2458 = arith.constant 18 : i32
      %get3A_2459 = arith.index_cast %get3A_2458 : i32 to index
      %get3A_2460 = arith.constant 0 : index
      %get3A_2461 = tpu.vector_load %arg21[%get3A_2459, %get3A_2460] {strides = array<i32>} : memref<32x16xf32, #tpu.memory_space<vmem>>, vector<16xf32>,
      %slice3A_2462 = vector.extract_strided_slice %get3A_2461 {offsets = [0], sizes = [1], strides = [1]} : vector<16xf32> to vector<1xf32>
      %squeeze3A_2463 = vector.extract %slice3A_2462[0] : f32 from vector<1xf32>
      %mul3A_2464 = vector.broadcast %squeeze3A_2463 : f32 to vector<16xf32>
      %mul3A_2465 = arith.mulf %gather3A_788, %mul3A_2464 : vector<16xf32>
      %add3A_2466 = arith.addf %gather3A_2457, %mul3A_2465 : vector<16xf32>
      %slice3A_2467 = vector.extract_strided_slice %get3A_2461 {offsets = [1], sizes = [1], strides = [1]} : vector<16xf32> to vector<1xf32>
      %squeeze3A_2468 = vector.extract %slice3A_2467[0] : f32 from vector<1xf32>
      %mul3A_2469 = vector.broadcast %squeeze3A_2468 : f32 to vector<16xf32>
      %mul3A_2470 = arith.mulf %gather3A_791, %mul3A_2469 : vector<16xf32>
      %add3A_2471 = arith.addf %add3A_2466, %mul3A_2470 : vector<16xf32>
      %slice3A_2472 = vector.extract_strided_slice %get3A_2461 {offsets = [2], sizes = [1], strides = [1]} : vector<16xf32> to vector<1xf32>
      %squeeze3A_2473 = vector.extract %slice3A_2472[0] : f32 from vector<1xf32>
      %mul3A_2474 = vector.broadcast %squeeze3A_2473 : f32 to vector<16xf32>
      %mul3A_2475 = arith.mulf %gather3A_794, %mul3A_2474 : vector<16xf32>
      %add3A_2476 = arith.addf %add3A_2471, %mul3A_2475 : vector<16xf32>
      %slice3A_2477 = vector.extract_strided_slice %get3A_2461 {offsets = [3], sizes = [1], strides = [1]} : vector<16xf32> to vector<1xf32>
      %squeeze3A_2478 = vector.extract %slice3A_2477[0] : f32 from vector<1xf32>
      %mul3A_2479 = vector.broadcast %squeeze3A_2478 : f32 to vector<16xf32>
      %mul3A_2480 = arith.mulf %gather3A_797, %mul3A_2479 : vector<16xf32>
      %add3A_2481 = arith.addf %add3A_2476, %mul3A_2480 : vector<16xf32>
      %slice3A_2482 = vector.extract_strided_slice %get3A_2461 {offsets = [4], sizes = [1], strides = [1]} : vector<16xf32> to vector<1xf32>
      %squeeze3A_2483 = vector.extract %slice3A_2482[0] : f32 from vector<1xf32>
      %mul3A_2484 = vector.broadcast %squeeze3A_2483 : f32 to vector<16xf32>
      %mul3A_2485 = arith.mulf %gather3A_800, %mul3A_2484 : vector<16xf32>
      %add3A_2486 = arith.addf %add3A_2481, %mul3A_2485 : vector<16xf32>
      %slice3A_2487 = vector.extract_strided_slice %get3A_2461 {offsets = [5], sizes = [1], strides = [1]} : vector<16xf32> to vector<1xf32>
      %squeeze3A_2488 = vector.extract %slice3A_2487[0] : f32 from vector<1xf32>
      %mul3A_2489 = vector.broadcast %squeeze3A_2488 : f32 to vector<16xf32>
      %mul3A_2490 = arith.mulf %gather3A_803, %mul3A_2489 : vector<16xf32>
      %add3A_2491 = arith.addf %add3A_2486, %mul3A_2490 : vector<16xf32>
      %slice3A_2492 = vector.extract_strided_slice %get3A_2461 {offsets = [6], sizes = [1], strides = [1]} : vector<16xf32> to vector<1xf32>
      %squeeze3A_2493 = vector.extract %slice3A_2492[0] : f32 from vector<1xf32>
      %mul3A_2494 = vector.broadcast %squeeze3A_2493 : f32 to vector<16xf32>
      %mul3A_2495 = arith.mulf %gather3A_806, %mul3A_2494 : vector<16xf32>
      %add3A_2496 = arith.addf %add3A_2491, %mul3A_2495 : vector<16xf32>
      %slice3A_2497 = vector.extract_strided_slice %get3A_2461 {offsets = [7], sizes = [1], strides = [1]} : vector<16xf32> to vector<1xf32>
      %squeeze3A_2498 = vector.extract %slice3A_2497[0] : f32 from vector<1xf32>
      %mul3A_2499 = vector.broadcast %squeeze3A_2498 : f32 to vector<16xf32>
      %mul3A_2500 = arith.mulf %gather3A_809, %mul3A_2499 : vector<16xf32>
      %add3A_2501 = arith.addf %add3A_2496, %mul3A_2500 : vector<16xf32>
      %slice3A_2502 = vector.extract_strided_slice %get3A_2461 {offsets = [8], sizes = [1], strides = [1]} : vector<16xf32> to vector<1xf32>
      %squeeze3A_2503 = vector.extract %slice3A_2502[0] : f32 from vector<1xf32>
      %mul3A_2504 = vector.broadcast %squeeze3A_2503 : f32 to vector<16xf32>
      %mul3A_2505 = arith.mulf %gather3A_812, %mul3A_2504 : vector<16xf32>
      %add3A_2506 = arith.addf %add3A_2501, %mul3A_2505 : vector<16xf32>
      %slice3A_2507 = vector.extract_strided_slice %get3A_2461 {offsets = [9], sizes = [1], strides = [1]} : vector<16xf32> to vector<1xf32>
      %squeeze3A_2508 = vector.extract %slice3A_2507[0] : f32 from vector<1xf32>
      %mul3A_2509 = vector.broadcast %squeeze3A_2508 : f32 to vector<16xf32>
      %mul3A_2510 = arith.mulf %gather3A_815, %mul3A_2509 : vector<16xf32>
      %add3A_2511 = arith.addf %add3A_2506, %mul3A_2510 : vector<16xf32>
      %slice3A_2512 = vector.extract_strided_slice %get3A_2461 {offsets = [10], sizes = [1], strides = [1]} : vector<16xf32> to vector<1xf32>
      %squeeze3A_2513 = vector.extract %slice3A_2512[0] : f32 from vector<1xf32>
      %mul3A_2514 = vector.broadcast %squeeze3A_2513 : f32 to vector<16xf32>
      %mul3A_2515 = arith.mulf %gather3A_818, %mul3A_2514 : vector<16xf32>
      %add3A_2516 = arith.addf %add3A_2511, %mul3A_2515 : vector<16xf32>
      %slice3A_2517 = vector.extract_strided_slice %get3A_2461 {offsets = [11], sizes = [1], strides = [1]} : vector<16xf32> to vector<1xf32>
      %squeeze3A_2518 = vector.extract %slice3A_2517[0] : f32 from vector<1xf32>
      %mul3A_2519 = vector.broadcast %squeeze3A_2518 : f32 to vector<16xf32>
      %mul3A_2520 = arith.mulf %gather3A_821, %mul3A_2519 : vector<16xf32>
      %add3A_2521 = arith.addf %add3A_2516, %mul3A_2520 : vector<16xf32>
      %slice3A_2522 = vector.extract_strided_slice %get3A_2461 {offsets = [12], sizes = [1], strides = [1]} : vector<16xf32> to vector<1xf32>
      %squeeze3A_2523 = vector.extract %slice3A_2522[0] : f32 from vector<1xf32>
      %mul3A_2524 = vector.broadcast %squeeze3A_2523 : f32 to vector<16xf32>
      %mul3A_2525 = arith.mulf %gather3A_824, %mul3A_2524 : vector<16xf32>
      %add3A_2526 = arith.addf %add3A_2521, %mul3A_2525 : vector<16xf32>
      %slice3A_2527 = vector.extract_strided_slice %get3A_2461 {offsets = [13], sizes = [1], strides = [1]} : vector<16xf32> to vector<1xf32>
      %squeeze3A_2528 = vector.extract %slice3A_2527[0] : f32 from vector<1xf32>
      %mul3A_2529 = vector.broadcast %squeeze3A_2528 : f32 to vector<16xf32>
      %mul3A_2530 = arith.mulf %gather3A_827, %mul3A_2529 : vector<16xf32>
      %add3A_2531 = arith.addf %add3A_2526, %mul3A_2530 : vector<16xf32>
      %slice3A_2532 = vector.extract_strided_slice %get3A_2461 {offsets = [14], sizes = [1], strides = [1]} : vector<16xf32> to vector<1xf32>
      %squeeze3A_2533 = vector.extract %slice3A_2532[0] : f32 from vector<1xf32>
      %mul3A_2534 = vector.broadcast %squeeze3A_2533 : f32 to vector<16xf32>
      %mul3A_2535 = arith.mulf %gather3A_830, %mul3A_2534 : vector<16xf32>
      %add3A_2536 = arith.addf %add3A_2531, %mul3A_2535 : vector<16xf32>
      %slice3A_2537 = vector.extract_strided_slice %get3A_2461 {offsets = [15], sizes = [1], strides = [1]} : vector<16xf32> to vector<1xf32>
      %squeeze3A_2538 = vector.extract %slice3A_2537[0] : f32 from vector<1xf32>
      %mul3A_2539 = vector.broadcast %squeeze3A_2538 : f32 to vector<16xf32>
      %mul3A_2540 = arith.mulf %gather3A_833, %mul3A_2539 : vector<16xf32>
      %add3A_2541 = arith.addf %add3A_2536, %mul3A_2540 : vector<16xf32>
      %mul3A_2542 = arith.mulf %gather3A_2456, %add3A_2541 : vector<16xf32>
      %add3A_2543 = arith.addf %add3A_2453, %mul3A_2542 : vector<16xf32>
      %broadcast_in_dim3A_2544 = arith.constant 19 : i32
      %broadcast_in_dim3A_2545 = vector.broadcast %broadcast_in_dim3A_2544 : i32 to vector<16xi32>
      %gather3A_2546 = tpu.vector_load_idx %arg16[%add3A_779, %broadcast_in_dim3A_2545] : memref<512x32xf32, #tpu.memory_space<vmem>>[vector<16xi32>, vector<16xi32>], vector<16xf32>,
      %gather3A_2547 = tpu.vector_load_idx %arg17[%add3A_779, %broadcast_in_dim3A_2545] : memref<512x32xf32, #tpu.memory_space<vmem>>[vector<16xi32>, vector<16xi32>], vector<16xf32>,
      %get3A_2548 = arith.constant 19 : i32
      %get3A_2549 = arith.index_cast %get3A_2548 : i32 to index
      %get3A_2550 = arith.constant 0 : index
      %get3A_2551 = tpu.vector_load %arg21[%get3A_2549, %get3A_2550] {strides = array<i32>} : memref<32x16xf32, #tpu.memory_space<vmem>>, vector<16xf32>,
      %slice3A_2552 = vector.extract_strided_slice %get3A_2551 {offsets = [0], sizes = [1], strides = [1]} : vector<16xf32> to vector<1xf32>
      %squeeze3A_2553 = vector.extract %slice3A_2552[0] : f32 from vector<1xf32>
      %mul3A_2554 = vector.broadcast %squeeze3A_2553 : f32 to vector<16xf32>
      %mul3A_2555 = arith.mulf %gather3A_788, %mul3A_2554 : vector<16xf32>
      %add3A_2556 = arith.addf %gather3A_2547, %mul3A_2555 : vector<16xf32>
      %slice3A_2557 = vector.extract_strided_slice %get3A_2551 {offsets = [1], sizes = [1], strides = [1]} : vector<16xf32> to vector<1xf32>
      %squeeze3A_2558 = vector.extract %slice3A_2557[0] : f32 from vector<1xf32>
      %mul3A_2559 = vector.broadcast %squeeze3A_2558 : f32 to vector<16xf32>
      %mul3A_2560 = arith.mulf %gather3A_791, %mul3A_2559 : vector<16xf32>
      %add3A_2561 = arith.addf %add3A_2556, %mul3A_2560 : vector<16xf32>
      %slice3A_2562 = vector.extract_strided_slice %get3A_2551 {offsets = [2], sizes = [1], strides = [1]} : vector<16xf32> to vector<1xf32>
      %squeeze3A_2563 = vector.extract %slice3A_2562[0] : f32 from vector<1xf32>
      %mul3A_2564 = vector.broadcast %squeeze3A_2563 : f32 to vector<16xf32>
      %mul3A_2565 = arith.mulf %gather3A_794, %mul3A_2564 : vector<16xf32>
      %add3A_2566 = arith.addf %add3A_2561, %mul3A_2565 : vector<16xf32>
      %slice3A_2567 = vector.extract_strided_slice %get3A_2551 {offsets = [3], sizes = [1], strides = [1]} : vector<16xf32> to vector<1xf32>
      %squeeze3A_2568 = vector.extract %slice3A_2567[0] : f32 from vector<1xf32>
      %mul3A_2569 = vector.broadcast %squeeze3A_2568 : f32 to vector<16xf32>
      %mul3A_2570 = arith.mulf %gather3A_797, %mul3A_2569 : vector<16xf32>
      %add3A_2571 = arith.addf %add3A_2566, %mul3A_2570 : vector<16xf32>
      %slice3A_2572 = vector.extract_strided_slice %get3A_2551 {offsets = [4], sizes = [1], strides = [1]} : vector<16xf32> to vector<1xf32>
      %squeeze3A_2573 = vector.extract %slice3A_2572[0] : f32 from vector<1xf32>
      %mul3A_2574 = vector.broadcast %squeeze3A_2573 : f32 to vector<16xf32>
      %mul3A_2575 = arith.mulf %gather3A_800, %mul3A_2574 : vector<16xf32>
      %add3A_2576 = arith.addf %add3A_2571, %mul3A_2575 : vector<16xf32>
      %slice3A_2577 = vector.extract_strided_slice %get3A_2551 {offsets = [5], sizes = [1], strides = [1]} : vector<16xf32> to vector<1xf32>
      %squeeze3A_2578 = vector.extract %slice3A_2577[0] : f32 from vector<1xf32>
      %mul3A_2579 = vector.broadcast %squeeze3A_2578 : f32 to vector<16xf32>
      %mul3A_2580 = arith.mulf %gather3A_803, %mul3A_2579 : vector<16xf32>
      %add3A_2581 = arith.addf %add3A_2576, %mul3A_2580 : vector<16xf32>
      %slice3A_2582 = vector.extract_strided_slice %get3A_2551 {offsets = [6], sizes = [1], strides = [1]} : vector<16xf32> to vector<1xf32>
      %squeeze3A_2583 = vector.extract %slice3A_2582[0] : f32 from vector<1xf32>
      %mul3A_2584 = vector.broadcast %squeeze3A_2583 : f32 to vector<16xf32>
      %mul3A_2585 = arith.mulf %gather3A_806, %mul3A_2584 : vector<16xf32>
      %add3A_2586 = arith.addf %add3A_2581, %mul3A_2585 : vector<16xf32>
      %slice3A_2587 = vector.extract_strided_slice %get3A_2551 {offsets = [7], sizes = [1], strides = [1]} : vector<16xf32> to vector<1xf32>
      %squeeze3A_2588 = vector.extract %slice3A_2587[0] : f32 from vector<1xf32>
      %mul3A_2589 = vector.broadcast %squeeze3A_2588 : f32 to vector<16xf32>
      %mul3A_2590 = arith.mulf %gather3A_809, %mul3A_2589 : vector<16xf32>
      %add3A_2591 = arith.addf %add3A_2586, %mul3A_2590 : vector<16xf32>
      %slice3A_2592 = vector.extract_strided_slice %get3A_2551 {offsets = [8], sizes = [1], strides = [1]} : vector<16xf32> to vector<1xf32>
      %squeeze3A_2593 = vector.extract %slice3A_2592[0] : f32 from vector<1xf32>
      %mul3A_2594 = vector.broadcast %squeeze3A_2593 : f32 to vector<16xf32>
      %mul3A_2595 = arith.mulf %gather3A_812, %mul3A_2594 : vector<16xf32>
      %add3A_2596 = arith.addf %add3A_2591, %mul3A_2595 : vector<16xf32>
      %slice3A_2597 = vector.extract_strided_slice %get3A_2551 {offsets = [9], sizes = [1], strides = [1]} : vector<16xf32> to vector<1xf32>
      %squeeze3A_2598 = vector.extract %slice3A_2597[0] : f32 from vector<1xf32>
      %mul3A_2599 = vector.broadcast %squeeze3A_2598 : f32 to vector<16xf32>
      %mul3A_2600 = arith.mulf %gather3A_815, %mul3A_2599 : vector<16xf32>
      %add3A_2601 = arith.addf %add3A_2596, %mul3A_2600 : vector<16xf32>
      %slice3A_2602 = vector.extract_strided_slice %get3A_2551 {offsets = [10], sizes = [1], strides = [1]} : vector<16xf32> to vector<1xf32>
      %squeeze3A_2603 = vector.extract %slice3A_2602[0] : f32 from vector<1xf32>
      %mul3A_2604 = vector.broadcast %squeeze3A_2603 : f32 to vector<16xf32>
      %mul3A_2605 = arith.mulf %gather3A_818, %mul3A_2604 : vector<16xf32>
      %add3A_2606 = arith.addf %add3A_2601, %mul3A_2605 : vector<16xf32>
      %slice3A_2607 = vector.extract_strided_slice %get3A_2551 {offsets = [11], sizes = [1], strides = [1]} : vector<16xf32> to vector<1xf32>
      %squeeze3A_2608 = vector.extract %slice3A_2607[0] : f32 from vector<1xf32>
      %mul3A_2609 = vector.broadcast %squeeze3A_2608 : f32 to vector<16xf32>
      %mul3A_2610 = arith.mulf %gather3A_821, %mul3A_2609 : vector<16xf32>
      %add3A_2611 = arith.addf %add3A_2606, %mul3A_2610 : vector<16xf32>
      %slice3A_2612 = vector.extract_strided_slice %get3A_2551 {offsets = [12], sizes = [1], strides = [1]} : vector<16xf32> to vector<1xf32>
      %squeeze3A_2613 = vector.extract %slice3A_2612[0] : f32 from vector<1xf32>
      %mul3A_2614 = vector.broadcast %squeeze3A_2613 : f32 to vector<16xf32>
      %mul3A_2615 = arith.mulf %gather3A_824, %mul3A_2614 : vector<16xf32>
      %add3A_2616 = arith.addf %add3A_2611, %mul3A_2615 : vector<16xf32>
      %slice3A_2617 = vector.extract_strided_slice %get3A_2551 {offsets = [13], sizes = [1], strides = [1]} : vector<16xf32> to vector<1xf32>
      %squeeze3A_2618 = vector.extract %slice3A_2617[0] : f32 from vector<1xf32>
      %mul3A_2619 = vector.broadcast %squeeze3A_2618 : f32 to vector<16xf32>
      %mul3A_2620 = arith.mulf %gather3A_827, %mul3A_2619 : vector<16xf32>
      %add3A_2621 = arith.addf %add3A_2616, %mul3A_2620 : vector<16xf32>
      %slice3A_2622 = vector.extract_strided_slice %get3A_2551 {offsets = [14], sizes = [1], strides = [1]} : vector<16xf32> to vector<1xf32>
      %squeeze3A_2623 = vector.extract %slice3A_2622[0] : f32 from vector<1xf32>
      %mul3A_2624 = vector.broadcast %squeeze3A_2623 : f32 to vector<16xf32>
      %mul3A_2625 = arith.mulf %gather3A_830, %mul3A_2624 : vector<16xf32>
      %add3A_2626 = arith.addf %add3A_2621, %mul3A_2625 : vector<16xf32>
      %slice3A_2627 = vector.extract_strided_slice %get3A_2551 {offsets = [15], sizes = [1], strides = [1]} : vector<16xf32> to vector<1xf32>
      %squeeze3A_2628 = vector.extract %slice3A_2627[0] : f32 from vector<1xf32>
      %mul3A_2629 = vector.broadcast %squeeze3A_2628 : f32 to vector<16xf32>
      %mul3A_2630 = arith.mulf %gather3A_833, %mul3A_2629 : vector<16xf32>
      %add3A_2631 = arith.addf %add3A_2626, %mul3A_2630 : vector<16xf32>
      %mul3A_2632 = arith.mulf %gather3A_2546, %add3A_2631 : vector<16xf32>
      %add3A_2633 = arith.addf %add3A_2543, %mul3A_2632 : vector<16xf32>
      %broadcast_in_dim3A_2634 = arith.constant 20 : i32
      %broadcast_in_dim3A_2635 = vector.broadcast %broadcast_in_dim3A_2634 : i32 to vector<16xi32>
      %gather3A_2636 = tpu.vector_load_idx %arg16[%add3A_779, %broadcast_in_dim3A_2635] : memref<512x32xf32, #tpu.memory_space<vmem>>[vector<16xi32>, vector<16xi32>], vector<16xf32>,
      %gather3A_2637 = tpu.vector_load_idx %arg17[%add3A_779, %broadcast_in_dim3A_2635] : memref<512x32xf32, #tpu.memory_space<vmem>>[vector<16xi32>, vector<16xi32>], vector<16xf32>,
      %get3A_2638 = arith.constant 20 : i32
      %get3A_2639 = arith.index_cast %get3A_2638 : i32 to index
      %get3A_2640 = arith.constant 0 : index
      %get3A_2641 = tpu.vector_load %arg21[%get3A_2639, %get3A_2640] {strides = array<i32>} : memref<32x16xf32, #tpu.memory_space<vmem>>, vector<16xf32>,
      %slice3A_2642 = vector.extract_strided_slice %get3A_2641 {offsets = [0], sizes = [1], strides = [1]} : vector<16xf32> to vector<1xf32>
      %squeeze3A_2643 = vector.extract %slice3A_2642[0] : f32 from vector<1xf32>
      %mul3A_2644 = vector.broadcast %squeeze3A_2643 : f32 to vector<16xf32>
      %mul3A_2645 = arith.mulf %gather3A_788, %mul3A_2644 : vector<16xf32>
      %add3A_2646 = arith.addf %gather3A_2637, %mul3A_2645 : vector<16xf32>
      %slice3A_2647 = vector.extract_strided_slice %get3A_2641 {offsets = [1], sizes = [1], strides = [1]} : vector<16xf32> to vector<1xf32>
      %squeeze3A_2648 = vector.extract %slice3A_2647[0] : f32 from vector<1xf32>
      %mul3A_2649 = vector.broadcast %squeeze3A_2648 : f32 to vector<16xf32>
      %mul3A_2650 = arith.mulf %gather3A_791, %mul3A_2649 : vector<16xf32>
      %add3A_2651 = arith.addf %add3A_2646, %mul3A_2650 : vector<16xf32>
      %slice3A_2652 = vector.extract_strided_slice %get3A_2641 {offsets = [2], sizes = [1], strides = [1]} : vector<16xf32> to vector<1xf32>
      %squeeze3A_2653 = vector.extract %slice3A_2652[0] : f32 from vector<1xf32>
      %mul3A_2654 = vector.broadcast %squeeze3A_2653 : f32 to vector<16xf32>
      %mul3A_2655 = arith.mulf %gather3A_794, %mul3A_2654 : vector<16xf32>
      %add3A_2656 = arith.addf %add3A_2651, %mul3A_2655 : vector<16xf32>
      %slice3A_2657 = vector.extract_strided_slice %get3A_2641 {offsets = [3], sizes = [1], strides = [1]} : vector<16xf32> to vector<1xf32>
      %squeeze3A_2658 = vector.extract %slice3A_2657[0] : f32 from vector<1xf32>
      %mul3A_2659 = vector.broadcast %squeeze3A_2658 : f32 to vector<16xf32>
      %mul3A_2660 = arith.mulf %gather3A_797, %mul3A_2659 : vector<16xf32>
      %add3A_2661 = arith.addf %add3A_2656, %mul3A_2660 : vector<16xf32>
      %slice3A_2662 = vector.extract_strided_slice %get3A_2641 {offsets = [4], sizes = [1], strides = [1]} : vector<16xf32> to vector<1xf32>
      %squeeze3A_2663 = vector.extract %slice3A_2662[0] : f32 from vector<1xf32>
      %mul3A_2664 = vector.broadcast %squeeze3A_2663 : f32 to vector<16xf32>
      %mul3A_2665 = arith.mulf %gather3A_800, %mul3A_2664 : vector<16xf32>
      %add3A_2666 = arith.addf %add3A_2661, %mul3A_2665 : vector<16xf32>
      %slice3A_2667 = vector.extract_strided_slice %get3A_2641 {offsets = [5], sizes = [1], strides = [1]} : vector<16xf32> to vector<1xf32>
      %squeeze3A_2668 = vector.extract %slice3A_2667[0] : f32 from vector<1xf32>
      %mul3A_2669 = vector.broadcast %squeeze3A_2668 : f32 to vector<16xf32>
      %mul3A_2670 = arith.mulf %gather3A_803, %mul3A_2669 : vector<16xf32>
      %add3A_2671 = arith.addf %add3A_2666, %mul3A_2670 : vector<16xf32>
      %slice3A_2672 = vector.extract_strided_slice %get3A_2641 {offsets = [6], sizes = [1], strides = [1]} : vector<16xf32> to vector<1xf32>
      %squeeze3A_2673 = vector.extract %slice3A_2672[0] : f32 from vector<1xf32>
      %mul3A_2674 = vector.broadcast %squeeze3A_2673 : f32 to vector<16xf32>
      %mul3A_2675 = arith.mulf %gather3A_806, %mul3A_2674 : vector<16xf32>
      %add3A_2676 = arith.addf %add3A_2671, %mul3A_2675 : vector<16xf32>
      %slice3A_2677 = vector.extract_strided_slice %get3A_2641 {offsets = [7], sizes = [1], strides = [1]} : vector<16xf32> to vector<1xf32>
      %squeeze3A_2678 = vector.extract %slice3A_2677[0] : f32 from vector<1xf32>
      %mul3A_2679 = vector.broadcast %squeeze3A_2678 : f32 to vector<16xf32>
      %mul3A_2680 = arith.mulf %gather3A_809, %mul3A_2679 : vector<16xf32>
      %add3A_2681 = arith.addf %add3A_2676, %mul3A_2680 : vector<16xf32>
      %slice3A_2682 = vector.extract_strided_slice %get3A_2641 {offsets = [8], sizes = [1], strides = [1]} : vector<16xf32> to vector<1xf32>
      %squeeze3A_2683 = vector.extract %slice3A_2682[0] : f32 from vector<1xf32>
      %mul3A_2684 = vector.broadcast %squeeze3A_2683 : f32 to vector<16xf32>
      %mul3A_2685 = arith.mulf %gather3A_812, %mul3A_2684 : vector<16xf32>
      %add3A_2686 = arith.addf %add3A_2681, %mul3A_2685 : vector<16xf32>
      %slice3A_2687 = vector.extract_strided_slice %get3A_2641 {offsets = [9], sizes = [1], strides = [1]} : vector<16xf32> to vector<1xf32>
      %squeeze3A_2688 = vector.extract %slice3A_2687[0] : f32 from vector<1xf32>
      %mul3A_2689 = vector.broadcast %squeeze3A_2688 : f32 to vector<16xf32>
      %mul3A_2690 = arith.mulf %gather3A_815, %mul3A_2689 : vector<16xf32>
      %add3A_2691 = arith.addf %add3A_2686, %mul3A_2690 : vector<16xf32>
      %slice3A_2692 = vector.extract_strided_slice %get3A_2641 {offsets = [10], sizes = [1], strides = [1]} : vector<16xf32> to vector<1xf32>
      %squeeze3A_2693 = vector.extract %slice3A_2692[0] : f32 from vector<1xf32>
      %mul3A_2694 = vector.broadcast %squeeze3A_2693 : f32 to vector<16xf32>
      %mul3A_2695 = arith.mulf %gather3A_818, %mul3A_2694 : vector<16xf32>
      %add3A_2696 = arith.addf %add3A_2691, %mul3A_2695 : vector<16xf32>
      %slice3A_2697 = vector.extract_strided_slice %get3A_2641 {offsets = [11], sizes = [1], strides = [1]} : vector<16xf32> to vector<1xf32>
      %squeeze3A_2698 = vector.extract %slice3A_2697[0] : f32 from vector<1xf32>
      %mul3A_2699 = vector.broadcast %squeeze3A_2698 : f32 to vector<16xf32>
      %mul3A_2700 = arith.mulf %gather3A_821, %mul3A_2699 : vector<16xf32>
      %add3A_2701 = arith.addf %add3A_2696, %mul3A_2700 : vector<16xf32>
      %slice3A_2702 = vector.extract_strided_slice %get3A_2641 {offsets = [12], sizes = [1], strides = [1]} : vector<16xf32> to vector<1xf32>
      %squeeze3A_2703 = vector.extract %slice3A_2702[0] : f32 from vector<1xf32>
      %mul3A_2704 = vector.broadcast %squeeze3A_2703 : f32 to vector<16xf32>
      %mul3A_2705 = arith.mulf %gather3A_824, %mul3A_2704 : vector<16xf32>
      %add3A_2706 = arith.addf %add3A_2701, %mul3A_2705 : vector<16xf32>
      %slice3A_2707 = vector.extract_strided_slice %get3A_2641 {offsets = [13], sizes = [1], strides = [1]} : vector<16xf32> to vector<1xf32>
      %squeeze3A_2708 = vector.extract %slice3A_2707[0] : f32 from vector<1xf32>
      %mul3A_2709 = vector.broadcast %squeeze3A_2708 : f32 to vector<16xf32>
      %mul3A_2710 = arith.mulf %gather3A_827, %mul3A_2709 : vector<16xf32>
      %add3A_2711 = arith.addf %add3A_2706, %mul3A_2710 : vector<16xf32>
      %slice3A_2712 = vector.extract_strided_slice %get3A_2641 {offsets = [14], sizes = [1], strides = [1]} : vector<16xf32> to vector<1xf32>
      %squeeze3A_2713 = vector.extract %slice3A_2712[0] : f32 from vector<1xf32>
      %mul3A_2714 = vector.broadcast %squeeze3A_2713 : f32 to vector<16xf32>
      %mul3A_2715 = arith.mulf %gather3A_830, %mul3A_2714 : vector<16xf32>
      %add3A_2716 = arith.addf %add3A_2711, %mul3A_2715 : vector<16xf32>
      %slice3A_2717 = vector.extract_strided_slice %get3A_2641 {offsets = [15], sizes = [1], strides = [1]} : vector<16xf32> to vector<1xf32>
      %squeeze3A_2718 = vector.extract %slice3A_2717[0] : f32 from vector<1xf32>
      %mul3A_2719 = vector.broadcast %squeeze3A_2718 : f32 to vector<16xf32>
      %mul3A_2720 = arith.mulf %gather3A_833, %mul3A_2719 : vector<16xf32>
      %add3A_2721 = arith.addf %add3A_2716, %mul3A_2720 : vector<16xf32>
      %mul3A_2722 = arith.mulf %gather3A_2636, %add3A_2721 : vector<16xf32>
      %add3A_2723 = arith.addf %add3A_2633, %mul3A_2722 : vector<16xf32>
      %broadcast_in_dim3A_2724 = arith.constant 21 : i32
      %broadcast_in_dim3A_2725 = vector.broadcast %broadcast_in_dim3A_2724 : i32 to vector<16xi32>
      %gather3A_2726 = tpu.vector_load_idx %arg16[%add3A_779, %broadcast_in_dim3A_2725] : memref<512x32xf32, #tpu.memory_space<vmem>>[vector<16xi32>, vector<16xi32>], vector<16xf32>,
      %gather3A_2727 = tpu.vector_load_idx %arg17[%add3A_779, %broadcast_in_dim3A_2725] : memref<512x32xf32, #tpu.memory_space<vmem>>[vector<16xi32>, vector<16xi32>], vector<16xf32>,
      %get3A_2728 = arith.constant 21 : i32
      %get3A_2729 = arith.index_cast %get3A_2728 : i32 to index
      %get3A_2730 = arith.constant 0 : index
      %get3A_2731 = tpu.vector_load %arg21[%get3A_2729, %get3A_2730] {strides = array<i32>} : memref<32x16xf32, #tpu.memory_space<vmem>>, vector<16xf32>,
      %slice3A_2732 = vector.extract_strided_slice %get3A_2731 {offsets = [0], sizes = [1], strides = [1]} : vector<16xf32> to vector<1xf32>
      %squeeze3A_2733 = vector.extract %slice3A_2732[0] : f32 from vector<1xf32>
      %mul3A_2734 = vector.broadcast %squeeze3A_2733 : f32 to vector<16xf32>
      %mul3A_2735 = arith.mulf %gather3A_788, %mul3A_2734 : vector<16xf32>
      %add3A_2736 = arith.addf %gather3A_2727, %mul3A_2735 : vector<16xf32>
      %slice3A_2737 = vector.extract_strided_slice %get3A_2731 {offsets = [1], sizes = [1], strides = [1]} : vector<16xf32> to vector<1xf32>
      %squeeze3A_2738 = vector.extract %slice3A_2737[0] : f32 from vector<1xf32>
      %mul3A_2739 = vector.broadcast %squeeze3A_2738 : f32 to vector<16xf32>
      %mul3A_2740 = arith.mulf %gather3A_791, %mul3A_2739 : vector<16xf32>
      %add3A_2741 = arith.addf %add3A_2736, %mul3A_2740 : vector<16xf32>
      %slice3A_2742 = vector.extract_strided_slice %get3A_2731 {offsets = [2], sizes = [1], strides = [1]} : vector<16xf32> to vector<1xf32>
      %squeeze3A_2743 = vector.extract %slice3A_2742[0] : f32 from vector<1xf32>
      %mul3A_2744 = vector.broadcast %squeeze3A_2743 : f32 to vector<16xf32>
      %mul3A_2745 = arith.mulf %gather3A_794, %mul3A_2744 : vector<16xf32>
      %add3A_2746 = arith.addf %add3A_2741, %mul3A_2745 : vector<16xf32>
      %slice3A_2747 = vector.extract_strided_slice %get3A_2731 {offsets = [3], sizes = [1], strides = [1]} : vector<16xf32> to vector<1xf32>
      %squeeze3A_2748 = vector.extract %slice3A_2747[0] : f32 from vector<1xf32>
      %mul3A_2749 = vector.broadcast %squeeze3A_2748 : f32 to vector<16xf32>
      %mul3A_2750 = arith.mulf %gather3A_797, %mul3A_2749 : vector<16xf32>
      %add3A_2751 = arith.addf %add3A_2746, %mul3A_2750 : vector<16xf32>
      %slice3A_2752 = vector.extract_strided_slice %get3A_2731 {offsets = [4], sizes = [1], strides = [1]} : vector<16xf32> to vector<1xf32>
      %squeeze3A_2753 = vector.extract %slice3A_2752[0] : f32 from vector<1xf32>
      %mul3A_2754 = vector.broadcast %squeeze3A_2753 : f32 to vector<16xf32>
      %mul3A_2755 = arith.mulf %gather3A_800, %mul3A_2754 : vector<16xf32>
      %add3A_2756 = arith.addf %add3A_2751, %mul3A_2755 : vector<16xf32>
      %slice3A_2757 = vector.extract_strided_slice %get3A_2731 {offsets = [5], sizes = [1], strides = [1]} : vector<16xf32> to vector<1xf32>
      %squeeze3A_2758 = vector.extract %slice3A_2757[0] : f32 from vector<1xf32>
      %mul3A_2759 = vector.broadcast %squeeze3A_2758 : f32 to vector<16xf32>
      %mul3A_2760 = arith.mulf %gather3A_803, %mul3A_2759 : vector<16xf32>
      %add3A_2761 = arith.addf %add3A_2756, %mul3A_2760 : vector<16xf32>
      %slice3A_2762 = vector.extract_strided_slice %get3A_2731 {offsets = [6], sizes = [1], strides = [1]} : vector<16xf32> to vector<1xf32>
      %squeeze3A_2763 = vector.extract %slice3A_2762[0] : f32 from vector<1xf32>
      %mul3A_2764 = vector.broadcast %squeeze3A_2763 : f32 to vector<16xf32>
      %mul3A_2765 = arith.mulf %gather3A_806, %mul3A_2764 : vector<16xf32>
      %add3A_2766 = arith.addf %add3A_2761, %mul3A_2765 : vector<16xf32>
      %slice3A_2767 = vector.extract_strided_slice %get3A_2731 {offsets = [7], sizes = [1], strides = [1]} : vector<16xf32> to vector<1xf32>
      %squeeze3A_2768 = vector.extract %slice3A_2767[0] : f32 from vector<1xf32>
      %mul3A_2769 = vector.broadcast %squeeze3A_2768 : f32 to vector<16xf32>
      %mul3A_2770 = arith.mulf %gather3A_809, %mul3A_2769 : vector<16xf32>
      %add3A_2771 = arith.addf %add3A_2766, %mul3A_2770 : vector<16xf32>
      %slice3A_2772 = vector.extract_strided_slice %get3A_2731 {offsets = [8], sizes = [1], strides = [1]} : vector<16xf32> to vector<1xf32>
      %squeeze3A_2773 = vector.extract %slice3A_2772[0] : f32 from vector<1xf32>
      %mul3A_2774 = vector.broadcast %squeeze3A_2773 : f32 to vector<16xf32>
      %mul3A_2775 = arith.mulf %gather3A_812, %mul3A_2774 : vector<16xf32>
      %add3A_2776 = arith.addf %add3A_2771, %mul3A_2775 : vector<16xf32>
      %slice3A_2777 = vector.extract_strided_slice %get3A_2731 {offsets = [9], sizes = [1], strides = [1]} : vector<16xf32> to vector<1xf32>
      %squeeze3A_2778 = vector.extract %slice3A_2777[0] : f32 from vector<1xf32>
      %mul3A_2779 = vector.broadcast %squeeze3A_2778 : f32 to vector<16xf32>
      %mul3A_2780 = arith.mulf %gather3A_815, %mul3A_2779 : vector<16xf32>
      %add3A_2781 = arith.addf %add3A_2776, %mul3A_2780 : vector<16xf32>
      %slice3A_2782 = vector.extract_strided_slice %get3A_2731 {offsets = [10], sizes = [1], strides = [1]} : vector<16xf32> to vector<1xf32>
      %squeeze3A_2783 = vector.extract %slice3A_2782[0] : f32 from vector<1xf32>
      %mul3A_2784 = vector.broadcast %squeeze3A_2783 : f32 to vector<16xf32>
      %mul3A_2785 = arith.mulf %gather3A_818, %mul3A_2784 : vector<16xf32>
      %add3A_2786 = arith.addf %add3A_2781, %mul3A_2785 : vector<16xf32>
      %slice3A_2787 = vector.extract_strided_slice %get3A_2731 {offsets = [11], sizes = [1], strides = [1]} : vector<16xf32> to vector<1xf32>
      %squeeze3A_2788 = vector.extract %slice3A_2787[0] : f32 from vector<1xf32>
      %mul3A_2789 = vector.broadcast %squeeze3A_2788 : f32 to vector<16xf32>
      %mul3A_2790 = arith.mulf %gather3A_821, %mul3A_2789 : vector<16xf32>
      %add3A_2791 = arith.addf %add3A_2786, %mul3A_2790 : vector<16xf32>
      %slice3A_2792 = vector.extract_strided_slice %get3A_2731 {offsets = [12], sizes = [1], strides = [1]} : vector<16xf32> to vector<1xf32>
      %squeeze3A_2793 = vector.extract %slice3A_2792[0] : f32 from vector<1xf32>
      %mul3A_2794 = vector.broadcast %squeeze3A_2793 : f32 to vector<16xf32>
      %mul3A_2795 = arith.mulf %gather3A_824, %mul3A_2794 : vector<16xf32>
      %add3A_2796 = arith.addf %add3A_2791, %mul3A_2795 : vector<16xf32>
      %slice3A_2797 = vector.extract_strided_slice %get3A_2731 {offsets = [13], sizes = [1], strides = [1]} : vector<16xf32> to vector<1xf32>
      %squeeze3A_2798 = vector.extract %slice3A_2797[0] : f32 from vector<1xf32>
      %mul3A_2799 = vector.broadcast %squeeze3A_2798 : f32 to vector<16xf32>
      %mul3A_2800 = arith.mulf %gather3A_827, %mul3A_2799 : vector<16xf32>
      %add3A_2801 = arith.addf %add3A_2796, %mul3A_2800 : vector<16xf32>
      %slice3A_2802 = vector.extract_strided_slice %get3A_2731 {offsets = [14], sizes = [1], strides = [1]} : vector<16xf32> to vector<1xf32>
      %squeeze3A_2803 = vector.extract %slice3A_2802[0] : f32 from vector<1xf32>
      %mul3A_2804 = vector.broadcast %squeeze3A_2803 : f32 to vector<16xf32>
      %mul3A_2805 = arith.mulf %gather3A_830, %mul3A_2804 : vector<16xf32>
      %add3A_2806 = arith.addf %add3A_2801, %mul3A_2805 : vector<16xf32>
      %slice3A_2807 = vector.extract_strided_slice %get3A_2731 {offsets = [15], sizes = [1], strides = [1]} : vector<16xf32> to vector<1xf32>
      %squeeze3A_2808 = vector.extract %slice3A_2807[0] : f32 from vector<1xf32>
      %mul3A_2809 = vector.broadcast %squeeze3A_2808 : f32 to vector<16xf32>
      %mul3A_2810 = arith.mulf %gather3A_833, %mul3A_2809 : vector<16xf32>
      %add3A_2811 = arith.addf %add3A_2806, %mul3A_2810 : vector<16xf32>
      %mul3A_2812 = arith.mulf %gather3A_2726, %add3A_2811 : vector<16xf32>
      %add3A_2813 = arith.addf %add3A_2723, %mul3A_2812 : vector<16xf32>
      %broadcast_in_dim3A_2814 = arith.constant 22 : i32
      %broadcast_in_dim3A_2815 = vector.broadcast %broadcast_in_dim3A_2814 : i32 to vector<16xi32>
      %gather3A_2816 = tpu.vector_load_idx %arg16[%add3A_779, %broadcast_in_dim3A_2815] : memref<512x32xf32, #tpu.memory_space<vmem>>[vector<16xi32>, vector<16xi32>], vector<16xf32>,
      %gather3A_2817 = tpu.vector_load_idx %arg17[%add3A_779, %broadcast_in_dim3A_2815] : memref<512x32xf32, #tpu.memory_space<vmem>>[vector<16xi32>, vector<16xi32>], vector<16xf32>,
      %get3A_2818 = arith.constant 22 : i32
      %get3A_2819 = arith.index_cast %get3A_2818 : i32 to index
      %get3A_2820 = arith.constant 0 : index
      %get3A_2821 = tpu.vector_load %arg21[%get3A_2819, %get3A_2820] {strides = array<i32>} : memref<32x16xf32, #tpu.memory_space<vmem>>, vector<16xf32>,
      %slice3A_2822 = vector.extract_strided_slice %get3A_2821 {offsets = [0], sizes = [1], strides = [1]} : vector<16xf32> to vector<1xf32>
      %squeeze3A_2823 = vector.extract %slice3A_2822[0] : f32 from vector<1xf32>
      %mul3A_2824 = vector.broadcast %squeeze3A_2823 : f32 to vector<16xf32>
      %mul3A_2825 = arith.mulf %gather3A_788, %mul3A_2824 : vector<16xf32>
      %add3A_2826 = arith.addf %gather3A_2817, %mul3A_2825 : vector<16xf32>
      %slice3A_2827 = vector.extract_strided_slice %get3A_2821 {offsets = [1], sizes = [1], strides = [1]} : vector<16xf32> to vector<1xf32>
      %squeeze3A_2828 = vector.extract %slice3A_2827[0] : f32 from vector<1xf32>
      %mul3A_2829 = vector.broadcast %squeeze3A_2828 : f32 to vector<16xf32>
      %mul3A_2830 = arith.mulf %gather3A_791, %mul3A_2829 : vector<16xf32>
      %add3A_2831 = arith.addf %add3A_2826, %mul3A_2830 : vector<16xf32>
      %slice3A_2832 = vector.extract_strided_slice %get3A_2821 {offsets = [2], sizes = [1], strides = [1]} : vector<16xf32> to vector<1xf32>
      %squeeze3A_2833 = vector.extract %slice3A_2832[0] : f32 from vector<1xf32>
      %mul3A_2834 = vector.broadcast %squeeze3A_2833 : f32 to vector<16xf32>
      %mul3A_2835 = arith.mulf %gather3A_794, %mul3A_2834 : vector<16xf32>
      %add3A_2836 = arith.addf %add3A_2831, %mul3A_2835 : vector<16xf32>
      %slice3A_2837 = vector.extract_strided_slice %get3A_2821 {offsets = [3], sizes = [1], strides = [1]} : vector<16xf32> to vector<1xf32>
      %squeeze3A_2838 = vector.extract %slice3A_2837[0] : f32 from vector<1xf32>
      %mul3A_2839 = vector.broadcast %squeeze3A_2838 : f32 to vector<16xf32>
      %mul3A_2840 = arith.mulf %gather3A_797, %mul3A_2839 : vector<16xf32>
      %add3A_2841 = arith.addf %add3A_2836, %mul3A_2840 : vector<16xf32>
      %slice3A_2842 = vector.extract_strided_slice %get3A_2821 {offsets = [4], sizes = [1], strides = [1]} : vector<16xf32> to vector<1xf32>
      %squeeze3A_2843 = vector.extract %slice3A_2842[0] : f32 from vector<1xf32>
      %mul3A_2844 = vector.broadcast %squeeze3A_2843 : f32 to vector<16xf32>
      %mul3A_2845 = arith.mulf %gather3A_800, %mul3A_2844 : vector<16xf32>
      %add3A_2846 = arith.addf %add3A_2841, %mul3A_2845 : vector<16xf32>
      %slice3A_2847 = vector.extract_strided_slice %get3A_2821 {offsets = [5], sizes = [1], strides = [1]} : vector<16xf32> to vector<1xf32>
      %squeeze3A_2848 = vector.extract %slice3A_2847[0] : f32 from vector<1xf32>
      %mul3A_2849 = vector.broadcast %squeeze3A_2848 : f32 to vector<16xf32>
      %mul3A_2850 = arith.mulf %gather3A_803, %mul3A_2849 : vector<16xf32>
      %add3A_2851 = arith.addf %add3A_2846, %mul3A_2850 : vector<16xf32>
      %slice3A_2852 = vector.extract_strided_slice %get3A_2821 {offsets = [6], sizes = [1], strides = [1]} : vector<16xf32> to vector<1xf32>
      %squeeze3A_2853 = vector.extract %slice3A_2852[0] : f32 from vector<1xf32>
      %mul3A_2854 = vector.broadcast %squeeze3A_2853 : f32 to vector<16xf32>
      %mul3A_2855 = arith.mulf %gather3A_806, %mul3A_2854 : vector<16xf32>
      %add3A_2856 = arith.addf %add3A_2851, %mul3A_2855 : vector<16xf32>
      %slice3A_2857 = vector.extract_strided_slice %get3A_2821 {offsets = [7], sizes = [1], strides = [1]} : vector<16xf32> to vector<1xf32>
      %squeeze3A_2858 = vector.extract %slice3A_2857[0] : f32 from vector<1xf32>
      %mul3A_2859 = vector.broadcast %squeeze3A_2858 : f32 to vector<16xf32>
      %mul3A_2860 = arith.mulf %gather3A_809, %mul3A_2859 : vector<16xf32>
      %add3A_2861 = arith.addf %add3A_2856, %mul3A_2860 : vector<16xf32>
      %slice3A_2862 = vector.extract_strided_slice %get3A_2821 {offsets = [8], sizes = [1], strides = [1]} : vector<16xf32> to vector<1xf32>
      %squeeze3A_2863 = vector.extract %slice3A_2862[0] : f32 from vector<1xf32>
      %mul3A_2864 = vector.broadcast %squeeze3A_2863 : f32 to vector<16xf32>
      %mul3A_2865 = arith.mulf %gather3A_812, %mul3A_2864 : vector<16xf32>
      %add3A_2866 = arith.addf %add3A_2861, %mul3A_2865 : vector<16xf32>
      %slice3A_2867 = vector.extract_strided_slice %get3A_2821 {offsets = [9], sizes = [1], strides = [1]} : vector<16xf32> to vector<1xf32>
      %squeeze3A_2868 = vector.extract %slice3A_2867[0] : f32 from vector<1xf32>
      %mul3A_2869 = vector.broadcast %squeeze3A_2868 : f32 to vector<16xf32>
      %mul3A_2870 = arith.mulf %gather3A_815, %mul3A_2869 : vector<16xf32>
      %add3A_2871 = arith.addf %add3A_2866, %mul3A_2870 : vector<16xf32>
      %slice3A_2872 = vector.extract_strided_slice %get3A_2821 {offsets = [10], sizes = [1], strides = [1]} : vector<16xf32> to vector<1xf32>
      %squeeze3A_2873 = vector.extract %slice3A_2872[0] : f32 from vector<1xf32>
      %mul3A_2874 = vector.broadcast %squeeze3A_2873 : f32 to vector<16xf32>
      %mul3A_2875 = arith.mulf %gather3A_818, %mul3A_2874 : vector<16xf32>
      %add3A_2876 = arith.addf %add3A_2871, %mul3A_2875 : vector<16xf32>
      %slice3A_2877 = vector.extract_strided_slice %get3A_2821 {offsets = [11], sizes = [1], strides = [1]} : vector<16xf32> to vector<1xf32>
      %squeeze3A_2878 = vector.extract %slice3A_2877[0] : f32 from vector<1xf32>
      %mul3A_2879 = vector.broadcast %squeeze3A_2878 : f32 to vector<16xf32>
      %mul3A_2880 = arith.mulf %gather3A_821, %mul3A_2879 : vector<16xf32>
      %add3A_2881 = arith.addf %add3A_2876, %mul3A_2880 : vector<16xf32>
      %slice3A_2882 = vector.extract_strided_slice %get3A_2821 {offsets = [12], sizes = [1], strides = [1]} : vector<16xf32> to vector<1xf32>
      %squeeze3A_2883 = vector.extract %slice3A_2882[0] : f32 from vector<1xf32>
      %mul3A_2884 = vector.broadcast %squeeze3A_2883 : f32 to vector<16xf32>
      %mul3A_2885 = arith.mulf %gather3A_824, %mul3A_2884 : vector<16xf32>
      %add3A_2886 = arith.addf %add3A_2881, %mul3A_2885 : vector<16xf32>
      %slice3A_2887 = vector.extract_strided_slice %get3A_2821 {offsets = [13], sizes = [1], strides = [1]} : vector<16xf32> to vector<1xf32>
      %squeeze3A_2888 = vector.extract %slice3A_2887[0] : f32 from vector<1xf32>
      %mul3A_2889 = vector.broadcast %squeeze3A_2888 : f32 to vector<16xf32>
      %mul3A_2890 = arith.mulf %gather3A_827, %mul3A_2889 : vector<16xf32>
      %add3A_2891 = arith.addf %add3A_2886, %mul3A_2890 : vector<16xf32>
      %slice3A_2892 = vector.extract_strided_slice %get3A_2821 {offsets = [14], sizes = [1], strides = [1]} : vector<16xf32> to vector<1xf32>
      %squeeze3A_2893 = vector.extract %slice3A_2892[0] : f32 from vector<1xf32>
      %mul3A_2894 = vector.broadcast %squeeze3A_2893 : f32 to vector<16xf32>
      %mul3A_2895 = arith.mulf %gather3A_830, %mul3A_2894 : vector<16xf32>
      %add3A_2896 = arith.addf %add3A_2891, %mul3A_2895 : vector<16xf32>
      %slice3A_2897 = vector.extract_strided_slice %get3A_2821 {offsets = [15], sizes = [1], strides = [1]} : vector<16xf32> to vector<1xf32>
      %squeeze3A_2898 = vector.extract %slice3A_2897[0] : f32 from vector<1xf32>
      %mul3A_2899 = vector.broadcast %squeeze3A_2898 : f32 to vector<16xf32>
      %mul3A_2900 = arith.mulf %gather3A_833, %mul3A_2899 : vector<16xf32>
      %add3A_2901 = arith.addf %add3A_2896, %mul3A_2900 : vector<16xf32>
      %mul3A_2902 = arith.mulf %gather3A_2816, %add3A_2901 : vector<16xf32>
      %add3A_2903 = arith.addf %add3A_2813, %mul3A_2902 : vector<16xf32>
      %broadcast_in_dim3A_2904 = arith.constant 23 : i32
      %broadcast_in_dim3A_2905 = vector.broadcast %broadcast_in_dim3A_2904 : i32 to vector<16xi32>
      %gather3A_2906 = tpu.vector_load_idx %arg16[%add3A_779, %broadcast_in_dim3A_2905] : memref<512x32xf32, #tpu.memory_space<vmem>>[vector<16xi32>, vector<16xi32>], vector<16xf32>,
      %gather3A_2907 = tpu.vector_load_idx %arg17[%add3A_779, %broadcast_in_dim3A_2905] : memref<512x32xf32, #tpu.memory_space<vmem>>[vector<16xi32>, vector<16xi32>], vector<16xf32>,
      %get3A_2908 = arith.constant 23 : i32
      %get3A_2909 = arith.index_cast %get3A_2908 : i32 to index
      %get3A_2910 = arith.constant 0 : index
      %get3A_2911 = tpu.vector_load %arg21[%get3A_2909, %get3A_2910] {strides = array<i32>} : memref<32x16xf32, #tpu.memory_space<vmem>>, vector<16xf32>,
      %slice3A_2912 = vector.extract_strided_slice %get3A_2911 {offsets = [0], sizes = [1], strides = [1]} : vector<16xf32> to vector<1xf32>
      %squeeze3A_2913 = vector.extract %slice3A_2912[0] : f32 from vector<1xf32>
      %mul3A_2914 = vector.broadcast %squeeze3A_2913 : f32 to vector<16xf32>
      %mul3A_2915 = arith.mulf %gather3A_788, %mul3A_2914 : vector<16xf32>
      %add3A_2916 = arith.addf %gather3A_2907, %mul3A_2915 : vector<16xf32>
      %slice3A_2917 = vector.extract_strided_slice %get3A_2911 {offsets = [1], sizes = [1], strides = [1]} : vector<16xf32> to vector<1xf32>
      %squeeze3A_2918 = vector.extract %slice3A_2917[0] : f32 from vector<1xf32>
      %mul3A_2919 = vector.broadcast %squeeze3A_2918 : f32 to vector<16xf32>
      %mul3A_2920 = arith.mulf %gather3A_791, %mul3A_2919 : vector<16xf32>
      %add3A_2921 = arith.addf %add3A_2916, %mul3A_2920 : vector<16xf32>
      %slice3A_2922 = vector.extract_strided_slice %get3A_2911 {offsets = [2], sizes = [1], strides = [1]} : vector<16xf32> to vector<1xf32>
      %squeeze3A_2923 = vector.extract %slice3A_2922[0] : f32 from vector<1xf32>
      %mul3A_2924 = vector.broadcast %squeeze3A_2923 : f32 to vector<16xf32>
      %mul3A_2925 = arith.mulf %gather3A_794, %mul3A_2924 : vector<16xf32>
      %add3A_2926 = arith.addf %add3A_2921, %mul3A_2925 : vector<16xf32>
      %slice3A_2927 = vector.extract_strided_slice %get3A_2911 {offsets = [3], sizes = [1], strides = [1]} : vector<16xf32> to vector<1xf32>
      %squeeze3A_2928 = vector.extract %slice3A_2927[0] : f32 from vector<1xf32>
      %mul3A_2929 = vector.broadcast %squeeze3A_2928 : f32 to vector<16xf32>
      %mul3A_2930 = arith.mulf %gather3A_797, %mul3A_2929 : vector<16xf32>
      %add3A_2931 = arith.addf %add3A_2926, %mul3A_2930 : vector<16xf32>
      %slice3A_2932 = vector.extract_strided_slice %get3A_2911 {offsets = [4], sizes = [1], strides = [1]} : vector<16xf32> to vector<1xf32>
      %squeeze3A_2933 = vector.extract %slice3A_2932[0] : f32 from vector<1xf32>
      %mul3A_2934 = vector.broadcast %squeeze3A_2933 : f32 to vector<16xf32>
      %mul3A_2935 = arith.mulf %gather3A_800, %mul3A_2934 : vector<16xf32>
      %add3A_2936 = arith.addf %add3A_2931, %mul3A_2935 : vector<16xf32>
      %slice3A_2937 = vector.extract_strided_slice %get3A_2911 {offsets = [5], sizes = [1], strides = [1]} : vector<16xf32> to vector<1xf32>
      %squeeze3A_2938 = vector.extract %slice3A_2937[0] : f32 from vector<1xf32>
      %mul3A_2939 = vector.broadcast %squeeze3A_2938 : f32 to vector<16xf32>
      %mul3A_2940 = arith.mulf %gather3A_803, %mul3A_2939 : vector<16xf32>
      %add3A_2941 = arith.addf %add3A_2936, %mul3A_2940 : vector<16xf32>
      %slice3A_2942 = vector.extract_strided_slice %get3A_2911 {offsets = [6], sizes = [1], strides = [1]} : vector<16xf32> to vector<1xf32>
      %squeeze3A_2943 = vector.extract %slice3A_2942[0] : f32 from vector<1xf32>
      %mul3A_2944 = vector.broadcast %squeeze3A_2943 : f32 to vector<16xf32>
      %mul3A_2945 = arith.mulf %gather3A_806, %mul3A_2944 : vector<16xf32>
      %add3A_2946 = arith.addf %add3A_2941, %mul3A_2945 : vector<16xf32>
      %slice3A_2947 = vector.extract_strided_slice %get3A_2911 {offsets = [7], sizes = [1], strides = [1]} : vector<16xf32> to vector<1xf32>
      %squeeze3A_2948 = vector.extract %slice3A_2947[0] : f32 from vector<1xf32>
      %mul3A_2949 = vector.broadcast %squeeze3A_2948 : f32 to vector<16xf32>
      %mul3A_2950 = arith.mulf %gather3A_809, %mul3A_2949 : vector<16xf32>
      %add3A_2951 = arith.addf %add3A_2946, %mul3A_2950 : vector<16xf32>
      %slice3A_2952 = vector.extract_strided_slice %get3A_2911 {offsets = [8], sizes = [1], strides = [1]} : vector<16xf32> to vector<1xf32>
      %squeeze3A_2953 = vector.extract %slice3A_2952[0] : f32 from vector<1xf32>
      %mul3A_2954 = vector.broadcast %squeeze3A_2953 : f32 to vector<16xf32>
      %mul3A_2955 = arith.mulf %gather3A_812, %mul3A_2954 : vector<16xf32>
      %add3A_2956 = arith.addf %add3A_2951, %mul3A_2955 : vector<16xf32>
      %slice3A_2957 = vector.extract_strided_slice %get3A_2911 {offsets = [9], sizes = [1], strides = [1]} : vector<16xf32> to vector<1xf32>
      %squeeze3A_2958 = vector.extract %slice3A_2957[0] : f32 from vector<1xf32>
      %mul3A_2959 = vector.broadcast %squeeze3A_2958 : f32 to vector<16xf32>
      %mul3A_2960 = arith.mulf %gather3A_815, %mul3A_2959 : vector<16xf32>
      %add3A_2961 = arith.addf %add3A_2956, %mul3A_2960 : vector<16xf32>
      %slice3A_2962 = vector.extract_strided_slice %get3A_2911 {offsets = [10], sizes = [1], strides = [1]} : vector<16xf32> to vector<1xf32>
      %squeeze3A_2963 = vector.extract %slice3A_2962[0] : f32 from vector<1xf32>
      %mul3A_2964 = vector.broadcast %squeeze3A_2963 : f32 to vector<16xf32>
      %mul3A_2965 = arith.mulf %gather3A_818, %mul3A_2964 : vector<16xf32>
      %add3A_2966 = arith.addf %add3A_2961, %mul3A_2965 : vector<16xf32>
      %slice3A_2967 = vector.extract_strided_slice %get3A_2911 {offsets = [11], sizes = [1], strides = [1]} : vector<16xf32> to vector<1xf32>
      %squeeze3A_2968 = vector.extract %slice3A_2967[0] : f32 from vector<1xf32>
      %mul3A_2969 = vector.broadcast %squeeze3A_2968 : f32 to vector<16xf32>
      %mul3A_2970 = arith.mulf %gather3A_821, %mul3A_2969 : vector<16xf32>
      %add3A_2971 = arith.addf %add3A_2966, %mul3A_2970 : vector<16xf32>
      %slice3A_2972 = vector.extract_strided_slice %get3A_2911 {offsets = [12], sizes = [1], strides = [1]} : vector<16xf32> to vector<1xf32>
      %squeeze3A_2973 = vector.extract %slice3A_2972[0] : f32 from vector<1xf32>
      %mul3A_2974 = vector.broadcast %squeeze3A_2973 : f32 to vector<16xf32>
      %mul3A_2975 = arith.mulf %gather3A_824, %mul3A_2974 : vector<16xf32>
      %add3A_2976 = arith.addf %add3A_2971, %mul3A_2975 : vector<16xf32>
      %slice3A_2977 = vector.extract_strided_slice %get3A_2911 {offsets = [13], sizes = [1], strides = [1]} : vector<16xf32> to vector<1xf32>
      %squeeze3A_2978 = vector.extract %slice3A_2977[0] : f32 from vector<1xf32>
      %mul3A_2979 = vector.broadcast %squeeze3A_2978 : f32 to vector<16xf32>
      %mul3A_2980 = arith.mulf %gather3A_827, %mul3A_2979 : vector<16xf32>
      %add3A_2981 = arith.addf %add3A_2976, %mul3A_2980 : vector<16xf32>
      %slice3A_2982 = vector.extract_strided_slice %get3A_2911 {offsets = [14], sizes = [1], strides = [1]} : vector<16xf32> to vector<1xf32>
      %squeeze3A_2983 = vector.extract %slice3A_2982[0] : f32 from vector<1xf32>
      %mul3A_2984 = vector.broadcast %squeeze3A_2983 : f32 to vector<16xf32>
      %mul3A_2985 = arith.mulf %gather3A_830, %mul3A_2984 : vector<16xf32>
      %add3A_2986 = arith.addf %add3A_2981, %mul3A_2985 : vector<16xf32>
      %slice3A_2987 = vector.extract_strided_slice %get3A_2911 {offsets = [15], sizes = [1], strides = [1]} : vector<16xf32> to vector<1xf32>
      %squeeze3A_2988 = vector.extract %slice3A_2987[0] : f32 from vector<1xf32>
      %mul3A_2989 = vector.broadcast %squeeze3A_2988 : f32 to vector<16xf32>
      %mul3A_2990 = arith.mulf %gather3A_833, %mul3A_2989 : vector<16xf32>
      %add3A_2991 = arith.addf %add3A_2986, %mul3A_2990 : vector<16xf32>
      %mul3A_2992 = arith.mulf %gather3A_2906, %add3A_2991 : vector<16xf32>
      %add3A_2993 = arith.addf %add3A_2903, %mul3A_2992 : vector<16xf32>
      %broadcast_in_dim3A_2994 = arith.constant 24 : i32
      %broadcast_in_dim3A_2995 = vector.broadcast %broadcast_in_dim3A_2994 : i32 to vector<16xi32>
      %gather3A_2996 = tpu.vector_load_idx %arg16[%add3A_779, %broadcast_in_dim3A_2995] : memref<512x32xf32, #tpu.memory_space<vmem>>[vector<16xi32>, vector<16xi32>], vector<16xf32>,
      %gather3A_2997 = tpu.vector_load_idx %arg17[%add3A_779, %broadcast_in_dim3A_2995] : memref<512x32xf32, #tpu.memory_space<vmem>>[vector<16xi32>, vector<16xi32>], vector<16xf32>,
      %get3A_2998 = arith.constant 24 : i32
      %get3A_2999 = arith.index_cast %get3A_2998 : i32 to index
      %get3A_3000 = arith.constant 0 : index
      %get3A_3001 = tpu.vector_load %arg21[%get3A_2999, %get3A_3000] {strides = array<i32>} : memref<32x16xf32, #tpu.memory_space<vmem>>, vector<16xf32>,
      %slice3A_3002 = vector.extract_strided_slice %get3A_3001 {offsets = [0], sizes = [1], strides = [1]} : vector<16xf32> to vector<1xf32>
      %squeeze3A_3003 = vector.extract %slice3A_3002[0] : f32 from vector<1xf32>
      %mul3A_3004 = vector.broadcast %squeeze3A_3003 : f32 to vector<16xf32>
      %mul3A_3005 = arith.mulf %gather3A_788, %mul3A_3004 : vector<16xf32>
      %add3A_3006 = arith.addf %gather3A_2997, %mul3A_3005 : vector<16xf32>
      %slice3A_3007 = vector.extract_strided_slice %get3A_3001 {offsets = [1], sizes = [1], strides = [1]} : vector<16xf32> to vector<1xf32>
      %squeeze3A_3008 = vector.extract %slice3A_3007[0] : f32 from vector<1xf32>
      %mul3A_3009 = vector.broadcast %squeeze3A_3008 : f32 to vector<16xf32>
      %mul3A_3010 = arith.mulf %gather3A_791, %mul3A_3009 : vector<16xf32>
      %add3A_3011 = arith.addf %add3A_3006, %mul3A_3010 : vector<16xf32>
      %slice3A_3012 = vector.extract_strided_slice %get3A_3001 {offsets = [2], sizes = [1], strides = [1]} : vector<16xf32> to vector<1xf32>
      %squeeze3A_3013 = vector.extract %slice3A_3012[0] : f32 from vector<1xf32>
      %mul3A_3014 = vector.broadcast %squeeze3A_3013 : f32 to vector<16xf32>
      %mul3A_3015 = arith.mulf %gather3A_794, %mul3A_3014 : vector<16xf32>
      %add3A_3016 = arith.addf %add3A_3011, %mul3A_3015 : vector<16xf32>
      %slice3A_3017 = vector.extract_strided_slice %get3A_3001 {offsets = [3], sizes = [1], strides = [1]} : vector<16xf32> to vector<1xf32>
      %squeeze3A_3018 = vector.extract %slice3A_3017[0] : f32 from vector<1xf32>
      %mul3A_3019 = vector.broadcast %squeeze3A_3018 : f32 to vector<16xf32>
      %mul3A_3020 = arith.mulf %gather3A_797, %mul3A_3019 : vector<16xf32>
      %add3A_3021 = arith.addf %add3A_3016, %mul3A_3020 : vector<16xf32>
      %slice3A_3022 = vector.extract_strided_slice %get3A_3001 {offsets = [4], sizes = [1], strides = [1]} : vector<16xf32> to vector<1xf32>
      %squeeze3A_3023 = vector.extract %slice3A_3022[0] : f32 from vector<1xf32>
      %mul3A_3024 = vector.broadcast %squeeze3A_3023 : f32 to vector<16xf32>
      %mul3A_3025 = arith.mulf %gather3A_800, %mul3A_3024 : vector<16xf32>
      %add3A_3026 = arith.addf %add3A_3021, %mul3A_3025 : vector<16xf32>
      %slice3A_3027 = vector.extract_strided_slice %get3A_3001 {offsets = [5], sizes = [1], strides = [1]} : vector<16xf32> to vector<1xf32>
      %squeeze3A_3028 = vector.extract %slice3A_3027[0] : f32 from vector<1xf32>
      %mul3A_3029 = vector.broadcast %squeeze3A_3028 : f32 to vector<16xf32>
      %mul3A_3030 = arith.mulf %gather3A_803, %mul3A_3029 : vector<16xf32>
      %add3A_3031 = arith.addf %add3A_3026, %mul3A_3030 : vector<16xf32>
      %slice3A_3032 = vector.extract_strided_slice %get3A_3001 {offsets = [6], sizes = [1], strides = [1]} : vector<16xf32> to vector<1xf32>
      %squeeze3A_3033 = vector.extract %slice3A_3032[0] : f32 from vector<1xf32>
      %mul3A_3034 = vector.broadcast %squeeze3A_3033 : f32 to vector<16xf32>
      %mul3A_3035 = arith.mulf %gather3A_806, %mul3A_3034 : vector<16xf32>
      %add3A_3036 = arith.addf %add3A_3031, %mul3A_3035 : vector<16xf32>
      %slice3A_3037 = vector.extract_strided_slice %get3A_3001 {offsets = [7], sizes = [1], strides = [1]} : vector<16xf32> to vector<1xf32>
      %squeeze3A_3038 = vector.extract %slice3A_3037[0] : f32 from vector<1xf32>
      %mul3A_3039 = vector.broadcast %squeeze3A_3038 : f32 to vector<16xf32>
      %mul3A_3040 = arith.mulf %gather3A_809, %mul3A_3039 : vector<16xf32>
      %add3A_3041 = arith.addf %add3A_3036, %mul3A_3040 : vector<16xf32>
      %slice3A_3042 = vector.extract_strided_slice %get3A_3001 {offsets = [8], sizes = [1], strides = [1]} : vector<16xf32> to vector<1xf32>
      %squeeze3A_3043 = vector.extract %slice3A_3042[0] : f32 from vector<1xf32>
      %mul3A_3044 = vector.broadcast %squeeze3A_3043 : f32 to vector<16xf32>
      %mul3A_3045 = arith.mulf %gather3A_812, %mul3A_3044 : vector<16xf32>
      %add3A_3046 = arith.addf %add3A_3041, %mul3A_3045 : vector<16xf32>
      %slice3A_3047 = vector.extract_strided_slice %get3A_3001 {offsets = [9], sizes = [1], strides = [1]} : vector<16xf32> to vector<1xf32>
      %squeeze3A_3048 = vector.extract %slice3A_3047[0] : f32 from vector<1xf32>
      %mul3A_3049 = vector.broadcast %squeeze3A_3048 : f32 to vector<16xf32>
      %mul3A_3050 = arith.mulf %gather3A_815, %mul3A_3049 : vector<16xf32>
      %add3A_3051 = arith.addf %add3A_3046, %mul3A_3050 : vector<16xf32>
      %slice3A_3052 = vector.extract_strided_slice %get3A_3001 {offsets = [10], sizes = [1], strides = [1]} : vector<16xf32> to vector<1xf32>
      %squeeze3A_3053 = vector.extract %slice3A_3052[0] : f32 from vector<1xf32>
      %mul3A_3054 = vector.broadcast %squeeze3A_3053 : f32 to vector<16xf32>
      %mul3A_3055 = arith.mulf %gather3A_818, %mul3A_3054 : vector<16xf32>
      %add3A_3056 = arith.addf %add3A_3051, %mul3A_3055 : vector<16xf32>
      %slice3A_3057 = vector.extract_strided_slice %get3A_3001 {offsets = [11], sizes = [1], strides = [1]} : vector<16xf32> to vector<1xf32>
      %squeeze3A_3058 = vector.extract %slice3A_3057[0] : f32 from vector<1xf32>
      %mul3A_3059 = vector.broadcast %squeeze3A_3058 : f32 to vector<16xf32>
      %mul3A_3060 = arith.mulf %gather3A_821, %mul3A_3059 : vector<16xf32>
      %add3A_3061 = arith.addf %add3A_3056, %mul3A_3060 : vector<16xf32>
      %slice3A_3062 = vector.extract_strided_slice %get3A_3001 {offsets = [12], sizes = [1], strides = [1]} : vector<16xf32> to vector<1xf32>
      %squeeze3A_3063 = vector.extract %slice3A_3062[0] : f32 from vector<1xf32>
      %mul3A_3064 = vector.broadcast %squeeze3A_3063 : f32 to vector<16xf32>
      %mul3A_3065 = arith.mulf %gather3A_824, %mul3A_3064 : vector<16xf32>
      %add3A_3066 = arith.addf %add3A_3061, %mul3A_3065 : vector<16xf32>
      %slice3A_3067 = vector.extract_strided_slice %get3A_3001 {offsets = [13], sizes = [1], strides = [1]} : vector<16xf32> to vector<1xf32>
      %squeeze3A_3068 = vector.extract %slice3A_3067[0] : f32 from vector<1xf32>
      %mul3A_3069 = vector.broadcast %squeeze3A_3068 : f32 to vector<16xf32>
      %mul3A_3070 = arith.mulf %gather3A_827, %mul3A_3069 : vector<16xf32>
      %add3A_3071 = arith.addf %add3A_3066, %mul3A_3070 : vector<16xf32>
      %slice3A_3072 = vector.extract_strided_slice %get3A_3001 {offsets = [14], sizes = [1], strides = [1]} : vector<16xf32> to vector<1xf32>
      %squeeze3A_3073 = vector.extract %slice3A_3072[0] : f32 from vector<1xf32>
      %mul3A_3074 = vector.broadcast %squeeze3A_3073 : f32 to vector<16xf32>
      %mul3A_3075 = arith.mulf %gather3A_830, %mul3A_3074 : vector<16xf32>
      %add3A_3076 = arith.addf %add3A_3071, %mul3A_3075 : vector<16xf32>
      %slice3A_3077 = vector.extract_strided_slice %get3A_3001 {offsets = [15], sizes = [1], strides = [1]} : vector<16xf32> to vector<1xf32>
      %squeeze3A_3078 = vector.extract %slice3A_3077[0] : f32 from vector<1xf32>
      %mul3A_3079 = vector.broadcast %squeeze3A_3078 : f32 to vector<16xf32>
      %mul3A_3080 = arith.mulf %gather3A_833, %mul3A_3079 : vector<16xf32>
      %add3A_3081 = arith.addf %add3A_3076, %mul3A_3080 : vector<16xf32>
      %mul3A_3082 = arith.mulf %gather3A_2996, %add3A_3081 : vector<16xf32>
      %add3A_3083 = arith.addf %add3A_2993, %mul3A_3082 : vector<16xf32>
      %broadcast_in_dim3A_3084 = arith.constant 25 : i32
      %broadcast_in_dim3A_3085 = vector.broadcast %broadcast_in_dim3A_3084 : i32 to vector<16xi32>
      %gather3A_3086 = tpu.vector_load_idx %arg16[%add3A_779, %broadcast_in_dim3A_3085] : memref<512x32xf32, #tpu.memory_space<vmem>>[vector<16xi32>, vector<16xi32>], vector<16xf32>,
      %gather3A_3087 = tpu.vector_load_idx %arg17[%add3A_779, %broadcast_in_dim3A_3085] : memref<512x32xf32, #tpu.memory_space<vmem>>[vector<16xi32>, vector<16xi32>], vector<16xf32>,
      %get3A_3088 = arith.constant 25 : i32
      %get3A_3089 = arith.index_cast %get3A_3088 : i32 to index
      %get3A_3090 = arith.constant 0 : index
      %get3A_3091 = tpu.vector_load %arg21[%get3A_3089, %get3A_3090] {strides = array<i32>} : memref<32x16xf32, #tpu.memory_space<vmem>>, vector<16xf32>,
      %slice3A_3092 = vector.extract_strided_slice %get3A_3091 {offsets = [0], sizes = [1], strides = [1]} : vector<16xf32> to vector<1xf32>
      %squeeze3A_3093 = vector.extract %slice3A_3092[0] : f32 from vector<1xf32>
      %mul3A_3094 = vector.broadcast %squeeze3A_3093 : f32 to vector<16xf32>
      %mul3A_3095 = arith.mulf %gather3A_788, %mul3A_3094 : vector<16xf32>
      %add3A_3096 = arith.addf %gather3A_3087, %mul3A_3095 : vector<16xf32>
      %slice3A_3097 = vector.extract_strided_slice %get3A_3091 {offsets = [1], sizes = [1], strides = [1]} : vector<16xf32> to vector<1xf32>
      %squeeze3A_3098 = vector.extract %slice3A_3097[0] : f32 from vector<1xf32>
      %mul3A_3099 = vector.broadcast %squeeze3A_3098 : f32 to vector<16xf32>
      %mul3A_3100 = arith.mulf %gather3A_791, %mul3A_3099 : vector<16xf32>
      %add3A_3101 = arith.addf %add3A_3096, %mul3A_3100 : vector<16xf32>
      %slice3A_3102 = vector.extract_strided_slice %get3A_3091 {offsets = [2], sizes = [1], strides = [1]} : vector<16xf32> to vector<1xf32>
      %squeeze3A_3103 = vector.extract %slice3A_3102[0] : f32 from vector<1xf32>
      %mul3A_3104 = vector.broadcast %squeeze3A_3103 : f32 to vector<16xf32>
      %mul3A_3105 = arith.mulf %gather3A_794, %mul3A_3104 : vector<16xf32>
      %add3A_3106 = arith.addf %add3A_3101, %mul3A_3105 : vector<16xf32>
      %slice3A_3107 = vector.extract_strided_slice %get3A_3091 {offsets = [3], sizes = [1], strides = [1]} : vector<16xf32> to vector<1xf32>
      %squeeze3A_3108 = vector.extract %slice3A_3107[0] : f32 from vector<1xf32>
      %mul3A_3109 = vector.broadcast %squeeze3A_3108 : f32 to vector<16xf32>
      %mul3A_3110 = arith.mulf %gather3A_797, %mul3A_3109 : vector<16xf32>
      %add3A_3111 = arith.addf %add3A_3106, %mul3A_3110 : vector<16xf32>
      %slice3A_3112 = vector.extract_strided_slice %get3A_3091 {offsets = [4], sizes = [1], strides = [1]} : vector<16xf32> to vector<1xf32>
      %squeeze3A_3113 = vector.extract %slice3A_3112[0] : f32 from vector<1xf32>
      %mul3A_3114 = vector.broadcast %squeeze3A_3113 : f32 to vector<16xf32>
      %mul3A_3115 = arith.mulf %gather3A_800, %mul3A_3114 : vector<16xf32>
      %add3A_3116 = arith.addf %add3A_3111, %mul3A_3115 : vector<16xf32>
      %slice3A_3117 = vector.extract_strided_slice %get3A_3091 {offsets = [5], sizes = [1], strides = [1]} : vector<16xf32> to vector<1xf32>
      %squeeze3A_3118 = vector.extract %slice3A_3117[0] : f32 from vector<1xf32>
      %mul3A_3119 = vector.broadcast %squeeze3A_3118 : f32 to vector<16xf32>
      %mul3A_3120 = arith.mulf %gather3A_803, %mul3A_3119 : vector<16xf32>
      %add3A_3121 = arith.addf %add3A_3116, %mul3A_3120 : vector<16xf32>
      %slice3A_3122 = vector.extract_strided_slice %get3A_3091 {offsets = [6], sizes = [1], strides = [1]} : vector<16xf32> to vector<1xf32>
      %squeeze3A_3123 = vector.extract %slice3A_3122[0] : f32 from vector<1xf32>
      %mul3A_3124 = vector.broadcast %squeeze3A_3123 : f32 to vector<16xf32>
      %mul3A_3125 = arith.mulf %gather3A_806, %mul3A_3124 : vector<16xf32>
      %add3A_3126 = arith.addf %add3A_3121, %mul3A_3125 : vector<16xf32>
      %slice3A_3127 = vector.extract_strided_slice %get3A_3091 {offsets = [7], sizes = [1], strides = [1]} : vector<16xf32> to vector<1xf32>
      %squeeze3A_3128 = vector.extract %slice3A_3127[0] : f32 from vector<1xf32>
      %mul3A_3129 = vector.broadcast %squeeze3A_3128 : f32 to vector<16xf32>
      %mul3A_3130 = arith.mulf %gather3A_809, %mul3A_3129 : vector<16xf32>
      %add3A_3131 = arith.addf %add3A_3126, %mul3A_3130 : vector<16xf32>
      %slice3A_3132 = vector.extract_strided_slice %get3A_3091 {offsets = [8], sizes = [1], strides = [1]} : vector<16xf32> to vector<1xf32>
      %squeeze3A_3133 = vector.extract %slice3A_3132[0] : f32 from vector<1xf32>
      %mul3A_3134 = vector.broadcast %squeeze3A_3133 : f32 to vector<16xf32>
      %mul3A_3135 = arith.mulf %gather3A_812, %mul3A_3134 : vector<16xf32>
      %add3A_3136 = arith.addf %add3A_3131, %mul3A_3135 : vector<16xf32>
      %slice3A_3137 = vector.extract_strided_slice %get3A_3091 {offsets = [9], sizes = [1], strides = [1]} : vector<16xf32> to vector<1xf32>
      %squeeze3A_3138 = vector.extract %slice3A_3137[0] : f32 from vector<1xf32>
      %mul3A_3139 = vector.broadcast %squeeze3A_3138 : f32 to vector<16xf32>
      %mul3A_3140 = arith.mulf %gather3A_815, %mul3A_3139 : vector<16xf32>
      %add3A_3141 = arith.addf %add3A_3136, %mul3A_3140 : vector<16xf32>
      %slice3A_3142 = vector.extract_strided_slice %get3A_3091 {offsets = [10], sizes = [1], strides = [1]} : vector<16xf32> to vector<1xf32>
      %squeeze3A_3143 = vector.extract %slice3A_3142[0] : f32 from vector<1xf32>
      %mul3A_3144 = vector.broadcast %squeeze3A_3143 : f32 to vector<16xf32>
      %mul3A_3145 = arith.mulf %gather3A_818, %mul3A_3144 : vector<16xf32>
      %add3A_3146 = arith.addf %add3A_3141, %mul3A_3145 : vector<16xf32>
      %slice3A_3147 = vector.extract_strided_slice %get3A_3091 {offsets = [11], sizes = [1], strides = [1]} : vector<16xf32> to vector<1xf32>
      %squeeze3A_3148 = vector.extract %slice3A_3147[0] : f32 from vector<1xf32>
      %mul3A_3149 = vector.broadcast %squeeze3A_3148 : f32 to vector<16xf32>
      %mul3A_3150 = arith.mulf %gather3A_821, %mul3A_3149 : vector<16xf32>
      %add3A_3151 = arith.addf %add3A_3146, %mul3A_3150 : vector<16xf32>
      %slice3A_3152 = vector.extract_strided_slice %get3A_3091 {offsets = [12], sizes = [1], strides = [1]} : vector<16xf32> to vector<1xf32>
      %squeeze3A_3153 = vector.extract %slice3A_3152[0] : f32 from vector<1xf32>
      %mul3A_3154 = vector.broadcast %squeeze3A_3153 : f32 to vector<16xf32>
      %mul3A_3155 = arith.mulf %gather3A_824, %mul3A_3154 : vector<16xf32>
      %add3A_3156 = arith.addf %add3A_3151, %mul3A_3155 : vector<16xf32>
      %slice3A_3157 = vector.extract_strided_slice %get3A_3091 {offsets = [13], sizes = [1], strides = [1]} : vector<16xf32> to vector<1xf32>
      %squeeze3A_3158 = vector.extract %slice3A_3157[0] : f32 from vector<1xf32>
      %mul3A_3159 = vector.broadcast %squeeze3A_3158 : f32 to vector<16xf32>
      %mul3A_3160 = arith.mulf %gather3A_827, %mul3A_3159 : vector<16xf32>
      %add3A_3161 = arith.addf %add3A_3156, %mul3A_3160 : vector<16xf32>
      %slice3A_3162 = vector.extract_strided_slice %get3A_3091 {offsets = [14], sizes = [1], strides = [1]} : vector<16xf32> to vector<1xf32>
      %squeeze3A_3163 = vector.extract %slice3A_3162[0] : f32 from vector<1xf32>
      %mul3A_3164 = vector.broadcast %squeeze3A_3163 : f32 to vector<16xf32>
      %mul3A_3165 = arith.mulf %gather3A_830, %mul3A_3164 : vector<16xf32>
      %add3A_3166 = arith.addf %add3A_3161, %mul3A_3165 : vector<16xf32>
      %slice3A_3167 = vector.extract_strided_slice %get3A_3091 {offsets = [15], sizes = [1], strides = [1]} : vector<16xf32> to vector<1xf32>
      %squeeze3A_3168 = vector.extract %slice3A_3167[0] : f32 from vector<1xf32>
      %mul3A_3169 = vector.broadcast %squeeze3A_3168 : f32 to vector<16xf32>
      %mul3A_3170 = arith.mulf %gather3A_833, %mul3A_3169 : vector<16xf32>
      %add3A_3171 = arith.addf %add3A_3166, %mul3A_3170 : vector<16xf32>
      %mul3A_3172 = arith.mulf %gather3A_3086, %add3A_3171 : vector<16xf32>
      %add3A_3173 = arith.addf %add3A_3083, %mul3A_3172 : vector<16xf32>
      %broadcast_in_dim3A_3174 = arith.constant 26 : i32
      %broadcast_in_dim3A_3175 = vector.broadcast %broadcast_in_dim3A_3174 : i32 to vector<16xi32>
      %gather3A_3176 = tpu.vector_load_idx %arg16[%add3A_779, %broadcast_in_dim3A_3175] : memref<512x32xf32, #tpu.memory_space<vmem>>[vector<16xi32>, vector<16xi32>], vector<16xf32>,
      %gather3A_3177 = tpu.vector_load_idx %arg17[%add3A_779, %broadcast_in_dim3A_3175] : memref<512x32xf32, #tpu.memory_space<vmem>>[vector<16xi32>, vector<16xi32>], vector<16xf32>,
      %get3A_3178 = arith.constant 26 : i32
      %get3A_3179 = arith.index_cast %get3A_3178 : i32 to index
      %get3A_3180 = arith.constant 0 : index
      %get3A_3181 = tpu.vector_load %arg21[%get3A_3179, %get3A_3180] {strides = array<i32>} : memref<32x16xf32, #tpu.memory_space<vmem>>, vector<16xf32>,
      %slice3A_3182 = vector.extract_strided_slice %get3A_3181 {offsets = [0], sizes = [1], strides = [1]} : vector<16xf32> to vector<1xf32>
      %squeeze3A_3183 = vector.extract %slice3A_3182[0] : f32 from vector<1xf32>
      %mul3A_3184 = vector.broadcast %squeeze3A_3183 : f32 to vector<16xf32>
      %mul3A_3185 = arith.mulf %gather3A_788, %mul3A_3184 : vector<16xf32>
      %add3A_3186 = arith.addf %gather3A_3177, %mul3A_3185 : vector<16xf32>
      %slice3A_3187 = vector.extract_strided_slice %get3A_3181 {offsets = [1], sizes = [1], strides = [1]} : vector<16xf32> to vector<1xf32>
      %squeeze3A_3188 = vector.extract %slice3A_3187[0] : f32 from vector<1xf32>
      %mul3A_3189 = vector.broadcast %squeeze3A_3188 : f32 to vector<16xf32>
      %mul3A_3190 = arith.mulf %gather3A_791, %mul3A_3189 : vector<16xf32>
      %add3A_3191 = arith.addf %add3A_3186, %mul3A_3190 : vector<16xf32>
      %slice3A_3192 = vector.extract_strided_slice %get3A_3181 {offsets = [2], sizes = [1], strides = [1]} : vector<16xf32> to vector<1xf32>
      %squeeze3A_3193 = vector.extract %slice3A_3192[0] : f32 from vector<1xf32>
      %mul3A_3194 = vector.broadcast %squeeze3A_3193 : f32 to vector<16xf32>
      %mul3A_3195 = arith.mulf %gather3A_794, %mul3A_3194 : vector<16xf32>
      %add3A_3196 = arith.addf %add3A_3191, %mul3A_3195 : vector<16xf32>
      %slice3A_3197 = vector.extract_strided_slice %get3A_3181 {offsets = [3], sizes = [1], strides = [1]} : vector<16xf32> to vector<1xf32>
      %squeeze3A_3198 = vector.extract %slice3A_3197[0] : f32 from vector<1xf32>
      %mul3A_3199 = vector.broadcast %squeeze3A_3198 : f32 to vector<16xf32>
      %mul3A_3200 = arith.mulf %gather3A_797, %mul3A_3199 : vector<16xf32>
      %add3A_3201 = arith.addf %add3A_3196, %mul3A_3200 : vector<16xf32>
      %slice3A_3202 = vector.extract_strided_slice %get3A_3181 {offsets = [4], sizes = [1], strides = [1]} : vector<16xf32> to vector<1xf32>
      %squeeze3A_3203 = vector.extract %slice3A_3202[0] : f32 from vector<1xf32>
      %mul3A_3204 = vector.broadcast %squeeze3A_3203 : f32 to vector<16xf32>
      %mul3A_3205 = arith.mulf %gather3A_800, %mul3A_3204 : vector<16xf32>
      %add3A_3206 = arith.addf %add3A_3201, %mul3A_3205 : vector<16xf32>
      %slice3A_3207 = vector.extract_strided_slice %get3A_3181 {offsets = [5], sizes = [1], strides = [1]} : vector<16xf32> to vector<1xf32>
      %squeeze3A_3208 = vector.extract %slice3A_3207[0] : f32 from vector<1xf32>
      %mul3A_3209 = vector.broadcast %squeeze3A_3208 : f32 to vector<16xf32>
      %mul3A_3210 = arith.mulf %gather3A_803, %mul3A_3209 : vector<16xf32>
      %add3A_3211 = arith.addf %add3A_3206, %mul3A_3210 : vector<16xf32>
      %slice3A_3212 = vector.extract_strided_slice %get3A_3181 {offsets = [6], sizes = [1], strides = [1]} : vector<16xf32> to vector<1xf32>
      %squeeze3A_3213 = vector.extract %slice3A_3212[0] : f32 from vector<1xf32>
      %mul3A_3214 = vector.broadcast %squeeze3A_3213 : f32 to vector<16xf32>
      %mul3A_3215 = arith.mulf %gather3A_806, %mul3A_3214 : vector<16xf32>
      %add3A_3216 = arith.addf %add3A_3211, %mul3A_3215 : vector<16xf32>
      %slice3A_3217 = vector.extract_strided_slice %get3A_3181 {offsets = [7], sizes = [1], strides = [1]} : vector<16xf32> to vector<1xf32>
      %squeeze3A_3218 = vector.extract %slice3A_3217[0] : f32 from vector<1xf32>
      %mul3A_3219 = vector.broadcast %squeeze3A_3218 : f32 to vector<16xf32>
      %mul3A_3220 = arith.mulf %gather3A_809, %mul3A_3219 : vector<16xf32>
      %add3A_3221 = arith.addf %add3A_3216, %mul3A_3220 : vector<16xf32>
      %slice3A_3222 = vector.extract_strided_slice %get3A_3181 {offsets = [8], sizes = [1], strides = [1]} : vector<16xf32> to vector<1xf32>
      %squeeze3A_3223 = vector.extract %slice3A_3222[0] : f32 from vector<1xf32>
      %mul3A_3224 = vector.broadcast %squeeze3A_3223 : f32 to vector<16xf32>
      %mul3A_3225 = arith.mulf %gather3A_812, %mul3A_3224 : vector<16xf32>
      %add3A_3226 = arith.addf %add3A_3221, %mul3A_3225 : vector<16xf32>
      %slice3A_3227 = vector.extract_strided_slice %get3A_3181 {offsets = [9], sizes = [1], strides = [1]} : vector<16xf32> to vector<1xf32>
      %squeeze3A_3228 = vector.extract %slice3A_3227[0] : f32 from vector<1xf32>
      %mul3A_3229 = vector.broadcast %squeeze3A_3228 : f32 to vector<16xf32>
      %mul3A_3230 = arith.mulf %gather3A_815, %mul3A_3229 : vector<16xf32>
      %add3A_3231 = arith.addf %add3A_3226, %mul3A_3230 : vector<16xf32>
      %slice3A_3232 = vector.extract_strided_slice %get3A_3181 {offsets = [10], sizes = [1], strides = [1]} : vector<16xf32> to vector<1xf32>
      %squeeze3A_3233 = vector.extract %slice3A_3232[0] : f32 from vector<1xf32>
      %mul3A_3234 = vector.broadcast %squeeze3A_3233 : f32 to vector<16xf32>
      %mul3A_3235 = arith.mulf %gather3A_818, %mul3A_3234 : vector<16xf32>
      %add3A_3236 = arith.addf %add3A_3231, %mul3A_3235 : vector<16xf32>
      %slice3A_3237 = vector.extract_strided_slice %get3A_3181 {offsets = [11], sizes = [1], strides = [1]} : vector<16xf32> to vector<1xf32>
      %squeeze3A_3238 = vector.extract %slice3A_3237[0] : f32 from vector<1xf32>
      %mul3A_3239 = vector.broadcast %squeeze3A_3238 : f32 to vector<16xf32>
      %mul3A_3240 = arith.mulf %gather3A_821, %mul3A_3239 : vector<16xf32>
      %add3A_3241 = arith.addf %add3A_3236, %mul3A_3240 : vector<16xf32>
      %slice3A_3242 = vector.extract_strided_slice %get3A_3181 {offsets = [12], sizes = [1], strides = [1]} : vector<16xf32> to vector<1xf32>
      %squeeze3A_3243 = vector.extract %slice3A_3242[0] : f32 from vector<1xf32>
      %mul3A_3244 = vector.broadcast %squeeze3A_3243 : f32 to vector<16xf32>
      %mul3A_3245 = arith.mulf %gather3A_824, %mul3A_3244 : vector<16xf32>
      %add3A_3246 = arith.addf %add3A_3241, %mul3A_3245 : vector<16xf32>
      %slice3A_3247 = vector.extract_strided_slice %get3A_3181 {offsets = [13], sizes = [1], strides = [1]} : vector<16xf32> to vector<1xf32>
      %squeeze3A_3248 = vector.extract %slice3A_3247[0] : f32 from vector<1xf32>
      %mul3A_3249 = vector.broadcast %squeeze3A_3248 : f32 to vector<16xf32>
      %mul3A_3250 = arith.mulf %gather3A_827, %mul3A_3249 : vector<16xf32>
      %add3A_3251 = arith.addf %add3A_3246, %mul3A_3250 : vector<16xf32>
      %slice3A_3252 = vector.extract_strided_slice %get3A_3181 {offsets = [14], sizes = [1], strides = [1]} : vector<16xf32> to vector<1xf32>
      %squeeze3A_3253 = vector.extract %slice3A_3252[0] : f32 from vector<1xf32>
      %mul3A_3254 = vector.broadcast %squeeze3A_3253 : f32 to vector<16xf32>
      %mul3A_3255 = arith.mulf %gather3A_830, %mul3A_3254 : vector<16xf32>
      %add3A_3256 = arith.addf %add3A_3251, %mul3A_3255 : vector<16xf32>
      %slice3A_3257 = vector.extract_strided_slice %get3A_3181 {offsets = [15], sizes = [1], strides = [1]} : vector<16xf32> to vector<1xf32>
      %squeeze3A_3258 = vector.extract %slice3A_3257[0] : f32 from vector<1xf32>
      %mul3A_3259 = vector.broadcast %squeeze3A_3258 : f32 to vector<16xf32>
      %mul3A_3260 = arith.mulf %gather3A_833, %mul3A_3259 : vector<16xf32>
      %add3A_3261 = arith.addf %add3A_3256, %mul3A_3260 : vector<16xf32>
      %mul3A_3262 = arith.mulf %gather3A_3176, %add3A_3261 : vector<16xf32>
      %add3A_3263 = arith.addf %add3A_3173, %mul3A_3262 : vector<16xf32>
      %broadcast_in_dim3A_3264 = arith.constant 27 : i32
      %broadcast_in_dim3A_3265 = vector.broadcast %broadcast_in_dim3A_3264 : i32 to vector<16xi32>
      %gather3A_3266 = tpu.vector_load_idx %arg16[%add3A_779, %broadcast_in_dim3A_3265] : memref<512x32xf32, #tpu.memory_space<vmem>>[vector<16xi32>, vector<16xi32>], vector<16xf32>,
      %gather3A_3267 = tpu.vector_load_idx %arg17[%add3A_779, %broadcast_in_dim3A_3265] : memref<512x32xf32, #tpu.memory_space<vmem>>[vector<16xi32>, vector<16xi32>], vector<16xf32>,
      %get3A_3268 = arith.constant 27 : i32
      %get3A_3269 = arith.index_cast %get3A_3268 : i32 to index
      %get3A_3270 = arith.constant 0 : index
      %get3A_3271 = tpu.vector_load %arg21[%get3A_3269, %get3A_3270] {strides = array<i32>} : memref<32x16xf32, #tpu.memory_space<vmem>>, vector<16xf32>,
      %slice3A_3272 = vector.extract_strided_slice %get3A_3271 {offsets = [0], sizes = [1], strides = [1]} : vector<16xf32> to vector<1xf32>
      %squeeze3A_3273 = vector.extract %slice3A_3272[0] : f32 from vector<1xf32>
      %mul3A_3274 = vector.broadcast %squeeze3A_3273 : f32 to vector<16xf32>
      %mul3A_3275 = arith.mulf %gather3A_788, %mul3A_3274 : vector<16xf32>
      %add3A_3276 = arith.addf %gather3A_3267, %mul3A_3275 : vector<16xf32>
      %slice3A_3277 = vector.extract_strided_slice %get3A_3271 {offsets = [1], sizes = [1], strides = [1]} : vector<16xf32> to vector<1xf32>
      %squeeze3A_3278 = vector.extract %slice3A_3277[0] : f32 from vector<1xf32>
      %mul3A_3279 = vector.broadcast %squeeze3A_3278 : f32 to vector<16xf32>
      %mul3A_3280 = arith.mulf %gather3A_791, %mul3A_3279 : vector<16xf32>
      %add3A_3281 = arith.addf %add3A_3276, %mul3A_3280 : vector<16xf32>
      %slice3A_3282 = vector.extract_strided_slice %get3A_3271 {offsets = [2], sizes = [1], strides = [1]} : vector<16xf32> to vector<1xf32>
      %squeeze3A_3283 = vector.extract %slice3A_3282[0] : f32 from vector<1xf32>
      %mul3A_3284 = vector.broadcast %squeeze3A_3283 : f32 to vector<16xf32>
      %mul3A_3285 = arith.mulf %gather3A_794, %mul3A_3284 : vector<16xf32>
      %add3A_3286 = arith.addf %add3A_3281, %mul3A_3285 : vector<16xf32>
      %slice3A_3287 = vector.extract_strided_slice %get3A_3271 {offsets = [3], sizes = [1], strides = [1]} : vector<16xf32> to vector<1xf32>
      %squeeze3A_3288 = vector.extract %slice3A_3287[0] : f32 from vector<1xf32>
      %mul3A_3289 = vector.broadcast %squeeze3A_3288 : f32 to vector<16xf32>
      %mul3A_3290 = arith.mulf %gather3A_797, %mul3A_3289 : vector<16xf32>
      %add3A_3291 = arith.addf %add3A_3286, %mul3A_3290 : vector<16xf32>
      %slice3A_3292 = vector.extract_strided_slice %get3A_3271 {offsets = [4], sizes = [1], strides = [1]} : vector<16xf32> to vector<1xf32>
      %squeeze3A_3293 = vector.extract %slice3A_3292[0] : f32 from vector<1xf32>
      %mul3A_3294 = vector.broadcast %squeeze3A_3293 : f32 to vector<16xf32>
      %mul3A_3295 = arith.mulf %gather3A_800, %mul3A_3294 : vector<16xf32>
      %add3A_3296 = arith.addf %add3A_3291, %mul3A_3295 : vector<16xf32>
      %slice3A_3297 = vector.extract_strided_slice %get3A_3271 {offsets = [5], sizes = [1], strides = [1]} : vector<16xf32> to vector<1xf32>
      %squeeze3A_3298 = vector.extract %slice3A_3297[0] : f32 from vector<1xf32>
      %mul3A_3299 = vector.broadcast %squeeze3A_3298 : f32 to vector<16xf32>
      %mul3A_3300 = arith.mulf %gather3A_803, %mul3A_3299 : vector<16xf32>
      %add3A_3301 = arith.addf %add3A_3296, %mul3A_3300 : vector<16xf32>
      %slice3A_3302 = vector.extract_strided_slice %get3A_3271 {offsets = [6], sizes = [1], strides = [1]} : vector<16xf32> to vector<1xf32>
      %squeeze3A_3303 = vector.extract %slice3A_3302[0] : f32 from vector<1xf32>
      %mul3A_3304 = vector.broadcast %squeeze3A_3303 : f32 to vector<16xf32>
      %mul3A_3305 = arith.mulf %gather3A_806, %mul3A_3304 : vector<16xf32>
      %add3A_3306 = arith.addf %add3A_3301, %mul3A_3305 : vector<16xf32>
      %slice3A_3307 = vector.extract_strided_slice %get3A_3271 {offsets = [7], sizes = [1], strides = [1]} : vector<16xf32> to vector<1xf32>
      %squeeze3A_3308 = vector.extract %slice3A_3307[0] : f32 from vector<1xf32>
      %mul3A_3309 = vector.broadcast %squeeze3A_3308 : f32 to vector<16xf32>
      %mul3A_3310 = arith.mulf %gather3A_809, %mul3A_3309 : vector<16xf32>
      %add3A_3311 = arith.addf %add3A_3306, %mul3A_3310 : vector<16xf32>
      %slice3A_3312 = vector.extract_strided_slice %get3A_3271 {offsets = [8], sizes = [1], strides = [1]} : vector<16xf32> to vector<1xf32>
      %squeeze3A_3313 = vector.extract %slice3A_3312[0] : f32 from vector<1xf32>
      %mul3A_3314 = vector.broadcast %squeeze3A_3313 : f32 to vector<16xf32>
      %mul3A_3315 = arith.mulf %gather3A_812, %mul3A_3314 : vector<16xf32>
      %add3A_3316 = arith.addf %add3A_3311, %mul3A_3315 : vector<16xf32>
      %slice3A_3317 = vector.extract_strided_slice %get3A_3271 {offsets = [9], sizes = [1], strides = [1]} : vector<16xf32> to vector<1xf32>
      %squeeze3A_3318 = vector.extract %slice3A_3317[0] : f32 from vector<1xf32>
      %mul3A_3319 = vector.broadcast %squeeze3A_3318 : f32 to vector<16xf32>
      %mul3A_3320 = arith.mulf %gather3A_815, %mul3A_3319 : vector<16xf32>
      %add3A_3321 = arith.addf %add3A_3316, %mul3A_3320 : vector<16xf32>
      %slice3A_3322 = vector.extract_strided_slice %get3A_3271 {offsets = [10], sizes = [1], strides = [1]} : vector<16xf32> to vector<1xf32>
      %squeeze3A_3323 = vector.extract %slice3A_3322[0] : f32 from vector<1xf32>
      %mul3A_3324 = vector.broadcast %squeeze3A_3323 : f32 to vector<16xf32>
      %mul3A_3325 = arith.mulf %gather3A_818, %mul3A_3324 : vector<16xf32>
      %add3A_3326 = arith.addf %add3A_3321, %mul3A_3325 : vector<16xf32>
      %slice3A_3327 = vector.extract_strided_slice %get3A_3271 {offsets = [11], sizes = [1], strides = [1]} : vector<16xf32> to vector<1xf32>
      %squeeze3A_3328 = vector.extract %slice3A_3327[0] : f32 from vector<1xf32>
      %mul3A_3329 = vector.broadcast %squeeze3A_3328 : f32 to vector<16xf32>
      %mul3A_3330 = arith.mulf %gather3A_821, %mul3A_3329 : vector<16xf32>
      %add3A_3331 = arith.addf %add3A_3326, %mul3A_3330 : vector<16xf32>
      %slice3A_3332 = vector.extract_strided_slice %get3A_3271 {offsets = [12], sizes = [1], strides = [1]} : vector<16xf32> to vector<1xf32>
      %squeeze3A_3333 = vector.extract %slice3A_3332[0] : f32 from vector<1xf32>
      %mul3A_3334 = vector.broadcast %squeeze3A_3333 : f32 to vector<16xf32>
      %mul3A_3335 = arith.mulf %gather3A_824, %mul3A_3334 : vector<16xf32>
      %add3A_3336 = arith.addf %add3A_3331, %mul3A_3335 : vector<16xf32>
      %slice3A_3337 = vector.extract_strided_slice %get3A_3271 {offsets = [13], sizes = [1], strides = [1]} : vector<16xf32> to vector<1xf32>
      %squeeze3A_3338 = vector.extract %slice3A_3337[0] : f32 from vector<1xf32>
      %mul3A_3339 = vector.broadcast %squeeze3A_3338 : f32 to vector<16xf32>
      %mul3A_3340 = arith.mulf %gather3A_827, %mul3A_3339 : vector<16xf32>
      %add3A_3341 = arith.addf %add3A_3336, %mul3A_3340 : vector<16xf32>
      %slice3A_3342 = vector.extract_strided_slice %get3A_3271 {offsets = [14], sizes = [1], strides = [1]} : vector<16xf32> to vector<1xf32>
      %squeeze3A_3343 = vector.extract %slice3A_3342[0] : f32 from vector<1xf32>
      %mul3A_3344 = vector.broadcast %squeeze3A_3343 : f32 to vector<16xf32>
      %mul3A_3345 = arith.mulf %gather3A_830, %mul3A_3344 : vector<16xf32>
      %add3A_3346 = arith.addf %add3A_3341, %mul3A_3345 : vector<16xf32>
      %slice3A_3347 = vector.extract_strided_slice %get3A_3271 {offsets = [15], sizes = [1], strides = [1]} : vector<16xf32> to vector<1xf32>
      %squeeze3A_3348 = vector.extract %slice3A_3347[0] : f32 from vector<1xf32>
      %mul3A_3349 = vector.broadcast %squeeze3A_3348 : f32 to vector<16xf32>
      %mul3A_3350 = arith.mulf %gather3A_833, %mul3A_3349 : vector<16xf32>
      %add3A_3351 = arith.addf %add3A_3346, %mul3A_3350 : vector<16xf32>
      %mul3A_3352 = arith.mulf %gather3A_3266, %add3A_3351 : vector<16xf32>
      %add3A_3353 = arith.addf %add3A_3263, %mul3A_3352 : vector<16xf32>
      %broadcast_in_dim3A_3354 = arith.constant 28 : i32
      %broadcast_in_dim3A_3355 = vector.broadcast %broadcast_in_dim3A_3354 : i32 to vector<16xi32>
      %gather3A_3356 = tpu.vector_load_idx %arg16[%add3A_779, %broadcast_in_dim3A_3355] : memref<512x32xf32, #tpu.memory_space<vmem>>[vector<16xi32>, vector<16xi32>], vector<16xf32>,
      %gather3A_3357 = tpu.vector_load_idx %arg17[%add3A_779, %broadcast_in_dim3A_3355] : memref<512x32xf32, #tpu.memory_space<vmem>>[vector<16xi32>, vector<16xi32>], vector<16xf32>,
      %get3A_3358 = arith.constant 28 : i32
      %get3A_3359 = arith.index_cast %get3A_3358 : i32 to index
      %get3A_3360 = arith.constant 0 : index
      %get3A_3361 = tpu.vector_load %arg21[%get3A_3359, %get3A_3360] {strides = array<i32>} : memref<32x16xf32, #tpu.memory_space<vmem>>, vector<16xf32>,
      %slice3A_3362 = vector.extract_strided_slice %get3A_3361 {offsets = [0], sizes = [1], strides = [1]} : vector<16xf32> to vector<1xf32>
      %squeeze3A_3363 = vector.extract %slice3A_3362[0] : f32 from vector<1xf32>
      %mul3A_3364 = vector.broadcast %squeeze3A_3363 : f32 to vector<16xf32>
      %mul3A_3365 = arith.mulf %gather3A_788, %mul3A_3364 : vector<16xf32>
      %add3A_3366 = arith.addf %gather3A_3357, %mul3A_3365 : vector<16xf32>
      %slice3A_3367 = vector.extract_strided_slice %get3A_3361 {offsets = [1], sizes = [1], strides = [1]} : vector<16xf32> to vector<1xf32>
      %squeeze3A_3368 = vector.extract %slice3A_3367[0] : f32 from vector<1xf32>
      %mul3A_3369 = vector.broadcast %squeeze3A_3368 : f32 to vector<16xf32>
      %mul3A_3370 = arith.mulf %gather3A_791, %mul3A_3369 : vector<16xf32>
      %add3A_3371 = arith.addf %add3A_3366, %mul3A_3370 : vector<16xf32>
      %slice3A_3372 = vector.extract_strided_slice %get3A_3361 {offsets = [2], sizes = [1], strides = [1]} : vector<16xf32> to vector<1xf32>
      %squeeze3A_3373 = vector.extract %slice3A_3372[0] : f32 from vector<1xf32>
      %mul3A_3374 = vector.broadcast %squeeze3A_3373 : f32 to vector<16xf32>
      %mul3A_3375 = arith.mulf %gather3A_794, %mul3A_3374 : vector<16xf32>
      %add3A_3376 = arith.addf %add3A_3371, %mul3A_3375 : vector<16xf32>
      %slice3A_3377 = vector.extract_strided_slice %get3A_3361 {offsets = [3], sizes = [1], strides = [1]} : vector<16xf32> to vector<1xf32>
      %squeeze3A_3378 = vector.extract %slice3A_3377[0] : f32 from vector<1xf32>
      %mul3A_3379 = vector.broadcast %squeeze3A_3378 : f32 to vector<16xf32>
      %mul3A_3380 = arith.mulf %gather3A_797, %mul3A_3379 : vector<16xf32>
      %add3A_3381 = arith.addf %add3A_3376, %mul3A_3380 : vector<16xf32>
      %slice3A_3382 = vector.extract_strided_slice %get3A_3361 {offsets = [4], sizes = [1], strides = [1]} : vector<16xf32> to vector<1xf32>
      %squeeze3A_3383 = vector.extract %slice3A_3382[0] : f32 from vector<1xf32>
      %mul3A_3384 = vector.broadcast %squeeze3A_3383 : f32 to vector<16xf32>
      %mul3A_3385 = arith.mulf %gather3A_800, %mul3A_3384 : vector<16xf32>
      %add3A_3386 = arith.addf %add3A_3381, %mul3A_3385 : vector<16xf32>
      %slice3A_3387 = vector.extract_strided_slice %get3A_3361 {offsets = [5], sizes = [1], strides = [1]} : vector<16xf32> to vector<1xf32>
      %squeeze3A_3388 = vector.extract %slice3A_3387[0] : f32 from vector<1xf32>
      %mul3A_3389 = vector.broadcast %squeeze3A_3388 : f32 to vector<16xf32>
      %mul3A_3390 = arith.mulf %gather3A_803, %mul3A_3389 : vector<16xf32>
      %add3A_3391 = arith.addf %add3A_3386, %mul3A_3390 : vector<16xf32>
      %slice3A_3392 = vector.extract_strided_slice %get3A_3361 {offsets = [6], sizes = [1], strides = [1]} : vector<16xf32> to vector<1xf32>
      %squeeze3A_3393 = vector.extract %slice3A_3392[0] : f32 from vector<1xf32>
      %mul3A_3394 = vector.broadcast %squeeze3A_3393 : f32 to vector<16xf32>
      %mul3A_3395 = arith.mulf %gather3A_806, %mul3A_3394 : vector<16xf32>
      %add3A_3396 = arith.addf %add3A_3391, %mul3A_3395 : vector<16xf32>
      %slice3A_3397 = vector.extract_strided_slice %get3A_3361 {offsets = [7], sizes = [1], strides = [1]} : vector<16xf32> to vector<1xf32>
      %squeeze3A_3398 = vector.extract %slice3A_3397[0] : f32 from vector<1xf32>
      %mul3A_3399 = vector.broadcast %squeeze3A_3398 : f32 to vector<16xf32>
      %mul3A_3400 = arith.mulf %gather3A_809, %mul3A_3399 : vector<16xf32>
      %add3A_3401 = arith.addf %add3A_3396, %mul3A_3400 : vector<16xf32>
      %slice3A_3402 = vector.extract_strided_slice %get3A_3361 {offsets = [8], sizes = [1], strides = [1]} : vector<16xf32> to vector<1xf32>
      %squeeze3A_3403 = vector.extract %slice3A_3402[0] : f32 from vector<1xf32>
      %mul3A_3404 = vector.broadcast %squeeze3A_3403 : f32 to vector<16xf32>
      %mul3A_3405 = arith.mulf %gather3A_812, %mul3A_3404 : vector<16xf32>
      %add3A_3406 = arith.addf %add3A_3401, %mul3A_3405 : vector<16xf32>
      %slice3A_3407 = vector.extract_strided_slice %get3A_3361 {offsets = [9], sizes = [1], strides = [1]} : vector<16xf32> to vector<1xf32>
      %squeeze3A_3408 = vector.extract %slice3A_3407[0] : f32 from vector<1xf32>
      %mul3A_3409 = vector.broadcast %squeeze3A_3408 : f32 to vector<16xf32>
      %mul3A_3410 = arith.mulf %gather3A_815, %mul3A_3409 : vector<16xf32>
      %add3A_3411 = arith.addf %add3A_3406, %mul3A_3410 : vector<16xf32>
      %slice3A_3412 = vector.extract_strided_slice %get3A_3361 {offsets = [10], sizes = [1], strides = [1]} : vector<16xf32> to vector<1xf32>
      %squeeze3A_3413 = vector.extract %slice3A_3412[0] : f32 from vector<1xf32>
      %mul3A_3414 = vector.broadcast %squeeze3A_3413 : f32 to vector<16xf32>
      %mul3A_3415 = arith.mulf %gather3A_818, %mul3A_3414 : vector<16xf32>
      %add3A_3416 = arith.addf %add3A_3411, %mul3A_3415 : vector<16xf32>
      %slice3A_3417 = vector.extract_strided_slice %get3A_3361 {offsets = [11], sizes = [1], strides = [1]} : vector<16xf32> to vector<1xf32>
      %squeeze3A_3418 = vector.extract %slice3A_3417[0] : f32 from vector<1xf32>
      %mul3A_3419 = vector.broadcast %squeeze3A_3418 : f32 to vector<16xf32>
      %mul3A_3420 = arith.mulf %gather3A_821, %mul3A_3419 : vector<16xf32>
      %add3A_3421 = arith.addf %add3A_3416, %mul3A_3420 : vector<16xf32>
      %slice3A_3422 = vector.extract_strided_slice %get3A_3361 {offsets = [12], sizes = [1], strides = [1]} : vector<16xf32> to vector<1xf32>
      %squeeze3A_3423 = vector.extract %slice3A_3422[0] : f32 from vector<1xf32>
      %mul3A_3424 = vector.broadcast %squeeze3A_3423 : f32 to vector<16xf32>
      %mul3A_3425 = arith.mulf %gather3A_824, %mul3A_3424 : vector<16xf32>
      %add3A_3426 = arith.addf %add3A_3421, %mul3A_3425 : vector<16xf32>
      %slice3A_3427 = vector.extract_strided_slice %get3A_3361 {offsets = [13], sizes = [1], strides = [1]} : vector<16xf32> to vector<1xf32>
      %squeeze3A_3428 = vector.extract %slice3A_3427[0] : f32 from vector<1xf32>
      %mul3A_3429 = vector.broadcast %squeeze3A_3428 : f32 to vector<16xf32>
      %mul3A_3430 = arith.mulf %gather3A_827, %mul3A_3429 : vector<16xf32>
      %add3A_3431 = arith.addf %add3A_3426, %mul3A_3430 : vector<16xf32>
      %slice3A_3432 = vector.extract_strided_slice %get3A_3361 {offsets = [14], sizes = [1], strides = [1]} : vector<16xf32> to vector<1xf32>
      %squeeze3A_3433 = vector.extract %slice3A_3432[0] : f32 from vector<1xf32>
      %mul3A_3434 = vector.broadcast %squeeze3A_3433 : f32 to vector<16xf32>
      %mul3A_3435 = arith.mulf %gather3A_830, %mul3A_3434 : vector<16xf32>
      %add3A_3436 = arith.addf %add3A_3431, %mul3A_3435 : vector<16xf32>
      %slice3A_3437 = vector.extract_strided_slice %get3A_3361 {offsets = [15], sizes = [1], strides = [1]} : vector<16xf32> to vector<1xf32>
      %squeeze3A_3438 = vector.extract %slice3A_3437[0] : f32 from vector<1xf32>
      %mul3A_3439 = vector.broadcast %squeeze3A_3438 : f32 to vector<16xf32>
      %mul3A_3440 = arith.mulf %gather3A_833, %mul3A_3439 : vector<16xf32>
      %add3A_3441 = arith.addf %add3A_3436, %mul3A_3440 : vector<16xf32>
      %mul3A_3442 = arith.mulf %gather3A_3356, %add3A_3441 : vector<16xf32>
      %add3A_3443 = arith.addf %add3A_3353, %mul3A_3442 : vector<16xf32>
      %broadcast_in_dim3A_3444 = arith.constant 29 : i32
      %broadcast_in_dim3A_3445 = vector.broadcast %broadcast_in_dim3A_3444 : i32 to vector<16xi32>
      %gather3A_3446 = tpu.vector_load_idx %arg16[%add3A_779, %broadcast_in_dim3A_3445] : memref<512x32xf32, #tpu.memory_space<vmem>>[vector<16xi32>, vector<16xi32>], vector<16xf32>,
      %gather3A_3447 = tpu.vector_load_idx %arg17[%add3A_779, %broadcast_in_dim3A_3445] : memref<512x32xf32, #tpu.memory_space<vmem>>[vector<16xi32>, vector<16xi32>], vector<16xf32>,
      %get3A_3448 = arith.constant 29 : i32
      %get3A_3449 = arith.index_cast %get3A_3448 : i32 to index
      %get3A_3450 = arith.constant 0 : index
      %get3A_3451 = tpu.vector_load %arg21[%get3A_3449, %get3A_3450] {strides = array<i32>} : memref<32x16xf32, #tpu.memory_space<vmem>>, vector<16xf32>,
      %slice3A_3452 = vector.extract_strided_slice %get3A_3451 {offsets = [0], sizes = [1], strides = [1]} : vector<16xf32> to vector<1xf32>
      %squeeze3A_3453 = vector.extract %slice3A_3452[0] : f32 from vector<1xf32>
      %mul3A_3454 = vector.broadcast %squeeze3A_3453 : f32 to vector<16xf32>
      %mul3A_3455 = arith.mulf %gather3A_788, %mul3A_3454 : vector<16xf32>
      %add3A_3456 = arith.addf %gather3A_3447, %mul3A_3455 : vector<16xf32>
      %slice3A_3457 = vector.extract_strided_slice %get3A_3451 {offsets = [1], sizes = [1], strides = [1]} : vector<16xf32> to vector<1xf32>
      %squeeze3A_3458 = vector.extract %slice3A_3457[0] : f32 from vector<1xf32>
      %mul3A_3459 = vector.broadcast %squeeze3A_3458 : f32 to vector<16xf32>
      %mul3A_3460 = arith.mulf %gather3A_791, %mul3A_3459 : vector<16xf32>
      %add3A_3461 = arith.addf %add3A_3456, %mul3A_3460 : vector<16xf32>
      %slice3A_3462 = vector.extract_strided_slice %get3A_3451 {offsets = [2], sizes = [1], strides = [1]} : vector<16xf32> to vector<1xf32>
      %squeeze3A_3463 = vector.extract %slice3A_3462[0] : f32 from vector<1xf32>
      %mul3A_3464 = vector.broadcast %squeeze3A_3463 : f32 to vector<16xf32>
      %mul3A_3465 = arith.mulf %gather3A_794, %mul3A_3464 : vector<16xf32>
      %add3A_3466 = arith.addf %add3A_3461, %mul3A_3465 : vector<16xf32>
      %slice3A_3467 = vector.extract_strided_slice %get3A_3451 {offsets = [3], sizes = [1], strides = [1]} : vector<16xf32> to vector<1xf32>
      %squeeze3A_3468 = vector.extract %slice3A_3467[0] : f32 from vector<1xf32>
      %mul3A_3469 = vector.broadcast %squeeze3A_3468 : f32 to vector<16xf32>
      %mul3A_3470 = arith.mulf %gather3A_797, %mul3A_3469 : vector<16xf32>
      %add3A_3471 = arith.addf %add3A_3466, %mul3A_3470 : vector<16xf32>
      %slice3A_3472 = vector.extract_strided_slice %get3A_3451 {offsets = [4], sizes = [1], strides = [1]} : vector<16xf32> to vector<1xf32>
      %squeeze3A_3473 = vector.extract %slice3A_3472[0] : f32 from vector<1xf32>
      %mul3A_3474 = vector.broadcast %squeeze3A_3473 : f32 to vector<16xf32>
      %mul3A_3475 = arith.mulf %gather3A_800, %mul3A_3474 : vector<16xf32>
      %add3A_3476 = arith.addf %add3A_3471, %mul3A_3475 : vector<16xf32>
      %slice3A_3477 = vector.extract_strided_slice %get3A_3451 {offsets = [5], sizes = [1], strides = [1]} : vector<16xf32> to vector<1xf32>
      %squeeze3A_3478 = vector.extract %slice3A_3477[0] : f32 from vector<1xf32>
      %mul3A_3479 = vector.broadcast %squeeze3A_3478 : f32 to vector<16xf32>
      %mul3A_3480 = arith.mulf %gather3A_803, %mul3A_3479 : vector<16xf32>
      %add3A_3481 = arith.addf %add3A_3476, %mul3A_3480 : vector<16xf32>
      %slice3A_3482 = vector.extract_strided_slice %get3A_3451 {offsets = [6], sizes = [1], strides = [1]} : vector<16xf32> to vector<1xf32>
      %squeeze3A_3483 = vector.extract %slice3A_3482[0] : f32 from vector<1xf32>
      %mul3A_3484 = vector.broadcast %squeeze3A_3483 : f32 to vector<16xf32>
      %mul3A_3485 = arith.mulf %gather3A_806, %mul3A_3484 : vector<16xf32>
      %add3A_3486 = arith.addf %add3A_3481, %mul3A_3485 : vector<16xf32>
      %slice3A_3487 = vector.extract_strided_slice %get3A_3451 {offsets = [7], sizes = [1], strides = [1]} : vector<16xf32> to vector<1xf32>
      %squeeze3A_3488 = vector.extract %slice3A_3487[0] : f32 from vector<1xf32>
      %mul3A_3489 = vector.broadcast %squeeze3A_3488 : f32 to vector<16xf32>
      %mul3A_3490 = arith.mulf %gather3A_809, %mul3A_3489 : vector<16xf32>
      %add3A_3491 = arith.addf %add3A_3486, %mul3A_3490 : vector<16xf32>
      %slice3A_3492 = vector.extract_strided_slice %get3A_3451 {offsets = [8], sizes = [1], strides = [1]} : vector<16xf32> to vector<1xf32>
      %squeeze3A_3493 = vector.extract %slice3A_3492[0] : f32 from vector<1xf32>
      %mul3A_3494 = vector.broadcast %squeeze3A_3493 : f32 to vector<16xf32>
      %mul3A_3495 = arith.mulf %gather3A_812, %mul3A_3494 : vector<16xf32>
      %add3A_3496 = arith.addf %add3A_3491, %mul3A_3495 : vector<16xf32>
      %slice3A_3497 = vector.extract_strided_slice %get3A_3451 {offsets = [9], sizes = [1], strides = [1]} : vector<16xf32> to vector<1xf32>
      %squeeze3A_3498 = vector.extract %slice3A_3497[0] : f32 from vector<1xf32>
      %mul3A_3499 = vector.broadcast %squeeze3A_3498 : f32 to vector<16xf32>
      %mul3A_3500 = arith.mulf %gather3A_815, %mul3A_3499 : vector<16xf32>
      %add3A_3501 = arith.addf %add3A_3496, %mul3A_3500 : vector<16xf32>
      %slice3A_3502 = vector.extract_strided_slice %get3A_3451 {offsets = [10], sizes = [1], strides = [1]} : vector<16xf32> to vector<1xf32>
      %squeeze3A_3503 = vector.extract %slice3A_3502[0] : f32 from vector<1xf32>
      %mul3A_3504 = vector.broadcast %squeeze3A_3503 : f32 to vector<16xf32>
      %mul3A_3505 = arith.mulf %gather3A_818, %mul3A_3504 : vector<16xf32>
      %add3A_3506 = arith.addf %add3A_3501, %mul3A_3505 : vector<16xf32>
      %slice3A_3507 = vector.extract_strided_slice %get3A_3451 {offsets = [11], sizes = [1], strides = [1]} : vector<16xf32> to vector<1xf32>
      %squeeze3A_3508 = vector.extract %slice3A_3507[0] : f32 from vector<1xf32>
      %mul3A_3509 = vector.broadcast %squeeze3A_3508 : f32 to vector<16xf32>
      %mul3A_3510 = arith.mulf %gather3A_821, %mul3A_3509 : vector<16xf32>
      %add3A_3511 = arith.addf %add3A_3506, %mul3A_3510 : vector<16xf32>
      %slice3A_3512 = vector.extract_strided_slice %get3A_3451 {offsets = [12], sizes = [1], strides = [1]} : vector<16xf32> to vector<1xf32>
      %squeeze3A_3513 = vector.extract %slice3A_3512[0] : f32 from vector<1xf32>
      %mul3A_3514 = vector.broadcast %squeeze3A_3513 : f32 to vector<16xf32>
      %mul3A_3515 = arith.mulf %gather3A_824, %mul3A_3514 : vector<16xf32>
      %add3A_3516 = arith.addf %add3A_3511, %mul3A_3515 : vector<16xf32>
      %slice3A_3517 = vector.extract_strided_slice %get3A_3451 {offsets = [13], sizes = [1], strides = [1]} : vector<16xf32> to vector<1xf32>
      %squeeze3A_3518 = vector.extract %slice3A_3517[0] : f32 from vector<1xf32>
      %mul3A_3519 = vector.broadcast %squeeze3A_3518 : f32 to vector<16xf32>
      %mul3A_3520 = arith.mulf %gather3A_827, %mul3A_3519 : vector<16xf32>
      %add3A_3521 = arith.addf %add3A_3516, %mul3A_3520 : vector<16xf32>
      %slice3A_3522 = vector.extract_strided_slice %get3A_3451 {offsets = [14], sizes = [1], strides = [1]} : vector<16xf32> to vector<1xf32>
      %squeeze3A_3523 = vector.extract %slice3A_3522[0] : f32 from vector<1xf32>
      %mul3A_3524 = vector.broadcast %squeeze3A_3523 : f32 to vector<16xf32>
      %mul3A_3525 = arith.mulf %gather3A_830, %mul3A_3524 : vector<16xf32>
      %add3A_3526 = arith.addf %add3A_3521, %mul3A_3525 : vector<16xf32>
      %slice3A_3527 = vector.extract_strided_slice %get3A_3451 {offsets = [15], sizes = [1], strides = [1]} : vector<16xf32> to vector<1xf32>
      %squeeze3A_3528 = vector.extract %slice3A_3527[0] : f32 from vector<1xf32>
      %mul3A_3529 = vector.broadcast %squeeze3A_3528 : f32 to vector<16xf32>
      %mul3A_3530 = arith.mulf %gather3A_833, %mul3A_3529 : vector<16xf32>
      %add3A_3531 = arith.addf %add3A_3526, %mul3A_3530 : vector<16xf32>
      %mul3A_3532 = arith.mulf %gather3A_3446, %add3A_3531 : vector<16xf32>
      %add3A_3533 = arith.addf %add3A_3443, %mul3A_3532 : vector<16xf32>
      %broadcast_in_dim3A_3534 = arith.constant 30 : i32
      %broadcast_in_dim3A_3535 = vector.broadcast %broadcast_in_dim3A_3534 : i32 to vector<16xi32>
      %gather3A_3536 = tpu.vector_load_idx %arg16[%add3A_779, %broadcast_in_dim3A_3535] : memref<512x32xf32, #tpu.memory_space<vmem>>[vector<16xi32>, vector<16xi32>], vector<16xf32>,
      %gather3A_3537 = tpu.vector_load_idx %arg17[%add3A_779, %broadcast_in_dim3A_3535] : memref<512x32xf32, #tpu.memory_space<vmem>>[vector<16xi32>, vector<16xi32>], vector<16xf32>,
      %get3A_3538 = arith.constant 30 : i32
      %get3A_3539 = arith.index_cast %get3A_3538 : i32 to index
      %get3A_3540 = arith.constant 0 : index
      %get3A_3541 = tpu.vector_load %arg21[%get3A_3539, %get3A_3540] {strides = array<i32>} : memref<32x16xf32, #tpu.memory_space<vmem>>, vector<16xf32>,
      %slice3A_3542 = vector.extract_strided_slice %get3A_3541 {offsets = [0], sizes = [1], strides = [1]} : vector<16xf32> to vector<1xf32>
      %squeeze3A_3543 = vector.extract %slice3A_3542[0] : f32 from vector<1xf32>
      %mul3A_3544 = vector.broadcast %squeeze3A_3543 : f32 to vector<16xf32>
      %mul3A_3545 = arith.mulf %gather3A_788, %mul3A_3544 : vector<16xf32>
      %add3A_3546 = arith.addf %gather3A_3537, %mul3A_3545 : vector<16xf32>
      %slice3A_3547 = vector.extract_strided_slice %get3A_3541 {offsets = [1], sizes = [1], strides = [1]} : vector<16xf32> to vector<1xf32>
      %squeeze3A_3548 = vector.extract %slice3A_3547[0] : f32 from vector<1xf32>
      %mul3A_3549 = vector.broadcast %squeeze3A_3548 : f32 to vector<16xf32>
      %mul3A_3550 = arith.mulf %gather3A_791, %mul3A_3549 : vector<16xf32>
      %add3A_3551 = arith.addf %add3A_3546, %mul3A_3550 : vector<16xf32>
      %slice3A_3552 = vector.extract_strided_slice %get3A_3541 {offsets = [2], sizes = [1], strides = [1]} : vector<16xf32> to vector<1xf32>
      %squeeze3A_3553 = vector.extract %slice3A_3552[0] : f32 from vector<1xf32>
      %mul3A_3554 = vector.broadcast %squeeze3A_3553 : f32 to vector<16xf32>
      %mul3A_3555 = arith.mulf %gather3A_794, %mul3A_3554 : vector<16xf32>
      %add3A_3556 = arith.addf %add3A_3551, %mul3A_3555 : vector<16xf32>
      %slice3A_3557 = vector.extract_strided_slice %get3A_3541 {offsets = [3], sizes = [1], strides = [1]} : vector<16xf32> to vector<1xf32>
      %squeeze3A_3558 = vector.extract %slice3A_3557[0] : f32 from vector<1xf32>
      %mul3A_3559 = vector.broadcast %squeeze3A_3558 : f32 to vector<16xf32>
      %mul3A_3560 = arith.mulf %gather3A_797, %mul3A_3559 : vector<16xf32>
      %add3A_3561 = arith.addf %add3A_3556, %mul3A_3560 : vector<16xf32>
      %slice3A_3562 = vector.extract_strided_slice %get3A_3541 {offsets = [4], sizes = [1], strides = [1]} : vector<16xf32> to vector<1xf32>
      %squeeze3A_3563 = vector.extract %slice3A_3562[0] : f32 from vector<1xf32>
      %mul3A_3564 = vector.broadcast %squeeze3A_3563 : f32 to vector<16xf32>
      %mul3A_3565 = arith.mulf %gather3A_800, %mul3A_3564 : vector<16xf32>
      %add3A_3566 = arith.addf %add3A_3561, %mul3A_3565 : vector<16xf32>
      %slice3A_3567 = vector.extract_strided_slice %get3A_3541 {offsets = [5], sizes = [1], strides = [1]} : vector<16xf32> to vector<1xf32>
      %squeeze3A_3568 = vector.extract %slice3A_3567[0] : f32 from vector<1xf32>
      %mul3A_3569 = vector.broadcast %squeeze3A_3568 : f32 to vector<16xf32>
      %mul3A_3570 = arith.mulf %gather3A_803, %mul3A_3569 : vector<16xf32>
      %add3A_3571 = arith.addf %add3A_3566, %mul3A_3570 : vector<16xf32>
      %slice3A_3572 = vector.extract_strided_slice %get3A_3541 {offsets = [6], sizes = [1], strides = [1]} : vector<16xf32> to vector<1xf32>
      %squeeze3A_3573 = vector.extract %slice3A_3572[0] : f32 from vector<1xf32>
      %mul3A_3574 = vector.broadcast %squeeze3A_3573 : f32 to vector<16xf32>
      %mul3A_3575 = arith.mulf %gather3A_806, %mul3A_3574 : vector<16xf32>
      %add3A_3576 = arith.addf %add3A_3571, %mul3A_3575 : vector<16xf32>
      %slice3A_3577 = vector.extract_strided_slice %get3A_3541 {offsets = [7], sizes = [1], strides = [1]} : vector<16xf32> to vector<1xf32>
      %squeeze3A_3578 = vector.extract %slice3A_3577[0] : f32 from vector<1xf32>
      %mul3A_3579 = vector.broadcast %squeeze3A_3578 : f32 to vector<16xf32>
      %mul3A_3580 = arith.mulf %gather3A_809, %mul3A_3579 : vector<16xf32>
      %add3A_3581 = arith.addf %add3A_3576, %mul3A_3580 : vector<16xf32>
      %slice3A_3582 = vector.extract_strided_slice %get3A_3541 {offsets = [8], sizes = [1], strides = [1]} : vector<16xf32> to vector<1xf32>
      %squeeze3A_3583 = vector.extract %slice3A_3582[0] : f32 from vector<1xf32>
      %mul3A_3584 = vector.broadcast %squeeze3A_3583 : f32 to vector<16xf32>
      %mul3A_3585 = arith.mulf %gather3A_812, %mul3A_3584 : vector<16xf32>
      %add3A_3586 = arith.addf %add3A_3581, %mul3A_3585 : vector<16xf32>
      %slice3A_3587 = vector.extract_strided_slice %get3A_3541 {offsets = [9], sizes = [1], strides = [1]} : vector<16xf32> to vector<1xf32>
      %squeeze3A_3588 = vector.extract %slice3A_3587[0] : f32 from vector<1xf32>
      %mul3A_3589 = vector.broadcast %squeeze3A_3588 : f32 to vector<16xf32>
      %mul3A_3590 = arith.mulf %gather3A_815, %mul3A_3589 : vector<16xf32>
      %add3A_3591 = arith.addf %add3A_3586, %mul3A_3590 : vector<16xf32>
      %slice3A_3592 = vector.extract_strided_slice %get3A_3541 {offsets = [10], sizes = [1], strides = [1]} : vector<16xf32> to vector<1xf32>
      %squeeze3A_3593 = vector.extract %slice3A_3592[0] : f32 from vector<1xf32>
      %mul3A_3594 = vector.broadcast %squeeze3A_3593 : f32 to vector<16xf32>
      %mul3A_3595 = arith.mulf %gather3A_818, %mul3A_3594 : vector<16xf32>
      %add3A_3596 = arith.addf %add3A_3591, %mul3A_3595 : vector<16xf32>
      %slice3A_3597 = vector.extract_strided_slice %get3A_3541 {offsets = [11], sizes = [1], strides = [1]} : vector<16xf32> to vector<1xf32>
      %squeeze3A_3598 = vector.extract %slice3A_3597[0] : f32 from vector<1xf32>
      %mul3A_3599 = vector.broadcast %squeeze3A_3598 : f32 to vector<16xf32>
      %mul3A_3600 = arith.mulf %gather3A_821, %mul3A_3599 : vector<16xf32>
      %add3A_3601 = arith.addf %add3A_3596, %mul3A_3600 : vector<16xf32>
      %slice3A_3602 = vector.extract_strided_slice %get3A_3541 {offsets = [12], sizes = [1], strides = [1]} : vector<16xf32> to vector<1xf32>
      %squeeze3A_3603 = vector.extract %slice3A_3602[0] : f32 from vector<1xf32>
      %mul3A_3604 = vector.broadcast %squeeze3A_3603 : f32 to vector<16xf32>
      %mul3A_3605 = arith.mulf %gather3A_824, %mul3A_3604 : vector<16xf32>
      %add3A_3606 = arith.addf %add3A_3601, %mul3A_3605 : vector<16xf32>
      %slice3A_3607 = vector.extract_strided_slice %get3A_3541 {offsets = [13], sizes = [1], strides = [1]} : vector<16xf32> to vector<1xf32>
      %squeeze3A_3608 = vector.extract %slice3A_3607[0] : f32 from vector<1xf32>
      %mul3A_3609 = vector.broadcast %squeeze3A_3608 : f32 to vector<16xf32>
      %mul3A_3610 = arith.mulf %gather3A_827, %mul3A_3609 : vector<16xf32>
      %add3A_3611 = arith.addf %add3A_3606, %mul3A_3610 : vector<16xf32>
      %slice3A_3612 = vector.extract_strided_slice %get3A_3541 {offsets = [14], sizes = [1], strides = [1]} : vector<16xf32> to vector<1xf32>
      %squeeze3A_3613 = vector.extract %slice3A_3612[0] : f32 from vector<1xf32>
      %mul3A_3614 = vector.broadcast %squeeze3A_3613 : f32 to vector<16xf32>
      %mul3A_3615 = arith.mulf %gather3A_830, %mul3A_3614 : vector<16xf32>
      %add3A_3616 = arith.addf %add3A_3611, %mul3A_3615 : vector<16xf32>
      %slice3A_3617 = vector.extract_strided_slice %get3A_3541 {offsets = [15], sizes = [1], strides = [1]} : vector<16xf32> to vector<1xf32>
      %squeeze3A_3618 = vector.extract %slice3A_3617[0] : f32 from vector<1xf32>
      %mul3A_3619 = vector.broadcast %squeeze3A_3618 : f32 to vector<16xf32>
      %mul3A_3620 = arith.mulf %gather3A_833, %mul3A_3619 : vector<16xf32>
      %add3A_3621 = arith.addf %add3A_3616, %mul3A_3620 : vector<16xf32>
      %mul3A_3622 = arith.mulf %gather3A_3536, %add3A_3621 : vector<16xf32>
      %add3A_3623 = arith.addf %add3A_3533, %mul3A_3622 : vector<16xf32>
      %broadcast_in_dim3A_3624 = arith.constant 31 : i32
      %broadcast_in_dim3A_3625 = vector.broadcast %broadcast_in_dim3A_3624 : i32 to vector<16xi32>
      %gather3A_3626 = tpu.vector_load_idx %arg16[%add3A_779, %broadcast_in_dim3A_3625] : memref<512x32xf32, #tpu.memory_space<vmem>>[vector<16xi32>, vector<16xi32>], vector<16xf32>,
      %gather3A_3627 = tpu.vector_load_idx %arg17[%add3A_779, %broadcast_in_dim3A_3625] : memref<512x32xf32, #tpu.memory_space<vmem>>[vector<16xi32>, vector<16xi32>], vector<16xf32>,
      %get3A_3628 = arith.constant 31 : i32
      %get3A_3629 = arith.index_cast %get3A_3628 : i32 to index
      %get3A_3630 = arith.constant 0 : index
      %get3A_3631 = tpu.vector_load %arg21[%get3A_3629, %get3A_3630] {strides = array<i32>} : memref<32x16xf32, #tpu.memory_space<vmem>>, vector<16xf32>,
      %slice3A_3632 = vector.extract_strided_slice %get3A_3631 {offsets = [0], sizes = [1], strides = [1]} : vector<16xf32> to vector<1xf32>
      %squeeze3A_3633 = vector.extract %slice3A_3632[0] : f32 from vector<1xf32>
      %mul3A_3634 = vector.broadcast %squeeze3A_3633 : f32 to vector<16xf32>
      %mul3A_3635 = arith.mulf %gather3A_788, %mul3A_3634 : vector<16xf32>
      %add3A_3636 = arith.addf %gather3A_3627, %mul3A_3635 : vector<16xf32>
      %slice3A_3637 = vector.extract_strided_slice %get3A_3631 {offsets = [1], sizes = [1], strides = [1]} : vector<16xf32> to vector<1xf32>
      %squeeze3A_3638 = vector.extract %slice3A_3637[0] : f32 from vector<1xf32>
      %mul3A_3639 = vector.broadcast %squeeze3A_3638 : f32 to vector<16xf32>
      %mul3A_3640 = arith.mulf %gather3A_791, %mul3A_3639 : vector<16xf32>
      %add3A_3641 = arith.addf %add3A_3636, %mul3A_3640 : vector<16xf32>
      %slice3A_3642 = vector.extract_strided_slice %get3A_3631 {offsets = [2], sizes = [1], strides = [1]} : vector<16xf32> to vector<1xf32>
      %squeeze3A_3643 = vector.extract %slice3A_3642[0] : f32 from vector<1xf32>
      %mul3A_3644 = vector.broadcast %squeeze3A_3643 : f32 to vector<16xf32>
      %mul3A_3645 = arith.mulf %gather3A_794, %mul3A_3644 : vector<16xf32>
      %add3A_3646 = arith.addf %add3A_3641, %mul3A_3645 : vector<16xf32>
      %slice3A_3647 = vector.extract_strided_slice %get3A_3631 {offsets = [3], sizes = [1], strides = [1]} : vector<16xf32> to vector<1xf32>
      %squeeze3A_3648 = vector.extract %slice3A_3647[0] : f32 from vector<1xf32>
      %mul3A_3649 = vector.broadcast %squeeze3A_3648 : f32 to vector<16xf32>
      %mul3A_3650 = arith.mulf %gather3A_797, %mul3A_3649 : vector<16xf32>
      %add3A_3651 = arith.addf %add3A_3646, %mul3A_3650 : vector<16xf32>
      %slice3A_3652 = vector.extract_strided_slice %get3A_3631 {offsets = [4], sizes = [1], strides = [1]} : vector<16xf32> to vector<1xf32>
      %squeeze3A_3653 = vector.extract %slice3A_3652[0] : f32 from vector<1xf32>
      %mul3A_3654 = vector.broadcast %squeeze3A_3653 : f32 to vector<16xf32>
      %mul3A_3655 = arith.mulf %gather3A_800, %mul3A_3654 : vector<16xf32>
      %add3A_3656 = arith.addf %add3A_3651, %mul3A_3655 : vector<16xf32>
      %slice3A_3657 = vector.extract_strided_slice %get3A_3631 {offsets = [5], sizes = [1], strides = [1]} : vector<16xf32> to vector<1xf32>
      %squeeze3A_3658 = vector.extract %slice3A_3657[0] : f32 from vector<1xf32>
      %mul3A_3659 = vector.broadcast %squeeze3A_3658 : f32 to vector<16xf32>
      %mul3A_3660 = arith.mulf %gather3A_803, %mul3A_3659 : vector<16xf32>
      %add3A_3661 = arith.addf %add3A_3656, %mul3A_3660 : vector<16xf32>
      %slice3A_3662 = vector.extract_strided_slice %get3A_3631 {offsets = [6], sizes = [1], strides = [1]} : vector<16xf32> to vector<1xf32>
      %squeeze3A_3663 = vector.extract %slice3A_3662[0] : f32 from vector<1xf32>
      %mul3A_3664 = vector.broadcast %squeeze3A_3663 : f32 to vector<16xf32>
      %mul3A_3665 = arith.mulf %gather3A_806, %mul3A_3664 : vector<16xf32>
      %add3A_3666 = arith.addf %add3A_3661, %mul3A_3665 : vector<16xf32>
      %slice3A_3667 = vector.extract_strided_slice %get3A_3631 {offsets = [7], sizes = [1], strides = [1]} : vector<16xf32> to vector<1xf32>
      %squeeze3A_3668 = vector.extract %slice3A_3667[0] : f32 from vector<1xf32>
      %mul3A_3669 = vector.broadcast %squeeze3A_3668 : f32 to vector<16xf32>
      %mul3A_3670 = arith.mulf %gather3A_809, %mul3A_3669 : vector<16xf32>
      %add3A_3671 = arith.addf %add3A_3666, %mul3A_3670 : vector<16xf32>
      %slice3A_3672 = vector.extract_strided_slice %get3A_3631 {offsets = [8], sizes = [1], strides = [1]} : vector<16xf32> to vector<1xf32>
      %squeeze3A_3673 = vector.extract %slice3A_3672[0] : f32 from vector<1xf32>
      %mul3A_3674 = vector.broadcast %squeeze3A_3673 : f32 to vector<16xf32>
      %mul3A_3675 = arith.mulf %gather3A_812, %mul3A_3674 : vector<16xf32>
      %add3A_3676 = arith.addf %add3A_3671, %mul3A_3675 : vector<16xf32>
      %slice3A_3677 = vector.extract_strided_slice %get3A_3631 {offsets = [9], sizes = [1], strides = [1]} : vector<16xf32> to vector<1xf32>
      %squeeze3A_3678 = vector.extract %slice3A_3677[0] : f32 from vector<1xf32>
      %mul3A_3679 = vector.broadcast %squeeze3A_3678 : f32 to vector<16xf32>
      %mul3A_3680 = arith.mulf %gather3A_815, %mul3A_3679 : vector<16xf32>
      %add3A_3681 = arith.addf %add3A_3676, %mul3A_3680 : vector<16xf32>
      %slice3A_3682 = vector.extract_strided_slice %get3A_3631 {offsets = [10], sizes = [1], strides = [1]} : vector<16xf32> to vector<1xf32>
      %squeeze3A_3683 = vector.extract %slice3A_3682[0] : f32 from vector<1xf32>
      %mul3A_3684 = vector.broadcast %squeeze3A_3683 : f32 to vector<16xf32>
      %mul3A_3685 = arith.mulf %gather3A_818, %mul3A_3684 : vector<16xf32>
      %add3A_3686 = arith.addf %add3A_3681, %mul3A_3685 : vector<16xf32>
      %slice3A_3687 = vector.extract_strided_slice %get3A_3631 {offsets = [11], sizes = [1], strides = [1]} : vector<16xf32> to vector<1xf32>
      %squeeze3A_3688 = vector.extract %slice3A_3687[0] : f32 from vector<1xf32>
      %mul3A_3689 = vector.broadcast %squeeze3A_3688 : f32 to vector<16xf32>
      %mul3A_3690 = arith.mulf %gather3A_821, %mul3A_3689 : vector<16xf32>
      %add3A_3691 = arith.addf %add3A_3686, %mul3A_3690 : vector<16xf32>
      %slice3A_3692 = vector.extract_strided_slice %get3A_3631 {offsets = [12], sizes = [1], strides = [1]} : vector<16xf32> to vector<1xf32>
      %squeeze3A_3693 = vector.extract %slice3A_3692[0] : f32 from vector<1xf32>
      %mul3A_3694 = vector.broadcast %squeeze3A_3693 : f32 to vector<16xf32>
      %mul3A_3695 = arith.mulf %gather3A_824, %mul3A_3694 : vector<16xf32>
      %add3A_3696 = arith.addf %add3A_3691, %mul3A_3695 : vector<16xf32>
      %slice3A_3697 = vector.extract_strided_slice %get3A_3631 {offsets = [13], sizes = [1], strides = [1]} : vector<16xf32> to vector<1xf32>
      %squeeze3A_3698 = vector.extract %slice3A_3697[0] : f32 from vector<1xf32>
      %mul3A_3699 = vector.broadcast %squeeze3A_3698 : f32 to vector<16xf32>
      %mul3A_3700 = arith.mulf %gather3A_827, %mul3A_3699 : vector<16xf32>
      %add3A_3701 = arith.addf %add3A_3696, %mul3A_3700 : vector<16xf32>
      %slice3A_3702 = vector.extract_strided_slice %get3A_3631 {offsets = [14], sizes = [1], strides = [1]} : vector<16xf32> to vector<1xf32>
      %squeeze3A_3703 = vector.extract %slice3A_3702[0] : f32 from vector<1xf32>
      %mul3A_3704 = vector.broadcast %squeeze3A_3703 : f32 to vector<16xf32>
      %mul3A_3705 = arith.mulf %gather3A_830, %mul3A_3704 : vector<16xf32>
      %add3A_3706 = arith.addf %add3A_3701, %mul3A_3705 : vector<16xf32>
      %slice3A_3707 = vector.extract_strided_slice %get3A_3631 {offsets = [15], sizes = [1], strides = [1]} : vector<16xf32> to vector<1xf32>
      %squeeze3A_3708 = vector.extract %slice3A_3707[0] : f32 from vector<1xf32>
      %mul3A_3709 = vector.broadcast %squeeze3A_3708 : f32 to vector<16xf32>
      %mul3A_3710 = arith.mulf %gather3A_833, %mul3A_3709 : vector<16xf32>
      %add3A_3711 = arith.addf %add3A_3706, %mul3A_3710 : vector<16xf32>
      %mul3A_3712 = arith.mulf %gather3A_3626, %add3A_3711 : vector<16xf32>
      %add3A_3713 = arith.addf %add3A_3623, %mul3A_3712 : vector<16xf32>
      %swap3A_3714 = arith.index_cast %multiple_of3A_777 : i32 to index
      %swap3A_3715 = tpu.vector_load %arg23[%swap3A_3714] {strides = array<i32>} : memref<512xf32, #tpu.memory_space<vmem>>, vector<16xf32>,
      tpu.vector_store %arg23[%swap3A_3714], %add3A_3713 {strides = array<i32>} : memref<512xf32, #tpu.memory_space<vmem>>, vector<16xf32>,
    }
    %scan3A_773 = arith.constant 32 : i32
    "tpu.region"() ({
      %run_scoped3A = tpu.sem_alloc : memref<!tpu.dma_semaphore, #tpu.memory_space<semaphore_mem>>
      %dma_start3A_774 = tpu.memref_slice %arg11[%multiple_of3A] : memref<16384xf32, #tpu.memory_space<hbm>> -> memref<512xf32, #tpu.memory_space<hbm>>
      %dma_start3A_775 = tpu.memref_slice %arg11[%multiple_of3A] : memref<16384xf32, #tpu.memory_space<hbm>> -> memref<512xf32, #tpu.memory_space<hbm>>
      tpu.enqueue_dma source(%arg23 : memref<512xf32, #tpu.memory_space<vmem>>) target(%dma_start3A_775 : memref<512xf32, #tpu.memory_space<hbm>>) target_semaphore(%run_scoped3A : memref<!tpu.dma_semaphore, #tpu.memory_space<semaphore_mem>>)
      %dma_wait3A_776 = tpu.memref_slice %arg11[%multiple_of3A] : memref<16384xf32, #tpu.memory_space<hbm>> -> memref<512xf32, #tpu.memory_space<hbm>>
      %dma_wait3A_777 = tpu.memref_slice %arg11[%multiple_of3A] : memref<16384xf32, #tpu.memory_space<hbm>> -> memref<512xf32, #tpu.memory_space<hbm>>
      tpu.wait_dma2 semaphore(%run_scoped3A : memref<!tpu.dma_semaphore, #tpu.memory_space<semaphore_mem>>) src(%arg23 : memref<512xf32, #tpu.memory_space<vmem>>) dst(%dma_wait3A_777 : memref<512xf32, #tpu.memory_space<hbm>>)
      tpu.yield
    }) : () -> ()
    return
  }
}

</mosaic_0001>

<sc_bundles>
// kernel: kernel.3.cloned.1.call-start
scs
__scs_entry_jumppad:
0x0: {  	(pc) =	sbr.rel $0x88, $3  }
0x1: {  	(tag) =	ssettag $0x0;
	lr =	simm.s32 $0x1  }
0x2: {  	[smem:$0x3F98] =	sst lr;
	_ =	strace $0xD0000000  }
0x3: {  	_ = 	snop  }
0x4: {  	_ = 	snop  }
0x5: {  	_ = 	snop  }
0x6: {  	_ = 	snop  }
0x7: {  	_ = 	snop  }
__scs_overlays_trampoline_lowered:
0x8: {  	[smem:$0x3FA7] =	sst s0  }
0x9: {  	[smem:$0x3FA8] =	sst s1  }
0xa: {  	[smem:$0x3FA9] =	sst s2  }
0xb: {  	[smem:$0x3FAA] =	sst s3  }
0xc: {  	[smem:$0x3FAB] =	sst s4  }
0xd: {  	[smem:$0x3FAC] =	sst s5  }
0xe: {  	[smem:$0x3FAD] =	sst s6  }
0xf: {  	[smem:$0x3FAE] =	sst s7  }
0x10: {  	[smem:$0x3FAF] =	sst s8  }
0x11: {  	[smem:$0x3FB0] =	sst s9;
	s0 =	simm.s32 @!p0 $0x0  }
0x12: {  	s1 =	sld [smem:$0x3F96];
	s0 =	simm.s32 @p0 $0x1  }
0x13: {  	[smem:$0x3FB1] =	sst s0;
	s0 =	simm.s32 @!p1 $0x0  }
0x14: {  	s2 =	sld [smem:$0x3F95];
	s0 =	simm.s32 @p1 $0x1  }
0x15: {  	[smem:$0x3FB2] =	sst s0;
	s0 =	simm.s32 @!p2 $0x0  }
0x16: {  	s3 =	sld [smem:$0x3FDB];
	s0 =	simm.s32 @p2 $0x1  }
0x17: {  	s4 =	simm.s32 $0x1BF5;
	[smem:$0x3FB4] =	sst s0  }
0x18: {  	s0 =	sld [smem:$0x3F97];
	_ =	swait.ge [sflag:s4], $0x0  }
0x19: {  	s7 =	sld [smem:$0x3F98]  }
0x1a: {  	s8 =	sadd.s32 $0xFFFFE003, lr  }
0x1b: {  	s9 =	sadd.s32 $0xFFFFFEF7, lr;
	s5 =	simm.s32 $0xFFFFFFFF;
	p2 =	slt.u32 s8, $0xFFFFF086  }
0x1c: {  	p1 =	slt.u32 s9, $0xF7A;
	s5 =	simm.s32 @!p2 $0x0  }
0x1d: {  	s5 =	simm.s32 @p1 $0x1;
	p0 =	seq.s32 s7, s2  }
0x1e: {  	s7 =	smul.u32 @!p0 $0xF7A, s2;
	p2 =	seq.s32 @!p0 s5, $0x0  }
0x1f: {  	s9 =	smul.u32 $0xF7A, s1;
	s8 =	simm.s32 @!p0 $0x1BF5;
	p2 =	por !p2, p0  }
0x20: {  	[sflag:s8] =	ssyncset.s32 @!p0 $0xFFFFF086;
	s6 =	sadd.s32 @!p0 s3, s7;
	s7 =	simm.s32 @!p0 $0x108  }
0x21: {  	s3 =	sadd.s32 s3, s9;
	s6 =	sadd.s32 @!p0 $0x88, s6;
	s7 =	simm.s32 @p2 $0x1082  }
0x22: {  	[simem:s7], [sflag:s8] =	dma.local @!p0 [hbm:s6], $0xF7A  }
0x23: {  	s9 =	sor.u32 $0xD0000000, s2;
	s6 =	simm.s32 $0x108;
	_ =	swait.ge @!p0 [sflag:s8], $0x0  }
0x24: {  	s3 =	sadd.s32 $0x88, s3;
	s6 =	simm.s32 @!p1 $0x1082;
	[sflag:s4] =	ssyncset.s32 $0xFFFFF086  }
0x25: {  	[simem:s6], [sflag:s4] =	dma.local [hbm:s3], $0xF7A  }
0x26: {  	[smem:$0x3F98] =	sst s1;
	(tag) =	ssettag s2;
	_ =	strace s9  }
0x27: {  	s1 =	sld [smem:$0x3FA8]  }
0x28: {  	s2 =	sld [smem:$0x3FA9]  }
0x29: {  	s4 =	sld [smem:$0x3FAB]  }
0x2a: {  	p0 =	seq.s32 s5, $0x0;
	s5 =	sld [smem:$0x3FAC]  }
0x2b: {  	s6 =	sld [smem:$0x3FAD]  }
0x2c: {  	s7 =	sld [smem:$0x3FAE]  }
0x2d: {  	s3 =	simm.s32 $0x108;
	s8 =	sld [smem:$0x3FAF]  }
0x2e: {  	s3 =	simm.s32 @!p0 $0x1082;
	s9 =	sld [smem:$0x3FB0]  }
0x2f: {  	lr =	sadd.s32 s0, s3;
	s0 =	sld [smem:$0x3FA7]  }
0x30: {  	s3 =	sld [smem:$0x3FAA]  }
0x31: {  	[smem:$0x3FB3] =	sst s10  }
0x32: {  	s10 =	sld [smem:$0x3FB1];
	_ =	sdelay $0x3  }
0x33: {  	p0 =	seq.s32 s10, $0x1;
	s10 =	sld [smem:$0x3FB3];
	_ =	sdelay $0x3  }
0x34: {  	[smem:$0x3FB3] =	sst s10  }
0x35: {  	s10 =	sld [smem:$0x3FB2];
	_ =	sdelay $0x3  }
0x36: {  	p1 =	seq.s32 s10, $0x1;
	s10 =	sld [smem:$0x3FB3];
	_ =	sdelay $0x3  }
0x37: {  	[smem:$0x3FB3] =	sst s10  }
0x38: {  	s10 =	sld [smem:$0x3FB4]  }
0x39: {  	_ = 	snop;
	(pc) =	sbr.ind lr, $3  }
0x3a: {  	_ = 	snop  }
0x3b: {  	_ = 	snop  }
0x3c: {  	p2 =	seq.s32 s10, $0x1;
	s10 =	sld [smem:$0x3FB3]  }
0x3d: {  	_ =	shalt  }
0x3e: {  	_ =	shalt  }
0x3f: {  	_ =	shalt  }
0x40: {  	_ =	shalt  }
0x41: {  	_ =	shalt  }
0x42: {  	_ =	shalt  }
0x43: {  	_ =	shalt  }
0x44: {  	_ =	shalt  }
0x45: {  	_ =	shalt  }
0x46: {  	_ =	shalt  }
0x47: {  	_ =	shalt  }
0x48: {  	_ =	shalt  }
0x49: {  	_ =	shalt  }
0x4a: {  	_ =	shalt  }
0x4b: {  	_ =	shalt  }
0x4c: {  	_ =	shalt  }
0x4d: {  	_ =	shalt  }
0x4e: {  	_ =	shalt  }
0x4f: {  	_ =	shalt  }
0x50: {  	_ =	shalt  }
0x51: {  	_ =	shalt  }
0x52: {  	_ =	shalt  }
0x53: {  	_ =	shalt  }
0x54: {  	_ =	shalt  }
0x55: {  	_ =	shalt  }
0x56: {  	_ =	shalt  }
0x57: {  	_ =	shalt  }
0x58: {  	_ =	shalt  }
0x59: {  	_ =	shalt  }
0x5a: {  	_ =	shalt  }
0x5b: {  	_ =	shalt  }
0x5c: {  	_ =	shalt  }
0x5d: {  	_ =	shalt  }
0x5e: {  	_ =	shalt  }
0x5f: {  	_ =	shalt  }
0x60: {  	_ =	shalt  }
0x61: {  	_ =	shalt  }
0x62: {  	_ =	shalt  }
0x63: {  	_ =	shalt  }
0x64: {  	_ =	shalt  }
0x65: {  	_ =	shalt  }
0x66: {  	_ =	shalt  }
0x67: {  	_ =	shalt  }
0x68: {  	_ =	shalt  }
0x69: {  	_ =	shalt  }
0x6a: {  	_ =	shalt  }
0x6b: {  	_ =	shalt  }
0x6c: {  	_ =	shalt  }
0x6d: {  	_ =	shalt  }
0x6e: {  	_ =	shalt  }
0x6f: {  	_ =	shalt  }
0x70: {  	_ =	shalt  }
0x71: {  	_ =	shalt  }
0x72: {  	_ =	shalt  }
0x73: {  	_ =	shalt  }
0x74: {  	_ =	shalt  }
0x75: {  	_ =	shalt  }
0x76: {  	_ =	shalt  }
0x77: {  	_ =	shalt  }
0x78: {  	_ =	shalt  }
0x79: {  	_ =	shalt  }
0x7a: {  	_ =	shalt  }
0x7b: {  	_ =	shalt  }
0x7c: {  	_ =	shalt  }
0x7d: {  	_ =	shalt  }
0x7e: {  	_ =	shalt  }
0x7f: {  	_ =	shalt  }
0x80: {  	_ =	shalt  }
0x81: {  	_ =	shalt  }
0x82: {  	_ =	shalt  }
0x83: {  	_ =	shalt  }
0x84: {  	_ =	shalt  }
0x85: {  	_ =	shalt  }
0x86: {  	_ =	shalt  }
0x87: {  	_ =	shalt  }
.Lfunc_end0:
.L_simem_size_0:
called_computation_lowered:
.L_overlay_start_0:
0x88: {  	s2 =	sld [smem:$0x3FD9]  }
0x89: {  	s3 =	sld [smem:$0x3FFE];
	_ =	sdelay $0x1  }
0x8a: {  	s1 =	srdreg.scid  }
0x8b: {  	s0 =	sand.u32 $0x1, s1  }
0x8c: {  	s17 =	sshll.u32 s0, $0xA;
	s2 =	sadd.s32 s3, s2  }
0x8d: {  	s2 =	sadd.s32 s2, s17  }
0x8e: {  	[smem:$0x3FBF] =	sst s2  }
0x8f: {  	_ = 	snop  }
0x90: {  	s2 =	sld [smem:$0x3FC9]  }
0x91: {  	s18 =	sld [smem:$0x3FC8]  }
0x92: {  	s4 =	sld [smem:$0x3FD0];
	(tm) =	ssettm $0x1  }
0x93: {  	s5 =	sld [smem:$0x3FFB];
	_ =	sdelay $0x3  }
0x94: {  	_ =	strace s5  }
0x95: {  	s5 =	sld [smem:$0x3FFC];
	_ =	sdelay $0x3  }
0x96: {  	_ =	strace s5  }
0x97: {  	s5 =	sld [smem:$0x3FFD];
	_ =	sdelay $0x3  }
0x98: {  	_ =	strace s5  }
0x99: {  	_ =	strace $0x8FFFFFFF  }
0x9a: {  	s19 =	sld [smem:$0x3FDB];
	_ =	sdelay $0x1  }
0x9b: {  	s6 =	simm.s32 $_scs_section_size  }
0x9c: {  	s7 =	simm.s32 $_size__tile_overlayer_lowered;
	s8 =	simm.s32 $_tile_overlayer_lowered  }
0x9d: {  	s22 =	simm.s32 $0x1BFF;
	s21 =	sshll.u32 s8, $0x1;
	s5 =	sadd.s32 s6, s19  }
0x9e: {  	s9 =	simm.s32 $0x0;
	s20 =	sshll.u32 s7, $0x1;
	s7 =	sadd.s32 s21, s5  }
0x9f: {  	[timem:s9], [sflag:s22] =	dma.local [hbm:s7], s20  }
0xa0: {  	_ =	swait.ge [sflag:s22], s20  }
0xa1: {  	s6 =	ssub.s32 $0x0, s20;
	[sflag:s22] =	ssyncset.done $0x0  }
0xa2: {  	[sflag:s22] =	ssyncadd.s32 s6;
	_ =	sdelay $0x1  }
0xa3: {  	s23 =	simm.s32 $0x1B8B  }
0xa4: {  	_ =	swait.ge [sflag:s23], $0x1  }
0xa5: {  	[sflag:s23] =	ssyncset.done $0x0  }
0xa6: {  	s25 =	simm.s32 $0x1B8E;
	s24 =	sld [smem:$0x3FFE];
	[sflag:s23] =	ssyncadd.s32 $0xFFFFFFFF  }
0xa7: {  	s26 =	simm.s32 $execute0_lowered;
	[smem:$0x3FD2] =	sst s25  }
0xa8: {  	s7 =	sshll.u32 s26, $0x1;
	_ =	strace $0x80000046;
	[dreg:$0x1] =	wrdreg $0xFFFFFFFF  }
0xa9: {  	s28 =	simm.s32 $_size_execute0_lowered;
	s5 =	sadd.s32 s5, s7;
	[dreg:$0x0] =	wrdreg $0x0  }
0xaa: {  	s7 =	sshll.u32 s28, $0x1;
	[dreg:$0x2] =	wrdreg s5  }
0xab: {  	[dreg:$0x3] =	wrdreg s7  }
0xac: {  	[dreg:$0x4] =	wrdreg $0xC0  }
0xad: {  	_ =	task [dreg:s9], $0x5FFFF  }
0xae: {  	[dreg:$0x1] =	wrdreg $0xFFFFFFFF  }
0xaf: {  	[dreg:$0x0] =	wrdreg $0x60  }
0xb0: {  	[dreg:$0x2] =	wrdreg s2  }
0xb1: {  	[dreg:$0x3] =	wrdreg s18  }
0xb2: {  	[dreg:$0x4] =	wrdreg s24  }
0xb3: {  	[dreg:$0x5] =	wrdreg s4  }
0xb4: {  	[dreg:$0x6] =	wrdreg $0x9  }
0xb5: {  	_ =	task.clear_ibuf [dreg:s9], $0x7FFFF;
	_ =	strace $0x90000046  }
0xb6: {  	s29 =	simm.s32 $0x9;
	_ =	strace $0x80000048  }
0xb7: {  	_ =	swait.ge [sflag:s29], $0x1  }
0xb8: {  	[sflag:s29] =	ssyncadd.s32 $0xFFFFFFFF  }
0xb9: {  	_ =	strace $0x90000048  }
0xba: {  	_ =	sfence  }
0xbb: {  	s30 =	sld [smem:$0x0];
	_ =	sdelay $0x2  }
0xbc: {  	s31 =	sshll.u32 s1, $0xD;
	s1 =	sshrl.u32 s1, $0x2  }
0xbd: {  	s3 =	sand.u32 $0x4000, s31;
	s1 =	sadd.s32 s1, s30  }
0xbe: {  	s0 =	sor.u32 s3, s0;
	s1 =	sshll.u32 s1, $0x11  }
0xbf: {  	s0 =	sor.u32 s1, s0  }
0xc0: {  	s0 =	sadd.s32 $0x8F2B, s0  }
0xc1: {  	[sflag:s0] =	ssyncadd.remote.s32 $0x1  }
0xc2: {  	_ =	sfence.sel $0xFFFF  }
0xc3: {  	[dreg:$0x0] =	wrdreg $0xFFFFFFFF;
	(pc) =	sbr.abs _section_cstart, $3  }
0xc4: {  	[dreg:$0x1] =	wrdreg $0xFFFFFFFF  }
0xc5: {  	_ =	task.clear_ibuf [dreg:s9], $0x2FFFF;
	_ =	strace $0x9FFFFFFF  }
0xc6: {  	(tm) =	ssettm $0x7FFFFFFF  }
0xc7: {  	_ =	shalt  }
tec
execute0_lowered:
.L_overlay_start_1:
0x0: {  	(tag) =	ssettag $0x1  }
0x1: {  	s0 =	rddreg [dreg:$0x0]  }
0x2: {  	s5 =	rddreg [dreg:$0x1]  }
0x3: {  	s1 =	rddreg [dreg:$0x2]  }
0x4: {  	s12 =	rddreg [dreg:$0x3];
	s2 =	simm.s32 $0x0  }
0x5: {  	s9 =	srdreg.scid;
	s11 =	stileid.u32;
	s17 =	simm.s32 $0x80  }
0x6: {  	s18 =	simm.s32 $0x800;
	s19 =	simm.s32 $0x4800;
	s20 =	simm.s32 $0x8800  }
0x7: {  	s22 =	simm.s32 $0xA800;
	s24 =	simm.s32 $0xC800;
	s26 =	simm.s32 $0x280  }
0x8: {  	s21 =	simm.s32 $0x300;
	s15 =	simm.s32 $0x380;
	s29 =	simm.s32 $0x780  }
0x9: {  	s30 =	simm.s32 $0xE000;
	s31 =	simm.s32 $0x1;
	s3 =	sadd.s32 $0x1312E00, s1  }
0xa: {  	[smem:$0x7FF] =	sst s2;
	s4 =	sadd.s32 $0xF42400, s1;
	s6 =	sadd.s32 $0x1EA00, s1  }
0xb: {  	s7 =	sadd.s32 $0x3D600, s1;
	s8 =	sadd.s32 $0x3D400, s1;
	s9 =	sand.u32 $0x1, s9  }
0xc: {  	s11 =	sshll.u32 s11, $0x7;
	s10 =	ssub.s32 $0x2, s9;
	s13 =	sshll.u32 s9, $0x6  }
0xd: {  	_ =	strace $0x80000047;
	s14 =	sshrl.u32 s10, $0x1;
	s13 =	sor.u32 s13, s11  }
0xe: {  	s9 =	sadd.s32 $0x16E3800, s1;
	s14 =	ssub.s32 s10, s14;
	s10 =	sadd.s32 s0, s13  }
0xf: {  	s11 =	sadd.s32 s5, s13;
	s12 =	sadd.s32 s12, s13;
	s0 =	simm.s32 $0xEA10  }
0x10: {  	v0 =	vlaneseq.u32;
	s5 =	simm.s32 $0x0;
	s13 =	smax.u32 s14, $0x1;
	s14 =	simm.s32 $0x2  }
.LBB2_1:
0x11: {  	[tilespmem:s2], [sflag:$0x2] =	stream.linear.gather [hbm4b:s10+s2], $0x200, $0x38;
	[tilespmem:$0xEC10] =	vst v63  }
0x12: {  	_ =	swait.ge [sflag:s14], $0x200  }
0x13: {  	[sflag:s14] =	ssyncset.done $0x0  }
0x14: {  	s16 =	simm.s32 $0x200;
	[sflag:s14] =	ssyncadd.s32 $0xFFFFFE00  }
0x15: {  	[tilespmem:s16], [sflag:$0x2] =	stream.linear.gather [hbm4b:s11+s2], $0x200, $0x38;
	[tilespmem:$0xEC10] =	vst v63  }
0x16: {  	_ =	swait.ge [sflag:s14], $0x200  }
0x17: {  	[sflag:s14] =	ssyncset.done $0x0  }
0x18: {  	s23 =	simm.s32 $0xE800;
	[sflag:s14] =	ssyncadd.s32 $0xFFFFFE00  }
0x19: {  	[tilespmem:s23], [sflag:$0x2] =	stream.linear.gather [hbm4b:s8+s2], $0x200, $0x38;
	[tilespmem:$0xEC10] =	vst v63  }
0x1a: {  	_ =	swait.ge [sflag:s14], $0x200  }
0x1b: {  	[sflag:s14] =	ssyncset.done $0x0  }
0x1c: {  	s25 =	simm.s32 $0xEA00;
	[sflag:s14] =	ssyncadd.s32 $0xFFFFFE00  }
0x1d: {  	[tilespmem:s25], [sflag:$0x2] =	stream.linear.gather [hbm4b:s7+s2], $0x10, $0x38;
	[tilespmem:$0xEC10] =	vst v63  }
0x1e: {  	_ =	swait.ge [sflag:s14], $0x10  }
0x1f: {  	[sflag:s14] =	ssyncset.done $0x0  }
0x20: {  	[sflag:s14] =	ssyncadd.s32 $0xFFFFFFF0  }
0x21: {  	v1 =	vld [tilespmem:$0x0]  }
0x22: {  	v2 =	vld [tilespmem:$0x200]  }
0x23: {  	v3 =	vld [tilespmem:$0x10]  }
0x24: {  	v4 =	vld [tilespmem:$0x210]  }
0x25: {  	v5 =	vld [tilespmem:$0x20]  }
0x26: {  	v6 =	vld [tilespmem:$0x220];
	v1 =	vshrl.u32 v1, $0x4  }
0x27: {  	[tilespmem:$0x400] =	vst v1;
	v1 =	vshrl.u32 v2, $0x4;
	v2 =	vld [tilespmem:$0x30]  }
0x28: {  	[tilespmem:$0x600] =	vst v1;
	v1 =	vshrl.u32 v3, $0x4;
	v3 =	vld [tilespmem:$0x230]  }
0x29: {  	v30 =	vld [tilespmem:$0x40];
	[tilespmem:$0x410] =	vst v1;
	v1 =	vshrl.u32 v4, $0x4  }
0x2a: {  	v31 =	vld [tilespmem:$0x240];
	[tilespmem:$0x610] =	vst v1;
	v1 =	vshrl.u32 v5, $0x4  }
0x2b: {  	v32 =	vld [tilespmem:$0x50];
	[tilespmem:$0x420] =	vst v1;
	v1 =	vshrl.u32 v6, $0x4  }
0x2c: {  	[tilespmem:$0x620] =	vst v1;
	v1 =	vshrl.u32 v2, $0x4;
	v2 =	vld [tilespmem:$0x250]  }
0x2d: {  	[tilespmem:$0x430] =	vst v1;
	v1 =	vshrl.u32 v3, $0x4;
	v3 =	vld [tilespmem:$0x60]  }
0x2e: {  	v33 =	vld [tilespmem:$0x260];
	[tilespmem:$0x630] =	vst v1;
	v1 =	vshrl.u32 v30, $0x4  }
0x2f: {  	v34 =	vld [tilespmem:$0x70];
	[tilespmem:$0x440] =	vst v1;
	v1 =	vshrl.u32 v31, $0x4  }
0x30: {  	v35 =	vld [tilespmem:$0x270];
	[tilespmem:$0x640] =	vst v1;
	v1 =	vshrl.u32 v32, $0x4  }
0x31: {  	[tilespmem:$0x450] =	vst v1;
	v1 =	vshrl.u32 v2, $0x4;
	v2 =	vld [tilespmem:$0x80]  }
0x32: {  	[tilespmem:$0x650] =	vst v1;
	v1 =	vshrl.u32 v3, $0x4;
	v3 =	vld [tilespmem:$0x280]  }
0x33: {  	v36 =	vld [tilespmem:$0x90];
	[tilespmem:$0x460] =	vst v1;
	v1 =	vshrl.u32 v33, $0x4  }
0x34: {  	v37 =	vld [tilespmem:$0x290];
	[tilespmem:$0x660] =	vst v1;
	v1 =	vshrl.u32 v34, $0x4  }
0x35: {  	v38 =	vld [tilespmem:$0xA0];
	[tilespmem:$0x470] =	vst v1;
	v1 =	vshrl.u32 v35, $0x4  }
0x36: {  	[tilespmem:$0x670] =	vst v1;
	v1 =	vshrl.u32 v2, $0x4;
	v2 =	vld [tilespmem:$0x2A0]  }
0x37: {  	[tilespmem:$0x480] =	vst v1;
	v1 =	vshrl.u32 v3, $0x4;
	v3 =	vld [tilespmem:$0xB0]  }
0x38: {  	v39 =	vld [tilespmem:$0x2B0];
	[tilespmem:$0x680] =	vst v1;
	v1 =	vshrl.u32 v36, $0x4  }
0x39: {  	v40 =	vld [tilespmem:$0xC0];
	[tilespmem:$0x490] =	vst v1;
	v1 =	vshrl.u32 v37, $0x4  }
0x3a: {  	v41 =	vld [tilespmem:$0x2C0];
	[tilespmem:$0x690] =	vst v1;
	v1 =	vshrl.u32 v38, $0x4  }
0x3b: {  	[tilespmem:$0x4A0] =	vst v1;
	v1 =	vshrl.u32 v2, $0x4;
	v2 =	vld [tilespmem:$0xD0]  }
0x3c: {  	[tilespmem:$0x6A0] =	vst v1;
	v1 =	vshrl.u32 v3, $0x4;
	v3 =	vld [tilespmem:$0x2D0]  }
0x3d: {  	v42 =	vld [tilespmem:$0xE0];
	[tilespmem:$0x4B0] =	vst v1;
	v1 =	vshrl.u32 v39, $0x4  }
0x3e: {  	v43 =	vld [tilespmem:$0x2E0];
	[tilespmem:$0x6B0] =	vst v1;
	v1 =	vshrl.u32 v40, $0x4  }
0x3f: {  	v44 =	vld [tilespmem:$0xF0];
	[tilespmem:$0x4C0] =	vst v1;
	v1 =	vshrl.u32 v41, $0x4  }
0x40: {  	[tilespmem:$0x6C0] =	vst v1;
	v1 =	vshrl.u32 v2, $0x4;
	v2 =	vld [tilespmem:$0x2F0]  }
0x41: {  	[tilespmem:$0x4D0] =	vst v1;
	v1 =	vshrl.u32 v3, $0x4;
	v3 =	vld [tilespmem:$0x100]  }
0x42: {  	v45 =	vld [tilespmem:$0x300];
	[tilespmem:$0x6D0] =	vst v1;
	v1 =	vshrl.u32 v42, $0x4  }
0x43: {  	v46 =	vld [tilespmem:$0x110];
	[tilespmem:$0x4E0] =	vst v1;
	v1 =	vshrl.u32 v43, $0x4  }
0x44: {  	v47 =	vld [tilespmem:$0x310];
	[tilespmem:$0x6E0] =	vst v1;
	v1 =	vshrl.u32 v44, $0x4  }
0x45: {  	[tilespmem:$0x4F0] =	vst v1;
	v1 =	vshrl.u32 v2, $0x4;
	v2 =	vld [tilespmem:$0x120]  }
0x46: {  	[tilespmem:$0x6F0] =	vst v1;
	v1 =	vshrl.u32 v3, $0x4;
	v3 =	vld [tilespmem:$0x320]  }
0x47: {  	v48 =	vld [tilespmem:$0x130];
	[tilespmem:$0x500] =	vst v1;
	v1 =	vshrl.u32 v45, $0x4  }
0x48: {  	v49 =	vld [tilespmem:$0x330];
	[tilespmem:$0x700] =	vst v1;
	v1 =	vshrl.u32 v46, $0x4  }
0x49: {  	v50 =	vld [tilespmem:$0x140];
	[tilespmem:$0x510] =	vst v1;
	v1 =	vshrl.u32 v47, $0x4  }
0x4a: {  	[tilespmem:$0x710] =	vst v1;
	v1 =	vshrl.u32 v2, $0x4;
	v2 =	vld [tilespmem:$0x340]  }
0x4b: {  	[tilespmem:$0x520] =	vst v1;
	v1 =	vshrl.u32 v3, $0x4;
	v3 =	vld [tilespmem:$0x150]  }
0x4c: {  	v51 =	vld [tilespmem:$0x350];
	[tilespmem:$0x720] =	vst v1;
	v1 =	vshrl.u32 v48, $0x4  }
0x4d: {  	v52 =	vld [tilespmem:$0x160];
	[tilespmem:$0x530] =	vst v1;
	v1 =	vshrl.u32 v49, $0x4  }
0x4e: {  	v53 =	vld [tilespmem:$0x360];
	[tilespmem:$0x730] =	vst v1;
	v1 =	vshrl.u32 v50, $0x4  }
0x4f: {  	[tilespmem:$0x540] =	vst v1;
	v1 =	vshrl.u32 v2, $0x4;
	v2 =	vld [tilespmem:$0x170]  }
0x50: {  	[tilespmem:$0x740] =	vst v1;
	v1 =	vshrl.u32 v3, $0x4;
	v3 =	vld [tilespmem:$0x370]  }
0x51: {  	v54 =	vld [tilespmem:$0x180];
	[tilespmem:$0x550] =	vst v1;
	v1 =	vshrl.u32 v51, $0x4  }
0x52: {  	v55 =	vld [tilespmem:$0x380];
	[tilespmem:$0x750] =	vst v1;
	v1 =	vshrl.u32 v52, $0x4  }
0x53: {  	v56 =	vld [tilespmem:$0x190];
	[tilespmem:$0x560] =	vst v1;
	v1 =	vshrl.u32 v53, $0x4  }
0x54: {  	[tilespmem:$0x760] =	vst v1;
	v1 =	vshrl.u32 v2, $0x4;
	v2 =	vld [tilespmem:$0x390]  }
0x55: {  	[tilespmem:$0x570] =	vst v1;
	v1 =	vshrl.u32 v3, $0x4;
	v3 =	vld [tilespmem:$0x1A0]  }
0x56: {  	v57 =	vld [tilespmem:$0x3A0];
	[tilespmem:$0x770] =	vst v1;
	v1 =	vshrl.u32 v54, $0x4  }
0x57: {  	v58 =	vld [tilespmem:$0x1B0];
	[tilespmem:$0x580] =	vst v1;
	v1 =	vshrl.u32 v55, $0x4  }
0x58: {  	v59 =	vld [tilespmem:$0x3B0];
	[tilespmem:$0x780] =	vst v1;
	v1 =	vshrl.u32 v56, $0x4  }
0x59: {  	[tilespmem:$0x590] =	vst v1;
	v1 =	vshrl.u32 v2, $0x4;
	v2 =	vld [tilespmem:$0x1C0]  }
0x5a: {  	[tilespmem:$0x790] =	vst v1;
	v1 =	vshrl.u32 v3, $0x4;
	v3 =	vld [tilespmem:$0x3C0]  }
0x5b: {  	v60 =	vld [tilespmem:$0x1D0];
	[tilespmem:$0x5A0] =	vst v1;
	v1 =	vshrl.u32 v57, $0x4  }
0x5c: {  	v61 =	vld [tilespmem:$0x3D0];
	[tilespmem:$0x7A0] =	vst v1;
	v1 =	vshrl.u32 v58, $0x4  }
0x5d: {  	v62 =	vld [tilespmem:$0x1E0];
	[tilespmem:$0x5B0] =	vst v1;
	v1 =	vshrl.u32 v59, $0x4  }
0x5e: {  	[tilespmem:$0x7B0] =	vst v1;
	v1 =	vshrl.u32 v2, $0x4;
	v2 =	vld [tilespmem:$0x3E0]  }
0x5f: {  	[tilespmem:$0x5C0] =	vst v1;
	v1 =	vshrl.u32 v3, $0x4;
	v3 =	vld [tilespmem:$0x1F0]  }
0x60: {  	v63 =	vld [tilespmem:$0x3F0];
	[tilespmem:$0x7C0] =	vst v1;
	v1 =	vshrl.u32 v60, $0x4  }
0x61: {  	[tilespmem:$0x5D0] =	vst v1;
	v1 =	vshrl.u32 v61, $0x4  }
0x62: {  	[tilespmem:$0x7D0] =	vst v1;
	v1 =	vshrl.u32 v62, $0x4  }
0x63: {  	[tilespmem:$0x5E0] =	vst v1;
	v1 =	vshrl.u32 v2, $0x4  }
0x64: {  	[tilespmem:$0x7E0] =	vst v1;
	v1 =	vshrl.u32 v3, $0x4  }
0x65: {  	[tilespmem:$0x5F0] =	vst v1;
	v1 =	vshrl.u32 v63, $0x4  }
0x66: {  	[tilespmem:$0x7F0] =	vst v1  }
0x67: {  	[tilespmem:s18], [sflag:$0x1] =	stream.indirect.gather [hbm4b:s3+s17], $0x20, s2, s17, $0xb8;
	[tilespmem:$0xEC10] =	vst v63  }
0x68: {  	_ = 	snop  }
0x69: {  	[tilespmem:s19], [sflag:$0x1] =	stream.indirect.gather [hbm4b:s4+s17], $0x20, s16, s17, $0xb8;
	[tilespmem:$0xEC10] =	vst v63  }
0x6a: {  	_ = 	snop  }
0x6b: {  	[tilespmem:s20], [sflag:$0x1] =	stream.indirect.gather [hbm4b:s9+s17], $0x10, s16, s17, $0xb8;
	[tilespmem:$0xEC10] =	vst v63  }
0x6c: {  	s25 =	simm.s32 $0x400  }
0x6d: {  	[tilespmem:s22], [sflag:$0x1] =	stream.indirect.gather [hbm4b:s6+s17], $0x10, s25, s17, $0xb8;
	[tilespmem:$0xEC10] =	vst v63  }
0x6e: {  	s25 =	simm.s32 $0x600  }
0x6f: {  	[tilespmem:s24], [sflag:$0x1] =	stream.indirect.gather [hbm4b:s1+s17], $0x10, s25, s17, $0xb8;
	[tilespmem:$0xEC10] =	vst v63  }
0x70: {  	s25 =	simm.s32 $0x1800  }
0x71: {  	[tilespmem:s25], [sflag:$0x1] =	stream.indirect.gather [hbm4b:s3+s17], $0x20, s17, s17, $0xb8;
	[tilespmem:$0xEC10] =	vst v63  }
0x72: {  	s25 =	simm.s32 $0x5800  }
0x73: {  	[tilespmem:s25], [sflag:$0x1] =	stream.indirect.gather [hbm4b:s4+s17], $0x20, s26, s17, $0xb8;
	[tilespmem:$0xEC10] =	vst v63  }
0x74: {  	s25 =	simm.s32 $0x9000  }
0x75: {  	[tilespmem:s25], [sflag:$0x1] =	stream.indirect.gather [hbm4b:s9+s17], $0x10, s26, s17, $0xb8;
	[tilespmem:$0xEC10] =	vst v63  }
0x76: {  	s23 =	simm.s32 $0x480;
	s25 =	simm.s32 $0xB000  }
0x77: {  	[tilespmem:s25], [sflag:$0x1] =	stream.indirect.gather [hbm4b:s6+s17], $0x10, s23, s17, $0xb8;
	[tilespmem:$0xEC10] =	vst v63  }
0x78: {  	s23 =	simm.s32 $0x680;
	s25 =	simm.s32 $0xD000  }
0x79: {  	[tilespmem:s25], [sflag:$0x1] =	stream.indirect.gather [hbm4b:s1+s17], $0x10, s23, s17, $0xb8;
	[tilespmem:$0xEC10] =	vst v63  }
0x7a: {  	s23 =	simm.s32 $0x100;
	s25 =	simm.s32 $0x2800  }
0x7b: {  	[tilespmem:s25], [sflag:$0x1] =	stream.indirect.gather [hbm4b:s3+s17], $0x20, s23, s17, $0xb8;
	[tilespmem:$0xEC10] =	vst v63  }
0x7c: {  	s25 =	simm.s32 $0x6800  }
0x7d: {  	[tilespmem:s25], [sflag:$0x1] =	stream.indirect.gather [hbm4b:s4+s17], $0x20, s21, s17, $0xb8;
	[tilespmem:$0xEC10] =	vst v63  }
0x7e: {  	s25 =	simm.s32 $0x9800  }
0x7f: {  	[tilespmem:s25], [sflag:$0x1] =	stream.indirect.gather [hbm4b:s9+s17], $0x10, s21, s17, $0xb8;
	[tilespmem:$0xEC10] =	vst v63  }
0x80: {  	s23 =	simm.s32 $0x500;
	s25 =	simm.s32 $0xB800  }
0x81: {  	[tilespmem:s25], [sflag:$0x1] =	stream.indirect.gather [hbm4b:s6+s17], $0x10, s23, s17, $0xb8;
	[tilespmem:$0xEC10] =	vst v63  }
0x82: {  	s23 =	simm.s32 $0x700;
	s25 =	simm.s32 $0xD800  }
0x83: {  	[tilespmem:s25], [sflag:$0x1] =	stream.indirect.gather [hbm4b:s1+s17], $0x10, s23, s17, $0xb8;
	[tilespmem:$0xEC10] =	vst v63  }
0x84: {  	s23 =	simm.s32 $0x180;
	s25 =	simm.s32 $0x3800  }
0x85: {  	[tilespmem:s25], [sflag:$0x1] =	stream.indirect.gather [hbm4b:s3+s17], $0x20, s23, s17, $0xb8;
	[tilespmem:$0xEC10] =	vst v63  }
0x86: {  	s25 =	simm.s32 $0x7800  }
0x87: {  	[tilespmem:s25], [sflag:$0x1] =	stream.indirect.gather [hbm4b:s4+s17], $0x20, s15, s17, $0xb8;
	[tilespmem:$0xEC10] =	vst v63  }
0x88: {  	s25 =	simm.s32 $0xA000  }
0x89: {  	[tilespmem:s25], [sflag:$0x1] =	stream.indirect.gather [hbm4b:s9+s17], $0x10, s15, s17, $0xb8;
	[tilespmem:$0xEC10] =	vst v63  }
0x8a: {  	s23 =	simm.s32 $0x580;
	s25 =	simm.s32 $0xC000  }
0x8b: {  	[tilespmem:s25], [sflag:$0x1] =	stream.indirect.gather [hbm4b:s6+s17], $0x10, s23, s17, $0xb8;
	[tilespmem:$0xEC10] =	vst v63  }
0x8c: {  	_ = 	snop  }
0x8d: {  	[tilespmem:s30], [sflag:$0x1] =	stream.indirect.gather [hbm4b:s1+s17], $0x10, s29, s17, $0xb8;
	[tilespmem:$0xEC10] =	vst v63  }
0x8e: {  	_ =	swait.ge [sflag:s31], $0x1000  }
0x8f: {  	[sflag:s31] =	ssyncset.done $0x0  }
0x90: {  	[sflag:s31] =	ssyncadd.s32 $0xFFFFF000  }
0x91: {  	_ =	swait.ge [sflag:s31], $0x1000  }
0x92: {  	[sflag:s31] =	ssyncset.done $0x0  }
0x93: {  	[sflag:s31] =	ssyncadd.s32 $0xFFFFF000  }
0x94: {  	_ =	swait.ge [sflag:s31], $0x800  }
0x95: {  	[sflag:s31] =	ssyncset.done $0x0  }
0x96: {  	[sflag:s31] =	ssyncadd.s32 $0xFFFFF800  }
0x97: {  	_ =	swait.ge [sflag:s31], $0x800  }
0x98: {  	[sflag:s31] =	ssyncset.done $0x0  }
0x99: {  	[sflag:s31] =	ssyncadd.s32 $0xFFFFF800  }
0x9a: {  	_ =	swait.ge [sflag:s31], $0x800  }
0x9b: {  	[sflag:s31] =	ssyncset.done $0x0  }
0x9c: {  	[sflag:s31] =	ssyncadd.s32 $0xFFFFF800  }
0x9d: {  	_ =	swait.ge [sflag:s31], $0x1000  }
0x9e: {  	[sflag:s31] =	ssyncset.done $0x0  }
0x9f: {  	[sflag:s31] =	ssyncadd.s32 $0xFFFFF000  }
0xa0: {  	_ =	swait.ge [sflag:s31], $0x1000  }
0xa1: {  	[sflag:s31] =	ssyncset.done $0x0  }
0xa2: {  	[sflag:s31] =	ssyncadd.s32 $0xFFFFF000  }
0xa3: {  	_ =	swait.ge [sflag:s31], $0x800  }
0xa4: {  	[sflag:s31] =	ssyncset.done $0x0  }
0xa5: {  	[sflag:s31] =	ssyncadd.s32 $0xFFFFF800  }
0xa6: {  	_ =	swait.ge [sflag:s31], $0x800  }
0xa7: {  	[sflag:s31] =	ssyncset.done $0x0  }
0xa8: {  	[sflag:s31] =	ssyncadd.s32 $0xFFFFF800  }
0xa9: {  	_ =	swait.ge [sflag:s31], $0x800  }
0xaa: {  	[sflag:s31] =	ssyncset.done $0x0  }
0xab: {  	[sflag:s31] =	ssyncadd.s32 $0xFFFFF800  }
0xac: {  	_ =	swait.ge [sflag:s31], $0x1000  }
0xad: {  	[sflag:s31] =	ssyncset.done $0x0  }
0xae: {  	[sflag:s31] =	ssyncadd.s32 $0xFFFFF000  }
0xaf: {  	_ =	swait.ge [sflag:s31], $0x1000  }
0xb0: {  	[sflag:s31] =	ssyncset.done $0x0  }
0xb1: {  	[sflag:s31] =	ssyncadd.s32 $0xFFFFF000  }
0xb2: {  	_ =	swait.ge [sflag:s31], $0x800  }
0xb3: {  	[sflag:s31] =	ssyncset.done $0x0  }
0xb4: {  	[sflag:s31] =	ssyncadd.s32 $0xFFFFF800  }
0xb5: {  	_ =	swait.ge [sflag:s31], $0x800  }
0xb6: {  	[sflag:s31] =	ssyncset.done $0x0  }
0xb7: {  	[sflag:s31] =	ssyncadd.s32 $0xFFFFF800  }
0xb8: {  	_ =	swait.ge [sflag:s31], $0x800  }
0xb9: {  	[sflag:s31] =	ssyncset.done $0x0  }
0xba: {  	[sflag:s31] =	ssyncadd.s32 $0xFFFFF800  }
0xbb: {  	_ =	swait.ge [sflag:s31], $0x1000  }
0xbc: {  	[sflag:s31] =	ssyncset.done $0x0  }
0xbd: {  	[sflag:s31] =	ssyncadd.s32 $0xFFFFF000  }
0xbe: {  	_ =	swait.ge [sflag:s31], $0x1000  }
0xbf: {  	[sflag:s31] =	ssyncset.done $0x0  }
0xc0: {  	[sflag:s31] =	ssyncadd.s32 $0xFFFFF000  }
0xc1: {  	_ =	swait.ge [sflag:s31], $0x800  }
0xc2: {  	[sflag:s31] =	ssyncset.done $0x0  }
0xc3: {  	[sflag:s31] =	ssyncadd.s32 $0xFFFFF800  }
0xc4: {  	_ =	swait.ge [sflag:s31], $0x800  }
0xc5: {  	[sflag:s31] =	ssyncset.done $0x0  }
0xc6: {  	[sflag:s31] =	ssyncadd.s32 $0xFFFFF800  }
0xc7: {  	_ =	swait.ge [sflag:s31], $0x800  }
0xc8: {  	[sflag:s31] =	ssyncset.done $0x0  }
0xc9: {  	[sflag:s31] =	ssyncadd.s32 $0xFFFFF800  }
0xca: {  	s28 =	simm.s32 $0x0;
	s23 =	simm.s32 $0xEA10;
	s25 =	simm.s32 $0x0;
	v1 =	vld [tilespmem:$0xEA00]  }
.LBB2_2:
0xcb: {  	v2 =	vor.u32 s28, v0  }
0xcc: {  	v19 =	vld [tilespmem:$0xE800];
	v12 =	vshll.u32 v2, $0x4  }
0xcd: {  	v16 =	vld [tilespmem:s25+$0x0];
	v3 =	vor.u32 $0x1, v12  }
0xce: {  	v18 =	vshll.u32 v2, $0x5;
	v2 =	vor.u32 $0x2, v12;
	v5 =	vor.u32 $0x4, v12  }
0xcf: {  	v20 =	vld [tilespmem:s16+$0x0];
	v10 =	vor.u32 $0x7, v12;
	v11 =	vor.u32 $0x8, v12;
	v15 =	vor.u32 $0x9, v12  }
0xd0: {  	v24 =	vld [tilespmem:$0xE810];
	v35 =	vor.u32 $0xA, v12;
	v36 =	vor.u32 $0xB, v12;
	v21 =	vor.u32 $0x1, v18  }
0xd1: {  	v37 =	vor.u32 $0xC, v12;
	v6 =	vbroadcast v19, $0x0;
	v7 =	vbroadcast v19, $0x1;
	v17 =	vld.idx.msk [tilespmem:v12+s20+$0x0], $0xffff  }
0xd2: {  	v9 =	vbroadcast v19, $0x2;
	v16 =	vand.u32 $0xF, v16;
	v14 =	vld.idx.msk [tilespmem:v3+s20+$0x0], $0xffff;
	v3 =	vor.u32 $0x3, v12  }
0xd3: {  	v30 =	vbroadcast v19, $0x3;
	v32 =	vbroadcast v19, $0x4;
	v4 =	vld.idx.msk [tilespmem:v18+s19+$0x0], $0xffff;
	v26 =	vor.u32 v12, v16  }
0xd4: {  	v34 =	vbroadcast v19, $0x5;
	v22 =	vbroadcast v19, $0x6;
	v38 =	vand.u32 $0xF, v20  }
0xd5: {  	v23 =	vbroadcast v19, $0x7;
	v25 =	vbroadcast v19, $0x8;
	v27 =	vor.u32 v12, v38;
	v13 =	vld.idx.msk [tilespmem:v2+s20+$0x0], $0xffff  }
0xd6: {  	v42 =	vbroadcast v19, $0x9;
	v2 =	vor.u32 $0x5, v12;
	v43 =	vld.idx.msk [tilespmem:v21+s19+$0x0], $0xffff;
	v6 =	vmul.f32 v6, v17  }
0xd7: {  	v39 =	vor.u32 $0xD, v12;
	v28 =	vbroadcast v24, $0x0;
	v47 =	vbroadcast v19, $0xB;
	v8 =	vld.idx.msk [tilespmem:v3+s20+$0x0], $0xffff  }
0xd8: {  	v26 =	vld.idx.msk [tilespmem:v26+s22+$0x0], $0xffff;
	v3 =	vor.u32 $0x6, v12;
	v7 =	vmul.f32 v7, v14;
	v4 =	vadd.f32 v6, v4  }
0xd9: {  	v44 =	vor.u32 $0xE, v12;
	v50 =	vbroadcast v24, $0x2;
	v52 =	vbroadcast v19, $0xC;
	v6 =	vld.idx.msk [tilespmem:v5+s20+$0x0], $0xffff  }
0xda: {  	v54 =	vbroadcast v24, $0x3;
	v27 =	vld.idx.msk [tilespmem:v27+s24+$0x0], $0xffff;
	v29 =	vmul.f32 v9, v13;
	v4 =	vadd.f32 v4, v7  }
0xdb: {  	v45 =	vor.u32 $0xF, v12;
	v56 =	vbroadcast v19, $0xD;
	v58 =	vbroadcast v24, $0x4;
	v5 =	vld.idx.msk [tilespmem:v2+s20+$0x0], $0xffff  }
0xdc: {  	v61 =	vbroadcast v24, $0x5;
	v12 =	vld.idx.msk [tilespmem:v39+s20+$0x0], $0xffff;
	v4 =	vadd.f32 v4, v29;
	v31 =	vmul.f32 v30, v8  }
0xdd: {  	v28 =	vmul.f32 v28, v17;
	v2 =	vld.idx.msk [tilespmem:v3+s20+$0x0], $0xffff;
	v30 =	vbroadcast v24, $0x1  }
0xde: {  	v62 =	vbroadcast v19, $0xE;
	v33 =	vmul.f32 v32, v6;
	v4 =	vadd.f32 v4, v31  }
0xdf: {  	v53 =	vmul.f32 v50, v13;
	v48 =	vadd.f32 v28, v43;
	v3 =	vld.idx.msk [tilespmem:v10+s20+$0x0], $0xffff;
	v49 =	vmul.f32 v30, v14  }
0xe0: {  	v26 =	vadd.f32 v27, v26;
	v9 =	vmul.f32 v34, v5;
	v7 =	vadd.f32 v4, v33  }
0xe1: {  	v29 =	vbroadcast v19, $0xA;
	v57 =	vmul.f32 v54, v8;
	v4 =	vld.idx.msk [tilespmem:v11+s20+$0x0], $0xffff;
	v20 =	vadd.f32 v48, v49  }
0xe2: {  	v10 =	vld.idx.msk [tilespmem:v37+s20+$0x0], $0xffff;
	v59 =	vmul.f32 v56, v12;
	v22 =	vmul.f32 v22, v2;
	v9 =	vadd.f32 v7, v9  }
0xe3: {  	v37 =	vbroadcast v24, $0x7;
	v60 =	vmul.f32 v58, v6;
	v7 =	vld.idx.msk [tilespmem:v15+s20+$0x0], $0xffff;
	v20 =	vadd.f32 v20, v53  }
0xe4: {  	v63 =	vmul.f32 v61, v5;
	v23 =	vmul.f32 v23, v3;
	v22 =	vadd.f32 v9, v22  }
0xe5: {  	v31 =	vbroadcast v19, $0xF;
	v19 =	vor.u32 $0x2, v18;
	v9 =	vld.idx.msk [tilespmem:v35+s20+$0x0], $0xffff;
	v20 =	vadd.f32 v20, v57  }
0xe6: {  	v16 =	vld.idx.msk [tilespmem:v44+s20+$0x0], $0xffff;
	v33 =	vbroadcast v24, $0x6;
	v41 =	vmul.f32 v25, v4;
	v40 =	vadd.f32 v22, v23  }
0xe7: {  	v11 =	vld.idx.msk [tilespmem:v36+s20+$0x0], $0xffff;
	v49 =	vbroadcast v24, $0xB;
	v55 =	vmul.f32 v52, v10;
	v20 =	vadd.f32 v20, v60  }
0xe8: {  	v39 =	vmul.f32 v37, v3;
	v15 =	vld.idx.msk [tilespmem:v45+s20+$0x0], $0xffff;
	v23 =	vmul.f32 v42, v7;
	v22 =	vadd.f32 v40, v41  }
0xe9: {  	v52 =	vbroadcast v24, $0xC;
	v36 =	vmul.f32 v33, v2;
	v20 =	vadd.f32 v20, v63  }
0xea: {  	v45 =	vbroadcast v24, $0xA;
	v46 =	vmul.f32 v29, v9;
	v22 =	vadd.f32 v22, v23  }
0xeb: {  	v32 =	vld [tilespmem:$0xE830];
	v35 =	vmul.f32 v62, v16;
	v40 =	vbroadcast v24, $0x8;
	v20 =	vadd.f32 v20, v36  }
0xec: {  	v51 =	vmul.f32 v47, v11;
	v42 =	vbroadcast v24, $0x9;
	v22 =	vadd.f32 v22, v46  }
0xed: {  	v38 =	vmul.f32 v31, v15;
	v41 =	vmul.f32 v40, v4;
	v20 =	vadd.f32 v20, v39  }
0xee: {  	v27 =	vmul.f32 v42, v7;
	v48 =	vmul.f32 v45, v9;
	v22 =	vadd.f32 v22, v51  }
0xef: {  	v29 =	vmul.f32 v52, v10;
	v25 =	vadd.f32 v20, v41;
	v51 =	vmul.f32 v49, v11  }
0xf0: {  	v30 =	vld [tilespmem:$0xE840];
	v49 =	vbroadcast v32, $0x4;
	v22 =	vadd.f32 v22, v55;
	v55 =	vbroadcast v24, $0xD  }
0xf1: {  	v45 =	vbroadcast v32, $0x3;
	v41 =	vbroadcast v32, $0x2;
	v25 =	vadd.f32 v25, v27  }
0xf2: {  	v52 =	vmul.f32 v49, v6;
	v23 =	vadd.f32 v22, v59;
	v58 =	vmul.f32 v55, v12  }
0xf3: {  	v22 =	vld [tilespmem:$0xE820];
	v25 =	vadd.f32 v25, v48;
	v59 =	vbroadcast v24, $0xE;
	v24 =	vbroadcast v24, $0xF  }
0xf4: {  	v48 =	vmul.f32 v45, v8;
	v23 =	vadd.f32 v23, v35;
	v35 =	vbroadcast v32, $0x0  }
0xf5: {  	v45 =	vbroadcast v30, $0x1;
	v62 =	vmul.f32 v59, v16  }
0xf6: {  	v24 =	vmul.f32 v24, v15;
	v27 =	vmul.f32 v35, v17  }
0xf7: {  	v34 =	vld.idx.msk [tilespmem:v18+s18+$0x0], $0xffff;
	v23 =	vadd.f32 v23, v38;
	v38 =	vbroadcast v32, $0x1;
	v35 =	vbroadcast v32, $0x8  }
0xf8: {  	v44 =	vbroadcast v22, $0x0;
	v47 =	vbroadcast v22, $0x1  }
0xf9: {  	v43 =	vld.idx.msk [tilespmem:v19+s19+$0x0], $0xffff;
	v50 =	vbroadcast v22, $0x2;
	v54 =	vbroadcast v22, $0x3  }
0xfa: {  	v31 =	vor.u32 $0x3, v18;
	v57 =	vbroadcast v22, $0x4;
	v61 =	vbroadcast v22, $0x5  }
0xfb: {  	v25 =	vadd.f32 v25, v51;
	v33 =	vbroadcast v22, $0x6;
	v37 =	vbroadcast v22, $0x7  }
0xfc: {  	v26 =	vadd.f32 v26, v1;
	v23 =	vmul.f32 v23, v34;
	v46 =	vmul.f32 v44, v17  }
0xfd: {  	v25 =	vadd.f32 v25, v29;
	v40 =	vbroadcast v22, $0x8;
	v55 =	vbroadcast v22, $0xB  }
0xfe: {  	v20 =	vadd.f32 v23, v26;
	v26 =	vmul.f32 v47, v14;
	v23 =	vadd.f32 v46, v43  }
0xff: {  	v25 =	vadd.f32 v25, v58;
	v29 =	vmul.f32 v38, v14;
	v58 =	vbroadcast v32, $0x6  }
0x100: {  	v34 =	vld.idx.msk [tilespmem:v31+s19+$0x0], $0xffff;
	v38 =	vmul.f32 v35, v4;
	v53 =	vmul.f32 v50, v13;
	v23 =	vadd.f32 v23, v26  }
0x101: {  	v56 =	vmul.f32 v54, v8;
	v60 =	vmul.f32 v57, v6  }
0x102: {  	v63 =	vmul.f32 v61, v5;
	v36 =	vmul.f32 v33, v2;
	v23 =	vadd.f32 v23, v53  }
0x103: {  	v39 =	vmul.f32 v37, v3;
	v42 =	vmul.f32 v40, v4  }
0x104: {  	v44 =	vmul.f32 v41, v13;
	v59 =	vmul.f32 v55, v11;
	v23 =	vadd.f32 v23, v56  }
0x105: {  	v33 =	vbroadcast v22, $0xD;
	v37 =	vbroadcast v22, $0xE;
	v27 =	vadd.f32 v27, v34  }
0x106: {  	v41 =	vbroadcast v30, $0x0;
	v25 =	vadd.f32 v25, v62;
	v23 =	vadd.f32 v23, v60  }
0x107: {  	v47 =	vbroadcast v22, $0xA;
	v61 =	vmul.f32 v58, v2;
	v27 =	vadd.f32 v27, v29  }
0x108: {  	v21 =	vld.idx.msk [tilespmem:v21+s18+$0x0], $0xffff;
	v62 =	vbroadcast v32, $0x7;
	v43 =	vbroadcast v22, $0x9;
	v23 =	vadd.f32 v23, v63  }
0x109: {  	v40 =	vmul.f32 v37, v16;
	v24 =	vadd.f32 v25, v24;
	v27 =	vadd.f32 v27, v44  }
0x10a: {  	v50 =	vmul.f32 v47, v9;
	v47 =	vbroadcast v32, $0xB;
	v23 =	vadd.f32 v23, v36  }
0x10b: {  	v46 =	vmul.f32 v43, v7;
	v53 =	vbroadcast v32, $0x5;
	v51 =	vadd.f32 v27, v48  }
0x10c: {  	v34 =	vmul.f32 v62, v3;
	v43 =	vbroadcast v32, $0xA;
	v23 =	vadd.f32 v23, v39  }
0x10d: {  	v24 =	vmul.f32 v24, v21;
	v57 =	vmul.f32 v53, v5;
	v56 =	vadd.f32 v51, v52  }
0x10e: {  	v49 =	vmul.f32 v47, v11;
	v47 =	vbroadcast v30, $0xA;
	v23 =	vadd.f32 v23, v42  }
0x10f: {  	v29 =	vmul.f32 v45, v14;
	v60 =	vbroadcast v22, $0xC;
	v25 =	vadd.f32 v56, v57  }
0x110: {  	v44 =	vmul.f32 v41, v17;
	v48 =	vbroadcast v30, $0x2;
	v23 =	vadd.f32 v23, v46  }
0x111: {  	v22 =	vbroadcast v22, $0xF;
	v63 =	vmul.f32 v60, v10;
	v25 =	vadd.f32 v25, v61  }
0x112: {  	v51 =	vmul.f32 v48, v13;
	v54 =	vadd.f32 v23, v50;
	v23 =	vor.u32 $0x4, v18  }
0x113: {  	v52 =	vbroadcast v30, $0x3;
	v39 =	vbroadcast v32, $0x9;
	v25 =	vadd.f32 v25, v34  }
0x114: {  	v22 =	vmul.f32 v22, v15;
	v60 =	vbroadcast v32, $0xE  }
0x115: {  	v36 =	vmul.f32 v33, v12;
	v42 =	vmul.f32 v39, v7;
	v25 =	vadd.f32 v25, v38  }
0x116: {  	v55 =	vmul.f32 v52, v8;
	v56 =	vbroadcast v30, $0x4;
	v21 =	vadd.f32 v54, v59  }
0x117: {  	v26 =	vmul.f32 v60, v16;
	v46 =	vmul.f32 v43, v9;
	v25 =	vadd.f32 v25, v42;
	v33 =	vld.idx.msk [tilespmem:v23+s19+$0x0], $0xffff  }
0x118: {  	v58 =	vmul.f32 v56, v6;
	v34 =	vbroadcast v30, $0x7;
	v21 =	vadd.f32 v21, v63  }
0x119: {  	v38 =	vbroadcast v30, $0x8;
	v50 =	vbroadcast v32, $0xC;
	v25 =	vadd.f32 v25, v46  }
0x11a: {  	v37 =	vmul.f32 v34, v3;
	v34 =	vbroadcast v30, $0xF;
	v21 =	vadd.f32 v21, v36  }
0x11b: {  	v41 =	vmul.f32 v38, v4;
	v53 =	vmul.f32 v50, v10;
	v25 =	vadd.f32 v25, v49  }
0x11c: {  	v54 =	vbroadcast v32, $0xD;
	v28 =	vadd.f32 v21, v40;
	v21 =	vadd.f32 v44, v33  }
0x11d: {  	v42 =	vbroadcast v30, $0x9;
	v38 =	vmul.f32 v34, v15  }
0x11e: {  	v57 =	vmul.f32 v54, v12;
	v25 =	vadd.f32 v25, v53;
	v21 =	vadd.f32 v21, v29  }
0x11f: {  	v59 =	vbroadcast v30, $0x5;
	v32 =	vbroadcast v32, $0xF  }
0x120: {  	v61 =	vld.idx.msk [tilespmem:v19+s18+$0x0], $0xffff;
	v46 =	vmul.f32 v42, v7;
	v25 =	vadd.f32 v25, v57;
	v21 =	vadd.f32 v21, v51  }
0x121: {  	v31 =	vld.idx.msk [tilespmem:v31+s18+$0x0], $0xffff;
	v50 =	vmul.f32 v47, v9;
	v62 =	vmul.f32 v59, v5  }
0x122: {  	v36 =	vmul.f32 v32, v15;
	v32 =	vld [tilespmem:$0xE860];
	v25 =	vadd.f32 v25, v26;
	v21 =	vadd.f32 v21, v55  }
0x123: {  	v63 =	vbroadcast v30, $0x6;
	v54 =	vbroadcast v30, $0xC;
	v22 =	vadd.f32 v28, v22  }
0x124: {  	v57 =	vbroadcast v30, $0xD;
	v39 =	vadd.f32 v25, v36;
	v21 =	vadd.f32 v21, v58  }
0x125: {  	v29 =	vmul.f32 v63, v2;
	v22 =	vmul.f32 v22, v61  }
0x126: {  	v61 =	vbroadcast v30, $0xE;
	v44 =	vmul.f32 v39, v31;
	v27 =	vadd.f32 v21, v62;
	v21 =	vld [tilespmem:$0xE850]  }
0x127: {  	v51 =	vbroadcast v30, $0xB;
	v39 =	vbroadcast v32, $0x0  }
0x128: {  	v60 =	vmul.f32 v57, v12;
	v33 =	vmul.f32 v61, v16;
	v27 =	vadd.f32 v27, v29  }
0x129: {  	v53 =	vmul.f32 v51, v11;
	v42 =	vmul.f32 v39, v17  }
0x12a: {  	v39 =	vbroadcast v32, $0x8;
	v40 =	vadd.f32 v27, v37;
	v27 =	vmul.f32 v54, v10  }
0x12b: {  	v54 =	vbroadcast v32, $0x4;
	v45 =	vbroadcast v21, $0x0  }
0x12c: {  	v19 =	vor.u32 $0x5, v18;
	v49 =	vbroadcast v21, $0x1;
	v52 =	vbroadcast v21, $0x2  }
0x12d: {  	v56 =	vbroadcast v21, $0x3;
	v59 =	vbroadcast v21, $0x4  }
0x12e: {  	v63 =	vbroadcast v21, $0x5;
	v36 =	vbroadcast v21, $0x6  }
0x12f: {  	v25 =	vadd.f32 v40, v41;
	v41 =	vbroadcast v21, $0x7;
	v57 =	vmul.f32 v54, v6  }
0x130: {  	v20 =	vadd.f32 v24, v20;
	v48 =	vmul.f32 v45, v17;
	v24 =	vmul.f32 v49, v14  }
0x131: {  	v43 =	vld.idx.msk [tilespmem:v19+s19+$0x0], $0xffff;
	v55 =	vmul.f32 v52, v13;
	v58 =	vmul.f32 v56, v8  }
0x132: {  	v20 =	vadd.f32 v22, v20;
	v62 =	vmul.f32 v59, v6;
	v35 =	vmul.f32 v63, v5  }
0x133: {  	v31 =	vor.u32 $0x6, v18;
	v40 =	vmul.f32 v36, v2;
	v45 =	vbroadcast v21, $0x8  }
0x134: {  	v20 =	vadd.f32 v44, v20;
	v52 =	vbroadcast v21, $0xA;
	v59 =	vbroadcast v21, $0xB  }
0x135: {  	v30 =	vld [tilespmem:$0xE870];
	v25 =	vadd.f32 v25, v46;
	v44 =	vmul.f32 v41, v3;
	v46 =	vbroadcast v32, $0x2  }
0x136: {  	v41 =	vbroadcast v21, $0xE;
	v22 =	vadd.f32 v48, v43;
	v43 =	vbroadcast v32, $0x1  }
0x137: {  	v47 =	vmul.f32 v45, v4;
	v48 =	vbroadcast v21, $0x9  }
0x138: {  	v63 =	vmul.f32 v59, v11;
	v59 =	vbroadcast v32, $0xD  }
0x139: {  	v25 =	vadd.f32 v25, v50;
	v49 =	vmul.f32 v46, v13;
	v50 =	vbroadcast v32, $0x3  }
0x13a: {  	v37 =	vld.idx.msk [tilespmem:v31+s19+$0x0], $0xffff;
	v45 =	vmul.f32 v41, v16;
	v46 =	vbroadcast v30, $0x0  }
0x13b: {  	v22 =	vadd.f32 v22, v24;
	v29 =	vmul.f32 v43, v14;
	v51 =	vmul.f32 v48, v7  }
0x13c: {  	v43 =	vbroadcast v32, $0x9;
	v48 =	vbroadcast v32, $0xA;
	v25 =	vadd.f32 v25, v53  }
0x13d: {  	v53 =	vmul.f32 v50, v8;
	v50 =	vbroadcast v30, $0x1;
	v22 =	vadd.f32 v22, v55  }
0x13e: {  	v55 =	vmul.f32 v52, v9;
	v52 =	vbroadcast v32, $0xB;
	v25 =	vadd.f32 v25, v27  }
0x13f: {  	v27 =	vadd.f32 v42, v37;
	v37 =	vbroadcast v21, $0xD;
	v42 =	vmul.f32 v39, v4  }
0x140: {  	v39 =	vbroadcast v32, $0xE;
	v22 =	vadd.f32 v22, v58;
	v58 =	vbroadcast v32, $0x5  }
0x141: {  	v54 =	vmul.f32 v52, v11;
	v52 =	vbroadcast v30, $0x9  }
0x142: {  	v25 =	vadd.f32 v25, v60;
	v27 =	vadd.f32 v27, v29;
	v29 =	vmul.f32 v50, v14  }
0x143: {  	v22 =	vadd.f32 v22, v62;
	v61 =	vmul.f32 v58, v5;
	v62 =	vbroadcast v32, $0x6  }
0x144: {  	v25 =	vadd.f32 v25, v33;
	v27 =	vadd.f32 v27, v49;
	v33 =	vbroadcast v21, $0xC  }
0x145: {  	v23 =	vld.idx.msk [tilespmem:v23+s18+$0x0], $0xffff;
	v49 =	vmul.f32 v46, v17;
	v21 =	vbroadcast v21, $0xF;
	v22 =	vadd.f32 v22, v35  }
0x146: {  	v34 =	vmul.f32 v62, v2;
	v35 =	vbroadcast v32, $0x7;
	v56 =	vadd.f32 v27, v53  }
0x147: {  	v62 =	vmul.f32 v59, v12;
	v25 =	vadd.f32 v25, v38;
	v22 =	vadd.f32 v22, v40  }
0x148: {  	v36 =	vmul.f32 v33, v10;
	v53 =	vbroadcast v30, $0x2;
	v60 =	vadd.f32 v56, v57  }
0x149: {  	v38 =	vmul.f32 v35, v3;
	v40 =	vmul.f32 v37, v12;
	v22 =	vadd.f32 v22, v44  }
0x14a: {  	v37 =	vbroadcast v30, $0x5;
	v23 =	vmul.f32 v25, v23;
	v25 =	vadd.f32 v60, v61  }
0x14b: {  	v35 =	vbroadcast v30, $0xC;
	v57 =	vbroadcast v30, $0x3;
	v22 =	vadd.f32 v22, v47  }
0x14c: {  	v56 =	vmul.f32 v53, v13;
	v41 =	vmul.f32 v37, v5;
	v25 =	vadd.f32 v25, v34  }
0x14d: {  	v60 =	vmul.f32 v57, v8;
	v61 =	vbroadcast v30, $0x4;
	v22 =	vadd.f32 v22, v51  }
0x14e: {  	v57 =	vbroadcast v30, $0xA;
	v47 =	vmul.f32 v43, v7;
	v25 =	vadd.f32 v25, v38  }
0x14f: {  	v38 =	vmul.f32 v21, v15;
	v21 =	vld [tilespmem:$0xE880];
	v24 =	vadd.f32 v22, v55;
	v22 =	vor.u32 $0x7, v18  }
0x150: {  	v43 =	vmul.f32 v39, v16;
	v55 =	vbroadcast v32, $0xC  }
0x151: {  	v51 =	vmul.f32 v48, v9;
	v32 =	vbroadcast v32, $0xF;
	v25 =	vadd.f32 v25, v42  }
0x152: {  	v42 =	vbroadcast v30, $0x6;
	v24 =	vadd.f32 v24, v63;
	v58 =	vmul.f32 v55, v10  }
0x153: {  	v32 =	vmul.f32 v32, v15;
	v25 =	vadd.f32 v25, v47;
	v47 =	vbroadcast v30, $0x8  }
0x154: {  	v24 =	vadd.f32 v24, v36;
	v36 =	vmul.f32 v61, v6;
	v55 =	vbroadcast v21, $0x0;
	v44 =	vld.idx.msk [tilespmem:v22+s19+$0x0], $0xffff  }
0x155: {  	v59 =	vbroadcast v21, $0x1;
	v61 =	vbroadcast v30, $0xB;
	v25 =	vadd.f32 v25, v51  }
0x156: {  	v37 =	vbroadcast v21, $0x3;
	v33 =	vbroadcast v21, $0xA;
	v24 =	vadd.f32 v24, v40  }
0x157: {  	v51 =	vmul.f32 v47, v4;
	v40 =	vld.idx.msk [tilespmem:v19+s18+$0x0], $0xffff;
	v19 =	vor.u32 $0x8, v18;
	v25 =	vadd.f32 v25, v54  }
0x158: {  	v39 =	vmul.f32 v37, v8;
	v24 =	vadd.f32 v24, v45;
	v45 =	vbroadcast v30, $0x7  }
0x159: {  	v25 =	vadd.f32 v25, v58;
	v58 =	vmul.f32 v55, v17;
	v28 =	vadd.f32 v49, v44  }
0x15a: {  	v44 =	vmul.f32 v42, v2;
	v24 =	vadd.f32 v24, v38;
	v46 =	vmul.f32 v45, v3  }
0x15b: {  	v38 =	vbroadcast v30, $0xD;
	v42 =	vbroadcast v30, $0xE;
	v25 =	vadd.f32 v25, v62  }
0x15c: {  	v62 =	vbroadcast v21, $0x2;
	v28 =	vadd.f32 v28, v29;
	v48 =	vmul.f32 v24, v40  }
0x15d: {  	v20 =	vadd.f32 v23, v20;
	v53 =	vld.idx.msk [tilespmem:v19+s19+$0x0], $0xffff;
	v24 =	vmul.f32 v59, v14;
	v40 =	vbroadcast v21, $0x4  }
0x15e: {  	v31 =	vld.idx.msk [tilespmem:v31+s18+$0x0], $0xffff;
	v45 =	vmul.f32 v42, v16;
	v25 =	vadd.f32 v25, v43;
	v28 =	vadd.f32 v28, v56  }
0x15f: {  	v20 =	vadd.f32 v48, v20;
	v56 =	vmul.f32 v52, v7;
	v48 =	vbroadcast v21, $0x6  }
0x160: {  	v43 =	vmul.f32 v40, v6;
	v40 =	vbroadcast v21, $0xB;
	v49 =	vadd.f32 v25, v32;
	v32 =	vld [tilespmem:$0xE890]  }
0x161: {  	v63 =	vadd.f32 v28, v60;
	v60 =	vmul.f32 v57, v9;
	v52 =	vmul.f32 v48, v2  }
0x162: {  	v23 =	vadd.f32 v58, v53;
	v53 =	vbroadcast v21, $0x7;
	v57 =	vbroadcast v21, $0x8  }
0x163: {  	v54 =	vmul.f32 v49, v31;
	v27 =	vadd.f32 v63, v36;
	v63 =	vmul.f32 v61, v11  }
0x164: {  	v23 =	vadd.f32 v23, v24;
	v36 =	vmul.f32 v62, v13;
	v59 =	vmul.f32 v57, v4  }
0x165: {  	v27 =	vadd.f32 v27, v41;
	v41 =	vmul.f32 v38, v12;
	v55 =	vbroadcast v32, $0x1  }
0x166: {  	v23 =	vadd.f32 v23, v36;
	v58 =	vbroadcast v32, $0x2;
	v62 =	vbroadcast v32, $0x3  }
0x167: {  	v36 =	vmul.f32 v33, v9;
	v27 =	vadd.f32 v27, v44;
	v44 =	vbroadcast v21, $0x5  }
0x168: {  	v29 =	vmul.f32 v55, v14;
	v61 =	vmul.f32 v58, v13  }
0x169: {  	v23 =	vadd.f32 v23, v39;
	v34 =	vmul.f32 v62, v8;
	v39 =	vbroadcast v32, $0x5  }
0x16a: {  	v55 =	vbroadcast v32, $0x9;
	v50 =	vadd.f32 v27, v46;
	v27 =	vmul.f32 v35, v10  }
0x16b: {  	v46 =	vbroadcast v30, $0xF;
	v47 =	vmul.f32 v44, v5  }
0x16c: {  	v31 =	vor.u32 $0x9, v18;
	v35 =	vbroadcast v32, $0x4;
	v42 =	vmul.f32 v39, v5  }
0x16d: {  	v23 =	vadd.f32 v23, v43;
	v43 =	vbroadcast v32, $0x6;
	v44 =	vmul.f32 v40, v11  }
0x16e: {  	v30 =	vld [tilespmem:$0xE8A0];
	v39 =	vbroadcast v32, $0xC;
	v25 =	vadd.f32 v50, v51;
	v50 =	vmul.f32 v46, v15  }
0x16f: {  	v20 =	vadd.f32 v54, v20;
	v51 =	vbroadcast v32, $0x0;
	v38 =	vmul.f32 v35, v6  }
0x170: {  	v23 =	vadd.f32 v23, v47;
	v46 =	vmul.f32 v43, v2;
	v47 =	vbroadcast v32, $0x7  }
0x171: {  	v43 =	vbroadcast v32, $0xD;
	v25 =	vadd.f32 v25, v56;
	v54 =	vmul.f32 v51, v17  }
0x172: {  	v49 =	vld.idx.msk [tilespmem:v31+s19+$0x0], $0xffff;
	v23 =	vadd.f32 v23, v52;
	v56 =	vmul.f32 v53, v3;
	v51 =	vbroadcast v32, $0x8  }
0x173: {  	v53 =	vbroadcast v21, $0xE;
	v58 =	vbroadcast v30, $0x0;
	v25 =	vadd.f32 v25, v60  }
0x174: {  	v62 =	vbroadcast v30, $0x1;
	v23 =	vadd.f32 v23, v56;
	v60 =	vbroadcast v21, $0x9  }
0x175: {  	v35 =	vbroadcast v30, $0xA;
	v57 =	vmul.f32 v53, v16;
	v25 =	vadd.f32 v25, v63  }
0x176: {  	v23 =	vadd.f32 v23, v59;
	v63 =	vmul.f32 v60, v7;
	v59 =	vmul.f32 v55, v7  }
0x177: {  	v60 =	vbroadcast v32, $0xA;
	v25 =	vadd.f32 v25, v27;
	v27 =	vadd.f32 v54, v49  }
0x178: {  	v23 =	vadd.f32 v23, v63;
	v49 =	vbroadcast v21, $0xD;
	v54 =	vmul.f32 v51, v4  }
0x179: {  	v63 =	vmul.f32 v60, v9;
	v51 =	vbroadcast v32, $0xE;
	v25 =	vadd.f32 v25, v41  }
0x17a: {  	v23 =	vadd.f32 v23, v36;
	v52 =	vmul.f32 v49, v12;
	v36 =	vbroadcast v32, $0xB  }
0x17b: {  	v27 =	vadd.f32 v27, v29;
	v29 =	vmul.f32 v62, v14;
	v49 =	vbroadcast v30, $0x5  }
0x17c: {  	v55 =	vmul.f32 v51, v16;
	v32 =	vbroadcast v32, $0xF  }
0x17d: {  	v22 =	vld.idx.msk [tilespmem:v22+s18+$0x0], $0xffff;
	v62 =	vbroadcast v30, $0x9;
	v25 =	vadd.f32 v25, v45;
	v45 =	vbroadcast v21, $0xC  }
0x17e: {  	v27 =	vadd.f32 v27, v61;
	v61 =	vmul.f32 v58, v17;
	v21 =	vbroadcast v21, $0xF  }
0x17f: {  	v53 =	vmul.f32 v49, v5;
	v32 =	vmul.f32 v32, v15  }
0x180: {  	v49 =	vbroadcast v30, $0xE;
	v25 =	vadd.f32 v25, v50;
	v37 =	vadd.f32 v27, v34  }
0x181: {  	v23 =	vadd.f32 v23, v44;
	v48 =	vmul.f32 v45, v10;
	v50 =	vmul.f32 v47, v3  }
0x182: {  	v25 =	vmul.f32 v25, v22;
	v41 =	vadd.f32 v37, v38;
	v22 =	vor.u32 $0xA, v18  }
0x183: {  	v45 =	vbroadcast v30, $0x4;
	v34 =	vmul.f32 v62, v7;
	v23 =	vadd.f32 v23, v48  }
0x184: {  	v37 =	vbroadcast v30, $0x2;
	v38 =	vmul.f32 v36, v11;
	v24 =	vadd.f32 v41, v42  }
0x185: {  	v48 =	vmul.f32 v45, v6;
	v45 =	vbroadcast v30, $0xD  }
0x186: {  	v23 =	vadd.f32 v23, v52;
	v41 =	vbroadcast v30, $0x3;
	v52 =	vld.idx.msk [tilespmem:v19+s18+$0x0], $0xffff;
	v24 =	vadd.f32 v24, v46  }
0x187: {  	v40 =	vmul.f32 v37, v13;
	v42 =	vmul.f32 v39, v10;
	v19 =	vor.u32 $0xB, v18;
	v56 =	vld.idx.msk [tilespmem:v22+s19+$0x0], $0xffff  }
0x188: {  	v39 =	vbroadcast v30, $0xB;
	v44 =	vmul.f32 v41, v8;
	v24 =	vadd.f32 v24, v50  }
0x189: {  	v23 =	vadd.f32 v23, v57;
	v57 =	vbroadcast v30, $0x7;
	v50 =	vmul.f32 v21, v15;
	v21 =	vld [tilespmem:$0xE8B0]  }
0x18a: {  	v46 =	vmul.f32 v43, v12;
	v24 =	vadd.f32 v24, v54;
	v54 =	vbroadcast v30, $0x6  }
0x18b: {  	v41 =	vmul.f32 v39, v11;
	v58 =	vmul.f32 v57, v3;
	v23 =	vadd.f32 v23, v50  }
0x18c: {  	v24 =	vadd.f32 v24, v59;
	v28 =	vadd.f32 v61, v56;
	v56 =	vmul.f32 v54, v2  }
0x18d: {  	v20 =	vadd.f32 v25, v20;
	v59 =	vbroadcast v30, $0x8;
	v23 =	vmul.f32 v23, v52  }
0x18e: {  	v52 =	vmul.f32 v49, v16;
	v33 =	vbroadcast v21, $0x0;
	v24 =	vadd.f32 v24, v63  }
0x18f: {  	v37 =	vbroadcast v21, $0x1;
	v51 =	vbroadcast v21, $0x5;
	v28 =	vadd.f32 v28, v29  }
0x190: {  	v61 =	vmul.f32 v59, v4;
	v20 =	vadd.f32 v23, v20;
	v24 =	vadd.f32 v24, v38  }
0x191: {  	v63 =	vld.idx.msk [tilespmem:v19+s19+$0x0], $0xffff;
	v36 =	vmul.f32 v33, v17;
	v33 =	vbroadcast v21, $0x8;
	v28 =	vadd.f32 v28, v40  }
0x192: {  	v54 =	vmul.f32 v51, v5;
	v40 =	vbroadcast v21, $0x2;
	v24 =	vadd.f32 v24, v42  }
0x193: {  	v38 =	vmul.f32 v35, v9;
	v35 =	vmul.f32 v33, v4;
	v47 =	vadd.f32 v28, v44  }
0x194: {  	v42 =	vbroadcast v30, $0xC;
	v43 =	vmul.f32 v40, v13;
	v24 =	vadd.f32 v24, v46  }
0x195: {  	v31 =	vld.idx.msk [tilespmem:v31+s18+$0x0], $0xffff;
	v44 =	vbroadcast v21, $0x3;
	v40 =	vbroadcast v21, $0xA;
	v27 =	vadd.f32 v47, v48  }
0x196: {  	v23 =	vadd.f32 v36, v63;
	v36 =	vbroadcast v21, $0x9;
	v24 =	vadd.f32 v24, v55  }
0x197: {  	v46 =	vmul.f32 v44, v8;
	v47 =	vbroadcast v21, $0x4;
	v27 =	vadd.f32 v27, v53  }
0x198: {  	v48 =	vmul.f32 v45, v12;
	v39 =	vmul.f32 v36, v7;
	v24 =	vadd.f32 v24, v32  }
0x199: {  	v50 =	vmul.f32 v47, v6;
	v53 =	vbroadcast v30, $0xF;
	v30 =	vld [tilespmem:$0xE8D0];
	v27 =	vadd.f32 v27, v56  }
0x19a: {  	v55 =	vbroadcast v21, $0x6;
	v32 =	vmul.f32 v24, v31  }
0x19b: {  	v47 =	vbroadcast v21, $0xB;
	v57 =	vmul.f32 v53, v15;
	v60 =	vadd.f32 v27, v58  }
0x19c: {  	v59 =	vmul.f32 v55, v2;
	v24 =	vmul.f32 v37, v14;
	v20 =	vadd.f32 v32, v20;
	v32 =	vld [tilespmem:$0xE8C0]  }
0x19d: {  	v51 =	vmul.f32 v47, v11;
	v25 =	vadd.f32 v60, v61;
	v60 =	vbroadcast v21, $0x7  }
0x19e: {  	v27 =	vmul.f32 v42, v10;
	v36 =	vbroadcast v30, $0x0;
	v23 =	vadd.f32 v23, v24  }
0x19f: {  	v31 =	vor.u32 $0xC, v18;
	v47 =	vbroadcast v30, $0x3;
	v63 =	vmul.f32 v60, v3  }
0x1a0: {  	v23 =	vadd.f32 v23, v43;
	v43 =	vmul.f32 v40, v9;
	v60 =	vbroadcast v21, $0xE  }
0x1a1: {  	v25 =	vadd.f32 v25, v34;
	v40 =	vbroadcast v30, $0x1;
	v58 =	vbroadcast v32, $0x0  }
0x1a2: {  	v23 =	vadd.f32 v23, v46;
	v62 =	vbroadcast v32, $0x1;
	v34 =	vbroadcast v32, $0x2  }
0x1a3: {  	v25 =	vadd.f32 v25, v38;
	v38 =	vbroadcast v32, $0x3;
	v42 =	vbroadcast v32, $0x4  }
0x1a4: {  	v46 =	vbroadcast v32, $0x5;
	v23 =	vadd.f32 v23, v50;
	v50 =	vbroadcast v32, $0x6  }
0x1a5: {  	v61 =	vmul.f32 v58, v17;
	v29 =	vmul.f32 v62, v14  }
0x1a6: {  	v56 =	vld.idx.msk [tilespmem:v31+s19+$0x0], $0xffff;
	v25 =	vadd.f32 v25, v41;
	v37 =	vmul.f32 v34, v13;
	v41 =	vmul.f32 v38, v8  }
0x1a7: {  	v45 =	vmul.f32 v42, v6;
	v49 =	vmul.f32 v46, v5  }
0x1a8: {  	v58 =	vbroadcast v32, $0x8;
	v62 =	vbroadcast v32, $0x9  }
0x1a9: {  	v38 =	vbroadcast v32, $0xA;
	v42 =	vbroadcast v32, $0xB  }
0x1aa: {  	v25 =	vadd.f32 v25, v27;
	v23 =	vadd.f32 v23, v54;
	v53 =	vmul.f32 v50, v2  }
0x1ab: {  	v54 =	vbroadcast v32, $0x7;
	v27 =	vadd.f32 v61, v56;
	v56 =	vbroadcast v21, $0xD  }
0x1ac: {  	v50 =	vmul.f32 v47, v8;
	v25 =	vadd.f32 v25, v48;
	v23 =	vadd.f32 v23, v59  }
0x1ad: {  	v61 =	vmul.f32 v58, v4;
	v27 =	vadd.f32 v27, v29;
	v59 =	vmul.f32 v56, v12  }
0x1ae: {  	v22 =	vld.idx.msk [tilespmem:v22+s18+$0x0], $0xffff;
	v25 =	vadd.f32 v25, v52;
	v23 =	vadd.f32 v23, v63;
	v52 =	vbroadcast v21, $0xC  }
0x1af: {  	v29 =	vmul.f32 v40, v14;
	v21 =	vbroadcast v21, $0xF;
	v27 =	vadd.f32 v27, v37  }
0x1b0: {  	v37 =	vmul.f32 v62, v7;
	v23 =	vadd.f32 v23, v35;
	v55 =	vmul.f32 v52, v10  }
0x1b1: {  	v25 =	vadd.f32 v25, v57;
	v57 =	vmul.f32 v54, v3;
	v35 =	vmul.f32 v60, v16  }
0x1b2: {  	v56 =	vmul.f32 v21, v15;
	v60 =	vbroadcast v30, $0x6;
	v44 =	vadd.f32 v27, v41  }
0x1b3: {  	v21 =	vld [tilespmem:$0xE8E0];
	v41 =	vmul.f32 v38, v9;
	v23 =	vadd.f32 v23, v39;
	v25 =	vmul.f32 v25, v22  }
0x1b4: {  	v22 =	vor.u32 $0xD, v18;
	v39 =	vmul.f32 v36, v17;
	v62 =	vmul.f32 v60, v2  }
0x1b5: {  	v36 =	vbroadcast v30, $0x8;
	v48 =	vadd.f32 v44, v45;
	v45 =	vbroadcast v32, $0xC  }
0x1b6: {  	v44 =	vmul.f32 v42, v11;
	v23 =	vadd.f32 v23, v43;
	v43 =	vbroadcast v30, $0x2  }
0x1b7: {  	v38 =	vmul.f32 v36, v4;
	v24 =	vadd.f32 v48, v49;
	v48 =	vmul.f32 v45, v10  }
0x1b8: {  	v49 =	vbroadcast v32, $0xD;
	v42 =	vbroadcast v21, $0x0  }
0x1b9: {  	v60 =	vbroadcast v21, $0x5;
	v33 =	vbroadcast v21, $0x6  }
0x1ba: {  	v58 =	vld.idx.msk [tilespmem:v19+s18+$0x0], $0xffff;
	v23 =	vadd.f32 v23, v51;
	v46 =	vmul.f32 v43, v13;
	v51 =	vbroadcast v30, $0x4  }
0x1bb: {  	v19 =	vor.u32 $0xE, v18;
	v63 =	vld.idx.msk [tilespmem:v22+s19+$0x0], $0xffff;
	v52 =	vmul.f32 v49, v12;
	v45 =	vmul.f32 v42, v17  }
0x1bc: {  	v24 =	vadd.f32 v24, v53;
	v49 =	vbroadcast v21, $0x2;
	v42 =	vbroadcast v21, $0x8  }
0x1bd: {  	v23 =	vadd.f32 v23, v55;
	v54 =	vmul.f32 v51, v6;
	v55 =	vbroadcast v30, $0x5  }
0x1be: {  	v51 =	vbroadcast v30, $0xC;
	v24 =	vadd.f32 v24, v57;
	v57 =	vbroadcast v32, $0xE  }
0x1bf: {  	v32 =	vbroadcast v32, $0xF;
	v23 =	vadd.f32 v23, v59;
	v59 =	vmul.f32 v55, v5  }
0x1c0: {  	v24 =	vadd.f32 v24, v61;
	v61 =	vmul.f32 v57, v16;
	v28 =	vadd.f32 v39, v63  }
0x1c1: {  	v23 =	vadd.f32 v23, v35;
	v63 =	vbroadcast v30, $0x7;
	v39 =	vbroadcast v30, $0x9  }
0x1c2: {  	v32 =	vmul.f32 v32, v15;
	v24 =	vadd.f32 v24, v37;
	v28 =	vadd.f32 v28, v29  }
0x1c3: {  	v40 =	vld.idx.msk [tilespmem:v19+s19+$0x0], $0xffff;
	v23 =	vadd.f32 v23, v56;
	v35 =	vmul.f32 v63, v3;
	v43 =	vmul.f32 v39, v7  }
0x1c4: {  	v56 =	vbroadcast v21, $0x4;
	v63 =	vmul.f32 v60, v5  }
0x1c5: {  	v24 =	vadd.f32 v24, v41;
	v28 =	vadd.f32 v28, v46;
	v23 =	vmul.f32 v23, v58  }
0x1c6: {  	v20 =	vadd.f32 v25, v20;
	v46 =	vbroadcast v21, $0x1;
	v58 =	vbroadcast v30, $0xE  }
0x1c7: {  	v24 =	vadd.f32 v24, v44;
	v44 =	vbroadcast v30, $0xA;
	v53 =	vadd.f32 v28, v50  }
0x1c8: {  	v20 =	vadd.f32 v23, v20;
	v23 =	vadd.f32 v45, v40;
	v45 =	vbroadcast v21, $0x9  }
0x1c9: {  	v24 =	vadd.f32 v24, v48;
	v47 =	vmul.f32 v44, v9;
	v48 =	vbroadcast v30, $0xB  }
0x1ca: {  	v44 =	vmul.f32 v42, v4;
	v27 =	vadd.f32 v53, v54;
	v53 =	vbroadcast v21, $0x3  }
0x1cb: {  	v54 =	vbroadcast v30, $0xD;
	v24 =	vadd.f32 v24, v52;
	v50 =	vmul.f32 v48, v11  }
0x1cc: {  	v31 =	vld.idx.msk [tilespmem:v31+s18+$0x0], $0xffff;
	v52 =	vmul.f32 v49, v13;
	v48 =	vmul.f32 v45, v7;
	v27 =	vadd.f32 v27, v59  }
0x1cd: {  	v49 =	vbroadcast v21, $0xA;
	v55 =	vmul.f32 v53, v8;
	v24 =	vadd.f32 v24, v61  }
0x1ce: {  	v57 =	vmul.f32 v54, v12;
	v27 =	vadd.f32 v27, v62;
	v62 =	vbroadcast v30, $0xF  }
0x1cf: {  	v59 =	vmul.f32 v56, v6;
	v61 =	vmul.f32 v58, v16;
	v24 =	vadd.f32 v24, v32;
	v32 =	vld [tilespmem:$0xE8F0]  }
0x1d0: {  	v37 =	vadd.f32 v27, v35;
	v27 =	vmul.f32 v51, v10;
	v35 =	vmul.f32 v62, v15  }
0x1d1: {  	v62 =	vbroadcast v21, $0xC;
	v41 =	vmul.f32 v24, v31  }
0x1d2: {  	v24 =	vmul.f32 v46, v14;
	v31 =	vor.u32 $0xF, v18;
	v25 =	vadd.f32 v37, v38  }
0x1d3: {  	v37 =	vmul.f32 v33, v2;
	v38 =	vbroadcast v21, $0x7;
	v20 =	vadd.f32 v41, v20  }
0x1d4: {  	v23 =	vadd.f32 v23, v24;
	v36 =	vbroadcast v32, $0x0;
	v40 =	vbroadcast v32, $0x1  }
0x1d5: {  	v25 =	vadd.f32 v25, v43;
	v41 =	vmul.f32 v38, v3;
	v43 =	vbroadcast v32, $0x2  }
0x1d6: {  	v30 =	vld [tilespmem:$0xE900];
	v51 =	vbroadcast v32, $0x4;
	v60 =	vbroadcast v32, $0x6  }
0x1d7: {  	v33 =	vbroadcast v32, $0x7;
	v23 =	vadd.f32 v23, v52;
	v52 =	vmul.f32 v49, v9  }
0x1d8: {  	v25 =	vadd.f32 v25, v47;
	v39 =	vmul.f32 v36, v17;
	v29 =	vmul.f32 v40, v14  }
0x1d9: {  	v34 =	vld.idx.msk [tilespmem:v31+s19+$0x0], $0xffff;
	v46 =	vmul.f32 v43, v13;
	v47 =	vbroadcast v32, $0x3;
	v23 =	vadd.f32 v23, v55  }
0x1da: {  	v54 =	vmul.f32 v51, v6;
	v36 =	vmul.f32 v33, v3  }
0x1db: {  	v51 =	vbroadcast v30, $0x2;
	v55 =	vbroadcast v32, $0x5;
	v23 =	vadd.f32 v23, v59  }
0x1dc: {  	v33 =	vbroadcast v30, $0xE;
	v25 =	vadd.f32 v25, v50;
	v50 =	vmul.f32 v47, v8  }
0x1dd: {  	v59 =	vmul.f32 v55, v5;
	v55 =	vbroadcast v30, $0x3;
	v23 =	vadd.f32 v23, v63  }
0x1de: {  	v25 =	vadd.f32 v25, v27;
	v27 =	vadd.f32 v39, v34;
	v63 =	vmul.f32 v60, v2  }
0x1df: {  	v34 =	vmul.f32 v62, v10;
	v39 =	vbroadcast v21, $0xE;
	v23 =	vadd.f32 v23, v37  }
0x1e0: {  	v62 =	vbroadcast v30, $0x5;
	v25 =	vadd.f32 v25, v57;
	v27 =	vadd.f32 v27, v29  }
0x1e1: {  	v57 =	vbroadcast v21, $0xB;
	v37 =	vbroadcast v32, $0x8;
	v23 =	vadd.f32 v23, v41  }
0x1e2: {  	v43 =	vmul.f32 v39, v16;
	v39 =	vbroadcast v30, $0x7;
	v27 =	vadd.f32 v27, v46  }
0x1e3: {  	v25 =	vadd.f32 v25, v61;
	v61 =	vmul.f32 v57, v11;
	v23 =	vadd.f32 v23, v44  }
0x1e4: {  	v57 =	vbroadcast v32, $0xD;
	v40 =	vmul.f32 v37, v4;
	v53 =	vadd.f32 v27, v50  }
0x1e5: {  	v41 =	vbroadcast v32, $0x9;
	v46 =	vbroadcast v32, $0xA;
	v23 =	vadd.f32 v23, v48  }
0x1e6: {  	v22 =	vld.idx.msk [tilespmem:v22+s18+$0x0], $0xffff;
	v37 =	vmul.f32 v62, v5;
	v25 =	vadd.f32 v25, v35;
	v58 =	vadd.f32 v53, v54  }
0x1e7: {  	v35 =	vbroadcast v21, $0xD;
	v56 =	vadd.f32 v23, v52;
	v23 =	vor.u32 $0x10, v18  }
0x1e8: {  	v21 =	vbroadcast v21, $0xF;
	v60 =	vmul.f32 v57, v12;
	v24 =	vadd.f32 v58, v59  }
0x1e9: {  	v57 =	vbroadcast v30, $0xC;
	v44 =	vbroadcast v30, $0x0  }
0x1ea: {  	v45 =	vmul.f32 v41, v7;
	v49 =	vmul.f32 v46, v9;
	v24 =	vadd.f32 v24, v63  }
0x1eb: {  	v50 =	vbroadcast v32, $0xB;
	v25 =	vmul.f32 v25, v22;
	v22 =	vadd.f32 v56, v61  }
0x1ec: {  	v41 =	vmul.f32 v39, v3;
	v38 =	vmul.f32 v35, v12;
	v24 =	vadd.f32 v24, v36;
	v42 =	vld.idx.msk [tilespmem:v23+s19+$0x0], $0xffff  }
0x1ed: {  	v21 =	vmul.f32 v21, v15;
	v48 =	vbroadcast v30, $0x1;
	v22 =	vadd.f32 v22, v34  }
0x1ee: {  	v47 =	vmul.f32 v44, v17;
	v53 =	vbroadcast v32, $0xC;
	v24 =	vadd.f32 v24, v40  }
0x1ef: {  	v54 =	vmul.f32 v51, v13;
	v29 =	vmul.f32 v48, v14;
	v22 =	vadd.f32 v22, v38  }
0x1f0: {  	v52 =	vmul.f32 v50, v11;
	v58 =	vmul.f32 v55, v8;
	v24 =	vadd.f32 v24, v45  }
0x1f1: {  	v59 =	vbroadcast v30, $0x4;
	v28 =	vadd.f32 v22, v43;
	v22 =	vadd.f32 v47, v42  }
0x1f2: {  	v63 =	vbroadcast v32, $0xE;
	v32 =	vbroadcast v32, $0xF;
	v24 =	vadd.f32 v24, v49  }
0x1f3: {  	v50 =	vbroadcast v30, $0xA;
	v56 =	vmul.f32 v53, v10;
	v22 =	vadd.f32 v22, v29  }
0x1f4: {  	v61 =	vmul.f32 v59, v6;
	v40 =	vmul.f32 v32, v15;
	v32 =	vld [tilespmem:$0xE920];
	v24 =	vadd.f32 v24, v52  }
0x1f5: {  	v53 =	vmul.f32 v50, v9;
	v36 =	vld.idx.msk [tilespmem:v19+s18+$0x0], $0xffff;
	v26 =	vmul.f32 v63, v16;
	v22 =	vadd.f32 v22, v54  }
0x1f6: {  	v38 =	vbroadcast v30, $0x6;
	v45 =	vbroadcast v30, $0x9;
	v24 =	vadd.f32 v24, v56  }
0x1f7: {  	v21 =	vadd.f32 v28, v21;
	v42 =	vbroadcast v30, $0x8;
	v22 =	vadd.f32 v22, v58  }
0x1f8: {  	v49 =	vmul.f32 v45, v7;
	v29 =	vmul.f32 v38, v2;
	v24 =	vadd.f32 v24, v60  }
0x1f9: {  	v31 =	vld.idx.msk [tilespmem:v31+s18+$0x0], $0xffff;
	v44 =	vmul.f32 v42, v4;
	v42 =	vbroadcast v32, $0x0;
	v22 =	vadd.f32 v22, v61  }
0x1fa: {  	v21 =	vmul.f32 v21, v36;
	v36 =	vmul.f32 v33, v16;
	v24 =	vadd.f32 v24, v26  }
0x1fb: {  	v54 =	vbroadcast v30, $0xB;
	v45 =	vmul.f32 v42, v17;
	v27 =	vadd.f32 v22, v37;
	v22 =	vld [tilespmem:$0xE910]  }
0x1fc: {  	v42 =	vbroadcast v32, $0x8;
	v60 =	vbroadcast v30, $0xD;
	v24 =	vadd.f32 v24, v40  }
0x1fd: {  	v56 =	vmul.f32 v54, v11;
	v37 =	vbroadcast v30, $0xF;
	v27 =	vadd.f32 v27, v29  }
0x1fe: {  	v63 =	vmul.f32 v60, v12;
	v47 =	vmul.f32 v24, v31  }
0x1ff: {  	v43 =	vadd.f32 v27, v41;
	v27 =	vmul.f32 v57, v10;
	v41 =	vmul.f32 v37, v15  }
0x200: {  	v57 =	vbroadcast v32, $0x4;
	v48 =	vbroadcast v22, $0x0  }
0x201: {  	v19 =	vor.u32 $0x11, v18;
	v52 =	vbroadcast v22, $0x1;
	v55 =	vbroadcast v22, $0x2  }
0x202: {  	v59 =	vbroadcast v22, $0x3;
	v62 =	vbroadcast v22, $0x4  }
0x203: {  	v20 =	vadd.f32 v25, v20;
	v35 =	vbroadcast v22, $0x5;
	v39 =	vbroadcast v22, $0x6  }
0x204: {  	v25 =	vadd.f32 v43, v44;
	v44 =	vbroadcast v22, $0x7;
	v60 =	vmul.f32 v57, v6  }
0x205: {  	v51 =	vmul.f32 v48, v17;
	v24 =	vmul.f32 v52, v14  }
0x206: {  	v46 =	vld.idx.msk [tilespmem:v19+s19+$0x0], $0xffff;
	v58 =	vmul.f32 v55, v13;
	v61 =	vmul.f32 v59, v8  }
0x207: {  	v20 =	vadd.f32 v21, v20;
	v34 =	vmul.f32 v62, v6;
	v38 =	vmul.f32 v35, v5  }
0x208: {  	v31 =	vor.u32 $0x12, v18;
	v43 =	vmul.f32 v39, v2;
	v48 =	vbroadcast v22, $0x8  }
0x209: {  	v21 =	vadd.f32 v47, v20;
	v55 =	vbroadcast v22, $0xA;
	v62 =	vbroadcast v22, $0xB  }
0x20a: {  	v30 =	vld [tilespmem:$0xE930];
	v25 =	vadd.f32 v25, v49;
	v47 =	vmul.f32 v44, v3;
	v49 =	vbroadcast v32, $0x2  }
0x20b: {  	v44 =	vbroadcast v22, $0xE;
	v20 =	vadd.f32 v51, v46;
	v46 =	vbroadcast v32, $0x1  }
0x20c: {  	v50 =	vmul.f32 v48, v4;
	v51 =	vbroadcast v22, $0x9  }
0x20d: {  	v35 =	vmul.f32 v62, v11;
	v62 =	vbroadcast v32, $0xD  }
0x20e: {  	v25 =	vadd.f32 v25, v53;
	v52 =	vmul.f32 v49, v13;
	v53 =	vbroadcast v32, $0x3  }
0x20f: {  	v40 =	vld.idx.msk [tilespmem:v31+s19+$0x0], $0xffff;
	v48 =	vmul.f32 v44, v16;
	v49 =	vbroadcast v30, $0x0;
	v20 =	vadd.f32 v20, v24  }
0x210: {  	v44 =	vbroadcast v30, $0x6;
	v29 =	vmul.f32 v46, v14  }
0x211: {  	v54 =	vmul.f32 v51, v7;
	v46 =	vbroadcast v32, $0x9;
	v20 =	vadd.f32 v20, v58  }
0x212: {  	v51 =	vbroadcast v32, $0xA;
	v25 =	vadd.f32 v25, v56;
	v56 =	vmul.f32 v53, v8  }
0x213: {  	v53 =	vbroadcast v30, $0x1;
	v58 =	vmul.f32 v55, v9;
	v20 =	vadd.f32 v20, v61  }
0x214: {  	v55 =	vbroadcast v32, $0xB;
	v25 =	vadd.f32 v25, v27;
	v27 =	vadd.f32 v45, v40  }
0x215: {  	v40 =	vbroadcast v22, $0xD;
	v45 =	vmul.f32 v42, v4;
	v20 =	vadd.f32 v20, v34  }
0x216: {  	v61 =	vbroadcast v32, $0x5;
	v57 =	vmul.f32 v55, v11;
	v25 =	vadd.f32 v25, v63  }
0x217: {  	v27 =	vadd.f32 v27, v29;
	v29 =	vmul.f32 v53, v14;
	v20 =	vadd.f32 v20, v38  }
0x218: {  	v33 =	vmul.f32 v61, v5;
	v34 =	vbroadcast v32, $0x6  }
0x219: {  	v25 =	vadd.f32 v25, v36;
	v36 =	vbroadcast v22, $0xC;
	v20 =	vadd.f32 v20, v43  }
0x21a: {  	v23 =	vld.idx.msk [tilespmem:v23+s18+$0x0], $0xffff;
	v27 =	vadd.f32 v27, v52;
	v52 =	vmul.f32 v49, v17;
	v22 =	vbroadcast v22, $0xF  }
0x21b: {  	v49 =	vbroadcast v30, $0x8;
	v37 =	vmul.f32 v34, v2;
	v20 =	vadd.f32 v20, v47  }
0x21c: {  	v38 =	vbroadcast v32, $0x7;
	v34 =	vbroadcast v30, $0xC  }
0x21d: {  	v25 =	vadd.f32 v25, v41;
	v39 =	vmul.f32 v36, v10;
	v20 =	vadd.f32 v20, v50  }
0x21e: {  	v59 =	vadd.f32 v27, v56;
	v56 =	vbroadcast v30, $0x2;
	v36 =	vbroadcast v30, $0x4  }
0x21f: {  	v25 =	vmul.f32 v25, v23;
	v23 =	vor.u32 $0x13, v18;
	v20 =	vadd.f32 v20, v54  }
0x220: {  	v43 =	vmul.f32 v40, v12;
	v40 =	vmul.f32 v22, v15;
	v22 =	vld [tilespmem:$0xE940];
	v63 =	vadd.f32 v59, v60  }
0x221: {  	v41 =	vmul.f32 v38, v3;
	v60 =	vbroadcast v30, $0x3;
	v20 =	vadd.f32 v20, v58  }
0x222: {  	v27 =	vmul.f32 v34, v10;
	v59 =	vmul.f32 v56, v13;
	v24 =	vadd.f32 v63, v33  }
0x223: {  	v38 =	vmul.f32 v36, v6;
	v63 =	vmul.f32 v60, v8;
	v20 =	vadd.f32 v20, v35  }
0x224: {  	v50 =	vmul.f32 v46, v7;
	v46 =	vmul.f32 v44, v2;
	v24 =	vadd.f32 v24, v37;
	v47 =	vld.idx.msk [tilespmem:v23+s19+$0x0], $0xffff  }
0x225: {  	v37 =	vmul.f32 v62, v12;
	v55 =	vbroadcast v22, $0x0;
	v20 =	vadd.f32 v20, v39  }
0x226: {  	v62 =	vbroadcast v22, $0x2;
	v36 =	vbroadcast v22, $0x3;
	v24 =	vadd.f32 v24, v41  }
0x227: {  	v54 =	vmul.f32 v51, v9;
	v51 =	vmul.f32 v49, v4;
	v20 =	vadd.f32 v20, v43  }
0x228: {  	v41 =	vbroadcast v32, $0xE;
	v58 =	vbroadcast v32, $0xC;
	v24 =	vadd.f32 v24, v45  }
0x229: {  	v32 =	vbroadcast v32, $0xF;
	v28 =	vadd.f32 v20, v48;
	v20 =	vadd.f32 v52, v47  }
0x22a: {  	v45 =	vmul.f32 v41, v16;
	v41 =	vbroadcast v30, $0xE;
	v24 =	vadd.f32 v24, v50  }
0x22b: {  	v61 =	vmul.f32 v58, v10;
	v32 =	vmul.f32 v32, v15;
	v20 =	vadd.f32 v20, v29  }
0x22c: {  	v58 =	vmul.f32 v55, v17;
	v39 =	vbroadcast v30, $0x5;
	v24 =	vadd.f32 v24, v54  }
0x22d: {  	v35 =	vmul.f32 v62, v13;
	v44 =	vmul.f32 v41, v16;
	v20 =	vadd.f32 v20, v59  }
0x22e: {  	v43 =	vmul.f32 v39, v5;
	v24 =	vadd.f32 v24, v57;
	v57 =	vbroadcast v30, $0xA  }
0x22f: {  	v39 =	vbroadcast v22, $0x4;
	v47 =	vbroadcast v30, $0x7;
	v20 =	vadd.f32 v20, v63  }
0x230: {  	v19 =	vld.idx.msk [tilespmem:v19+s18+$0x0], $0xffff;
	v52 =	vbroadcast v30, $0x9;
	v24 =	vadd.f32 v24, v61;
	v60 =	vmul.f32 v57, v9  }
0x231: {  	v61 =	vbroadcast v30, $0xB;
	v42 =	vadd.f32 v20, v38;
	v20 =	vor.u32 $0x14, v18  }
0x232: {  	v48 =	vmul.f32 v47, v3;
	v56 =	vmul.f32 v52, v7;
	v24 =	vadd.f32 v24, v37  }
0x233: {  	v31 =	vld.idx.msk [tilespmem:v31+s18+$0x0], $0xffff;
	v28 =	vadd.f32 v28, v40;
	v47 =	vbroadcast v22, $0x6;
	v52 =	vbroadcast v22, $0x7  }
0x234: {  	v37 =	vbroadcast v30, $0xD;
	v24 =	vadd.f32 v24, v45;
	v26 =	vadd.f32 v42, v43  }
0x235: {  	v19 =	vmul.f32 v28, v19;
	v59 =	vbroadcast v22, $0x1  }
0x236: {  	v55 =	vmul.f32 v52, v3;
	v24 =	vadd.f32 v24, v32;
	v26 =	vadd.f32 v26, v46;
	v53 =	vld.idx.msk [tilespmem:v20+s19+$0x0], $0xffff  }
0x237: {  	v21 =	vadd.f32 v25, v21;
	v40 =	vmul.f32 v37, v12;
	v45 =	vbroadcast v30, $0xF  }
0x238: {  	v54 =	vmul.f32 v24, v31;
	v31 =	vor.u32 $0x15, v18;
	v50 =	vadd.f32 v26, v48  }
0x239: {  	v19 =	vadd.f32 v19, v21;
	v63 =	vmul.f32 v61, v11;
	v32 =	vld [tilespmem:$0xE950];
	v49 =	vmul.f32 v45, v15  }
0x23a: {  	v45 =	vbroadcast v22, $0xC;
	v24 =	vmul.f32 v59, v14;
	v25 =	vadd.f32 v50, v51  }
0x23b: {  	v59 =	vbroadcast v22, $0x9;
	v21 =	vadd.f32 v54, v19;
	v19 =	vadd.f32 v58, v53  }
0x23c: {  	v38 =	vmul.f32 v36, v8;
	v43 =	vbroadcast v22, $0x5;
	v25 =	vadd.f32 v25, v56  }
0x23d: {  	v42 =	vmul.f32 v39, v6;
	v62 =	vmul.f32 v59, v7;
	v48 =	vld.idx.msk [tilespmem:v31+s19+$0x0], $0xffff;
	v19 =	vadd.f32 v19, v24  }
0x23e: {  	v46 =	vmul.f32 v43, v5;
	v50 =	vbroadcast v32, $0x0;
	v25 =	vadd.f32 v25, v60  }
0x23f: {  	v54 =	vbroadcast v32, $0x1;
	v57 =	vbroadcast v32, $0x2;
	v19 =	vadd.f32 v19, v35  }
0x240: {  	v61 =	vbroadcast v32, $0x3;
	v53 =	vmul.f32 v50, v17;
	v25 =	vadd.f32 v25, v63  }
0x241: {  	v34 =	vbroadcast v32, $0x4;
	v43 =	vbroadcast v32, $0x6;
	v19 =	vadd.f32 v19, v38  }
0x242: {  	v29 =	vmul.f32 v54, v14;
	v25 =	vadd.f32 v25, v27;
	v27 =	vadd.f32 v53, v48  }
0x243: {  	v33 =	vmul.f32 v61, v8;
	v51 =	vmul.f32 v47, v2;
	v19 =	vadd.f32 v19, v42  }
0x244: {  	v30 =	vld [tilespmem:$0xE960];
	v47 =	vbroadcast v32, $0x7;
	v60 =	vmul.f32 v57, v13;
	v27 =	vadd.f32 v27, v29  }
0x245: {  	v56 =	vbroadcast v22, $0x8;
	v63 =	vbroadcast v22, $0xA;
	v19 =	vadd.f32 v19, v46  }
0x246: {  	v37 =	vmul.f32 v34, v6;
	v50 =	vmul.f32 v47, v3;
	v27 =	vadd.f32 v27, v60  }
0x247: {  	v58 =	vmul.f32 v56, v4;
	v35 =	vmul.f32 v63, v9;
	v19 =	vadd.f32 v19, v51  }
0x248: {  	v38 =	vbroadcast v32, $0x5;
	v48 =	vmul.f32 v45, v10;
	v36 =	vadd.f32 v27, v33  }
0x249: {  	v53 =	vbroadcast v22, $0xE;
	v45 =	vbroadcast v30, $0x4;
	v19 =	vadd.f32 v19, v55  }
0x24a: {  	v25 =	vadd.f32 v25, v40;
	v42 =	vmul.f32 v38, v5;
	v41 =	vadd.f32 v36, v37  }
0x24b: {  	v40 =	vbroadcast v22, $0xB;
	v57 =	vmul.f32 v53, v16;
	v19 =	vadd.f32 v19, v58  }
0x24c: {  	v47 =	vmul.f32 v45, v6;
	v46 =	vmul.f32 v43, v2;
	v24 =	vadd.f32 v41, v42  }
0x24d: {  	v53 =	vbroadcast v30, $0x7;
	v45 =	vbroadcast v30, $0xE;
	v19 =	vadd.f32 v19, v62  }
0x24e: {  	v23 =	vld.idx.msk [tilespmem:v23+s18+$0x0], $0xffff;
	v25 =	vadd.f32 v25, v44;
	v51 =	vbroadcast v32, $0x8;
	v24 =	vadd.f32 v24, v46  }
0x24f: {  	v44 =	vmul.f32 v40, v11;
	v39 =	vadd.f32 v19, v35;
	v19 =	vor.u32 $0x16, v18  }
0x250: {  	v54 =	vmul.f32 v51, v4;
	v55 =	vbroadcast v32, $0x9;
	v24 =	vadd.f32 v24, v50  }
0x251: {  	v60 =	vbroadcast v32, $0xA;
	v43 =	vbroadcast v32, $0xD;
	v25 =	vadd.f32 v25, v49  }
0x252: {  	v49 =	vbroadcast v22, $0xD;
	v59 =	vmul.f32 v55, v7;
	v24 =	vadd.f32 v24, v54  }
0x253: {  	v63 =	vmul.f32 v60, v9;
	v25 =	vmul.f32 v25, v23;
	v23 =	vadd.f32 v39, v44  }
0x254: {  	v22 =	vbroadcast v22, $0xF;
	v36 =	vbroadcast v32, $0xB;
	v24 =	vadd.f32 v24, v59;
	v56 =	vld.idx.msk [tilespmem:v19+s19+$0x0], $0xffff  }
0x255: {  	v52 =	vmul.f32 v49, v12;
	v58 =	vbroadcast v30, $0x0;
	v23 =	vadd.f32 v23, v48  }
0x256: {  	v38 =	vmul.f32 v36, v11;
	v39 =	vbroadcast v32, $0xC;
	v24 =	vadd.f32 v24, v63  }
0x257: {  	v61 =	vmul.f32 v58, v17;
	v62 =	vbroadcast v30, $0x1;
	v23 =	vadd.f32 v23, v52  }
0x258: {  	v37 =	vbroadcast v30, $0x2;
	v42 =	vmul.f32 v39, v10;
	v24 =	vadd.f32 v24, v38  }
0x259: {  	v29 =	vmul.f32 v62, v14;
	v28 =	vadd.f32 v23, v57;
	v23 =	vadd.f32 v61, v56  }
0x25a: {  	v49 =	vbroadcast v32, $0xE;
	v46 =	vmul.f32 v43, v12;
	v24 =	vadd.f32 v24, v42  }
0x25b: {  	v40 =	vmul.f32 v37, v13;
	v41 =	vbroadcast v30, $0x3;
	v23 =	vadd.f32 v23, v29  }
0x25c: {  	v26 =	vmul.f32 v49, v16;
	v32 =	vbroadcast v32, $0xF;
	v24 =	vadd.f32 v24, v46  }
0x25d: {  	v31 =	vld.idx.msk [tilespmem:v31+s18+$0x0], $0xffff;
	v22 =	vmul.f32 v22, v15;
	v44 =	vmul.f32 v41, v8;
	v23 =	vadd.f32 v23, v40  }
0x25e: {  	v55 =	vmul.f32 v53, v3;
	v54 =	vmul.f32 v32, v15;
	v24 =	vadd.f32 v24, v26  }
0x25f: {  	v48 =	vbroadcast v30, $0x5;
	v59 =	vbroadcast v30, $0x9;
	v23 =	vadd.f32 v23, v44  }
0x260: {  	v32 =	vbroadcast v30, $0xA;
	v39 =	vbroadcast v30, $0xC;
	v24 =	vadd.f32 v24, v54  }
0x261: {  	v50 =	vld.idx.msk [tilespmem:v20+s18+$0x0], $0xffff;
	v51 =	vmul.f32 v48, v5;
	v52 =	vbroadcast v30, $0x6;
	v23 =	vadd.f32 v23, v47  }
0x262: {  	v63 =	vmul.f32 v59, v7;
	v61 =	vmul.f32 v24, v31;
	v31 =	vld [tilespmem:$0xE980]  }
0x263: {  	v35 =	vmul.f32 v32, v9;
	v48 =	vmul.f32 v45, v16;
	v27 =	vadd.f32 v23, v51;
	v23 =	vld [tilespmem:$0xE970]  }
0x264: {  	v38 =	vbroadcast v30, $0xB;
	v22 =	vadd.f32 v28, v22;
	v56 =	vbroadcast v30, $0x8  }
0x265: {  	v28 =	vmul.f32 v39, v10;
	v29 =	vmul.f32 v52, v2  }
0x266: {  	v22 =	vmul.f32 v22, v50;
	v58 =	vmul.f32 v56, v4  }
0x267: {  	v52 =	vbroadcast v30, $0xF;
	v44 =	vbroadcast v30, $0xD  }
0x268: {  	v53 =	vbroadcast v31, $0x0;
	v62 =	vbroadcast v23, $0x0  }
0x269: {  	v33 =	vbroadcast v23, $0x1;
	v37 =	vbroadcast v23, $0x2  }
0x26a: {  	v27 =	vadd.f32 v27, v29;
	v41 =	vbroadcast v23, $0x3;
	v43 =	vbroadcast v23, $0x4  }
0x26b: {  	v20 =	vor.u32 $0x17, v18;
	v47 =	vbroadcast v23, $0x5;
	v50 =	vbroadcast v23, $0x6  }
0x26c: {  	v57 =	vadd.f32 v27, v55;
	v55 =	vbroadcast v23, $0x7;
	v56 =	vmul.f32 v53, v17  }
0x26d: {  	v21 =	vadd.f32 v25, v21;
	v59 =	vbroadcast v23, $0x8;
	v45 =	vbroadcast v23, $0xB  }
0x26e: {  	v25 =	vadd.f32 v57, v58;
	v57 =	vbroadcast v31, $0x1;
	v24 =	vmul.f32 v62, v17  }
0x26f: {  	v21 =	vadd.f32 v22, v21;
	v36 =	vmul.f32 v33, v14;
	v40 =	vmul.f32 v37, v13  }
0x270: {  	v60 =	vld.idx.msk [tilespmem:v20+s19+$0x0], $0xffff;
	v42 =	vmul.f32 v41, v8;
	v46 =	vmul.f32 v43, v6  }
0x271: {  	v21 =	vadd.f32 v61, v21;
	v49 =	vmul.f32 v47, v5;
	v54 =	vmul.f32 v50, v2  }
0x272: {  	v29 =	vor.u32 $0x18, v18;
	v58 =	vmul.f32 v55, v3;
	v61 =	vmul.f32 v59, v4  }
0x273: {  	v62 =	vbroadcast v23, $0x9;
	v50 =	vbroadcast v23, $0xC  }
0x274: {  	v34 =	vadd.f32 v25, v63;
	v25 =	vmul.f32 v38, v11;
	v30 =	vmul.f32 v57, v14  }
0x275: {  	v33 =	vld [tilespmem:$0xE990];
	v38 =	vbroadcast v23, $0xA;
	v24 =	vadd.f32 v24, v60;
	v60 =	vbroadcast v31, $0x2  }
0x276: {  	v37 =	vmul.f32 v62, v7;
	v53 =	vmul.f32 v50, v10  }
0x277: {  	v51 =	vld.idx.msk [tilespmem:v29+s19+$0x0], $0xffff;
	v22 =	vadd.f32 v34, v35;
	v41 =	vmul.f32 v38, v9;
	v63 =	vmul.f32 v60, v13  }
0x278: {  	v24 =	vadd.f32 v24, v36;
	v36 =	vbroadcast v31, $0x3;
	v60 =	vbroadcast v31, $0x9  }
0x279: {  	v22 =	vadd.f32 v22, v25;
	v25 =	vmul.f32 v44, v12;
	v44 =	vbroadcast v31, $0x5  }
0x27a: {  	v50 =	vbroadcast v33, $0x4;
	v39 =	vmul.f32 v36, v8  }
0x27b: {  	v24 =	vadd.f32 v24, v40;
	v40 =	vbroadcast v31, $0x4;
	v36 =	vmul.f32 v60, v7  }
0x27c: {  	v22 =	vadd.f32 v22, v28;
	v28 =	vadd.f32 v56, v51;
	v47 =	vmul.f32 v44, v5  }
0x27d: {  	v56 =	vbroadcast v31, $0x8;
	v44 =	vbroadcast v31, $0xC;
	v24 =	vadd.f32 v24, v42  }
0x27e: {  	v43 =	vmul.f32 v40, v6;
	v22 =	vadd.f32 v22, v25;
	v25 =	vmul.f32 v52, v15  }
0x27f: {  	v28 =	vadd.f32 v28, v30;
	v52 =	vbroadcast v31, $0x7;
	v59 =	vmul.f32 v56, v4  }
0x280: {  	v56 =	vbroadcast v31, $0xE;
	v24 =	vadd.f32 v24, v46;
	v22 =	vadd.f32 v22, v48  }
0x281: {  	v28 =	vadd.f32 v28, v63;
	v48 =	vbroadcast v31, $0x6;
	v55 =	vmul.f32 v52, v3  }
0x282: {  	v63 =	vbroadcast v33, $0x0;
	v60 =	vmul.f32 v56, v16  }
0x283: {  	v24 =	vadd.f32 v24, v49;
	v49 =	vmul.f32 v45, v11;
	v42 =	vadd.f32 v28, v39  }
0x284: {  	v25 =	vadd.f32 v22, v25;
	v51 =	vmul.f32 v48, v2;
	v39 =	vbroadcast v33, $0x1  }
0x285: {  	v38 =	vmul.f32 v63, v17;
	v24 =	vadd.f32 v24, v54;
	v54 =	vbroadcast v23, $0xD  }
0x286: {  	v35 =	vld [tilespmem:$0xE9A0];
	v22 =	vor.u32 $0x19, v18;
	v48 =	vbroadcast v31, $0xD;
	v32 =	vmul.f32 v39, v14  }
0x287: {  	v46 =	vadd.f32 v42, v43;
	v42 =	vbroadcast v33, $0x2;
	v57 =	vmul.f32 v54, v12  }
0x288: {  	v24 =	vadd.f32 v24, v58;
	v58 =	vbroadcast v23, $0xE;
	v23 =	vbroadcast v23, $0xF  }
0x289: {  	v54 =	vbroadcast v33, $0x5;
	v45 =	vmul.f32 v42, v13  }
0x28a: {  	v26 =	vadd.f32 v46, v47;
	v46 =	vbroadcast v33, $0x3;
	v47 =	vmul.f32 v44, v10  }
0x28b: {  	v42 =	vbroadcast v33, $0x9;
	v44 =	vbroadcast v35, $0x0  }
0x28c: {  	v24 =	vadd.f32 v24, v61;
	v62 =	vmul.f32 v58, v16;
	v23 =	vmul.f32 v23, v15  }
0x28d: {  	v61 =	vld.idx.msk [tilespmem:v22+s19+$0x0], $0xffff;
	v58 =	vmul.f32 v54, v5;
	v54 =	vbroadcast v35, $0x3;
	v26 =	vadd.f32 v26, v51  }
0x28e: {  	v51 =	vmul.f32 v48, v12;
	v24 =	vadd.f32 v24, v37;
	v37 =	vbroadcast v31, $0xA  }
0x28f: {  	v48 =	vbroadcast v35, $0x1;
	v56 =	vmul.f32 v54, v8;
	v26 =	vadd.f32 v26, v55  }
0x290: {  	v24 =	vadd.f32 v24, v41;
	v40 =	vmul.f32 v37, v9;
	v41 =	vbroadcast v31, $0xB  }
0x291: {  	v55 =	vld.idx.msk [tilespmem:v19+s18+$0x0], $0xffff;
	v31 =	vbroadcast v31, $0xF;
	v26 =	vadd.f32 v26, v59;
	v59 =	vbroadcast v33, $0x6  }
0x292: {  	v30 =	vadd.f32 v38, v61;
	v38 =	vbroadcast v33, $0x8;
	v43 =	vmul.f32 v41, v11  }
0x293: {  	v24 =	vadd.f32 v24, v49;
	v49 =	vmul.f32 v46, v8;
	v46 =	vbroadcast v33, $0xA  }
0x294: {  	v26 =	vadd.f32 v26, v36;
	v61 =	vmul.f32 v59, v2;
	v36 =	vmul.f32 v31, v15  }
0x295: {  	v30 =	vadd.f32 v30, v32;
	v41 =	vmul.f32 v38, v4;
	v59 =	vbroadcast v33, $0xE  }
0x296: {  	v24 =	vadd.f32 v24, v53;
	v53 =	vmul.f32 v50, v6;
	v25 =	vmul.f32 v25, v55  }
0x297: {  	v19 =	vor.u32 $0x1A, v18;
	v50 =	vbroadcast v33, $0xB;
	v55 =	vbroadcast v33, $0xD  }
0x298: {  	v26 =	vadd.f32 v26, v40;
	v30 =	vadd.f32 v30, v45;
	v45 =	vmul.f32 v42, v7  }
0x299: {  	v31 =	vld [tilespmem:$0xE9B0];
	v42 =	vbroadcast v35, $0x7;
	v24 =	vadd.f32 v24, v57;
	v21 =	vadd.f32 v25, v21  }
0x29a: {  	v25 =	vmul.f32 v48, v14;
	v26 =	vadd.f32 v26, v43;
	v52 =	vadd.f32 v30, v49  }
0x29b: {  	v49 =	vmul.f32 v46, v9;
	v46 =	vbroadcast v35, $0x8;
	v24 =	vadd.f32 v24, v62  }
0x29c: {  	v62 =	vbroadcast v33, $0x7;
	v26 =	vadd.f32 v26, v47;
	v47 =	vmul.f32 v44, v17  }
0x29d: {  	v57 =	vadd.f32 v52, v53;
	v52 =	vmul.f32 v50, v11;
	v53 =	vbroadcast v33, $0xC  }
0x29e: {  	v44 =	vbroadcast v31, $0x1;
	v48 =	vmul.f32 v46, v4  }
0x29f: {  	v20 =	vld.idx.msk [tilespmem:v20+s18+$0x0], $0xffff;
	v46 =	vbroadcast v35, $0xF;
	v37 =	vmul.f32 v62, v3  }
0x2a0: {  	v62 =	vmul.f32 v59, v16;
	v59 =	vbroadcast v31, $0x5;
	v26 =	vadd.f32 v26, v51  }
0x2a1: {  	v27 =	vadd.f32 v57, v58;
	v51 =	vbroadcast v35, $0x2;
	v57 =	vbroadcast v35, $0x4  }
0x2a2: {  	v43 =	vld.idx.msk [tilespmem:v19+s19+$0x0], $0xffff;
	v23 =	vadd.f32 v24, v23;
	v58 =	vmul.f32 v55, v12;
	v30 =	vmul.f32 v44, v14  }
0x2a3: {  	v55 =	vbroadcast v31, $0x4;
	v44 =	vbroadcast v31, $0x9  }
0x2a4: {  	v23 =	vmul.f32 v23, v20;
	v63 =	vadd.f32 v26, v60;
	v28 =	vmul.f32 v51, v13  }
0x2a5: {  	v27 =	vadd.f32 v27, v61;
	v60 =	vmul.f32 v57, v6;
	v61 =	vbroadcast v35, $0x5  }
0x2a6: {  	v51 =	vbroadcast v31, $0x3;
	v57 =	vbroadcast v35, $0xB;
	v21 =	vadd.f32 v23, v21  }
0x2a7: {  	v32 =	vld [tilespmem:$0xE9C0];
	v23 =	vadd.f32 v47, v43;
	v47 =	vbroadcast v31, $0x2;
	v39 =	vadd.f32 v63, v36  }
0x2a8: {  	v40 =	vadd.f32 v27, v37;
	v27 =	vmul.f32 v53, v10;
	v63 =	vbroadcast v33, $0xF  }
0x2a9: {  	v29 =	vld.idx.msk [tilespmem:v29+s18+$0x0], $0xffff;
	v36 =	vmul.f32 v61, v5;
	v37 =	vbroadcast v35, $0x6  }
0x2aa: {  	v53 =	vbroadcast v35, $0xA;
	v54 =	vmul.f32 v51, v8  }
0x2ab: {  	v61 =	vmul.f32 v59, v5;
	v33 =	vbroadcast v35, $0xC  }
0x2ac: {  	v51 =	vbroadcast v32, $0x0;
	v25 =	vadd.f32 v23, v25;
	v23 =	vor.u32 $0x1B, v18  }
0x2ad: {  	v59 =	vbroadcast v31, $0xD;
	v50 =	vmul.f32 v47, v13;
	v24 =	vadd.f32 v40, v41  }
0x2ae: {  	v47 =	vmul.f32 v44, v7;
	v20 =	vmul.f32 v39, v29;
	v25 =	vadd.f32 v25, v28  }
0x2af: {  	v39 =	vmul.f32 v63, v15;
	v40 =	vbroadcast v31, $0x0;
	v24 =	vadd.f32 v24, v45  }
0x2b0: {  	v41 =	vmul.f32 v37, v2;
	v37 =	vbroadcast v31, $0x7;
	v25 =	vadd.f32 v25, v56  }
0x2b1: {  	v43 =	vmul.f32 v40, v17;
	v45 =	vmul.f32 v42, v3;
	v24 =	vadd.f32 v24, v49;
	v38 =	vld.idx.msk [tilespmem:v23+s19+$0x0], $0xffff  }
0x2b2: {  	v40 =	vbroadcast v31, $0x8;
	v42 =	vbroadcast v35, $0xE;
	v25 =	vadd.f32 v25, v60  }
0x2b3: {  	v56 =	vmul.f32 v53, v9;
	v49 =	vbroadcast v35, $0x9;
	v24 =	vadd.f32 v24, v52  }
0x2b4: {  	v60 =	vmul.f32 v57, v11;
	v57 =	vbroadcast v31, $0xC;
	v25 =	vadd.f32 v25, v36  }
0x2b5: {  	v53 =	vbroadcast v31, $0xB;
	v52 =	vmul.f32 v49, v7;
	v24 =	vadd.f32 v24, v27  }
0x2b6: {  	v28 =	vmul.f32 v57, v10;
	v25 =	vadd.f32 v25, v41;
	v27 =	vadd.f32 v43, v38  }
0x2b7: {  	v38 =	vbroadcast v35, $0xD;
	v43 =	vmul.f32 v40, v4;
	v24 =	vadd.f32 v24, v58  }
0x2b8: {  	v58 =	vmul.f32 v55, v6;
	v55 =	vbroadcast v32, $0x1;
	v25 =	vadd.f32 v25, v45  }
0x2b9: {  	v27 =	vadd.f32 v27, v30;
	v30 =	vor.u32 $0x1C, v18;
	v41 =	vmul.f32 v38, v12  }
0x2ba: {  	v45 =	vmul.f32 v42, v16;
	v38 =	vbroadcast v32, $0x4;
	v24 =	vadd.f32 v24, v62  }
0x2bb: {  	v62 =	vbroadcast v31, $0x6;
	v29 =	vmul.f32 v55, v14;
	v25 =	vadd.f32 v25, v48  }
0x2bc: {  	v22 =	vld.idx.msk [tilespmem:v22+s18+$0x0], $0xffff;
	v27 =	vadd.f32 v27, v50;
	v48 =	vbroadcast v31, $0xA;
	v50 =	vmul.f32 v46, v15  }
0x2bd: {  	v40 =	vmul.f32 v38, v6;
	v24 =	vadd.f32 v24, v39;
	v36 =	vmul.f32 v62, v2  }
0x2be: {  	v39 =	vmul.f32 v37, v3;
	v25 =	vadd.f32 v25, v52;
	v27 =	vadd.f32 v27, v54  }
0x2bf: {  	v62 =	vmul.f32 v59, v12;
	v52 =	vmul.f32 v48, v9  }
0x2c0: {  	v54 =	vmul.f32 v51, v17;
	v49 =	vld.idx.msk [tilespmem:v30+s19+$0x0], $0xffff;
	v25 =	vadd.f32 v25, v56;
	v27 =	vadd.f32 v27, v58  }
0x2c1: {  	v24 =	vmul.f32 v24, v22;
	v58 =	vbroadcast v32, $0x2  }
0x2c2: {  	v63 =	vadd.f32 v25, v60;
	v34 =	vadd.f32 v27, v61;
	v25 =	vmul.f32 v33, v10  }
0x2c3: {  	v56 =	vmul.f32 v53, v11;
	v61 =	vbroadcast v32, $0x3  }
0x2c4: {  	v60 =	vmul.f32 v58, v13;
	v26 =	vadd.f32 v34, v36;
	v22 =	vadd.f32 v63, v25  }
0x2c5: {  	v33 =	vadd.f32 v54, v49;
	v63 =	vbroadcast v31, $0xE;
	v37 =	vmul.f32 v61, v8  }
0x2c6: {  	v36 =	vld [tilespmem:$0xE9D0];
	v31 =	vbroadcast v31, $0xF;
	v49 =	vbroadcast v32, $0x7;
	v26 =	vadd.f32 v26, v39  }
0x2c7: {  	v22 =	vadd.f32 v22, v41;
	v39 =	vmul.f32 v63, v16;
	v41 =	vbroadcast v32, $0x5  }
0x2c8: {  	v29 =	vadd.f32 v33, v29;
	v27 =	vmul.f32 v31, v15;
	v51 =	vmul.f32 v49, v3  }
0x2c9: {  	v49 =	vbroadcast v32, $0xE;
	v22 =	vadd.f32 v22, v45;
	v44 =	vmul.f32 v41, v5  }
0x2ca: {  	v29 =	vadd.f32 v29, v60;
	v45 =	vbroadcast v32, $0x6;
	v60 =	vbroadcast v32, $0xA  }
0x2cb: {  	v26 =	vadd.f32 v26, v43;
	v41 =	vbroadcast v32, $0xC;
	v43 =	vbroadcast v36, $0x0  }
0x2cc: {  	v54 =	vbroadcast v36, $0x3;
	v58 =	vbroadcast v36, $0x4  }
0x2cd: {  	v34 =	vbroadcast v36, $0xE;
	v26 =	vadd.f32 v26, v47;
	v47 =	vbroadcast v36, $0x1  }
0x2ce: {  	v25 =	vadd.f32 v22, v50;
	v48 =	vmul.f32 v45, v2;
	v50 =	vbroadcast v36, $0x2  }
0x2cf: {  	v29 =	vadd.f32 v29, v37;
	v63 =	vmul.f32 v60, v9;
	v37 =	vbroadcast v32, $0xB  }
0x2d0: {  	v19 =	vld.idx.msk [tilespmem:v19+s18+$0x0], $0xffff;
	v45 =	vbroadcast v32, $0xD;
	v46 =	vmul.f32 v43, v17  }
0x2d1: {  	v20 =	vadd.f32 v20, v21;
	v57 =	vmul.f32 v54, v8;
	v61 =	vmul.f32 v58, v6  }
0x2d2: {  	v22 =	vor.u32 $0x1D, v18;
	v43 =	vbroadcast v36, $0x7;
	v54 =	vbroadcast v36, $0xA  }
0x2d3: {  	v26 =	vadd.f32 v26, v52;
	v31 =	vmul.f32 v47, v14;
	v52 =	vbroadcast v32, $0x8  }
0x2d4: {  	v29 =	vadd.f32 v29, v40;
	v53 =	vmul.f32 v50, v13;
	v40 =	vmul.f32 v37, v11  }
0x2d5: {  	v20 =	vadd.f32 v24, v20;
	v47 =	vbroadcast v36, $0x8;
	v19 =	vmul.f32 v25, v19  }
0x2d6: {  	v25 =	vld [tilespmem:$0xE9E0];
	v58 =	vmul.f32 v54, v9;
	v26 =	vadd.f32 v26, v56;
	v55 =	vmul.f32 v52, v4  }
0x2d7: {  	v29 =	vadd.f32 v29, v44;
	v56 =	vbroadcast v32, $0x9;
	v44 =	vmul.f32 v41, v10  }
0x2d8: {  	v50 =	vmul.f32 v47, v4;
	v52 =	vmul.f32 v49, v16  }
0x2d9: {  	v32 =	vbroadcast v32, $0xF;
	v19 =	vadd.f32 v19, v20;
	v42 =	vld.idx.msk [tilespmem:v22+s19+$0x0], $0xffff;
	v29 =	vadd.f32 v29, v48  }
0x2da: {  	v26 =	vadd.f32 v26, v28;
	v59 =	vmul.f32 v56, v7;
	v48 =	vmul.f32 v45, v12  }
0x2db: {  	v45 =	vbroadcast v25, $0x2;
	v54 =	vbroadcast v25, $0x5;
	v29 =	vadd.f32 v29, v51  }
0x2dc: {  	v26 =	vadd.f32 v26, v62;
	v62 =	vbroadcast v36, $0x5;
	v51 =	vbroadcast v36, $0x9  }
0x2dd: {  	v47 =	vmul.f32 v45, v13;
	v45 =	vbroadcast v25, $0xC;
	v29 =	vadd.f32 v29, v55  }
0x2de: {  	v26 =	vadd.f32 v26, v39;
	v28 =	vadd.f32 v46, v42;
	v39 =	vbroadcast v36, $0x6  }
0x2df: {  	v23 =	vld.idx.msk [tilespmem:v23+s18+$0x0], $0xffff;
	v38 =	vmul.f32 v62, v5;
	v46 =	vmul.f32 v43, v3;
	v29 =	vadd.f32 v29, v59  }
0x2e0: {  	v62 =	vbroadcast v36, $0xC;
	v28 =	vadd.f32 v28, v31;
	v42 =	vmul.f32 v39, v2  }
0x2e1: {  	v26 =	vadd.f32 v26, v27;
	v59 =	vbroadcast v36, $0xB;
	v29 =	vadd.f32 v29, v63  }
0x2e2: {  	v33 =	vmul.f32 v62, v10;
	v39 =	vmul.f32 v34, v16;
	v28 =	vadd.f32 v28, v53  }
0x2e3: {  	v62 =	vbroadcast v25, $0x7;
	v34 =	vbroadcast v25, $0x9;
	v29 =	vadd.f32 v29, v40  }
0x2e4: {  	v53 =	vmul.f32 v51, v7;
	v23 =	vmul.f32 v26, v23;
	v28 =	vadd.f32 v28, v57  }
0x2e5: {  	v57 =	vmul.f32 v32, v15;
	v32 =	vor.u32 $0x1E, v18;
	v29 =	vadd.f32 v29, v44  }
0x2e6: {  	v21 =	vmul.f32 v59, v11;
	v63 =	vbroadcast v36, $0xD;
	v28 =	vadd.f32 v28, v61  }
0x2e7: {  	v51 =	vbroadcast v25, $0x4;
	v27 =	vmul.f32 v62, v3;
	v29 =	vadd.f32 v29, v48  }
0x2e8: {  	v56 =	vld.idx.msk [tilespmem:v30+s18+$0x0], $0xffff;
	v18 =	vor.u32 $0x1F, v18;
	v37 =	vmul.f32 v63, v12;
	v28 =	vadd.f32 v28, v38  }
0x2e9: {  	v40 =	vbroadcast v36, $0xF;
	v38 =	vbroadcast v25, $0x0;
	v55 =	vadd.f32 v29, v52;
	v29 =	vld [tilespmem:$0xE9F0]  }
0x2ea: {  	v48 =	vbroadcast v25, $0x3;
	v35 =	vld.idx.msk [tilespmem:v32+s19+$0x0], $0xffff;
	v28 =	vadd.f32 v28, v42;
	v42 =	vbroadcast v25, $0x1  }
0x2eb: {  	v41 =	vmul.f32 v38, v17;
	v38 =	vbroadcast v25, $0xA;
	v60 =	vadd.f32 v55, v57  }
0x2ec: {  	v28 =	vadd.f32 v28, v46;
	v26 =	vmul.f32 v42, v14;
	v57 =	vmul.f32 v54, v5  }
0x2ed: {  	v19 =	vadd.f32 v23, v19;
	v43 =	vld.idx.msk [tilespmem:v18+s19+$0x0], $0xffff;
	v42 =	vbroadcast v25, $0xB;
	v24 =	vmul.f32 v60, v56  }
0x2ee: {  	v28 =	vadd.f32 v28, v50;
	v50 =	vmul.f32 v48, v8;
	v44 =	vbroadcast v29, $0x0  }
0x2ef: {  	v23 =	vadd.f32 v41, v35;
	v41 =	vmul.f32 v38, v9;
	v48 =	vbroadcast v25, $0xD  }
0x2f0: {  	v46 =	vbroadcast v29, $0x1;
	v17 =	vmul.f32 v44, v17  }
0x2f1: {  	v49 =	vbroadcast v29, $0x2;
	v52 =	vbroadcast v29, $0x3  }
0x2f2: {  	v23 =	vadd.f32 v23, v26;
	v14 =	vmul.f32 v46, v14;
	v17 =	vadd.f32 v17, v43  }
0x2f3: {  	v55 =	vbroadcast v29, $0x4;
	v59 =	vbroadcast v29, $0x5  }
0x2f4: {  	v13 =	vmul.f32 v49, v13;
	v23 =	vadd.f32 v23, v47;
	v14 =	vadd.f32 v17, v14  }
0x2f5: {  	v63 =	vbroadcast v29, $0x6;
	v28 =	vadd.f32 v28, v53;
	v53 =	vmul.f32 v51, v6  }
0x2f6: {  	v8 =	vmul.f32 v52, v8;
	v23 =	vadd.f32 v23, v50;
	v13 =	vadd.f32 v14, v13  }
0x2f7: {  	v30 =	vbroadcast v29, $0x7;
	v6 =	vmul.f32 v55, v6;
	v61 =	vadd.f32 v28, v58  }
0x2f8: {  	v58 =	vbroadcast v25, $0x6;
	v56 =	vadd.f32 v23, v53;
	v8 =	vadd.f32 v13, v8  }
0x2f9: {  	v35 =	vbroadcast v29, $0x8;
	v5 =	vmul.f32 v59, v5;
	v21 =	vadd.f32 v61, v21  }
0x2fa: {  	v61 =	vmul.f32 v58, v2;
	v60 =	vadd.f32 v56, v57;
	v6 =	vadd.f32 v8, v6  }
0x2fb: {  	v51 =	vbroadcast v25, $0xE;
	v28 =	vbroadcast v25, $0x8;
	v21 =	vadd.f32 v21, v33  }
0x2fc: {  	v2 =	vmul.f32 v63, v2;
	v26 =	vadd.f32 v60, v61;
	v5 =	vadd.f32 v6, v5  }
0x2fd: {  	v3 =	vmul.f32 v30, v3;
	v44 =	vmul.f32 v42, v11;
	v20 =	vadd.f32 v21, v37  }
0x2fe: {  	v33 =	vmul.f32 v28, v4;
	v31 =	vadd.f32 v26, v27;
	v2 =	vadd.f32 v5, v2  }
0x2ff: {  	v37 =	vmul.f32 v34, v7;
	v20 =	vadd.f32 v20, v39;
	v39 =	vbroadcast v29, $0x9  }
0x300: {  	v36 =	vadd.f32 v31, v33;
	v2 =	vadd.f32 v2, v3;
	v3 =	vmul.f32 v35, v4  }
0x301: {  	v43 =	vbroadcast v29, $0xA;
	v21 =	vmul.f32 v40, v15  }
0x302: {  	v40 =	vadd.f32 v36, v37;
	v2 =	vadd.f32 v2, v3;
	v3 =	vmul.f32 v39, v7  }
0x303: {  	v46 =	vbroadcast v29, $0xB;
	v49 =	vbroadcast v29, $0xC  }
0x304: {  	v5 =	vadd.f32 v40, v41;
	v2 =	vadd.f32 v2, v3;
	v3 =	vmul.f32 v43, v9  }
0x305: {  	v55 =	vbroadcast v25, $0xF;
	v47 =	vmul.f32 v45, v10  }
0x306: {  	v5 =	vadd.f32 v5, v44;
	v2 =	vadd.f32 v2, v3;
	v3 =	vmul.f32 v46, v11  }
0x307: {  	v50 =	vmul.f32 v48, v12;
	v53 =	vbroadcast v29, $0xD  }
0x308: {  	v52 =	vld.idx.msk [tilespmem:v22+s18+$0x0], $0xffff;
	v5 =	vadd.f32 v5, v47;
	v2 =	vadd.f32 v2, v3;
	v3 =	vmul.f32 v49, v10  }
0x309: {  	v54 =	vmul.f32 v51, v16;
	v56 =	vbroadcast v29, $0xE  }
0x30a: {  	v5 =	vadd.f32 v5, v50;
	v2 =	vadd.f32 v2, v3;
	v3 =	vmul.f32 v53, v12  }
0x30b: {  	v59 =	vmul.f32 v55, v15;
	v58 =	vld.idx.msk [tilespmem:v32+s18+$0x0], $0xffff;
	v60 =	vbroadcast v29, $0xF;
	v57 =	vadd.f32 v20, v21  }
0x30c: {  	v5 =	vadd.f32 v5, v54;
	v2 =	vadd.f32 v2, v3;
	v3 =	vmul.f32 v56, v16  }
0x30d: {  	v62 =	vld.idx.msk [tilespmem:v18+s18+$0x0], $0xffff;
	v61 =	vadd.f32 v24, v19;
	v8 =	vmul.f32 v57, v52  }
0x30e: {  	v5 =	vadd.f32 v5, v59;
	v2 =	vadd.f32 v2, v3;
	v3 =	vmul.f32 v60, v15;
	_ =	sdelay $0x1  }
0x30f: {  	v63 =	vadd.f32 v8, v61;
	v5 =	vmul.f32 v5, v58;
	v2 =	vadd.f32 v2, v3  }
0x310: {  	p0 =	sne.s32 s28, $0x1F0  }
.Ltmp0:
0x311: {  	v3 =	vadd.f32 v5, v63;
	v2 =	vmul.f32 v2, v62;
	(pc) =	sbr.rel @p0 .LBB2_2-.Ltmp0, $4  }
0x312: {  	_ = 	snop  }
0x313: {  	v2 =	vadd.f32 v2, v3  }
0x314: {  	s25 =	sadd.s32 $0x10, s25  }
0x315: {  	s16 =	sadd.s32 $0x10, s16;
	s28 =	sadd.s32 $0x10, s28;
	[tilespmem:s23+$0x0] =	vst v2;
	s23 =	sadd.s32 $0x10, s23  }
0x316: {  	s5 =	sadd.s32 $0x1, s5  }
0x317: {  	p0 =	sne.s32 s5, s13  }
.Ltmp1:
0x318: {  	_ = 	snop;
	(pc) =	sbr.rel @p0 .LBB2_1-.Ltmp1, $4  }
0x319: {  	[hbm4b:s12+s2] =	stream.linear.scatter [tilespmem:s0], [sflag:$0x2], $0x200, $0x38;
	[tilespmem:$0xEC10] =	vst v63  }
0x31a: {  	_ =	swait.ge [sflag:s14], $0x200  }
0x31b: {  	[sflag:s14] =	ssyncset.done $0x0  }
0x31c: {  	[sflag:s14] =	ssyncadd.s32 $0xFFFFFE00  }
0x31d: {  	_ =	sfence.sel $0x180000  }
0x31e: {  	[bflag:$0x0] =	sbarrier.arrive $0xFFFF  }
0x31f: {  	_ =	strace $0x90000047  }
0x320: {  	s0 =	stileid.u32;
	[bflag:$0x2] =	sbarrier.arrive $0xFFFF  }
0x321: {  	p0 =	sne.s32 s0, $0x0;
	s0 =	rddreg [dreg:$0x4]  }
0x322: {  	s0 =	sadd.s32 @!p0 $0x100000, s0  }
0x323: {  	[sflag:s0] =	ssyncadd.tile.s32 @!p0 $0x1;
	_ =	shalt  }
.Lfunc_end2:
_tile_overlayer_lowered:
.L_overlay_start_2:
0x324: {  	(tag) =	ssettag $0x2  }
0x325: {  	s0 =	rddreg [dreg:$0x0];
	s2 =	stileid.u32  }
0x326: {  	s1 =	rddreg [dreg:$0x1];
	p0 =	sne.s32 s2, $0x0  }
0x327: {  	s3 =	rddreg [dreg:$0x2];
	[bflag:$0x3] =	sbarrier.arrive $0xFFFF;
	s2 =	simm.s32 @!p0 $0x1C02  }
0x328: {  	[timem:s3], [sflag:s2] =	dma.local @!p0 [hbm:s0], s1  }
0x329: {  	s0 =	simm.s32 @!p0 $0x2  }
0x32a: {  	_ =	swait.ge @!p0 [sflag:s0], s1  }
0x32b: {  	s1 =	ssub.s32 @!p0 $0x0, s1;
	[sflag:s0] =	ssyncset.done @!p0 $0x0  }
0x32c: {  	[sflag:s0] =	ssyncadd.s32 @!p0 s1  }
0x32d: {  	[bflag:$0x3] =	sbarrier.arrive $0xFFFF  }
0x32e: {  	_ =	shalt  }

</sc_bundles>
